<compile_context>
chip_gen: v7x
topology: tpu7x:2x2x1
jax: 0.10.2.dev20260603
libtpu: 0.0.44.dev20260713+nightly
codegen_flags: <defaults>
</compile_context>

<pallas_src>
import functools

import jax
import jax.numpy as jnp
from jax import lax
from jax.experimental import pallas as pl
from jax.experimental.pallas import tpu as pltpu
from jax.experimental.pallas import tpu_sc as plsc

DIM = 64
EPS = 1e-5
NC = 2
NS = 16
NW = NC * NS
IG = 128
CHUNK = 256
GPC = CHUNK // IG
NBUF = 4


def _ln_chunk(rows, tbuf, qbuf, abuf, cbuf, w_regs, b_regs, mask15):
    inv_d = 1.0 / DIM

    @plsc.parallel_loop(0, CHUNK, unroll=8)
    def pass1(r):
        v0 = rows[r, pl.ds(0, 16)]
        v1 = rows[r, pl.ds(16, 16)]
        v2 = rows[r, pl.ds(32, 16)]
        v3 = rows[r, pl.ds(48, 16)]
        s = (v0 + v1) + (v2 + v3)
        q = (v0 * v0 + v1 * v1) + (v2 * v2 + v3 * v3)
        rsplat = jnp.full((16,), r, jnp.int32)
        plsc.store_scatter(tbuf, [rsplat], plsc.cumsum(s), mask=mask15)
        plsc.store_scatter(qbuf, [rsplat], plsc.cumsum(q), mask=mask15)

    def pass2(g, carry):
        off = pl.multiple_of(g * 16, 16)
        t = tbuf[pl.ds(off, 16)]
        u = qbuf[pl.ds(off, 16)]
        mean = t * inv_d
        var = u * inv_d - mean * mean
        x = var + EPS
        i = plsc.bitcast(x, jnp.int32)
        i = jnp.int32(0x5F3759DF) - lax.shift_right_logical(i, 1)
        y = plsc.bitcast(i, jnp.float32)
        hx = x * 0.5
        y = y * (1.5 - hx * y * y)
        y = y * (1.5 - hx * y * y)
        abuf[pl.ds(off, 16)] = y
        cbuf[pl.ds(off, 16)] = -(mean * y)
        return carry

    lax.fori_loop(0, CHUNK // 16, pass2, 0, unroll=2)

    @plsc.parallel_loop(0, CHUNK, unroll=8)
    def pass3(r):
        rsplat = jnp.full((16,), r, jnp.int32)
        a = plsc.load_gather(abuf, [rsplat])
        c = plsc.load_gather(cbuf, [rsplat])
        for k in range(4):
            n = rows[r, pl.ds(16 * k, 16)] * a + c
            rows[r, pl.ds(16 * k, 16)] = n * w_regs[k] + b_regs[k]


def _make_sc_kernel(b_total):
    b_per_w = b_total // NW
    idx_groups = b_per_w // IG
    n_chunk = b_per_w // CHUNK
    n_outer = n_chunk // NBUF

    def body(table, idxg, w_hbm, bias_hbm, out, idx_v, r0, r1, r2, r3,
             tbuf, qbuf, abuf, cbuf, wb_v,
             g0, g1, g2, g3, w0, w1, w2, w3):
        bufs = (r0, r1, r2, r3)
        gsems = (g0, g1, g2, g3)
        wsems = (w0, w1, w2, w3)
        wid = lax.axis_index("s") * NC + lax.axis_index("c")
        row0 = wid * b_per_w
        pltpu.sync_copy(idxg.at[pl.ds(wid * idx_groups, idx_groups)], idx_v)
        pltpu.sync_copy(w_hbm, wb_v.at[0])
        pltpu.sync_copy(bias_hbm, wb_v.at[1])
        w_regs = [wb_v[0, pl.ds(16 * k, 16)] for k in range(4)]
        b_regs = [wb_v[1, pl.ds(16 * k, 16)] for k in range(4)]
        mask15 = lax.iota(jnp.int32, 16) == 15

        def issue_gather(c, buf, sem):
            for j in range(GPC):
                pltpu.async_copy(table.at[idx_v.at[c * GPC + j]],
                                 buf.at[pl.ds(j * IG, IG)], sem)

        def wait_gather(buf, sem):
            pltpu.make_async_copy(out.at[pl.ds(0, CHUNK)], buf, sem).wait()

        def issue_wb(c, buf, sem):
            pltpu.async_copy(buf, out.at[pl.ds(row0 + c * CHUNK, CHUNK)], sem)

        def wait_wb(buf, sem):
            pltpu.make_async_copy(buf, out.at[pl.ds(0, CHUNK)], sem).wait()

        issue_gather(0, bufs[0], gsems[0])
        issue_gather(1, bufs[1], gsems[1])

        def outer(i, carry):
            for k in range(NBUF):
                c = i * NBUF + k
                b = k
                wait_gather(bufs[b], gsems[b])
                _ln_chunk(bufs[b], tbuf, qbuf, abuf, cbuf,
                          w_regs, b_regs, mask15)
                issue_wb(c, bufs[b], wsems[b])
                b2 = (k + 2) % NBUF

                @pl.when(jnp.logical_and(c + 2 < n_chunk, c >= 2))
                def _():
                    wait_wb(bufs[b2], wsems[b2])

                @pl.when(c + 2 < n_chunk)
                def _():
                    issue_gather(c + 2, bufs[b2], gsems[b2])

            return carry

        lax.fori_loop(0, n_outer, outer, 0)
        for b in range(NBUF):
            wait_wb(bufs[b], wsems[b])

    return pl.kernel(
        body,
        out_type=jax.ShapeDtypeStruct((b_total, DIM), jnp.float32),
        mesh=plsc.VectorSubcoreMesh(core_axis_name="c", subcore_axis_name="s"),
        compiler_params=pltpu.CompilerParams(
            needs_layout_passes=False, use_tc_tiling_on_sc=False),
        scratch_types=[
            pltpu.VMEM((idx_groups, IG), jnp.int32),
            pltpu.VMEM((CHUNK, DIM), jnp.float32),
            pltpu.VMEM((CHUNK, DIM), jnp.float32),
            pltpu.VMEM((CHUNK, DIM), jnp.float32),
            pltpu.VMEM((CHUNK, DIM), jnp.float32),
            pltpu.VMEM((CHUNK,), jnp.float32),
            pltpu.VMEM((CHUNK,), jnp.float32),
            pltpu.VMEM((CHUNK,), jnp.float32),
            pltpu.VMEM((CHUNK,), jnp.float32),
            pltpu.VMEM((2, DIM), jnp.float32),
            pltpu.SemaphoreType.DMA,
            pltpu.SemaphoreType.DMA,
            pltpu.SemaphoreType.DMA,
            pltpu.SemaphoreType.DMA,
            pltpu.SemaphoreType.DMA,
            pltpu.SemaphoreType.DMA,
            pltpu.SemaphoreType.DMA,
            pltpu.SemaphoreType.DMA,
        ],
    )


def kernel(idx, table, ln_weight, ln_bias):
    b, l = idx.shape
    b_total = b * l
    idxg = idx.reshape(b_total // IG, IG).astype(jnp.int32)
    out = _make_sc_kernel(b_total)(table, idxg, ln_weight, ln_bias)
    return out.reshape(b, l, DIM)

# --- scband reference (transcript-rebuilt; emitter-appended) ---
"""Pipeline reference for scband-stable-embedding-29437705847474 (READ-ONLY COPY).

The authoritative reference and input builder live on the scoring server;
editing this copy changes nothing except your own understanding.
"""

import jax, jax.numpy as jnp
import numpy as np

VOCAB = 1000000
DIM = 64
EPS = 1e-5

def setup_inputs(seed: int = 0) -> dict:
    key = jax.random.key(seed)
    k_idx, k_w = jax.random.split(key)
    idx = jax.random.randint(k_idx, (16384, 50), 0, VOCAB, dtype=jnp.int64 if jax.config.jax_enable_x64 else jnp.int32)
    # Xavier uniform init for embedding table: bound = sqrt(6/(fan_in+fan_out))
    bound = float(np.sqrt(6.0 / (VOCAB + DIM)))
    table = jax.random.uniform(k_w, (VOCAB, DIM), dtype=jnp.float32, minval=-bound, maxval=bound)
    ln_weight = jnp.ones((DIM,), dtype=jnp.float32)
    ln_bias = jnp.zeros((DIM,), dtype=jnp.float32)
    return {"idx": idx, "table": table, "ln_weight": ln_weight, "ln_bias": ln_bias}

def reference(idx, table, ln_weight, ln_bias):
    emb = jnp.take(table, idx, axis=0)  # [B, L, D] gather
    mean = jnp.mean(emb, axis=-1, keepdims=True)
    var = jnp.mean(jnp.square(emb - mean), axis=-1, keepdims=True)
    normed = (emb - mean) / jnp.sqrt(var + EPS)
    return normed * ln_weight + ln_bias

if __name__ == "__main__":
    import jax
    _d = setup_inputs()
    print(jax.jit(kernel)(*tuple(_d.values())))

</pallas_src>

<mosaic_0001>
#map = affine_map<(d0, d1) -> (0, 0)>
#map1 = affine_map<(d0, d1) -> (0)>
module attributes {stable_mosaic.version = 14 : i64} {
  func.func @body(%arg0: i32, %arg1: i32, %arg2: memref<1000000x64xf32, #tpu.memory_space<hbm>>, %arg3: memref<6400x128xi32, #tpu.memory_space<hbm>>, %arg4: memref<64xf32, #tpu.memory_space<hbm>>, %arg5: memref<64xf32, #tpu.memory_space<hbm>>, %arg6: memref<819200x64xf32, #tpu.memory_space<hbm>>, %arg7: memref<200x128xi32, #tpu.memory_space<vmem>>, %arg8: memref<256x64xf32, #tpu.memory_space<vmem>>, %arg9: memref<256x64xf32, #tpu.memory_space<vmem>>, %arg10: memref<256x64xf32, #tpu.memory_space<vmem>>, %arg11: memref<256x64xf32, #tpu.memory_space<vmem>>, %arg12: memref<256xf32, #tpu.memory_space<vmem>>, %arg13: memref<256xf32, #tpu.memory_space<vmem>>, %arg14: memref<256xf32, #tpu.memory_space<vmem>>, %arg15: memref<256xf32, #tpu.memory_space<vmem>>, %arg16: memref<2x64xf32, #tpu.memory_space<vmem>>, %arg17: memref<!tpu.dma_semaphore, #tpu.memory_space<semaphore_mem>>, %arg18: memref<!tpu.dma_semaphore, #tpu.memory_space<semaphore_mem>>, %arg19: memref<!tpu.dma_semaphore, #tpu.memory_space<semaphore_mem>>, %arg20: memref<!tpu.dma_semaphore, #tpu.memory_space<semaphore_mem>>, %arg21: memref<!tpu.dma_semaphore, #tpu.memory_space<semaphore_mem>>, %arg22: memref<!tpu.dma_semaphore, #tpu.memory_space<semaphore_mem>>, %arg23: memref<!tpu.dma_semaphore, #tpu.memory_space<semaphore_mem>>, %arg24: memref<!tpu.dma_semaphore, #tpu.memory_space<semaphore_mem>>) attributes {dimension_semantics = [#tpu.dimension_semantics<core_parallel>, #tpu.dimension_semantics<subcore_parallel>], iteration_bounds = array<i64: 2, 16>, scalar_prefetch = 0 : i64, scratch_operands = 18 : i64, tpu.core_type = #tpu.core_type<sc_vector_subcore>, window_params = [{transform_indices = #map}, {transform_indices = #map}, {transform_indices = #map1}, {transform_indices = #map1}, {transform_indices = #map}]} {
    %mul3A = arith.constant 2 : i32
    %mul3A_0 = arith.muli %arg1, %mul3A : i32
    %add3A = arith.addi %mul3A_0, %arg0 : i32
    %mul3A_1 = arith.constant 25600 : i32
    %mul3A_2 = arith.muli %add3A, %mul3A_1 : i32
    %mul3A_3 = arith.constant 200 : i32
    %mul3A_4 = arith.muli %add3A, %mul3A_3 : i32
    "tpu.region"() ({
      %run_scoped3A_106 = tpu.sem_alloc : memref<!tpu.dma_semaphore, #tpu.memory_space<semaphore_mem>>
      %dma_start3A_107 = arith.constant 0 : i32
      %dma_start3A_108 = tpu.memref_slice %arg3[%mul3A_4, %dma_start3A_107] : memref<6400x128xi32, #tpu.memory_space<hbm>> -> memref<200x128xi32, #tpu.memory_space<hbm>>
      %dma_start3A_109 = arith.constant 0 : i32
      %dma_start3A_110 = tpu.memref_slice %arg3[%mul3A_4, %dma_start3A_109] : memref<6400x128xi32, #tpu.memory_space<hbm>> -> memref<200x128xi32, #tpu.memory_space<hbm>>
      tpu.enqueue_dma source(%dma_start3A_110 : memref<200x128xi32, #tpu.memory_space<hbm>>) target(%arg7 : memref<200x128xi32, #tpu.memory_space<vmem>>) target_semaphore(%run_scoped3A_106 : memref<!tpu.dma_semaphore, #tpu.memory_space<semaphore_mem>>)
      %dma_wait3A_111 = arith.constant 0 : i32
      %dma_wait3A_112 = tpu.memref_slice %arg3[%mul3A_4, %dma_wait3A_111] : memref<6400x128xi32, #tpu.memory_space<hbm>> -> memref<200x128xi32, #tpu.memory_space<hbm>>
      %dma_wait3A_113 = arith.constant 0 : i32
      %dma_wait3A_114 = tpu.memref_slice %arg3[%mul3A_4, %dma_wait3A_113] : memref<6400x128xi32, #tpu.memory_space<hbm>> -> memref<200x128xi32, #tpu.memory_space<hbm>>
      tpu.wait_dma2 semaphore(%run_scoped3A_106 : memref<!tpu.dma_semaphore, #tpu.memory_space<semaphore_mem>>) src(%dma_wait3A_114 : memref<200x128xi32, #tpu.memory_space<hbm>>) dst(%arg7 : memref<200x128xi32, #tpu.memory_space<vmem>>)
      tpu.yield
    }) : () -> ()
    %run_scoped3A = arith.constant 0 : i32
    "tpu.region"() ({
      %run_scoped3A_106 = tpu.sem_alloc : memref<!tpu.dma_semaphore, #tpu.memory_space<semaphore_mem>>
      %dma_start3A_107 = arith.constant 0 : i32
      %dma_start3A_108 = tpu.memref_slice %arg16[%run_scoped3A, %dma_start3A_107] : memref<2x64xf32, #tpu.memory_space<vmem>> -> memref<1x64xf32, #tpu.memory_space<vmem>>
      %dma_start3A_109 = tpu.memref_squeeze %dma_start3A_108 : memref<1x64xf32, #tpu.memory_space<vmem>> -> memref<64xf32, #tpu.memory_space<vmem>>
      %dma_start3A_110 = arith.constant 0 : i32
      %dma_start3A_111 = tpu.memref_slice %arg16[%run_scoped3A, %dma_start3A_110] : memref<2x64xf32, #tpu.memory_space<vmem>> -> memref<1x64xf32, #tpu.memory_space<vmem>>
      %dma_start3A_112 = tpu.memref_squeeze %dma_start3A_111 : memref<1x64xf32, #tpu.memory_space<vmem>> -> memref<64xf32, #tpu.memory_space<vmem>>
      tpu.enqueue_dma source(%arg4 : memref<64xf32, #tpu.memory_space<hbm>>) target(%dma_start3A_112 : memref<64xf32, #tpu.memory_space<vmem>>) target_semaphore(%run_scoped3A_106 : memref<!tpu.dma_semaphore, #tpu.memory_space<semaphore_mem>>)
      %dma_wait3A_113 = arith.constant 0 : i32
      %dma_wait3A_114 = tpu.memref_slice %arg16[%run_scoped3A, %dma_wait3A_113] : memref<2x64xf32, #tpu.memory_space<vmem>> -> memref<1x64xf32, #tpu.memory_space<vmem>>
      %dma_wait3A_115 = tpu.memref_squeeze %dma_wait3A_114 : memref<1x64xf32, #tpu.memory_space<vmem>> -> memref<64xf32, #tpu.memory_space<vmem>>
      %dma_wait3A_116 = arith.constant 0 : i32
      %dma_wait3A_117 = tpu.memref_slice %arg16[%run_scoped3A, %dma_wait3A_116] : memref<2x64xf32, #tpu.memory_space<vmem>> -> memref<1x64xf32, #tpu.memory_space<vmem>>
      %dma_wait3A_118 = tpu.memref_squeeze %dma_wait3A_117 : memref<1x64xf32, #tpu.memory_space<vmem>> -> memref<64xf32, #tpu.memory_space<vmem>>
      tpu.wait_dma2 semaphore(%run_scoped3A_106 : memref<!tpu.dma_semaphore, #tpu.memory_space<semaphore_mem>>) src(%arg4 : memref<64xf32, #tpu.memory_space<hbm>>) dst(%dma_wait3A_118 : memref<64xf32, #tpu.memory_space<vmem>>)
      tpu.yield
    }) : () -> ()
    %run_scoped3A_5 = arith.constant 1 : i32
    "tpu.region"() ({
      %run_scoped3A_106 = tpu.sem_alloc : memref<!tpu.dma_semaphore, #tpu.memory_space<semaphore_mem>>
      %dma_start3A_107 = arith.constant 0 : i32
      %dma_start3A_108 = tpu.memref_slice %arg16[%run_scoped3A_5, %dma_start3A_107] : memref<2x64xf32, #tpu.memory_space<vmem>> -> memref<1x64xf32, #tpu.memory_space<vmem>>
      %dma_start3A_109 = tpu.memref_squeeze %dma_start3A_108 : memref<1x64xf32, #tpu.memory_space<vmem>> -> memref<64xf32, #tpu.memory_space<vmem>>
      %dma_start3A_110 = arith.constant 0 : i32
      %dma_start3A_111 = tpu.memref_slice %arg16[%run_scoped3A_5, %dma_start3A_110] : memref<2x64xf32, #tpu.memory_space<vmem>> -> memref<1x64xf32, #tpu.memory_space<vmem>>
      %dma_start3A_112 = tpu.memref_squeeze %dma_start3A_111 : memref<1x64xf32, #tpu.memory_space<vmem>> -> memref<64xf32, #tpu.memory_space<vmem>>
      tpu.enqueue_dma source(%arg5 : memref<64xf32, #tpu.memory_space<hbm>>) target(%dma_start3A_112 : memref<64xf32, #tpu.memory_space<vmem>>) target_semaphore(%run_scoped3A_106 : memref<!tpu.dma_semaphore, #tpu.memory_space<semaphore_mem>>)
      %dma_wait3A_113 = arith.constant 0 : i32
      %dma_wait3A_114 = tpu.memref_slice %arg16[%run_scoped3A_5, %dma_wait3A_113] : memref<2x64xf32, #tpu.memory_space<vmem>> -> memref<1x64xf32, #tpu.memory_space<vmem>>
      %dma_wait3A_115 = tpu.memref_squeeze %dma_wait3A_114 : memref<1x64xf32, #tpu.memory_space<vmem>> -> memref<64xf32, #tpu.memory_space<vmem>>
      %dma_wait3A_116 = arith.constant 0 : i32
      %dma_wait3A_117 = tpu.memref_slice %arg16[%run_scoped3A_5, %dma_wait3A_116] : memref<2x64xf32, #tpu.memory_space<vmem>> -> memref<1x64xf32, #tpu.memory_space<vmem>>
      %dma_wait3A_118 = tpu.memref_squeeze %dma_wait3A_117 : memref<1x64xf32, #tpu.memory_space<vmem>> -> memref<64xf32, #tpu.memory_space<vmem>>
      tpu.wait_dma2 semaphore(%run_scoped3A_106 : memref<!tpu.dma_semaphore, #tpu.memory_space<semaphore_mem>>) src(%arg5 : memref<64xf32, #tpu.memory_space<hbm>>) dst(%dma_wait3A_118 : memref<64xf32, #tpu.memory_space<vmem>>)
      tpu.yield
    }) : () -> ()
    %get3A = arith.constant 0 : i32
    %get3A_6 = arith.index_cast %get3A : i32 to index
    %get3A_7 = arith.constant 0 : index
    %get3A_8 = tpu.vector_load %arg16[%get3A_6, %get3A_7] {strides = array<i32>} : memref<2x64xf32, #tpu.memory_space<vmem>>, vector<16xf32>,
    %get3A_9 = arith.constant 0 : i32
    %get3A_10 = arith.index_cast %get3A_9 : i32 to index
    %get3A_11 = arith.constant 16 : index
    %get3A_12 = tpu.vector_load %arg16[%get3A_10, %get3A_11] {strides = array<i32>} : memref<2x64xf32, #tpu.memory_space<vmem>>, vector<16xf32>,
    %get3A_13 = arith.constant 0 : i32
    %get3A_14 = arith.index_cast %get3A_13 : i32 to index
    %get3A_15 = arith.constant 32 : index
    %get3A_16 = tpu.vector_load %arg16[%get3A_14, %get3A_15] {strides = array<i32>} : memref<2x64xf32, #tpu.memory_space<vmem>>, vector<16xf32>,
    %get3A_17 = arith.constant 0 : i32
    %get3A_18 = arith.index_cast %get3A_17 : i32 to index
    %get3A_19 = arith.constant 48 : index
    %get3A_20 = tpu.vector_load %arg16[%get3A_18, %get3A_19] {strides = array<i32>} : memref<2x64xf32, #tpu.memory_space<vmem>>, vector<16xf32>,
    %get3A_21 = arith.constant 1 : i32
    %get3A_22 = arith.index_cast %get3A_21 : i32 to index
    %get3A_23 = arith.constant 0 : index
    %get3A_24 = tpu.vector_load %arg16[%get3A_22, %get3A_23] {strides = array<i32>} : memref<2x64xf32, #tpu.memory_space<vmem>>, vector<16xf32>,
    %get3A_25 = arith.constant 1 : i32
    %get3A_26 = arith.index_cast %get3A_25 : i32 to index
    %get3A_27 = arith.constant 16 : index
    %get3A_28 = tpu.vector_load %arg16[%get3A_26, %get3A_27] {strides = array<i32>} : memref<2x64xf32, #tpu.memory_space<vmem>>, vector<16xf32>,
    %get3A_29 = arith.constant 1 : i32
    %get3A_30 = arith.index_cast %get3A_29 : i32 to index
    %get3A_31 = arith.constant 32 : index
    %get3A_32 = tpu.vector_load %arg16[%get3A_30, %get3A_31] {strides = array<i32>} : memref<2x64xf32, #tpu.memory_space<vmem>>, vector<16xf32>,
    %get3A_33 = arith.constant 1 : i32
    %get3A_34 = arith.index_cast %get3A_33 : i32 to index
    %get3A_35 = arith.constant 48 : index
    %get3A_36 = tpu.vector_load %arg16[%get3A_34, %get3A_35] {strides = array<i32>} : memref<2x64xf32, #tpu.memory_space<vmem>>, vector<16xf32>,
    %iota3A = tpu.iota {dimensions = array<i32: 0>} : vector<16xi32>
    %eq3A = arith.constant 15 : i32
    %eq3A_37 = vector.broadcast %eq3A : i32 to vector<16xi32>
    %eq3A_38 = arith.cmpi eq, %iota3A, %eq3A_37 : vector<16xi32>
    %dma_start3A = arith.constant 0 : i32
    %dma_start3A_39 = arith.constant 0 : i32
    %dma_start3A_40 = arith.constant 0 : i32
    %dma_start3A_41 = tpu.memref_slice %arg8[%dma_start3A_39, %dma_start3A_40] : memref<256x64xf32, #tpu.memory_space<vmem>> -> memref<128x64xf32, #tpu.memory_space<vmem>>
    %dma_start3A_42 = arith.constant 0 : i32
    %dma_start3A_43 = tpu.memref_slice %arg7[%dma_start3A, %dma_start3A_42] : memref<200x128xi32, #tpu.memory_space<vmem>> -> memref<1x128xi32, #tpu.memory_space<vmem>>
    %dma_start3A_44 = tpu.memref_squeeze %dma_start3A_43 : memref<1x128xi32, #tpu.memory_space<vmem>> -> memref<128xi32, #tpu.memory_space<vmem>>
    %dma_start3A_45 = arith.constant 0 : i32
    %dma_start3A_46 = arith.constant 0 : i32
    %dma_start3A_47 = tpu.memref_slice %arg2[%dma_start3A_45, %dma_start3A_46] : memref<1000000x64xf32, #tpu.memory_space<hbm>> -> memref<1000000x64xf32, #tpu.memory_space<hbm>>
    tpu.enqueue_indirect_dma source(%dma_start3A_47 : memref<1000000x64xf32, #tpu.memory_space<hbm>>) target(%dma_start3A_41 : memref<128x64xf32, #tpu.memory_space<vmem>>) offsets(%dma_start3A_44 : memref<128xi32, #tpu.memory_space<vmem>>) semaphore(%arg17 : memref<!tpu.dma_semaphore, #tpu.memory_space<semaphore_mem>>)
    %dma_start3A_48 = arith.constant 1 : i32
    %dma_start3A_49 = arith.constant 128 : i32
    %dma_start3A_50 = arith.constant 0 : i32
    %dma_start3A_51 = tpu.memref_slice %arg8[%dma_start3A_49, %dma_start3A_50] : memref<256x64xf32, #tpu.memory_space<vmem>> -> memref<128x64xf32, #tpu.memory_space<vmem>>
    %dma_start3A_52 = arith.constant 0 : i32
    %dma_start3A_53 = tpu.memref_slice %arg7[%dma_start3A_48, %dma_start3A_52] : memref<200x128xi32, #tpu.memory_space<vmem>> -> memref<1x128xi32, #tpu.memory_space<vmem>>
    %dma_start3A_54 = tpu.memref_squeeze %dma_start3A_53 : memref<1x128xi32, #tpu.memory_space<vmem>> -> memref<128xi32, #tpu.memory_space<vmem>>
    %dma_start3A_55 = arith.constant 0 : i32
    %dma_start3A_56 = arith.constant 0 : i32
    %dma_start3A_57 = tpu.memref_slice %arg2[%dma_start3A_55, %dma_start3A_56] : memref<1000000x64xf32, #tpu.memory_space<hbm>> -> memref<1000000x64xf32, #tpu.memory_space<hbm>>
    tpu.enqueue_indirect_dma source(%dma_start3A_57 : memref<1000000x64xf32, #tpu.memory_space<hbm>>) target(%dma_start3A_51 : memref<128x64xf32, #tpu.memory_space<vmem>>) offsets(%dma_start3A_54 : memref<128xi32, #tpu.memory_space<vmem>>) semaphore(%arg17 : memref<!tpu.dma_semaphore, #tpu.memory_space<semaphore_mem>>)
    %dma_start3A_58 = arith.constant 2 : i32
    %dma_start3A_59 = arith.constant 0 : i32
    %dma_start3A_60 = arith.constant 0 : i32
    %dma_start3A_61 = tpu.memref_slice %arg9[%dma_start3A_59, %dma_start3A_60] : memref<256x64xf32, #tpu.memory_space<vmem>> -> memref<128x64xf32, #tpu.memory_space<vmem>>
    %dma_start3A_62 = arith.constant 0 : i32
    %dma_start3A_63 = tpu.memref_slice %arg7[%dma_start3A_58, %dma_start3A_62] : memref<200x128xi32, #tpu.memory_space<vmem>> -> memref<1x128xi32, #tpu.memory_space<vmem>>
    %dma_start3A_64 = tpu.memref_squeeze %dma_start3A_63 : memref<1x128xi32, #tpu.memory_space<vmem>> -> memref<128xi32, #tpu.memory_space<vmem>>
    %dma_start3A_65 = arith.constant 0 : i32
    %dma_start3A_66 = arith.constant 0 : i32
    %dma_start3A_67 = tpu.memref_slice %arg2[%dma_start3A_65, %dma_start3A_66] : memref<1000000x64xf32, #tpu.memory_space<hbm>> -> memref<1000000x64xf32, #tpu.memory_space<hbm>>
    tpu.enqueue_indirect_dma source(%dma_start3A_67 : memref<1000000x64xf32, #tpu.memory_space<hbm>>) target(%dma_start3A_61 : memref<128x64xf32, #tpu.memory_space<vmem>>) offsets(%dma_start3A_64 : memref<128xi32, #tpu.memory_space<vmem>>) semaphore(%arg18 : memref<!tpu.dma_semaphore, #tpu.memory_space<semaphore_mem>>)
    %dma_start3A_68 = arith.constant 3 : i32
    %dma_start3A_69 = arith.constant 128 : i32
    %dma_start3A_70 = arith.constant 0 : i32
    %dma_start3A_71 = tpu.memref_slice %arg9[%dma_start3A_69, %dma_start3A_70] : memref<256x64xf32, #tpu.memory_space<vmem>> -> memref<128x64xf32, #tpu.memory_space<vmem>>
    %dma_start3A_72 = arith.constant 0 : i32
    %dma_start3A_73 = tpu.memref_slice %arg7[%dma_start3A_68, %dma_start3A_72] : memref<200x128xi32, #tpu.memory_space<vmem>> -> memref<1x128xi32, #tpu.memory_space<vmem>>
    %dma_start3A_74 = tpu.memref_squeeze %dma_start3A_73 : memref<1x128xi32, #tpu.memory_space<vmem>> -> memref<128xi32, #tpu.memory_space<vmem>>
    %dma_start3A_75 = arith.constant 0 : i32
    %dma_start3A_76 = arith.constant 0 : i32
    %dma_start3A_77 = tpu.memref_slice %arg2[%dma_start3A_75, %dma_start3A_76] : memref<1000000x64xf32, #tpu.memory_space<hbm>> -> memref<1000000x64xf32, #tpu.memory_space<hbm>>
    tpu.enqueue_indirect_dma source(%dma_start3A_77 : memref<1000000x64xf32, #tpu.memory_space<hbm>>) target(%dma_start3A_71 : memref<128x64xf32, #tpu.memory_space<vmem>>) offsets(%dma_start3A_74 : memref<128xi32, #tpu.memory_space<vmem>>) semaphore(%arg18 : memref<!tpu.dma_semaphore, #tpu.memory_space<semaphore_mem>>)
    %scan3A = arith.constant 0 : i32
    %scan3A_78 = arith.constant 0 : i32
    %scan3A_79 = arith.constant 25 : i32
    %scan3A_80 = arith.addi %scan3A_78, %scan3A_79 : i32
    %scan3A_81 = arith.constant 1 : i32
    scf.for %scan3A_106 = %scan3A_78 to %scan3A_80 step %scan3A_81  : i32 {
      %mul3A_107 = arith.constant 4 : i32
      %mul3A_108 = arith.muli %scan3A_106, %mul3A_107 : i32
      %add3A_109 = arith.constant 0 : i32
      %add3A_110 = arith.addi %mul3A_108, %add3A_109 : i32
      %dma_wait3A_111 = arith.constant 0 : i32
      %dma_wait3A_112 = arith.constant 0 : i32
      %dma_wait3A_113 = tpu.memref_slice %arg6[%dma_wait3A_111, %dma_wait3A_112] : memref<819200x64xf32, #tpu.memory_space<hbm>> -> memref<256x64xf32, #tpu.memory_space<hbm>>
      %dma_wait3A_114 = arith.constant 0 : i32
      %dma_wait3A_115 = arith.constant 0 : i32
      %dma_wait3A_116 = tpu.memref_slice %arg6[%dma_wait3A_114, %dma_wait3A_115] : memref<819200x64xf32, #tpu.memory_space<hbm>> -> memref<256x64xf32, #tpu.memory_space<hbm>>
      tpu.wait_dma2 semaphore(%arg17 : memref<!tpu.dma_semaphore, #tpu.memory_space<semaphore_mem>>) src(%dma_wait3A_116 : memref<256x64xf32, #tpu.memory_space<hbm>>) dst(%arg8 : memref<256x64xf32, #tpu.memory_space<vmem>>)
      %parallel_loop3A = arith.constant 0 : i32
      %parallel_loop3A_117 = arith.constant 256 : i32
      %parallel_loop3A_118 = arith.constant 1 : i32
      scf.for %parallel_loop3A_285 = %parallel_loop3A to %parallel_loop3A_117 step %parallel_loop3A_118  : i32 {
        %parallel_loop3A_286 = arith.index_cast %parallel_loop3A_285 : i32 to index
        %parallel_loop3A_287 = arith.constant 0 : index
        %parallel_loop3A_288 = tpu.vector_load %arg8[%parallel_loop3A_286, %parallel_loop3A_287] {strides = array<i32>} : memref<256x64xf32, #tpu.memory_space<vmem>>, vector<16xf32>,
        %parallel_loop3A_289 = arith.index_cast %parallel_loop3A_285 : i32 to index
        %parallel_loop3A_290 = arith.constant 16 : index
        %parallel_loop3A_291 = tpu.vector_load %arg8[%parallel_loop3A_289, %parallel_loop3A_290] {strides = array<i32>} : memref<256x64xf32, #tpu.memory_space<vmem>>, vector<16xf32>,
        %parallel_loop3A_292 = arith.index_cast %parallel_loop3A_285 : i32 to index
        %parallel_loop3A_293 = arith.constant 32 : index
        %parallel_loop3A_294 = tpu.vector_load %arg8[%parallel_loop3A_292, %parallel_loop3A_293] {strides = array<i32>} : memref<256x64xf32, #tpu.memory_space<vmem>>, vector<16xf32>,
        %parallel_loop3A_295 = arith.index_cast %parallel_loop3A_285 : i32 to index
        %parallel_loop3A_296 = arith.constant 48 : index
        %parallel_loop3A_297 = tpu.vector_load %arg8[%parallel_loop3A_295, %parallel_loop3A_296] {strides = array<i32>} : memref<256x64xf32, #tpu.memory_space<vmem>>, vector<16xf32>,
        %parallel_loop3A_298 = arith.addf %parallel_loop3A_288, %parallel_loop3A_291 : vector<16xf32>
        %parallel_loop3A_299 = arith.addf %parallel_loop3A_294, %parallel_loop3A_297 : vector<16xf32>
        %parallel_loop3A_300 = arith.addf %parallel_loop3A_298, %parallel_loop3A_299 : vector<16xf32>
        %parallel_loop3A_301 = arith.mulf %parallel_loop3A_288, %parallel_loop3A_288 : vector<16xf32>
        %parallel_loop3A_302 = arith.mulf %parallel_loop3A_291, %parallel_loop3A_291 : vector<16xf32>
        %parallel_loop3A_303 = arith.addf %parallel_loop3A_301, %parallel_loop3A_302 : vector<16xf32>
        %parallel_loop3A_304 = arith.mulf %parallel_loop3A_294, %parallel_loop3A_294 : vector<16xf32>
        %parallel_loop3A_305 = arith.mulf %parallel_loop3A_297, %parallel_loop3A_297 : vector<16xf32>
        %parallel_loop3A_306 = arith.addf %parallel_loop3A_304, %parallel_loop3A_305 : vector<16xf32>
        %parallel_loop3A_307 = arith.addf %parallel_loop3A_303, %parallel_loop3A_306 : vector<16xf32>
        %parallel_loop3A_308 = vector.broadcast %parallel_loop3A_285 : i32 to vector<16xi32>
        %parallel_loop3A_309 = arith.constant true
        %parallel_loop3A_310 = vector.broadcast %parallel_loop3A_309 : i1 to vector<16xi1>
        %parallel_loop3A_311 = tpu.scan <sum>, %parallel_loop3A_300 masked %parallel_loop3A_310 : vector<16xf32>, vector<16xi1> -> vector<16xf32>
        tpu.vector_store_idx %arg12[%parallel_loop3A_308], %parallel_loop3A_311 masked %eq3A_38 : memref<256xf32, #tpu.memory_space<vmem>>[vector<16xi32>], vector<16xf32>, vector<16xi1>
        %parallel_loop3A_312 = arith.constant true
        %parallel_loop3A_313 = vector.broadcast %parallel_loop3A_312 : i1 to vector<16xi1>
        %parallel_loop3A_314 = tpu.scan <sum>, %parallel_loop3A_307 masked %parallel_loop3A_313 : vector<16xf32>, vector<16xi1> -> vector<16xf32>
        tpu.vector_store_idx %arg13[%parallel_loop3A_308], %parallel_loop3A_314 masked %eq3A_38 : memref<256xf32, #tpu.memory_space<vmem>>[vector<16xi32>], vector<16xf32>, vector<16xi1>
      } {sc.loop_unroll_factor = 8 : i64, sc.parallel_access}
      %scan3A_119 = arith.constant 0 : i32
      %scan3A_120 = arith.constant 0 : i32
      %scan3A_121 = arith.constant 16 : i32
      %scan3A_122 = arith.addi %scan3A_120, %scan3A_121 : i32
      %scan3A_123 = arith.constant 2 : i32
      scf.for %scan3A_285 = %scan3A_120 to %scan3A_122 step %scan3A_123  : i32 {
        %mul3A_286 = arith.constant 16 : i32
        %mul3A_287 = arith.muli %scan3A_285, %mul3A_286 : i32
        %multiple_of3A = tpu.assume_multiple %mul3A_287, 16 : i32
        %get3A_288 = arith.index_cast %multiple_of3A : i32 to index
        %get3A_289 = tpu.vector_load %arg12[%get3A_288] {strides = array<i32>} : memref<256xf32, #tpu.memory_space<vmem>>, vector<16xf32>,
        %get3A_290 = arith.index_cast %multiple_of3A : i32 to index
        %get3A_291 = tpu.vector_load %arg13[%get3A_290] {strides = array<i32>} : memref<256xf32, #tpu.memory_space<vmem>>, vector<16xf32>,
        %mul3A_292 = arith.constant 1.562500e-02 : f32
        %mul3A_293 = vector.broadcast %mul3A_292 : f32 to vector<16xf32>
        %mul3A_294 = arith.mulf %get3A_289, %mul3A_293 : vector<16xf32>
        %mul3A_295 = arith.constant 1.562500e-02 : f32
        %mul3A_296 = vector.broadcast %mul3A_295 : f32 to vector<16xf32>
        %mul3A_297 = arith.mulf %get3A_291, %mul3A_296 : vector<16xf32>
        %mul3A_298 = arith.mulf %mul3A_294, %mul3A_294 : vector<16xf32>
        %sub3A = arith.subf %mul3A_297, %mul3A_298 : vector<16xf32>
        %add3A_299 = arith.constant 9.99999974E-6 : f32
        %add3A_300 = vector.broadcast %add3A_299 : f32 to vector<16xf32>
        %add3A_301 = arith.addf %sub3A, %add3A_300 : vector<16xf32>
        %bitcast3A = vector.bitcast %add3A_301 : vector<16xf32> to vector<16xi32>
        %shift_right_logical3A = arith.constant 1 : i32
        %shift_right_logical3A_302 = vector.broadcast %shift_right_logical3A : i32 to vector<16xi32>
        %shift_right_logical3A_303 = arith.shrui %bitcast3A, %shift_right_logical3A_302 : vector<16xi32>
        %sub3A_304 = arith.constant 1597463007 : i32
        %sub3A_305 = vector.broadcast %sub3A_304 : i32 to vector<16xi32>
        %sub3A_306 = arith.subi %sub3A_305, %shift_right_logical3A_303 : vector<16xi32>
        %bitcast3A_307 = vector.bitcast %sub3A_306 : vector<16xi32> to vector<16xf32>
        %mul3A_308 = arith.constant 5.000000e-01 : f32
        %mul3A_309 = vector.broadcast %mul3A_308 : f32 to vector<16xf32>
        %mul3A_310 = arith.mulf %add3A_301, %mul3A_309 : vector<16xf32>
        %mul3A_311 = arith.mulf %mul3A_310, %bitcast3A_307 : vector<16xf32>
        %mul3A_312 = arith.mulf %mul3A_311, %bitcast3A_307 : vector<16xf32>
        %sub3A_313 = arith.constant 1.500000e+00 : f32
        %sub3A_314 = vector.broadcast %sub3A_313 : f32 to vector<16xf32>
        %sub3A_315 = arith.subf %sub3A_314, %mul3A_312 : vector<16xf32>
        %mul3A_316 = arith.mulf %bitcast3A_307, %sub3A_315 : vector<16xf32>
        %mul3A_317 = arith.mulf %mul3A_310, %mul3A_316 : vector<16xf32>
        %mul3A_318 = arith.mulf %mul3A_317, %mul3A_316 : vector<16xf32>
        %sub3A_319 = arith.constant 1.500000e+00 : f32
        %sub3A_320 = vector.broadcast %sub3A_319 : f32 to vector<16xf32>
        %sub3A_321 = arith.subf %sub3A_320, %mul3A_318 : vector<16xf32>
        %mul3A_322 = arith.mulf %mul3A_316, %sub3A_321 : vector<16xf32>
        %swap3A = arith.index_cast %multiple_of3A : i32 to index
        %swap3A_323 = tpu.vector_load %arg14[%swap3A] {strides = array<i32>} : memref<256xf32, #tpu.memory_space<vmem>>, vector<16xf32>,
        tpu.vector_store %arg14[%swap3A], %mul3A_322 {strides = array<i32>} : memref<256xf32, #tpu.memory_space<vmem>>, vector<16xf32>,
        %mul3A_324 = arith.mulf %mul3A_294, %mul3A_322 : vector<16xf32>
        %neg3A = arith.constant 0.000000e+00 : f32
        %neg3A_325 = vector.broadcast %neg3A : f32 to vector<16xf32>
        %neg3A_326 = arith.subf %neg3A_325, %mul3A_324 : vector<16xf32>
        %swap3A_327 = arith.index_cast %multiple_of3A : i32 to index
        %swap3A_328 = tpu.vector_load %arg15[%swap3A_327] {strides = array<i32>} : memref<256xf32, #tpu.memory_space<vmem>>, vector<16xf32>,
        tpu.vector_store %arg15[%swap3A_327], %neg3A_326 {strides = array<i32>} : memref<256xf32, #tpu.memory_space<vmem>>, vector<16xf32>,
        %scan3A_329 = arith.constant 1 : i32
        %scan3A_330 = arith.addi %scan3A_285, %scan3A_329 : i32
        %mul3A_331 = arith.constant 16 : i32
        %mul3A_332 = arith.muli %scan3A_330, %mul3A_331 : i32
        %multiple_of3A_333 = tpu.assume_multiple %mul3A_332, 16 : i32
        %get3A_334 = arith.index_cast %multiple_of3A_333 : i32 to index
        %get3A_335 = tpu.vector_load %arg12[%get3A_334] {strides = array<i32>} : memref<256xf32, #tpu.memory_space<vmem>>, vector<16xf32>,
        %get3A_336 = arith.index_cast %multiple_of3A_333 : i32 to index
        %get3A_337 = tpu.vector_load %arg13[%get3A_336] {strides = array<i32>} : memref<256xf32, #tpu.memory_space<vmem>>, vector<16xf32>,
        %mul3A_338 = arith.constant 1.562500e-02 : f32
        %mul3A_339 = vector.broadcast %mul3A_338 : f32 to vector<16xf32>
        %mul3A_340 = arith.mulf %get3A_335, %mul3A_339 : vector<16xf32>
        %mul3A_341 = arith.constant 1.562500e-02 : f32
        %mul3A_342 = vector.broadcast %mul3A_341 : f32 to vector<16xf32>
        %mul3A_343 = arith.mulf %get3A_337, %mul3A_342 : vector<16xf32>
        %mul3A_344 = arith.mulf %mul3A_340, %mul3A_340 : vector<16xf32>
        %sub3A_345 = arith.subf %mul3A_343, %mul3A_344 : vector<16xf32>
        %add3A_346 = arith.constant 9.99999974E-6 : f32
        %add3A_347 = vector.broadcast %add3A_346 : f32 to vector<16xf32>
        %add3A_348 = arith.addf %sub3A_345, %add3A_347 : vector<16xf32>
        %bitcast3A_349 = vector.bitcast %add3A_348 : vector<16xf32> to vector<16xi32>
        %shift_right_logical3A_350 = arith.constant 1 : i32
        %shift_right_logical3A_351 = vector.broadcast %shift_right_logical3A_350 : i32 to vector<16xi32>
        %shift_right_logical3A_352 = arith.shrui %bitcast3A_349, %shift_right_logical3A_351 : vector<16xi32>
        %sub3A_353 = arith.constant 1597463007 : i32
        %sub3A_354 = vector.broadcast %sub3A_353 : i32 to vector<16xi32>
        %sub3A_355 = arith.subi %sub3A_354, %shift_right_logical3A_352 : vector<16xi32>
        %bitcast3A_356 = vector.bitcast %sub3A_355 : vector<16xi32> to vector<16xf32>
        %mul3A_357 = arith.constant 5.000000e-01 : f32
        %mul3A_358 = vector.broadcast %mul3A_357 : f32 to vector<16xf32>
        %mul3A_359 = arith.mulf %add3A_348, %mul3A_358 : vector<16xf32>
        %mul3A_360 = arith.mulf %mul3A_359, %bitcast3A_356 : vector<16xf32>
        %mul3A_361 = arith.mulf %mul3A_360, %bitcast3A_356 : vector<16xf32>
        %sub3A_362 = arith.constant 1.500000e+00 : f32
        %sub3A_363 = vector.broadcast %sub3A_362 : f32 to vector<16xf32>
        %sub3A_364 = arith.subf %sub3A_363, %mul3A_361 : vector<16xf32>
        %mul3A_365 = arith.mulf %bitcast3A_356, %sub3A_364 : vector<16xf32>
        %mul3A_366 = arith.mulf %mul3A_359, %mul3A_365 : vector<16xf32>
        %mul3A_367 = arith.mulf %mul3A_366, %mul3A_365 : vector<16xf32>
        %sub3A_368 = arith.constant 1.500000e+00 : f32
        %sub3A_369 = vector.broadcast %sub3A_368 : f32 to vector<16xf32>
        %sub3A_370 = arith.subf %sub3A_369, %mul3A_367 : vector<16xf32>
        %mul3A_371 = arith.mulf %mul3A_365, %sub3A_370 : vector<16xf32>
        %swap3A_372 = arith.index_cast %multiple_of3A_333 : i32 to index
        %swap3A_373 = tpu.vector_load %arg14[%swap3A_372] {strides = array<i32>} : memref<256xf32, #tpu.memory_space<vmem>>, vector<16xf32>,
        tpu.vector_store %arg14[%swap3A_372], %mul3A_371 {strides = array<i32>} : memref<256xf32, #tpu.memory_space<vmem>>, vector<16xf32>,
        %mul3A_374 = arith.mulf %mul3A_340, %mul3A_371 : vector<16xf32>
        %neg3A_375 = arith.constant 0.000000e+00 : f32
        %neg3A_376 = vector.broadcast %neg3A_375 : f32 to vector<16xf32>
        %neg3A_377 = arith.subf %neg3A_376, %mul3A_374 : vector<16xf32>
        %swap3A_378 = arith.index_cast %multiple_of3A_333 : i32 to index
        %swap3A_379 = tpu.vector_load %arg15[%swap3A_378] {strides = array<i32>} : memref<256xf32, #tpu.memory_space<vmem>>, vector<16xf32>,
        tpu.vector_store %arg15[%swap3A_378], %neg3A_377 {strides = array<i32>} : memref<256xf32, #tpu.memory_space<vmem>>, vector<16xf32>,
      }
      %scan3A_124 = arith.constant 16 : i32
      %parallel_loop3A_125 = arith.constant 0 : i32
      %parallel_loop3A_126 = arith.constant 256 : i32
      %parallel_loop3A_127 = arith.constant 1 : i32
      scf.for %parallel_loop3A_285 = %parallel_loop3A_125 to %parallel_loop3A_126 step %parallel_loop3A_127  : i32 {
        %parallel_loop3A_286 = vector.broadcast %parallel_loop3A_285 : i32 to vector<16xi32>
        %parallel_loop3A_287 = tpu.vector_load_idx %arg14[%parallel_loop3A_286] : memref<256xf32, #tpu.memory_space<vmem>>[vector<16xi32>], vector<16xf32>,
        %parallel_loop3A_288 = tpu.vector_load_idx %arg15[%parallel_loop3A_286] : memref<256xf32, #tpu.memory_space<vmem>>[vector<16xi32>], vector<16xf32>,
        %parallel_loop3A_289 = arith.index_cast %parallel_loop3A_285 : i32 to index
        %parallel_loop3A_290 = arith.constant 0 : index
        %parallel_loop3A_291 = tpu.vector_load %arg8[%parallel_loop3A_289, %parallel_loop3A_290] {strides = array<i32>} : memref<256x64xf32, #tpu.memory_space<vmem>>, vector<16xf32>,
        %parallel_loop3A_292 = arith.mulf %parallel_loop3A_291, %parallel_loop3A_287 : vector<16xf32>
        %parallel_loop3A_293 = arith.addf %parallel_loop3A_292, %parallel_loop3A_288 : vector<16xf32>
        %parallel_loop3A_294 = arith.mulf %parallel_loop3A_293, %get3A_8 : vector<16xf32>
        %parallel_loop3A_295 = arith.addf %parallel_loop3A_294, %get3A_24 : vector<16xf32>
        %parallel_loop3A_296 = arith.index_cast %parallel_loop3A_285 : i32 to index
        %parallel_loop3A_297 = arith.constant 0 : index
        %parallel_loop3A_298 = tpu.vector_load %arg8[%parallel_loop3A_296, %parallel_loop3A_297] {strides = array<i32>} : memref<256x64xf32, #tpu.memory_space<vmem>>, vector<16xf32>,
        tpu.vector_store %arg8[%parallel_loop3A_296, %parallel_loop3A_297], %parallel_loop3A_295 {strides = array<i32>} : memref<256x64xf32, #tpu.memory_space<vmem>>, vector<16xf32>,
        %parallel_loop3A_299 = arith.index_cast %parallel_loop3A_285 : i32 to index
        %parallel_loop3A_300 = arith.constant 16 : index
        %parallel_loop3A_301 = tpu.vector_load %arg8[%parallel_loop3A_299, %parallel_loop3A_300] {strides = array<i32>} : memref<256x64xf32, #tpu.memory_space<vmem>>, vector<16xf32>,
        %parallel_loop3A_302 = arith.mulf %parallel_loop3A_301, %parallel_loop3A_287 : vector<16xf32>
        %parallel_loop3A_303 = arith.addf %parallel_loop3A_302, %parallel_loop3A_288 : vector<16xf32>
        %parallel_loop3A_304 = arith.mulf %parallel_loop3A_303, %get3A_12 : vector<16xf32>
        %parallel_loop3A_305 = arith.addf %parallel_loop3A_304, %get3A_28 : vector<16xf32>
        %parallel_loop3A_306 = arith.index_cast %parallel_loop3A_285 : i32 to index
        %parallel_loop3A_307 = arith.constant 16 : index
        %parallel_loop3A_308 = tpu.vector_load %arg8[%parallel_loop3A_306, %parallel_loop3A_307] {strides = array<i32>} : memref<256x64xf32, #tpu.memory_space<vmem>>, vector<16xf32>,
        tpu.vector_store %arg8[%parallel_loop3A_306, %parallel_loop3A_307], %parallel_loop3A_305 {strides = array<i32>} : memref<256x64xf32, #tpu.memory_space<vmem>>, vector<16xf32>,
        %parallel_loop3A_309 = arith.index_cast %parallel_loop3A_285 : i32 to index
        %parallel_loop3A_310 = arith.constant 32 : index
        %parallel_loop3A_311 = tpu.vector_load %arg8[%parallel_loop3A_309, %parallel_loop3A_310] {strides = array<i32>} : memref<256x64xf32, #tpu.memory_space<vmem>>, vector<16xf32>,
        %parallel_loop3A_312 = arith.mulf %parallel_loop3A_311, %parallel_loop3A_287 : vector<16xf32>
        %parallel_loop3A_313 = arith.addf %parallel_loop3A_312, %parallel_loop3A_288 : vector<16xf32>
        %parallel_loop3A_314 = arith.mulf %parallel_loop3A_313, %get3A_16 : vector<16xf32>
        %parallel_loop3A_315 = arith.addf %parallel_loop3A_314, %get3A_32 : vector<16xf32>
        %parallel_loop3A_316 = arith.index_cast %parallel_loop3A_285 : i32 to index
        %parallel_loop3A_317 = arith.constant 32 : index
        %parallel_loop3A_318 = tpu.vector_load %arg8[%parallel_loop3A_316, %parallel_loop3A_317] {strides = array<i32>} : memref<256x64xf32, #tpu.memory_space<vmem>>, vector<16xf32>,
        tpu.vector_store %arg8[%parallel_loop3A_316, %parallel_loop3A_317], %parallel_loop3A_315 {strides = array<i32>} : memref<256x64xf32, #tpu.memory_space<vmem>>, vector<16xf32>,
        %parallel_loop3A_319 = arith.index_cast %parallel_loop3A_285 : i32 to index
        %parallel_loop3A_320 = arith.constant 48 : index
        %parallel_loop3A_321 = tpu.vector_load %arg8[%parallel_loop3A_319, %parallel_loop3A_320] {strides = array<i32>} : memref<256x64xf32, #tpu.memory_space<vmem>>, vector<16xf32>,
        %parallel_loop3A_322 = arith.mulf %parallel_loop3A_321, %parallel_loop3A_287 : vector<16xf32>
        %parallel_loop3A_323 = arith.addf %parallel_loop3A_322, %parallel_loop3A_288 : vector<16xf32>
        %parallel_loop3A_324 = arith.mulf %parallel_loop3A_323, %get3A_20 : vector<16xf32>
        %parallel_loop3A_325 = arith.addf %parallel_loop3A_324, %get3A_36 : vector<16xf32>
        %parallel_loop3A_326 = arith.index_cast %parallel_loop3A_285 : i32 to index
        %parallel_loop3A_327 = arith.constant 48 : index
        %parallel_loop3A_328 = tpu.vector_load %arg8[%parallel_loop3A_326, %parallel_loop3A_327] {strides = array<i32>} : memref<256x64xf32, #tpu.memory_space<vmem>>, vector<16xf32>,
        tpu.vector_store %arg8[%parallel_loop3A_326, %parallel_loop3A_327], %parallel_loop3A_325 {strides = array<i32>} : memref<256x64xf32, #tpu.memory_space<vmem>>, vector<16xf32>,
      } {sc.loop_unroll_factor = 8 : i64, sc.parallel_access}
      %mul3A_128 = arith.constant 256 : i32
      %mul3A_129 = arith.muli %add3A_110, %mul3A_128 : i32
      %add3A_130 = arith.addi %mul3A_2, %mul3A_129 : i32
      %dma_start3A_131 = arith.constant 0 : i32
      %dma_start3A_132 = tpu.memref_slice %arg6[%add3A_130, %dma_start3A_131] : memref<819200x64xf32, #tpu.memory_space<hbm>> -> memref<256x64xf32, #tpu.memory_space<hbm>>
      %dma_start3A_133 = arith.constant 0 : i32
      %dma_start3A_134 = tpu.memref_slice %arg6[%add3A_130, %dma_start3A_133] : memref<819200x64xf32, #tpu.memory_space<hbm>> -> memref<256x64xf32, #tpu.memory_space<hbm>>
      tpu.enqueue_dma source(%arg8 : memref<256x64xf32, #tpu.memory_space<vmem>>) target(%dma_start3A_134 : memref<256x64xf32, #tpu.memory_space<hbm>>) target_semaphore(%arg21 : memref<!tpu.dma_semaphore, #tpu.memory_space<semaphore_mem>>)
      %add3A_135 = arith.constant 2 : i32
      %add3A_136 = arith.addi %add3A_110, %add3A_135 : i32
      %lt3A = arith.constant 100 : i32
      %lt3A_137 = arith.cmpi slt, %add3A_136, %lt3A : i32
      %ge3A = arith.constant 2 : i32
      %ge3A_138 = arith.cmpi sge, %add3A_110, %ge3A : i32
      %and3A = arith.andi %lt3A_137, %ge3A_138 : i1
      %convert_element_type3A = arith.extui %and3A : i1 to i32
      %cond3A = arith.constant 0 : i32
      %cond3A_139 = arith.cmpi ne, %convert_element_type3A, %cond3A : i32
      scf.if %cond3A_139 {
        %dma_wait3A_285 = arith.constant 0 : i32
        %dma_wait3A_286 = arith.constant 0 : i32
        %dma_wait3A_287 = tpu.memref_slice %arg6[%dma_wait3A_285, %dma_wait3A_286] : memref<819200x64xf32, #tpu.memory_space<hbm>> -> memref<256x64xf32, #tpu.memory_space<hbm>>
        %dma_wait3A_288 = arith.constant 0 : i32
        %dma_wait3A_289 = arith.constant 0 : i32
        %dma_wait3A_290 = tpu.memref_slice %arg6[%dma_wait3A_288, %dma_wait3A_289] : memref<819200x64xf32, #tpu.memory_space<hbm>> -> memref<256x64xf32, #tpu.memory_space<hbm>>
        tpu.wait_dma2 semaphore(%arg23 : memref<!tpu.dma_semaphore, #tpu.memory_space<semaphore_mem>>) src(%arg10 : memref<256x64xf32, #tpu.memory_space<vmem>>) dst(%dma_wait3A_290 : memref<256x64xf32, #tpu.memory_space<hbm>>)
      } else {
      }
      %add3A_140 = arith.constant 2 : i32
      %add3A_141 = arith.addi %add3A_110, %add3A_140 : i32
      %lt3A_142 = arith.constant 100 : i32
      %lt3A_143 = arith.cmpi slt, %add3A_141, %lt3A_142 : i32
      %convert_element_type3A_144 = arith.extui %lt3A_143 : i1 to i32
      %cond3A_145 = arith.constant 0 : i32
      %cond3A_146 = arith.cmpi ne, %convert_element_type3A_144, %cond3A_145 : i32
      scf.if %cond3A_146 {
        %add3A_285 = arith.constant 2 : i32
        %add3A_286 = arith.addi %add3A_110, %add3A_285 : i32
        %mul3A_287 = arith.constant 2 : i32
        %mul3A_288 = arith.muli %add3A_286, %mul3A_287 : i32
        %add3A_289 = arith.constant 0 : i32
        %add3A_290 = arith.addi %mul3A_288, %add3A_289 : i32
        %dma_start3A_291 = arith.constant 0 : i32
        %dma_start3A_292 = arith.constant 0 : i32
        %dma_start3A_293 = tpu.memref_slice %arg10[%dma_start3A_291, %dma_start3A_292] : memref<256x64xf32, #tpu.memory_space<vmem>> -> memref<128x64xf32, #tpu.memory_space<vmem>>
        %dma_start3A_294 = arith.constant 0 : i32
        %dma_start3A_295 = tpu.memref_slice %arg7[%add3A_290, %dma_start3A_294] : memref<200x128xi32, #tpu.memory_space<vmem>> -> memref<1x128xi32, #tpu.memory_space<vmem>>
        %dma_start3A_296 = tpu.memref_squeeze %dma_start3A_295 : memref<1x128xi32, #tpu.memory_space<vmem>> -> memref<128xi32, #tpu.memory_space<vmem>>
        %dma_start3A_297 = arith.constant 0 : i32
        %dma_start3A_298 = arith.constant 0 : i32
        %dma_start3A_299 = tpu.memref_slice %arg2[%dma_start3A_297, %dma_start3A_298] : memref<1000000x64xf32, #tpu.memory_space<hbm>> -> memref<1000000x64xf32, #tpu.memory_space<hbm>>
        tpu.enqueue_indirect_dma source(%dma_start3A_299 : memref<1000000x64xf32, #tpu.memory_space<hbm>>) target(%dma_start3A_293 : memref<128x64xf32, #tpu.memory_space<vmem>>) offsets(%dma_start3A_296 : memref<128xi32, #tpu.memory_space<vmem>>) semaphore(%arg19 : memref<!tpu.dma_semaphore, #tpu.memory_space<semaphore_mem>>)
        %mul3A_300 = arith.constant 2 : i32
        %mul3A_301 = arith.muli %add3A_286, %mul3A_300 : i32
        %add3A_302 = arith.constant 1 : i32
        %add3A_303 = arith.addi %mul3A_301, %add3A_302 : i32
        %dma_start3A_304 = arith.constant 128 : i32
        %dma_start3A_305 = arith.constant 0 : i32
        %dma_start3A_306 = tpu.memref_slice %arg10[%dma_start3A_304, %dma_start3A_305] : memref<256x64xf32, #tpu.memory_space<vmem>> -> memref<128x64xf32, #tpu.memory_space<vmem>>
        %dma_start3A_307 = arith.constant 0 : i32
        %dma_start3A_308 = tpu.memref_slice %arg7[%add3A_303, %dma_start3A_307] : memref<200x128xi32, #tpu.memory_space<vmem>> -> memref<1x128xi32, #tpu.memory_space<vmem>>
        %dma_start3A_309 = tpu.memref_squeeze %dma_start3A_308 : memref<1x128xi32, #tpu.memory_space<vmem>> -> memref<128xi32, #tpu.memory_space<vmem>>
        %dma_start3A_310 = arith.constant 0 : i32
        %dma_start3A_311 = arith.constant 0 : i32
        %dma_start3A_312 = tpu.memref_slice %arg2[%dma_start3A_310, %dma_start3A_311] : memref<1000000x64xf32, #tpu.memory_space<hbm>> -> memref<1000000x64xf32, #tpu.memory_space<hbm>>
        tpu.enqueue_indirect_dma source(%dma_start3A_312 : memref<1000000x64xf32, #tpu.memory_space<hbm>>) target(%dma_start3A_306 : memref<128x64xf32, #tpu.memory_space<vmem>>) offsets(%dma_start3A_309 : memref<128xi32, #tpu.memory_space<vmem>>) semaphore(%arg19 : memref<!tpu.dma_semaphore, #tpu.memory_space<semaphore_mem>>)
      } else {
      }
      %mul3A_147 = arith.constant 4 : i32
      %mul3A_148 = arith.muli %scan3A_106, %mul3A_147 : i32
      %add3A_149 = arith.constant 1 : i32
      %add3A_150 = arith.addi %mul3A_148, %add3A_149 : i32
      %dma_wait3A_151 = arith.constant 0 : i32
      %dma_wait3A_152 = arith.constant 0 : i32
      %dma_wait3A_153 = tpu.memref_slice %arg6[%dma_wait3A_151, %dma_wait3A_152] : memref<819200x64xf32, #tpu.memory_space<hbm>> -> memref<256x64xf32, #tpu.memory_space<hbm>>
      %dma_wait3A_154 = arith.constant 0 : i32
      %dma_wait3A_155 = arith.constant 0 : i32
      %dma_wait3A_156 = tpu.memref_slice %arg6[%dma_wait3A_154, %dma_wait3A_155] : memref<819200x64xf32, #tpu.memory_space<hbm>> -> memref<256x64xf32, #tpu.memory_space<hbm>>
      tpu.wait_dma2 semaphore(%arg18 : memref<!tpu.dma_semaphore, #tpu.memory_space<semaphore_mem>>) src(%dma_wait3A_156 : memref<256x64xf32, #tpu.memory_space<hbm>>) dst(%arg9 : memref<256x64xf32, #tpu.memory_space<vmem>>)
      %parallel_loop3A_157 = arith.constant 0 : i32
      %parallel_loop3A_158 = arith.constant 256 : i32
      %parallel_loop3A_159 = arith.constant 1 : i32
      scf.for %parallel_loop3A_285 = %parallel_loop3A_157 to %parallel_loop3A_158 step %parallel_loop3A_159  : i32 {
        %parallel_loop3A_286 = arith.index_cast %parallel_loop3A_285 : i32 to index
        %parallel_loop3A_287 = arith.constant 0 : index
        %parallel_loop3A_288 = tpu.vector_load %arg9[%parallel_loop3A_286, %parallel_loop3A_287] {strides = array<i32>} : memref<256x64xf32, #tpu.memory_space<vmem>>, vector<16xf32>,
        %parallel_loop3A_289 = arith.index_cast %parallel_loop3A_285 : i32 to index
        %parallel_loop3A_290 = arith.constant 16 : index
        %parallel_loop3A_291 = tpu.vector_load %arg9[%parallel_loop3A_289, %parallel_loop3A_290] {strides = array<i32>} : memref<256x64xf32, #tpu.memory_space<vmem>>, vector<16xf32>,
        %parallel_loop3A_292 = arith.index_cast %parallel_loop3A_285 : i32 to index
        %parallel_loop3A_293 = arith.constant 32 : index
        %parallel_loop3A_294 = tpu.vector_load %arg9[%parallel_loop3A_292, %parallel_loop3A_293] {strides = array<i32>} : memref<256x64xf32, #tpu.memory_space<vmem>>, vector<16xf32>,
        %parallel_loop3A_295 = arith.index_cast %parallel_loop3A_285 : i32 to index
        %parallel_loop3A_296 = arith.constant 48 : index
        %parallel_loop3A_297 = tpu.vector_load %arg9[%parallel_loop3A_295, %parallel_loop3A_296] {strides = array<i32>} : memref<256x64xf32, #tpu.memory_space<vmem>>, vector<16xf32>,
        %parallel_loop3A_298 = arith.addf %parallel_loop3A_288, %parallel_loop3A_291 : vector<16xf32>
        %parallel_loop3A_299 = arith.addf %parallel_loop3A_294, %parallel_loop3A_297 : vector<16xf32>
        %parallel_loop3A_300 = arith.addf %parallel_loop3A_298, %parallel_loop3A_299 : vector<16xf32>
        %parallel_loop3A_301 = arith.mulf %parallel_loop3A_288, %parallel_loop3A_288 : vector<16xf32>
        %parallel_loop3A_302 = arith.mulf %parallel_loop3A_291, %parallel_loop3A_291 : vector<16xf32>
        %parallel_loop3A_303 = arith.addf %parallel_loop3A_301, %parallel_loop3A_302 : vector<16xf32>
        %parallel_loop3A_304 = arith.mulf %parallel_loop3A_294, %parallel_loop3A_294 : vector<16xf32>
        %parallel_loop3A_305 = arith.mulf %parallel_loop3A_297, %parallel_loop3A_297 : vector<16xf32>
        %parallel_loop3A_306 = arith.addf %parallel_loop3A_304, %parallel_loop3A_305 : vector<16xf32>
        %parallel_loop3A_307 = arith.addf %parallel_loop3A_303, %parallel_loop3A_306 : vector<16xf32>
        %parallel_loop3A_308 = vector.broadcast %parallel_loop3A_285 : i32 to vector<16xi32>
        %parallel_loop3A_309 = arith.constant true
        %parallel_loop3A_310 = vector.broadcast %parallel_loop3A_309 : i1 to vector<16xi1>
        %parallel_loop3A_311 = tpu.scan <sum>, %parallel_loop3A_300 masked %parallel_loop3A_310 : vector<16xf32>, vector<16xi1> -> vector<16xf32>
        tpu.vector_store_idx %arg12[%parallel_loop3A_308], %parallel_loop3A_311 masked %eq3A_38 : memref<256xf32, #tpu.memory_space<vmem>>[vector<16xi32>], vector<16xf32>, vector<16xi1>
        %parallel_loop3A_312 = arith.constant true
        %parallel_loop3A_313 = vector.broadcast %parallel_loop3A_312 : i1 to vector<16xi1>
        %parallel_loop3A_314 = tpu.scan <sum>, %parallel_loop3A_307 masked %parallel_loop3A_313 : vector<16xf32>, vector<16xi1> -> vector<16xf32>
        tpu.vector_store_idx %arg13[%parallel_loop3A_308], %parallel_loop3A_314 masked %eq3A_38 : memref<256xf32, #tpu.memory_space<vmem>>[vector<16xi32>], vector<16xf32>, vector<16xi1>
      } {sc.loop_unroll_factor = 8 : i64, sc.parallel_access}
      %scan3A_160 = arith.constant 0 : i32
      %scan3A_161 = arith.constant 0 : i32
      %scan3A_162 = arith.constant 16 : i32
      %scan3A_163 = arith.addi %scan3A_161, %scan3A_162 : i32
      %scan3A_164 = arith.constant 2 : i32
      scf.for %scan3A_285 = %scan3A_161 to %scan3A_163 step %scan3A_164  : i32 {
        %mul3A_286 = arith.constant 16 : i32
        %mul3A_287 = arith.muli %scan3A_285, %mul3A_286 : i32
        %multiple_of3A = tpu.assume_multiple %mul3A_287, 16 : i32
        %get3A_288 = arith.index_cast %multiple_of3A : i32 to index
        %get3A_289 = tpu.vector_load %arg12[%get3A_288] {strides = array<i32>} : memref<256xf32, #tpu.memory_space<vmem>>, vector<16xf32>,
        %get3A_290 = arith.index_cast %multiple_of3A : i32 to index
        %get3A_291 = tpu.vector_load %arg13[%get3A_290] {strides = array<i32>} : memref<256xf32, #tpu.memory_space<vmem>>, vector<16xf32>,
        %mul3A_292 = arith.constant 1.562500e-02 : f32
        %mul3A_293 = vector.broadcast %mul3A_292 : f32 to vector<16xf32>
        %mul3A_294 = arith.mulf %get3A_289, %mul3A_293 : vector<16xf32>
        %mul3A_295 = arith.constant 1.562500e-02 : f32
        %mul3A_296 = vector.broadcast %mul3A_295 : f32 to vector<16xf32>
        %mul3A_297 = arith.mulf %get3A_291, %mul3A_296 : vector<16xf32>
        %mul3A_298 = arith.mulf %mul3A_294, %mul3A_294 : vector<16xf32>
        %sub3A = arith.subf %mul3A_297, %mul3A_298 : vector<16xf32>
        %add3A_299 = arith.constant 9.99999974E-6 : f32
        %add3A_300 = vector.broadcast %add3A_299 : f32 to vector<16xf32>
        %add3A_301 = arith.addf %sub3A, %add3A_300 : vector<16xf32>
        %bitcast3A = vector.bitcast %add3A_301 : vector<16xf32> to vector<16xi32>
        %shift_right_logical3A = arith.constant 1 : i32
        %shift_right_logical3A_302 = vector.broadcast %shift_right_logical3A : i32 to vector<16xi32>
        %shift_right_logical3A_303 = arith.shrui %bitcast3A, %shift_right_logical3A_302 : vector<16xi32>
        %sub3A_304 = arith.constant 1597463007 : i32
        %sub3A_305 = vector.broadcast %sub3A_304 : i32 to vector<16xi32>
        %sub3A_306 = arith.subi %sub3A_305, %shift_right_logical3A_303 : vector<16xi32>
        %bitcast3A_307 = vector.bitcast %sub3A_306 : vector<16xi32> to vector<16xf32>
        %mul3A_308 = arith.constant 5.000000e-01 : f32
        %mul3A_309 = vector.broadcast %mul3A_308 : f32 to vector<16xf32>
        %mul3A_310 = arith.mulf %add3A_301, %mul3A_309 : vector<16xf32>
        %mul3A_311 = arith.mulf %mul3A_310, %bitcast3A_307 : vector<16xf32>
        %mul3A_312 = arith.mulf %mul3A_311, %bitcast3A_307 : vector<16xf32>
        %sub3A_313 = arith.constant 1.500000e+00 : f32
        %sub3A_314 = vector.broadcast %sub3A_313 : f32 to vector<16xf32>
        %sub3A_315 = arith.subf %sub3A_314, %mul3A_312 : vector<16xf32>
        %mul3A_316 = arith.mulf %bitcast3A_307, %sub3A_315 : vector<16xf32>
        %mul3A_317 = arith.mulf %mul3A_310, %mul3A_316 : vector<16xf32>
        %mul3A_318 = arith.mulf %mul3A_317, %mul3A_316 : vector<16xf32>
        %sub3A_319 = arith.constant 1.500000e+00 : f32
        %sub3A_320 = vector.broadcast %sub3A_319 : f32 to vector<16xf32>
        %sub3A_321 = arith.subf %sub3A_320, %mul3A_318 : vector<16xf32>
        %mul3A_322 = arith.mulf %mul3A_316, %sub3A_321 : vector<16xf32>
        %swap3A = arith.index_cast %multiple_of3A : i32 to index
        %swap3A_323 = tpu.vector_load %arg14[%swap3A] {strides = array<i32>} : memref<256xf32, #tpu.memory_space<vmem>>, vector<16xf32>,
        tpu.vector_store %arg14[%swap3A], %mul3A_322 {strides = array<i32>} : memref<256xf32, #tpu.memory_space<vmem>>, vector<16xf32>,
        %mul3A_324 = arith.mulf %mul3A_294, %mul3A_322 : vector<16xf32>
        %neg3A = arith.constant 0.000000e+00 : f32
        %neg3A_325 = vector.broadcast %neg3A : f32 to vector<16xf32>
        %neg3A_326 = arith.subf %neg3A_325, %mul3A_324 : vector<16xf32>
        %swap3A_327 = arith.index_cast %multiple_of3A : i32 to index
        %swap3A_328 = tpu.vector_load %arg15[%swap3A_327] {strides = array<i32>} : memref<256xf32, #tpu.memory_space<vmem>>, vector<16xf32>,
        tpu.vector_store %arg15[%swap3A_327], %neg3A_326 {strides = array<i32>} : memref<256xf32, #tpu.memory_space<vmem>>, vector<16xf32>,
        %scan3A_329 = arith.constant 1 : i32
        %scan3A_330 = arith.addi %scan3A_285, %scan3A_329 : i32
        %mul3A_331 = arith.constant 16 : i32
        %mul3A_332 = arith.muli %scan3A_330, %mul3A_331 : i32
        %multiple_of3A_333 = tpu.assume_multiple %mul3A_332, 16 : i32
        %get3A_334 = arith.index_cast %multiple_of3A_333 : i32 to index
        %get3A_335 = tpu.vector_load %arg12[%get3A_334] {strides = array<i32>} : memref<256xf32, #tpu.memory_space<vmem>>, vector<16xf32>,
        %get3A_336 = arith.index_cast %multiple_of3A_333 : i32 to index
        %get3A_337 = tpu.vector_load %arg13[%get3A_336] {strides = array<i32>} : memref<256xf32, #tpu.memory_space<vmem>>, vector<16xf32>,
        %mul3A_338 = arith.constant 1.562500e-02 : f32
        %mul3A_339 = vector.broadcast %mul3A_338 : f32 to vector<16xf32>
        %mul3A_340 = arith.mulf %get3A_335, %mul3A_339 : vector<16xf32>
        %mul3A_341 = arith.constant 1.562500e-02 : f32
        %mul3A_342 = vector.broadcast %mul3A_341 : f32 to vector<16xf32>
        %mul3A_343 = arith.mulf %get3A_337, %mul3A_342 : vector<16xf32>
        %mul3A_344 = arith.mulf %mul3A_340, %mul3A_340 : vector<16xf32>
        %sub3A_345 = arith.subf %mul3A_343, %mul3A_344 : vector<16xf32>
        %add3A_346 = arith.constant 9.99999974E-6 : f32
        %add3A_347 = vector.broadcast %add3A_346 : f32 to vector<16xf32>
        %add3A_348 = arith.addf %sub3A_345, %add3A_347 : vector<16xf32>
        %bitcast3A_349 = vector.bitcast %add3A_348 : vector<16xf32> to vector<16xi32>
        %shift_right_logical3A_350 = arith.constant 1 : i32
        %shift_right_logical3A_351 = vector.broadcast %shift_right_logical3A_350 : i32 to vector<16xi32>
        %shift_right_logical3A_352 = arith.shrui %bitcast3A_349, %shift_right_logical3A_351 : vector<16xi32>
        %sub3A_353 = arith.constant 1597463007 : i32
        %sub3A_354 = vector.broadcast %sub3A_353 : i32 to vector<16xi32>
        %sub3A_355 = arith.subi %sub3A_354, %shift_right_logical3A_352 : vector<16xi32>
        %bitcast3A_356 = vector.bitcast %sub3A_355 : vector<16xi32> to vector<16xf32>
        %mul3A_357 = arith.constant 5.000000e-01 : f32
        %mul3A_358 = vector.broadcast %mul3A_357 : f32 to vector<16xf32>
        %mul3A_359 = arith.mulf %add3A_348, %mul3A_358 : vector<16xf32>
        %mul3A_360 = arith.mulf %mul3A_359, %bitcast3A_356 : vector<16xf32>
        %mul3A_361 = arith.mulf %mul3A_360, %bitcast3A_356 : vector<16xf32>
        %sub3A_362 = arith.constant 1.500000e+00 : f32
        %sub3A_363 = vector.broadcast %sub3A_362 : f32 to vector<16xf32>
        %sub3A_364 = arith.subf %sub3A_363, %mul3A_361 : vector<16xf32>
        %mul3A_365 = arith.mulf %bitcast3A_356, %sub3A_364 : vector<16xf32>
        %mul3A_366 = arith.mulf %mul3A_359, %mul3A_365 : vector<16xf32>
        %mul3A_367 = arith.mulf %mul3A_366, %mul3A_365 : vector<16xf32>
        %sub3A_368 = arith.constant 1.500000e+00 : f32
        %sub3A_369 = vector.broadcast %sub3A_368 : f32 to vector<16xf32>
        %sub3A_370 = arith.subf %sub3A_369, %mul3A_367 : vector<16xf32>
        %mul3A_371 = arith.mulf %mul3A_365, %sub3A_370 : vector<16xf32>
        %swap3A_372 = arith.index_cast %multiple_of3A_333 : i32 to index
        %swap3A_373 = tpu.vector_load %arg14[%swap3A_372] {strides = array<i32>} : memref<256xf32, #tpu.memory_space<vmem>>, vector<16xf32>,
        tpu.vector_store %arg14[%swap3A_372], %mul3A_371 {strides = array<i32>} : memref<256xf32, #tpu.memory_space<vmem>>, vector<16xf32>,
        %mul3A_374 = arith.mulf %mul3A_340, %mul3A_371 : vector<16xf32>
        %neg3A_375 = arith.constant 0.000000e+00 : f32
        %neg3A_376 = vector.broadcast %neg3A_375 : f32 to vector<16xf32>
        %neg3A_377 = arith.subf %neg3A_376, %mul3A_374 : vector<16xf32>
        %swap3A_378 = arith.index_cast %multiple_of3A_333 : i32 to index
        %swap3A_379 = tpu.vector_load %arg15[%swap3A_378] {strides = array<i32>} : memref<256xf32, #tpu.memory_space<vmem>>, vector<16xf32>,
        tpu.vector_store %arg15[%swap3A_378], %neg3A_377 {strides = array<i32>} : memref<256xf32, #tpu.memory_space<vmem>>, vector<16xf32>,
      }
      %scan3A_165 = arith.constant 16 : i32
      %parallel_loop3A_166 = arith.constant 0 : i32
      %parallel_loop3A_167 = arith.constant 256 : i32
      %parallel_loop3A_168 = arith.constant 1 : i32
      scf.for %parallel_loop3A_285 = %parallel_loop3A_166 to %parallel_loop3A_167 step %parallel_loop3A_168  : i32 {
        %parallel_loop3A_286 = vector.broadcast %parallel_loop3A_285 : i32 to vector<16xi32>
        %parallel_loop3A_287 = tpu.vector_load_idx %arg14[%parallel_loop3A_286] : memref<256xf32, #tpu.memory_space<vmem>>[vector<16xi32>], vector<16xf32>,
        %parallel_loop3A_288 = tpu.vector_load_idx %arg15[%parallel_loop3A_286] : memref<256xf32, #tpu.memory_space<vmem>>[vector<16xi32>], vector<16xf32>,
        %parallel_loop3A_289 = arith.index_cast %parallel_loop3A_285 : i32 to index
        %parallel_loop3A_290 = arith.constant 0 : index
        %parallel_loop3A_291 = tpu.vector_load %arg9[%parallel_loop3A_289, %parallel_loop3A_290] {strides = array<i32>} : memref<256x64xf32, #tpu.memory_space<vmem>>, vector<16xf32>,
        %parallel_loop3A_292 = arith.mulf %parallel_loop3A_291, %parallel_loop3A_287 : vector<16xf32>
        %parallel_loop3A_293 = arith.addf %parallel_loop3A_292, %parallel_loop3A_288 : vector<16xf32>
        %parallel_loop3A_294 = arith.mulf %parallel_loop3A_293, %get3A_8 : vector<16xf32>
        %parallel_loop3A_295 = arith.addf %parallel_loop3A_294, %get3A_24 : vector<16xf32>
        %parallel_loop3A_296 = arith.index_cast %parallel_loop3A_285 : i32 to index
        %parallel_loop3A_297 = arith.constant 0 : index
        %parallel_loop3A_298 = tpu.vector_load %arg9[%parallel_loop3A_296, %parallel_loop3A_297] {strides = array<i32>} : memref<256x64xf32, #tpu.memory_space<vmem>>, vector<16xf32>,
        tpu.vector_store %arg9[%parallel_loop3A_296, %parallel_loop3A_297], %parallel_loop3A_295 {strides = array<i32>} : memref<256x64xf32, #tpu.memory_space<vmem>>, vector<16xf32>,
        %parallel_loop3A_299 = arith.index_cast %parallel_loop3A_285 : i32 to index
        %parallel_loop3A_300 = arith.constant 16 : index
        %parallel_loop3A_301 = tpu.vector_load %arg9[%parallel_loop3A_299, %parallel_loop3A_300] {strides = array<i32>} : memref<256x64xf32, #tpu.memory_space<vmem>>, vector<16xf32>,
        %parallel_loop3A_302 = arith.mulf %parallel_loop3A_301, %parallel_loop3A_287 : vector<16xf32>
        %parallel_loop3A_303 = arith.addf %parallel_loop3A_302, %parallel_loop3A_288 : vector<16xf32>
        %parallel_loop3A_304 = arith.mulf %parallel_loop3A_303, %get3A_12 : vector<16xf32>
        %parallel_loop3A_305 = arith.addf %parallel_loop3A_304, %get3A_28 : vector<16xf32>
        %parallel_loop3A_306 = arith.index_cast %parallel_loop3A_285 : i32 to index
        %parallel_loop3A_307 = arith.constant 16 : index
        %parallel_loop3A_308 = tpu.vector_load %arg9[%parallel_loop3A_306, %parallel_loop3A_307] {strides = array<i32>} : memref<256x64xf32, #tpu.memory_space<vmem>>, vector<16xf32>,
        tpu.vector_store %arg9[%parallel_loop3A_306, %parallel_loop3A_307], %parallel_loop3A_305 {strides = array<i32>} : memref<256x64xf32, #tpu.memory_space<vmem>>, vector<16xf32>,
        %parallel_loop3A_309 = arith.index_cast %parallel_loop3A_285 : i32 to index
        %parallel_loop3A_310 = arith.constant 32 : index
        %parallel_loop3A_311 = tpu.vector_load %arg9[%parallel_loop3A_309, %parallel_loop3A_310] {strides = array<i32>} : memref<256x64xf32, #tpu.memory_space<vmem>>, vector<16xf32>,
        %parallel_loop3A_312 = arith.mulf %parallel_loop3A_311, %parallel_loop3A_287 : vector<16xf32>
        %parallel_loop3A_313 = arith.addf %parallel_loop3A_312, %parallel_loop3A_288 : vector<16xf32>
        %parallel_loop3A_314 = arith.mulf %parallel_loop3A_313, %get3A_16 : vector<16xf32>
        %parallel_loop3A_315 = arith.addf %parallel_loop3A_314, %get3A_32 : vector<16xf32>
        %parallel_loop3A_316 = arith.index_cast %parallel_loop3A_285 : i32 to index
        %parallel_loop3A_317 = arith.constant 32 : index
        %parallel_loop3A_318 = tpu.vector_load %arg9[%parallel_loop3A_316, %parallel_loop3A_317] {strides = array<i32>} : memref<256x64xf32, #tpu.memory_space<vmem>>, vector<16xf32>,
        tpu.vector_store %arg9[%parallel_loop3A_316, %parallel_loop3A_317], %parallel_loop3A_315 {strides = array<i32>} : memref<256x64xf32, #tpu.memory_space<vmem>>, vector<16xf32>,
        %parallel_loop3A_319 = arith.index_cast %parallel_loop3A_285 : i32 to index
        %parallel_loop3A_320 = arith.constant 48 : index
        %parallel_loop3A_321 = tpu.vector_load %arg9[%parallel_loop3A_319, %parallel_loop3A_320] {strides = array<i32>} : memref<256x64xf32, #tpu.memory_space<vmem>>, vector<16xf32>,
        %parallel_loop3A_322 = arith.mulf %parallel_loop3A_321, %parallel_loop3A_287 : vector<16xf32>
        %parallel_loop3A_323 = arith.addf %parallel_loop3A_322, %parallel_loop3A_288 : vector<16xf32>
        %parallel_loop3A_324 = arith.mulf %parallel_loop3A_323, %get3A_20 : vector<16xf32>
        %parallel_loop3A_325 = arith.addf %parallel_loop3A_324, %get3A_36 : vector<16xf32>
        %parallel_loop3A_326 = arith.index_cast %parallel_loop3A_285 : i32 to index
        %parallel_loop3A_327 = arith.constant 48 : index
        %parallel_loop3A_328 = tpu.vector_load %arg9[%parallel_loop3A_326, %parallel_loop3A_327] {strides = array<i32>} : memref<256x64xf32, #tpu.memory_space<vmem>>, vector<16xf32>,
        tpu.vector_store %arg9[%parallel_loop3A_326, %parallel_loop3A_327], %parallel_loop3A_325 {strides = array<i32>} : memref<256x64xf32, #tpu.memory_space<vmem>>, vector<16xf32>,
      } {sc.loop_unroll_factor = 8 : i64, sc.parallel_access}
      %mul3A_169 = arith.constant 256 : i32
      %mul3A_170 = arith.muli %add3A_150, %mul3A_169 : i32
      %add3A_171 = arith.addi %mul3A_2, %mul3A_170 : i32
      %dma_start3A_172 = arith.constant 0 : i32
      %dma_start3A_173 = tpu.memref_slice %arg6[%add3A_171, %dma_start3A_172] : memref<819200x64xf32, #tpu.memory_space<hbm>> -> memref<256x64xf32, #tpu.memory_space<hbm>>
      %dma_start3A_174 = arith.constant 0 : i32
      %dma_start3A_175 = tpu.memref_slice %arg6[%add3A_171, %dma_start3A_174] : memref<819200x64xf32, #tpu.memory_space<hbm>> -> memref<256x64xf32, #tpu.memory_space<hbm>>
      tpu.enqueue_dma source(%arg9 : memref<256x64xf32, #tpu.memory_space<vmem>>) target(%dma_start3A_175 : memref<256x64xf32, #tpu.memory_space<hbm>>) target_semaphore(%arg22 : memref<!tpu.dma_semaphore, #tpu.memory_space<semaphore_mem>>)
      %add3A_176 = arith.constant 2 : i32
      %add3A_177 = arith.addi %add3A_150, %add3A_176 : i32
      %lt3A_178 = arith.constant 100 : i32
      %lt3A_179 = arith.cmpi slt, %add3A_177, %lt3A_178 : i32
      %ge3A_180 = arith.constant 2 : i32
      %ge3A_181 = arith.cmpi sge, %add3A_150, %ge3A_180 : i32
      %and3A_182 = arith.andi %lt3A_179, %ge3A_181 : i1
      %convert_element_type3A_183 = arith.extui %and3A_182 : i1 to i32
      %cond3A_184 = arith.constant 0 : i32
      %cond3A_185 = arith.cmpi ne, %convert_element_type3A_183, %cond3A_184 : i32
      scf.if %cond3A_185 {
        %dma_wait3A_285 = arith.constant 0 : i32
        %dma_wait3A_286 = arith.constant 0 : i32
        %dma_wait3A_287 = tpu.memref_slice %arg6[%dma_wait3A_285, %dma_wait3A_286] : memref<819200x64xf32, #tpu.memory_space<hbm>> -> memref<256x64xf32, #tpu.memory_space<hbm>>
        %dma_wait3A_288 = arith.constant 0 : i32
        %dma_wait3A_289 = arith.constant 0 : i32
        %dma_wait3A_290 = tpu.memref_slice %arg6[%dma_wait3A_288, %dma_wait3A_289] : memref<819200x64xf32, #tpu.memory_space<hbm>> -> memref<256x64xf32, #tpu.memory_space<hbm>>
        tpu.wait_dma2 semaphore(%arg24 : memref<!tpu.dma_semaphore, #tpu.memory_space<semaphore_mem>>) src(%arg11 : memref<256x64xf32, #tpu.memory_space<vmem>>) dst(%dma_wait3A_290 : memref<256x64xf32, #tpu.memory_space<hbm>>)
      } else {
      }
      %add3A_186 = arith.constant 2 : i32
      %add3A_187 = arith.addi %add3A_150, %add3A_186 : i32
      %lt3A_188 = arith.constant 100 : i32
      %lt3A_189 = arith.cmpi slt, %add3A_187, %lt3A_188 : i32
      %convert_element_type3A_190 = arith.extui %lt3A_189 : i1 to i32
      %cond3A_191 = arith.constant 0 : i32
      %cond3A_192 = arith.cmpi ne, %convert_element_type3A_190, %cond3A_191 : i32
      scf.if %cond3A_192 {
        %add3A_285 = arith.constant 2 : i32
        %add3A_286 = arith.addi %add3A_150, %add3A_285 : i32
        %mul3A_287 = arith.constant 2 : i32
        %mul3A_288 = arith.muli %add3A_286, %mul3A_287 : i32
        %add3A_289 = arith.constant 0 : i32
        %add3A_290 = arith.addi %mul3A_288, %add3A_289 : i32
        %dma_start3A_291 = arith.constant 0 : i32
        %dma_start3A_292 = arith.constant 0 : i32
        %dma_start3A_293 = tpu.memref_slice %arg11[%dma_start3A_291, %dma_start3A_292] : memref<256x64xf32, #tpu.memory_space<vmem>> -> memref<128x64xf32, #tpu.memory_space<vmem>>
        %dma_start3A_294 = arith.constant 0 : i32
        %dma_start3A_295 = tpu.memref_slice %arg7[%add3A_290, %dma_start3A_294] : memref<200x128xi32, #tpu.memory_space<vmem>> -> memref<1x128xi32, #tpu.memory_space<vmem>>
        %dma_start3A_296 = tpu.memref_squeeze %dma_start3A_295 : memref<1x128xi32, #tpu.memory_space<vmem>> -> memref<128xi32, #tpu.memory_space<vmem>>
        %dma_start3A_297 = arith.constant 0 : i32
        %dma_start3A_298 = arith.constant 0 : i32
        %dma_start3A_299 = tpu.memref_slice %arg2[%dma_start3A_297, %dma_start3A_298] : memref<1000000x64xf32, #tpu.memory_space<hbm>> -> memref<1000000x64xf32, #tpu.memory_space<hbm>>
        tpu.enqueue_indirect_dma source(%dma_start3A_299 : memref<1000000x64xf32, #tpu.memory_space<hbm>>) target(%dma_start3A_293 : memref<128x64xf32, #tpu.memory_space<vmem>>) offsets(%dma_start3A_296 : memref<128xi32, #tpu.memory_space<vmem>>) semaphore(%arg20 : memref<!tpu.dma_semaphore, #tpu.memory_space<semaphore_mem>>)
        %mul3A_300 = arith.constant 2 : i32
        %mul3A_301 = arith.muli %add3A_286, %mul3A_300 : i32
        %add3A_302 = arith.constant 1 : i32
        %add3A_303 = arith.addi %mul3A_301, %add3A_302 : i32
        %dma_start3A_304 = arith.constant 128 : i32
        %dma_start3A_305 = arith.constant 0 : i32
        %dma_start3A_306 = tpu.memref_slice %arg11[%dma_start3A_304, %dma_start3A_305] : memref<256x64xf32, #tpu.memory_space<vmem>> -> memref<128x64xf32, #tpu.memory_space<vmem>>
        %dma_start3A_307 = arith.constant 0 : i32
        %dma_start3A_308 = tpu.memref_slice %arg7[%add3A_303, %dma_start3A_307] : memref<200x128xi32, #tpu.memory_space<vmem>> -> memref<1x128xi32, #tpu.memory_space<vmem>>
        %dma_start3A_309 = tpu.memref_squeeze %dma_start3A_308 : memref<1x128xi32, #tpu.memory_space<vmem>> -> memref<128xi32, #tpu.memory_space<vmem>>
        %dma_start3A_310 = arith.constant 0 : i32
        %dma_start3A_311 = arith.constant 0 : i32
        %dma_start3A_312 = tpu.memref_slice %arg2[%dma_start3A_310, %dma_start3A_311] : memref<1000000x64xf32, #tpu.memory_space<hbm>> -> memref<1000000x64xf32, #tpu.memory_space<hbm>>
        tpu.enqueue_indirect_dma source(%dma_start3A_312 : memref<1000000x64xf32, #tpu.memory_space<hbm>>) target(%dma_start3A_306 : memref<128x64xf32, #tpu.memory_space<vmem>>) offsets(%dma_start3A_309 : memref<128xi32, #tpu.memory_space<vmem>>) semaphore(%arg20 : memref<!tpu.dma_semaphore, #tpu.memory_space<semaphore_mem>>)
      } else {
      }
      %mul3A_193 = arith.constant 4 : i32
      %mul3A_194 = arith.muli %scan3A_106, %mul3A_193 : i32
      %add3A_195 = arith.constant 2 : i32
      %add3A_196 = arith.addi %mul3A_194, %add3A_195 : i32
      %dma_wait3A_197 = arith.constant 0 : i32
      %dma_wait3A_198 = arith.constant 0 : i32
      %dma_wait3A_199 = tpu.memref_slice %arg6[%dma_wait3A_197, %dma_wait3A_198] : memref<819200x64xf32, #tpu.memory_space<hbm>> -> memref<256x64xf32, #tpu.memory_space<hbm>>
      %dma_wait3A_200 = arith.constant 0 : i32
      %dma_wait3A_201 = arith.constant 0 : i32
      %dma_wait3A_202 = tpu.memref_slice %arg6[%dma_wait3A_200, %dma_wait3A_201] : memref<819200x64xf32, #tpu.memory_space<hbm>> -> memref<256x64xf32, #tpu.memory_space<hbm>>
      tpu.wait_dma2 semaphore(%arg19 : memref<!tpu.dma_semaphore, #tpu.memory_space<semaphore_mem>>) src(%dma_wait3A_202 : memref<256x64xf32, #tpu.memory_space<hbm>>) dst(%arg10 : memref<256x64xf32, #tpu.memory_space<vmem>>)
      %parallel_loop3A_203 = arith.constant 0 : i32
      %parallel_loop3A_204 = arith.constant 256 : i32
      %parallel_loop3A_205 = arith.constant 1 : i32
      scf.for %parallel_loop3A_285 = %parallel_loop3A_203 to %parallel_loop3A_204 step %parallel_loop3A_205  : i32 {
        %parallel_loop3A_286 = arith.index_cast %parallel_loop3A_285 : i32 to index
        %parallel_loop3A_287 = arith.constant 0 : index
        %parallel_loop3A_288 = tpu.vector_load %arg10[%parallel_loop3A_286, %parallel_loop3A_287] {strides = array<i32>} : memref<256x64xf32, #tpu.memory_space<vmem>>, vector<16xf32>,
        %parallel_loop3A_289 = arith.index_cast %parallel_loop3A_285 : i32 to index
        %parallel_loop3A_290 = arith.constant 16 : index
        %parallel_loop3A_291 = tpu.vector_load %arg10[%parallel_loop3A_289, %parallel_loop3A_290] {strides = array<i32>} : memref<256x64xf32, #tpu.memory_space<vmem>>, vector<16xf32>,
        %parallel_loop3A_292 = arith.index_cast %parallel_loop3A_285 : i32 to index
        %parallel_loop3A_293 = arith.constant 32 : index
        %parallel_loop3A_294 = tpu.vector_load %arg10[%parallel_loop3A_292, %parallel_loop3A_293] {strides = array<i32>} : memref<256x64xf32, #tpu.memory_space<vmem>>, vector<16xf32>,
        %parallel_loop3A_295 = arith.index_cast %parallel_loop3A_285 : i32 to index
        %parallel_loop3A_296 = arith.constant 48 : index
        %parallel_loop3A_297 = tpu.vector_load %arg10[%parallel_loop3A_295, %parallel_loop3A_296] {strides = array<i32>} : memref<256x64xf32, #tpu.memory_space<vmem>>, vector<16xf32>,
        %parallel_loop3A_298 = arith.addf %parallel_loop3A_288, %parallel_loop3A_291 : vector<16xf32>
        %parallel_loop3A_299 = arith.addf %parallel_loop3A_294, %parallel_loop3A_297 : vector<16xf32>
        %parallel_loop3A_300 = arith.addf %parallel_loop3A_298, %parallel_loop3A_299 : vector<16xf32>
        %parallel_loop3A_301 = arith.mulf %parallel_loop3A_288, %parallel_loop3A_288 : vector<16xf32>
        %parallel_loop3A_302 = arith.mulf %parallel_loop3A_291, %parallel_loop3A_291 : vector<16xf32>
        %parallel_loop3A_303 = arith.addf %parallel_loop3A_301, %parallel_loop3A_302 : vector<16xf32>
        %parallel_loop3A_304 = arith.mulf %parallel_loop3A_294, %parallel_loop3A_294 : vector<16xf32>
        %parallel_loop3A_305 = arith.mulf %parallel_loop3A_297, %parallel_loop3A_297 : vector<16xf32>
        %parallel_loop3A_306 = arith.addf %parallel_loop3A_304, %parallel_loop3A_305 : vector<16xf32>
        %parallel_loop3A_307 = arith.addf %parallel_loop3A_303, %parallel_loop3A_306 : vector<16xf32>
        %parallel_loop3A_308 = vector.broadcast %parallel_loop3A_285 : i32 to vector<16xi32>
        %parallel_loop3A_309 = arith.constant true
        %parallel_loop3A_310 = vector.broadcast %parallel_loop3A_309 : i1 to vector<16xi1>
        %parallel_loop3A_311 = tpu.scan <sum>, %parallel_loop3A_300 masked %parallel_loop3A_310 : vector<16xf32>, vector<16xi1> -> vector<16xf32>
        tpu.vector_store_idx %arg12[%parallel_loop3A_308], %parallel_loop3A_311 masked %eq3A_38 : memref<256xf32, #tpu.memory_space<vmem>>[vector<16xi32>], vector<16xf32>, vector<16xi1>
        %parallel_loop3A_312 = arith.constant true
        %parallel_loop3A_313 = vector.broadcast %parallel_loop3A_312 : i1 to vector<16xi1>
        %parallel_loop3A_314 = tpu.scan <sum>, %parallel_loop3A_307 masked %parallel_loop3A_313 : vector<16xf32>, vector<16xi1> -> vector<16xf32>
        tpu.vector_store_idx %arg13[%parallel_loop3A_308], %parallel_loop3A_314 masked %eq3A_38 : memref<256xf32, #tpu.memory_space<vmem>>[vector<16xi32>], vector<16xf32>, vector<16xi1>
      } {sc.loop_unroll_factor = 8 : i64, sc.parallel_access}
      %scan3A_206 = arith.constant 0 : i32
      %scan3A_207 = arith.constant 0 : i32
      %scan3A_208 = arith.constant 16 : i32
      %scan3A_209 = arith.addi %scan3A_207, %scan3A_208 : i32
      %scan3A_210 = arith.constant 2 : i32
      scf.for %scan3A_285 = %scan3A_207 to %scan3A_209 step %scan3A_210  : i32 {
        %mul3A_286 = arith.constant 16 : i32
        %mul3A_287 = arith.muli %scan3A_285, %mul3A_286 : i32
        %multiple_of3A = tpu.assume_multiple %mul3A_287, 16 : i32
        %get3A_288 = arith.index_cast %multiple_of3A : i32 to index
        %get3A_289 = tpu.vector_load %arg12[%get3A_288] {strides = array<i32>} : memref<256xf32, #tpu.memory_space<vmem>>, vector<16xf32>,
        %get3A_290 = arith.index_cast %multiple_of3A : i32 to index
        %get3A_291 = tpu.vector_load %arg13[%get3A_290] {strides = array<i32>} : memref<256xf32, #tpu.memory_space<vmem>>, vector<16xf32>,
        %mul3A_292 = arith.constant 1.562500e-02 : f32
        %mul3A_293 = vector.broadcast %mul3A_292 : f32 to vector<16xf32>
        %mul3A_294 = arith.mulf %get3A_289, %mul3A_293 : vector<16xf32>
        %mul3A_295 = arith.constant 1.562500e-02 : f32
        %mul3A_296 = vector.broadcast %mul3A_295 : f32 to vector<16xf32>
        %mul3A_297 = arith.mulf %get3A_291, %mul3A_296 : vector<16xf32>
        %mul3A_298 = arith.mulf %mul3A_294, %mul3A_294 : vector<16xf32>
        %sub3A = arith.subf %mul3A_297, %mul3A_298 : vector<16xf32>
        %add3A_299 = arith.constant 9.99999974E-6 : f32
        %add3A_300 = vector.broadcast %add3A_299 : f32 to vector<16xf32>
        %add3A_301 = arith.addf %sub3A, %add3A_300 : vector<16xf32>
        %bitcast3A = vector.bitcast %add3A_301 : vector<16xf32> to vector<16xi32>
        %shift_right_logical3A = arith.constant 1 : i32
        %shift_right_logical3A_302 = vector.broadcast %shift_right_logical3A : i32 to vector<16xi32>
        %shift_right_logical3A_303 = arith.shrui %bitcast3A, %shift_right_logical3A_302 : vector<16xi32>
        %sub3A_304 = arith.constant 1597463007 : i32
        %sub3A_305 = vector.broadcast %sub3A_304 : i32 to vector<16xi32>
        %sub3A_306 = arith.subi %sub3A_305, %shift_right_logical3A_303 : vector<16xi32>
        %bitcast3A_307 = vector.bitcast %sub3A_306 : vector<16xi32> to vector<16xf32>
        %mul3A_308 = arith.constant 5.000000e-01 : f32
        %mul3A_309 = vector.broadcast %mul3A_308 : f32 to vector<16xf32>
        %mul3A_310 = arith.mulf %add3A_301, %mul3A_309 : vector<16xf32>
        %mul3A_311 = arith.mulf %mul3A_310, %bitcast3A_307 : vector<16xf32>
        %mul3A_312 = arith.mulf %mul3A_311, %bitcast3A_307 : vector<16xf32>
        %sub3A_313 = arith.constant 1.500000e+00 : f32
        %sub3A_314 = vector.broadcast %sub3A_313 : f32 to vector<16xf32>
        %sub3A_315 = arith.subf %sub3A_314, %mul3A_312 : vector<16xf32>
        %mul3A_316 = arith.mulf %bitcast3A_307, %sub3A_315 : vector<16xf32>
        %mul3A_317 = arith.mulf %mul3A_310, %mul3A_316 : vector<16xf32>
        %mul3A_318 = arith.mulf %mul3A_317, %mul3A_316 : vector<16xf32>
        %sub3A_319 = arith.constant 1.500000e+00 : f32
        %sub3A_320 = vector.broadcast %sub3A_319 : f32 to vector<16xf32>
        %sub3A_321 = arith.subf %sub3A_320, %mul3A_318 : vector<16xf32>
        %mul3A_322 = arith.mulf %mul3A_316, %sub3A_321 : vector<16xf32>
        %swap3A = arith.index_cast %multiple_of3A : i32 to index
        %swap3A_323 = tpu.vector_load %arg14[%swap3A] {strides = array<i32>} : memref<256xf32, #tpu.memory_space<vmem>>, vector<16xf32>,
        tpu.vector_store %arg14[%swap3A], %mul3A_322 {strides = array<i32>} : memref<256xf32, #tpu.memory_space<vmem>>, vector<16xf32>,
        %mul3A_324 = arith.mulf %mul3A_294, %mul3A_322 : vector<16xf32>
        %neg3A = arith.constant 0.000000e+00 : f32
        %neg3A_325 = vector.broadcast %neg3A : f32 to vector<16xf32>
        %neg3A_326 = arith.subf %neg3A_325, %mul3A_324 : vector<16xf32>
        %swap3A_327 = arith.index_cast %multiple_of3A : i32 to index
        %swap3A_328 = tpu.vector_load %arg15[%swap3A_327] {strides = array<i32>} : memref<256xf32, #tpu.memory_space<vmem>>, vector<16xf32>,
        tpu.vector_store %arg15[%swap3A_327], %neg3A_326 {strides = array<i32>} : memref<256xf32, #tpu.memory_space<vmem>>, vector<16xf32>,
        %scan3A_329 = arith.constant 1 : i32
        %scan3A_330 = arith.addi %scan3A_285, %scan3A_329 : i32
        %mul3A_331 = arith.constant 16 : i32
        %mul3A_332 = arith.muli %scan3A_330, %mul3A_331 : i32
        %multiple_of3A_333 = tpu.assume_multiple %mul3A_332, 16 : i32
        %get3A_334 = arith.index_cast %multiple_of3A_333 : i32 to index
        %get3A_335 = tpu.vector_load %arg12[%get3A_334] {strides = array<i32>} : memref<256xf32, #tpu.memory_space<vmem>>, vector<16xf32>,
        %get3A_336 = arith.index_cast %multiple_of3A_333 : i32 to index
        %get3A_337 = tpu.vector_load %arg13[%get3A_336] {strides = array<i32>} : memref<256xf32, #tpu.memory_space<vmem>>, vector<16xf32>,
        %mul3A_338 = arith.constant 1.562500e-02 : f32
        %mul3A_339 = vector.broadcast %mul3A_338 : f32 to vector<16xf32>
        %mul3A_340 = arith.mulf %get3A_335, %mul3A_339 : vector<16xf32>
        %mul3A_341 = arith.constant 1.562500e-02 : f32
        %mul3A_342 = vector.broadcast %mul3A_341 : f32 to vector<16xf32>
        %mul3A_343 = arith.mulf %get3A_337, %mul3A_342 : vector<16xf32>
        %mul3A_344 = arith.mulf %mul3A_340, %mul3A_340 : vector<16xf32>
        %sub3A_345 = arith.subf %mul3A_343, %mul3A_344 : vector<16xf32>
        %add3A_346 = arith.constant 9.99999974E-6 : f32
        %add3A_347 = vector.broadcast %add3A_346 : f32 to vector<16xf32>
        %add3A_348 = arith.addf %sub3A_345, %add3A_347 : vector<16xf32>
        %bitcast3A_349 = vector.bitcast %add3A_348 : vector<16xf32> to vector<16xi32>
        %shift_right_logical3A_350 = arith.constant 1 : i32
        %shift_right_logical3A_351 = vector.broadcast %shift_right_logical3A_350 : i32 to vector<16xi32>
        %shift_right_logical3A_352 = arith.shrui %bitcast3A_349, %shift_right_logical3A_351 : vector<16xi32>
        %sub3A_353 = arith.constant 1597463007 : i32
        %sub3A_354 = vector.broadcast %sub3A_353 : i32 to vector<16xi32>
        %sub3A_355 = arith.subi %sub3A_354, %shift_right_logical3A_352 : vector<16xi32>
        %bitcast3A_356 = vector.bitcast %sub3A_355 : vector<16xi32> to vector<16xf32>
        %mul3A_357 = arith.constant 5.000000e-01 : f32
        %mul3A_358 = vector.broadcast %mul3A_357 : f32 to vector<16xf32>
        %mul3A_359 = arith.mulf %add3A_348, %mul3A_358 : vector<16xf32>
        %mul3A_360 = arith.mulf %mul3A_359, %bitcast3A_356 : vector<16xf32>
        %mul3A_361 = arith.mulf %mul3A_360, %bitcast3A_356 : vector<16xf32>
        %sub3A_362 = arith.constant 1.500000e+00 : f32
        %sub3A_363 = vector.broadcast %sub3A_362 : f32 to vector<16xf32>
        %sub3A_364 = arith.subf %sub3A_363, %mul3A_361 : vector<16xf32>
        %mul3A_365 = arith.mulf %bitcast3A_356, %sub3A_364 : vector<16xf32>
        %mul3A_366 = arith.mulf %mul3A_359, %mul3A_365 : vector<16xf32>
        %mul3A_367 = arith.mulf %mul3A_366, %mul3A_365 : vector<16xf32>
        %sub3A_368 = arith.constant 1.500000e+00 : f32
        %sub3A_369 = vector.broadcast %sub3A_368 : f32 to vector<16xf32>
        %sub3A_370 = arith.subf %sub3A_369, %mul3A_367 : vector<16xf32>
        %mul3A_371 = arith.mulf %mul3A_365, %sub3A_370 : vector<16xf32>
        %swap3A_372 = arith.index_cast %multiple_of3A_333 : i32 to index
        %swap3A_373 = tpu.vector_load %arg14[%swap3A_372] {strides = array<i32>} : memref<256xf32, #tpu.memory_space<vmem>>, vector<16xf32>,
        tpu.vector_store %arg14[%swap3A_372], %mul3A_371 {strides = array<i32>} : memref<256xf32, #tpu.memory_space<vmem>>, vector<16xf32>,
        %mul3A_374 = arith.mulf %mul3A_340, %mul3A_371 : vector<16xf32>
        %neg3A_375 = arith.constant 0.000000e+00 : f32
        %neg3A_376 = vector.broadcast %neg3A_375 : f32 to vector<16xf32>
        %neg3A_377 = arith.subf %neg3A_376, %mul3A_374 : vector<16xf32>
        %swap3A_378 = arith.index_cast %multiple_of3A_333 : i32 to index
        %swap3A_379 = tpu.vector_load %arg15[%swap3A_378] {strides = array<i32>} : memref<256xf32, #tpu.memory_space<vmem>>, vector<16xf32>,
        tpu.vector_store %arg15[%swap3A_378], %neg3A_377 {strides = array<i32>} : memref<256xf32, #tpu.memory_space<vmem>>, vector<16xf32>,
      }
      %scan3A_211 = arith.constant 16 : i32
      %parallel_loop3A_212 = arith.constant 0 : i32
      %parallel_loop3A_213 = arith.constant 256 : i32
      %parallel_loop3A_214 = arith.constant 1 : i32
      scf.for %parallel_loop3A_285 = %parallel_loop3A_212 to %parallel_loop3A_213 step %parallel_loop3A_214  : i32 {
        %parallel_loop3A_286 = vector.broadcast %parallel_loop3A_285 : i32 to vector<16xi32>
        %parallel_loop3A_287 = tpu.vector_load_idx %arg14[%parallel_loop3A_286] : memref<256xf32, #tpu.memory_space<vmem>>[vector<16xi32>], vector<16xf32>,
        %parallel_loop3A_288 = tpu.vector_load_idx %arg15[%parallel_loop3A_286] : memref<256xf32, #tpu.memory_space<vmem>>[vector<16xi32>], vector<16xf32>,
        %parallel_loop3A_289 = arith.index_cast %parallel_loop3A_285 : i32 to index
        %parallel_loop3A_290 = arith.constant 0 : index
        %parallel_loop3A_291 = tpu.vector_load %arg10[%parallel_loop3A_289, %parallel_loop3A_290] {strides = array<i32>} : memref<256x64xf32, #tpu.memory_space<vmem>>, vector<16xf32>,
        %parallel_loop3A_292 = arith.mulf %parallel_loop3A_291, %parallel_loop3A_287 : vector<16xf32>
        %parallel_loop3A_293 = arith.addf %parallel_loop3A_292, %parallel_loop3A_288 : vector<16xf32>
        %parallel_loop3A_294 = arith.mulf %parallel_loop3A_293, %get3A_8 : vector<16xf32>
        %parallel_loop3A_295 = arith.addf %parallel_loop3A_294, %get3A_24 : vector<16xf32>
        %parallel_loop3A_296 = arith.index_cast %parallel_loop3A_285 : i32 to index
        %parallel_loop3A_297 = arith.constant 0 : index
        %parallel_loop3A_298 = tpu.vector_load %arg10[%parallel_loop3A_296, %parallel_loop3A_297] {strides = array<i32>} : memref<256x64xf32, #tpu.memory_space<vmem>>, vector<16xf32>,
        tpu.vector_store %arg10[%parallel_loop3A_296, %parallel_loop3A_297], %parallel_loop3A_295 {strides = array<i32>} : memref<256x64xf32, #tpu.memory_space<vmem>>, vector<16xf32>,
        %parallel_loop3A_299 = arith.index_cast %parallel_loop3A_285 : i32 to index
        %parallel_loop3A_300 = arith.constant 16 : index
        %parallel_loop3A_301 = tpu.vector_load %arg10[%parallel_loop3A_299, %parallel_loop3A_300] {strides = array<i32>} : memref<256x64xf32, #tpu.memory_space<vmem>>, vector<16xf32>,
        %parallel_loop3A_302 = arith.mulf %parallel_loop3A_301, %parallel_loop3A_287 : vector<16xf32>
        %parallel_loop3A_303 = arith.addf %parallel_loop3A_302, %parallel_loop3A_288 : vector<16xf32>
        %parallel_loop3A_304 = arith.mulf %parallel_loop3A_303, %get3A_12 : vector<16xf32>
        %parallel_loop3A_305 = arith.addf %parallel_loop3A_304, %get3A_28 : vector<16xf32>
        %parallel_loop3A_306 = arith.index_cast %parallel_loop3A_285 : i32 to index
        %parallel_loop3A_307 = arith.constant 16 : index
        %parallel_loop3A_308 = tpu.vector_load %arg10[%parallel_loop3A_306, %parallel_loop3A_307] {strides = array<i32>} : memref<256x64xf32, #tpu.memory_space<vmem>>, vector<16xf32>,
        tpu.vector_store %arg10[%parallel_loop3A_306, %parallel_loop3A_307], %parallel_loop3A_305 {strides = array<i32>} : memref<256x64xf32, #tpu.memory_space<vmem>>, vector<16xf32>,
        %parallel_loop3A_309 = arith.index_cast %parallel_loop3A_285 : i32 to index
        %parallel_loop3A_310 = arith.constant 32 : index
        %parallel_loop3A_311 = tpu.vector_load %arg10[%parallel_loop3A_309, %parallel_loop3A_310] {strides = array<i32>} : memref<256x64xf32, #tpu.memory_space<vmem>>, vector<16xf32>,
        %parallel_loop3A_312 = arith.mulf %parallel_loop3A_311, %parallel_loop3A_287 : vector<16xf32>
        %parallel_loop3A_313 = arith.addf %parallel_loop3A_312, %parallel_loop3A_288 : vector<16xf32>
        %parallel_loop3A_314 = arith.mulf %parallel_loop3A_313, %get3A_16 : vector<16xf32>
        %parallel_loop3A_315 = arith.addf %parallel_loop3A_314, %get3A_32 : vector<16xf32>
        %parallel_loop3A_316 = arith.index_cast %parallel_loop3A_285 : i32 to index
        %parallel_loop3A_317 = arith.constant 32 : index
        %parallel_loop3A_318 = tpu.vector_load %arg10[%parallel_loop3A_316, %parallel_loop3A_317] {strides = array<i32>} : memref<256x64xf32, #tpu.memory_space<vmem>>, vector<16xf32>,
        tpu.vector_store %arg10[%parallel_loop3A_316, %parallel_loop3A_317], %parallel_loop3A_315 {strides = array<i32>} : memref<256x64xf32, #tpu.memory_space<vmem>>, vector<16xf32>,
        %parallel_loop3A_319 = arith.index_cast %parallel_loop3A_285 : i32 to index
        %parallel_loop3A_320 = arith.constant 48 : index
        %parallel_loop3A_321 = tpu.vector_load %arg10[%parallel_loop3A_319, %parallel_loop3A_320] {strides = array<i32>} : memref<256x64xf32, #tpu.memory_space<vmem>>, vector<16xf32>,
        %parallel_loop3A_322 = arith.mulf %parallel_loop3A_321, %parallel_loop3A_287 : vector<16xf32>
        %parallel_loop3A_323 = arith.addf %parallel_loop3A_322, %parallel_loop3A_288 : vector<16xf32>
        %parallel_loop3A_324 = arith.mulf %parallel_loop3A_323, %get3A_20 : vector<16xf32>
        %parallel_loop3A_325 = arith.addf %parallel_loop3A_324, %get3A_36 : vector<16xf32>
        %parallel_loop3A_326 = arith.index_cast %parallel_loop3A_285 : i32 to index
        %parallel_loop3A_327 = arith.constant 48 : index
        %parallel_loop3A_328 = tpu.vector_load %arg10[%parallel_loop3A_326, %parallel_loop3A_327] {strides = array<i32>} : memref<256x64xf32, #tpu.memory_space<vmem>>, vector<16xf32>,
        tpu.vector_store %arg10[%parallel_loop3A_326, %parallel_loop3A_327], %parallel_loop3A_325 {strides = array<i32>} : memref<256x64xf32, #tpu.memory_space<vmem>>, vector<16xf32>,
      } {sc.loop_unroll_factor = 8 : i64, sc.parallel_access}
      %mul3A_215 = arith.constant 256 : i32
      %mul3A_216 = arith.muli %add3A_196, %mul3A_215 : i32
      %add3A_217 = arith.addi %mul3A_2, %mul3A_216 : i32
      %dma_start3A_218 = arith.constant 0 : i32
      %dma_start3A_219 = tpu.memref_slice %arg6[%add3A_217, %dma_start3A_218] : memref<819200x64xf32, #tpu.memory_space<hbm>> -> memref<256x64xf32, #tpu.memory_space<hbm>>
      %dma_start3A_220 = arith.constant 0 : i32
      %dma_start3A_221 = tpu.memref_slice %arg6[%add3A_217, %dma_start3A_220] : memref<819200x64xf32, #tpu.memory_space<hbm>> -> memref<256x64xf32, #tpu.memory_space<hbm>>
      tpu.enqueue_dma source(%arg10 : memref<256x64xf32, #tpu.memory_space<vmem>>) target(%dma_start3A_221 : memref<256x64xf32, #tpu.memory_space<hbm>>) target_semaphore(%arg23 : memref<!tpu.dma_semaphore, #tpu.memory_space<semaphore_mem>>)
      %add3A_222 = arith.constant 2 : i32
      %add3A_223 = arith.addi %add3A_196, %add3A_222 : i32
      %lt3A_224 = arith.constant 100 : i32
      %lt3A_225 = arith.cmpi slt, %add3A_223, %lt3A_224 : i32
      %ge3A_226 = arith.constant 2 : i32
      %ge3A_227 = arith.cmpi sge, %add3A_196, %ge3A_226 : i32
      %and3A_228 = arith.andi %lt3A_225, %ge3A_227 : i1
      %convert_element_type3A_229 = arith.extui %and3A_228 : i1 to i32
      %cond3A_230 = arith.constant 0 : i32
      %cond3A_231 = arith.cmpi ne, %convert_element_type3A_229, %cond3A_230 : i32
      scf.if %cond3A_231 {
        %dma_wait3A_285 = arith.constant 0 : i32
        %dma_wait3A_286 = arith.constant 0 : i32
        %dma_wait3A_287 = tpu.memref_slice %arg6[%dma_wait3A_285, %dma_wait3A_286] : memref<819200x64xf32, #tpu.memory_space<hbm>> -> memref<256x64xf32, #tpu.memory_space<hbm>>
        %dma_wait3A_288 = arith.constant 0 : i32
        %dma_wait3A_289 = arith.constant 0 : i32
        %dma_wait3A_290 = tpu.memref_slice %arg6[%dma_wait3A_288, %dma_wait3A_289] : memref<819200x64xf32, #tpu.memory_space<hbm>> -> memref<256x64xf32, #tpu.memory_space<hbm>>
        tpu.wait_dma2 semaphore(%arg21 : memref<!tpu.dma_semaphore, #tpu.memory_space<semaphore_mem>>) src(%arg8 : memref<256x64xf32, #tpu.memory_space<vmem>>) dst(%dma_wait3A_290 : memref<256x64xf32, #tpu.memory_space<hbm>>)
      } else {
      }
      %add3A_232 = arith.constant 2 : i32
      %add3A_233 = arith.addi %add3A_196, %add3A_232 : i32
      %lt3A_234 = arith.constant 100 : i32
      %lt3A_235 = arith.cmpi slt, %add3A_233, %lt3A_234 : i32
      %convert_element_type3A_236 = arith.extui %lt3A_235 : i1 to i32
      %cond3A_237 = arith.constant 0 : i32
      %cond3A_238 = arith.cmpi ne, %convert_element_type3A_236, %cond3A_237 : i32
      scf.if %cond3A_238 {
        %add3A_285 = arith.constant 2 : i32
        %add3A_286 = arith.addi %add3A_196, %add3A_285 : i32
        %mul3A_287 = arith.constant 2 : i32
        %mul3A_288 = arith.muli %add3A_286, %mul3A_287 : i32
        %add3A_289 = arith.constant 0 : i32
        %add3A_290 = arith.addi %mul3A_288, %add3A_289 : i32
        %dma_start3A_291 = arith.constant 0 : i32
        %dma_start3A_292 = arith.constant 0 : i32
        %dma_start3A_293 = tpu.memref_slice %arg8[%dma_start3A_291, %dma_start3A_292] : memref<256x64xf32, #tpu.memory_space<vmem>> -> memref<128x64xf32, #tpu.memory_space<vmem>>
        %dma_start3A_294 = arith.constant 0 : i32
        %dma_start3A_295 = tpu.memref_slice %arg7[%add3A_290, %dma_start3A_294] : memref<200x128xi32, #tpu.memory_space<vmem>> -> memref<1x128xi32, #tpu.memory_space<vmem>>
        %dma_start3A_296 = tpu.memref_squeeze %dma_start3A_295 : memref<1x128xi32, #tpu.memory_space<vmem>> -> memref<128xi32, #tpu.memory_space<vmem>>
        %dma_start3A_297 = arith.constant 0 : i32
        %dma_start3A_298 = arith.constant 0 : i32
        %dma_start3A_299 = tpu.memref_slice %arg2[%dma_start3A_297, %dma_start3A_298] : memref<1000000x64xf32, #tpu.memory_space<hbm>> -> memref<1000000x64xf32, #tpu.memory_space<hbm>>
        tpu.enqueue_indirect_dma source(%dma_start3A_299 : memref<1000000x64xf32, #tpu.memory_space<hbm>>) target(%dma_start3A_293 : memref<128x64xf32, #tpu.memory_space<vmem>>) offsets(%dma_start3A_296 : memref<128xi32, #tpu.memory_space<vmem>>) semaphore(%arg17 : memref<!tpu.dma_semaphore, #tpu.memory_space<semaphore_mem>>)
        %mul3A_300 = arith.constant 2 : i32
        %mul3A_301 = arith.muli %add3A_286, %mul3A_300 : i32
        %add3A_302 = arith.constant 1 : i32
        %add3A_303 = arith.addi %mul3A_301, %add3A_302 : i32
        %dma_start3A_304 = arith.constant 128 : i32
        %dma_start3A_305 = arith.constant 0 : i32
        %dma_start3A_306 = tpu.memref_slice %arg8[%dma_start3A_304, %dma_start3A_305] : memref<256x64xf32, #tpu.memory_space<vmem>> -> memref<128x64xf32, #tpu.memory_space<vmem>>
        %dma_start3A_307 = arith.constant 0 : i32
        %dma_start3A_308 = tpu.memref_slice %arg7[%add3A_303, %dma_start3A_307] : memref<200x128xi32, #tpu.memory_space<vmem>> -> memref<1x128xi32, #tpu.memory_space<vmem>>
        %dma_start3A_309 = tpu.memref_squeeze %dma_start3A_308 : memref<1x128xi32, #tpu.memory_space<vmem>> -> memref<128xi32, #tpu.memory_space<vmem>>
        %dma_start3A_310 = arith.constant 0 : i32
        %dma_start3A_311 = arith.constant 0 : i32
        %dma_start3A_312 = tpu.memref_slice %arg2[%dma_start3A_310, %dma_start3A_311] : memref<1000000x64xf32, #tpu.memory_space<hbm>> -> memref<1000000x64xf32, #tpu.memory_space<hbm>>
        tpu.enqueue_indirect_dma source(%dma_start3A_312 : memref<1000000x64xf32, #tpu.memory_space<hbm>>) target(%dma_start3A_306 : memref<128x64xf32, #tpu.memory_space<vmem>>) offsets(%dma_start3A_309 : memref<128xi32, #tpu.memory_space<vmem>>) semaphore(%arg17 : memref<!tpu.dma_semaphore, #tpu.memory_space<semaphore_mem>>)
      } else {
      }
      %mul3A_239 = arith.constant 4 : i32
      %mul3A_240 = arith.muli %scan3A_106, %mul3A_239 : i32
      %add3A_241 = arith.constant 3 : i32
      %add3A_242 = arith.addi %mul3A_240, %add3A_241 : i32
      %dma_wait3A_243 = arith.constant 0 : i32
      %dma_wait3A_244 = arith.constant 0 : i32
      %dma_wait3A_245 = tpu.memref_slice %arg6[%dma_wait3A_243, %dma_wait3A_244] : memref<819200x64xf32, #tpu.memory_space<hbm>> -> memref<256x64xf32, #tpu.memory_space<hbm>>
      %dma_wait3A_246 = arith.constant 0 : i32
      %dma_wait3A_247 = arith.constant 0 : i32
      %dma_wait3A_248 = tpu.memref_slice %arg6[%dma_wait3A_246, %dma_wait3A_247] : memref<819200x64xf32, #tpu.memory_space<hbm>> -> memref<256x64xf32, #tpu.memory_space<hbm>>
      tpu.wait_dma2 semaphore(%arg20 : memref<!tpu.dma_semaphore, #tpu.memory_space<semaphore_mem>>) src(%dma_wait3A_248 : memref<256x64xf32, #tpu.memory_space<hbm>>) dst(%arg11 : memref<256x64xf32, #tpu.memory_space<vmem>>)
      %parallel_loop3A_249 = arith.constant 0 : i32
      %parallel_loop3A_250 = arith.constant 256 : i32
      %parallel_loop3A_251 = arith.constant 1 : i32
      scf.for %parallel_loop3A_285 = %parallel_loop3A_249 to %parallel_loop3A_250 step %parallel_loop3A_251  : i32 {
        %parallel_loop3A_286 = arith.index_cast %parallel_loop3A_285 : i32 to index
        %parallel_loop3A_287 = arith.constant 0 : index
        %parallel_loop3A_288 = tpu.vector_load %arg11[%parallel_loop3A_286, %parallel_loop3A_287] {strides = array<i32>} : memref<256x64xf32, #tpu.memory_space<vmem>>, vector<16xf32>,
        %parallel_loop3A_289 = arith.index_cast %parallel_loop3A_285 : i32 to index
        %parallel_loop3A_290 = arith.constant 16 : index
        %parallel_loop3A_291 = tpu.vector_load %arg11[%parallel_loop3A_289, %parallel_loop3A_290] {strides = array<i32>} : memref<256x64xf32, #tpu.memory_space<vmem>>, vector<16xf32>,
        %parallel_loop3A_292 = arith.index_cast %parallel_loop3A_285 : i32 to index
        %parallel_loop3A_293 = arith.constant 32 : index
        %parallel_loop3A_294 = tpu.vector_load %arg11[%parallel_loop3A_292, %parallel_loop3A_293] {strides = array<i32>} : memref<256x64xf32, #tpu.memory_space<vmem>>, vector<16xf32>,
        %parallel_loop3A_295 = arith.index_cast %parallel_loop3A_285 : i32 to index
        %parallel_loop3A_296 = arith.constant 48 : index
        %parallel_loop3A_297 = tpu.vector_load %arg11[%parallel_loop3A_295, %parallel_loop3A_296] {strides = array<i32>} : memref<256x64xf32, #tpu.memory_space<vmem>>, vector<16xf32>,
        %parallel_loop3A_298 = arith.addf %parallel_loop3A_288, %parallel_loop3A_291 : vector<16xf32>
        %parallel_loop3A_299 = arith.addf %parallel_loop3A_294, %parallel_loop3A_297 : vector<16xf32>
        %parallel_loop3A_300 = arith.addf %parallel_loop3A_298, %parallel_loop3A_299 : vector<16xf32>
        %parallel_loop3A_301 = arith.mulf %parallel_loop3A_288, %parallel_loop3A_288 : vector<16xf32>
        %parallel_loop3A_302 = arith.mulf %parallel_loop3A_291, %parallel_loop3A_291 : vector<16xf32>
        %parallel_loop3A_303 = arith.addf %parallel_loop3A_301, %parallel_loop3A_302 : vector<16xf32>
        %parallel_loop3A_304 = arith.mulf %parallel_loop3A_294, %parallel_loop3A_294 : vector<16xf32>
        %parallel_loop3A_305 = arith.mulf %parallel_loop3A_297, %parallel_loop3A_297 : vector<16xf32>
        %parallel_loop3A_306 = arith.addf %parallel_loop3A_304, %parallel_loop3A_305 : vector<16xf32>
        %parallel_loop3A_307 = arith.addf %parallel_loop3A_303, %parallel_loop3A_306 : vector<16xf32>
        %parallel_loop3A_308 = vector.broadcast %parallel_loop3A_285 : i32 to vector<16xi32>
        %parallel_loop3A_309 = arith.constant true
        %parallel_loop3A_310 = vector.broadcast %parallel_loop3A_309 : i1 to vector<16xi1>
        %parallel_loop3A_311 = tpu.scan <sum>, %parallel_loop3A_300 masked %parallel_loop3A_310 : vector<16xf32>, vector<16xi1> -> vector<16xf32>
        tpu.vector_store_idx %arg12[%parallel_loop3A_308], %parallel_loop3A_311 masked %eq3A_38 : memref<256xf32, #tpu.memory_space<vmem>>[vector<16xi32>], vector<16xf32>, vector<16xi1>
        %parallel_loop3A_312 = arith.constant true
        %parallel_loop3A_313 = vector.broadcast %parallel_loop3A_312 : i1 to vector<16xi1>
        %parallel_loop3A_314 = tpu.scan <sum>, %parallel_loop3A_307 masked %parallel_loop3A_313 : vector<16xf32>, vector<16xi1> -> vector<16xf32>
        tpu.vector_store_idx %arg13[%parallel_loop3A_308], %parallel_loop3A_314 masked %eq3A_38 : memref<256xf32, #tpu.memory_space<vmem>>[vector<16xi32>], vector<16xf32>, vector<16xi1>
      } {sc.loop_unroll_factor = 8 : i64, sc.parallel_access}
      %scan3A_252 = arith.constant 0 : i32
      %scan3A_253 = arith.constant 0 : i32
      %scan3A_254 = arith.constant 16 : i32
      %scan3A_255 = arith.addi %scan3A_253, %scan3A_254 : i32
      %scan3A_256 = arith.constant 2 : i32
      scf.for %scan3A_285 = %scan3A_253 to %scan3A_255 step %scan3A_256  : i32 {
        %mul3A_286 = arith.constant 16 : i32
        %mul3A_287 = arith.muli %scan3A_285, %mul3A_286 : i32
        %multiple_of3A = tpu.assume_multiple %mul3A_287, 16 : i32
        %get3A_288 = arith.index_cast %multiple_of3A : i32 to index
        %get3A_289 = tpu.vector_load %arg12[%get3A_288] {strides = array<i32>} : memref<256xf32, #tpu.memory_space<vmem>>, vector<16xf32>,
        %get3A_290 = arith.index_cast %multiple_of3A : i32 to index
        %get3A_291 = tpu.vector_load %arg13[%get3A_290] {strides = array<i32>} : memref<256xf32, #tpu.memory_space<vmem>>, vector<16xf32>,
        %mul3A_292 = arith.constant 1.562500e-02 : f32
        %mul3A_293 = vector.broadcast %mul3A_292 : f32 to vector<16xf32>
        %mul3A_294 = arith.mulf %get3A_289, %mul3A_293 : vector<16xf32>
        %mul3A_295 = arith.constant 1.562500e-02 : f32
        %mul3A_296 = vector.broadcast %mul3A_295 : f32 to vector<16xf32>
        %mul3A_297 = arith.mulf %get3A_291, %mul3A_296 : vector<16xf32>
        %mul3A_298 = arith.mulf %mul3A_294, %mul3A_294 : vector<16xf32>
        %sub3A = arith.subf %mul3A_297, %mul3A_298 : vector<16xf32>
        %add3A_299 = arith.constant 9.99999974E-6 : f32
        %add3A_300 = vector.broadcast %add3A_299 : f32 to vector<16xf32>
        %add3A_301 = arith.addf %sub3A, %add3A_300 : vector<16xf32>
        %bitcast3A = vector.bitcast %add3A_301 : vector<16xf32> to vector<16xi32>
        %shift_right_logical3A = arith.constant 1 : i32
        %shift_right_logical3A_302 = vector.broadcast %shift_right_logical3A : i32 to vector<16xi32>
        %shift_right_logical3A_303 = arith.shrui %bitcast3A, %shift_right_logical3A_302 : vector<16xi32>
        %sub3A_304 = arith.constant 1597463007 : i32
        %sub3A_305 = vector.broadcast %sub3A_304 : i32 to vector<16xi32>
        %sub3A_306 = arith.subi %sub3A_305, %shift_right_logical3A_303 : vector<16xi32>
        %bitcast3A_307 = vector.bitcast %sub3A_306 : vector<16xi32> to vector<16xf32>
        %mul3A_308 = arith.constant 5.000000e-01 : f32
        %mul3A_309 = vector.broadcast %mul3A_308 : f32 to vector<16xf32>
        %mul3A_310 = arith.mulf %add3A_301, %mul3A_309 : vector<16xf32>
        %mul3A_311 = arith.mulf %mul3A_310, %bitcast3A_307 : vector<16xf32>
        %mul3A_312 = arith.mulf %mul3A_311, %bitcast3A_307 : vector<16xf32>
        %sub3A_313 = arith.constant 1.500000e+00 : f32
        %sub3A_314 = vector.broadcast %sub3A_313 : f32 to vector<16xf32>
        %sub3A_315 = arith.subf %sub3A_314, %mul3A_312 : vector<16xf32>
        %mul3A_316 = arith.mulf %bitcast3A_307, %sub3A_315 : vector<16xf32>
        %mul3A_317 = arith.mulf %mul3A_310, %mul3A_316 : vector<16xf32>
        %mul3A_318 = arith.mulf %mul3A_317, %mul3A_316 : vector<16xf32>
        %sub3A_319 = arith.constant 1.500000e+00 : f32
        %sub3A_320 = vector.broadcast %sub3A_319 : f32 to vector<16xf32>
        %sub3A_321 = arith.subf %sub3A_320, %mul3A_318 : vector<16xf32>
        %mul3A_322 = arith.mulf %mul3A_316, %sub3A_321 : vector<16xf32>
        %swap3A = arith.index_cast %multiple_of3A : i32 to index
        %swap3A_323 = tpu.vector_load %arg14[%swap3A] {strides = array<i32>} : memref<256xf32, #tpu.memory_space<vmem>>, vector<16xf32>,
        tpu.vector_store %arg14[%swap3A], %mul3A_322 {strides = array<i32>} : memref<256xf32, #tpu.memory_space<vmem>>, vector<16xf32>,
        %mul3A_324 = arith.mulf %mul3A_294, %mul3A_322 : vector<16xf32>
        %neg3A = arith.constant 0.000000e+00 : f32
        %neg3A_325 = vector.broadcast %neg3A : f32 to vector<16xf32>
        %neg3A_326 = arith.subf %neg3A_325, %mul3A_324 : vector<16xf32>
        %swap3A_327 = arith.index_cast %multiple_of3A : i32 to index
        %swap3A_328 = tpu.vector_load %arg15[%swap3A_327] {strides = array<i32>} : memref<256xf32, #tpu.memory_space<vmem>>, vector<16xf32>,
        tpu.vector_store %arg15[%swap3A_327], %neg3A_326 {strides = array<i32>} : memref<256xf32, #tpu.memory_space<vmem>>, vector<16xf32>,
        %scan3A_329 = arith.constant 1 : i32
        %scan3A_330 = arith.addi %scan3A_285, %scan3A_329 : i32
        %mul3A_331 = arith.constant 16 : i32
        %mul3A_332 = arith.muli %scan3A_330, %mul3A_331 : i32
        %multiple_of3A_333 = tpu.assume_multiple %mul3A_332, 16 : i32
        %get3A_334 = arith.index_cast %multiple_of3A_333 : i32 to index
        %get3A_335 = tpu.vector_load %arg12[%get3A_334] {strides = array<i32>} : memref<256xf32, #tpu.memory_space<vmem>>, vector<16xf32>,
        %get3A_336 = arith.index_cast %multiple_of3A_333 : i32 to index
        %get3A_337 = tpu.vector_load %arg13[%get3A_336] {strides = array<i32>} : memref<256xf32, #tpu.memory_space<vmem>>, vector<16xf32>,
        %mul3A_338 = arith.constant 1.562500e-02 : f32
        %mul3A_339 = vector.broadcast %mul3A_338 : f32 to vector<16xf32>
        %mul3A_340 = arith.mulf %get3A_335, %mul3A_339 : vector<16xf32>
        %mul3A_341 = arith.constant 1.562500e-02 : f32
        %mul3A_342 = vector.broadcast %mul3A_341 : f32 to vector<16xf32>
        %mul3A_343 = arith.mulf %get3A_337, %mul3A_342 : vector<16xf32>
        %mul3A_344 = arith.mulf %mul3A_340, %mul3A_340 : vector<16xf32>
        %sub3A_345 = arith.subf %mul3A_343, %mul3A_344 : vector<16xf32>
        %add3A_346 = arith.constant 9.99999974E-6 : f32
        %add3A_347 = vector.broadcast %add3A_346 : f32 to vector<16xf32>
        %add3A_348 = arith.addf %sub3A_345, %add3A_347 : vector<16xf32>
        %bitcast3A_349 = vector.bitcast %add3A_348 : vector<16xf32> to vector<16xi32>
        %shift_right_logical3A_350 = arith.constant 1 : i32
        %shift_right_logical3A_351 = vector.broadcast %shift_right_logical3A_350 : i32 to vector<16xi32>
        %shift_right_logical3A_352 = arith.shrui %bitcast3A_349, %shift_right_logical3A_351 : vector<16xi32>
        %sub3A_353 = arith.constant 1597463007 : i32
        %sub3A_354 = vector.broadcast %sub3A_353 : i32 to vector<16xi32>
        %sub3A_355 = arith.subi %sub3A_354, %shift_right_logical3A_352 : vector<16xi32>
        %bitcast3A_356 = vector.bitcast %sub3A_355 : vector<16xi32> to vector<16xf32>
        %mul3A_357 = arith.constant 5.000000e-01 : f32
        %mul3A_358 = vector.broadcast %mul3A_357 : f32 to vector<16xf32>
        %mul3A_359 = arith.mulf %add3A_348, %mul3A_358 : vector<16xf32>
        %mul3A_360 = arith.mulf %mul3A_359, %bitcast3A_356 : vector<16xf32>
        %mul3A_361 = arith.mulf %mul3A_360, %bitcast3A_356 : vector<16xf32>
        %sub3A_362 = arith.constant 1.500000e+00 : f32
        %sub3A_363 = vector.broadcast %sub3A_362 : f32 to vector<16xf32>
        %sub3A_364 = arith.subf %sub3A_363, %mul3A_361 : vector<16xf32>
        %mul3A_365 = arith.mulf %bitcast3A_356, %sub3A_364 : vector<16xf32>
        %mul3A_366 = arith.mulf %mul3A_359, %mul3A_365 : vector<16xf32>
        %mul3A_367 = arith.mulf %mul3A_366, %mul3A_365 : vector<16xf32>
        %sub3A_368 = arith.constant 1.500000e+00 : f32
        %sub3A_369 = vector.broadcast %sub3A_368 : f32 to vector<16xf32>
        %sub3A_370 = arith.subf %sub3A_369, %mul3A_367 : vector<16xf32>
        %mul3A_371 = arith.mulf %mul3A_365, %sub3A_370 : vector<16xf32>
        %swap3A_372 = arith.index_cast %multiple_of3A_333 : i32 to index
        %swap3A_373 = tpu.vector_load %arg14[%swap3A_372] {strides = array<i32>} : memref<256xf32, #tpu.memory_space<vmem>>, vector<16xf32>,
        tpu.vector_store %arg14[%swap3A_372], %mul3A_371 {strides = array<i32>} : memref<256xf32, #tpu.memory_space<vmem>>, vector<16xf32>,
        %mul3A_374 = arith.mulf %mul3A_340, %mul3A_371 : vector<16xf32>
        %neg3A_375 = arith.constant 0.000000e+00 : f32
        %neg3A_376 = vector.broadcast %neg3A_375 : f32 to vector<16xf32>
        %neg3A_377 = arith.subf %neg3A_376, %mul3A_374 : vector<16xf32>
        %swap3A_378 = arith.index_cast %multiple_of3A_333 : i32 to index
        %swap3A_379 = tpu.vector_load %arg15[%swap3A_378] {strides = array<i32>} : memref<256xf32, #tpu.memory_space<vmem>>, vector<16xf32>,
        tpu.vector_store %arg15[%swap3A_378], %neg3A_377 {strides = array<i32>} : memref<256xf32, #tpu.memory_space<vmem>>, vector<16xf32>,
      }
      %scan3A_257 = arith.constant 16 : i32
      %parallel_loop3A_258 = arith.constant 0 : i32
      %parallel_loop3A_259 = arith.constant 256 : i32
      %parallel_loop3A_260 = arith.constant 1 : i32
      scf.for %parallel_loop3A_285 = %parallel_loop3A_258 to %parallel_loop3A_259 step %parallel_loop3A_260  : i32 {
        %parallel_loop3A_286 = vector.broadcast %parallel_loop3A_285 : i32 to vector<16xi32>
        %parallel_loop3A_287 = tpu.vector_load_idx %arg14[%parallel_loop3A_286] : memref<256xf32, #tpu.memory_space<vmem>>[vector<16xi32>], vector<16xf32>,
        %parallel_loop3A_288 = tpu.vector_load_idx %arg15[%parallel_loop3A_286] : memref<256xf32, #tpu.memory_space<vmem>>[vector<16xi32>], vector<16xf32>,
        %parallel_loop3A_289 = arith.index_cast %parallel_loop3A_285 : i32 to index
        %parallel_loop3A_290 = arith.constant 0 : index
        %parallel_loop3A_291 = tpu.vector_load %arg11[%parallel_loop3A_289, %parallel_loop3A_290] {strides = array<i32>} : memref<256x64xf32, #tpu.memory_space<vmem>>, vector<16xf32>,
        %parallel_loop3A_292 = arith.mulf %parallel_loop3A_291, %parallel_loop3A_287 : vector<16xf32>
        %parallel_loop3A_293 = arith.addf %parallel_loop3A_292, %parallel_loop3A_288 : vector<16xf32>
        %parallel_loop3A_294 = arith.mulf %parallel_loop3A_293, %get3A_8 : vector<16xf32>
        %parallel_loop3A_295 = arith.addf %parallel_loop3A_294, %get3A_24 : vector<16xf32>
        %parallel_loop3A_296 = arith.index_cast %parallel_loop3A_285 : i32 to index
        %parallel_loop3A_297 = arith.constant 0 : index
        %parallel_loop3A_298 = tpu.vector_load %arg11[%parallel_loop3A_296, %parallel_loop3A_297] {strides = array<i32>} : memref<256x64xf32, #tpu.memory_space<vmem>>, vector<16xf32>,
        tpu.vector_store %arg11[%parallel_loop3A_296, %parallel_loop3A_297], %parallel_loop3A_295 {strides = array<i32>} : memref<256x64xf32, #tpu.memory_space<vmem>>, vector<16xf32>,
        %parallel_loop3A_299 = arith.index_cast %parallel_loop3A_285 : i32 to index
        %parallel_loop3A_300 = arith.constant 16 : index
        %parallel_loop3A_301 = tpu.vector_load %arg11[%parallel_loop3A_299, %parallel_loop3A_300] {strides = array<i32>} : memref<256x64xf32, #tpu.memory_space<vmem>>, vector<16xf32>,
        %parallel_loop3A_302 = arith.mulf %parallel_loop3A_301, %parallel_loop3A_287 : vector<16xf32>
        %parallel_loop3A_303 = arith.addf %parallel_loop3A_302, %parallel_loop3A_288 : vector<16xf32>
        %parallel_loop3A_304 = arith.mulf %parallel_loop3A_303, %get3A_12 : vector<16xf32>
        %parallel_loop3A_305 = arith.addf %parallel_loop3A_304, %get3A_28 : vector<16xf32>
        %parallel_loop3A_306 = arith.index_cast %parallel_loop3A_285 : i32 to index
        %parallel_loop3A_307 = arith.constant 16 : index
        %parallel_loop3A_308 = tpu.vector_load %arg11[%parallel_loop3A_306, %parallel_loop3A_307] {strides = array<i32>} : memref<256x64xf32, #tpu.memory_space<vmem>>, vector<16xf32>,
        tpu.vector_store %arg11[%parallel_loop3A_306, %parallel_loop3A_307], %parallel_loop3A_305 {strides = array<i32>} : memref<256x64xf32, #tpu.memory_space<vmem>>, vector<16xf32>,
        %parallel_loop3A_309 = arith.index_cast %parallel_loop3A_285 : i32 to index
        %parallel_loop3A_310 = arith.constant 32 : index
        %parallel_loop3A_311 = tpu.vector_load %arg11[%parallel_loop3A_309, %parallel_loop3A_310] {strides = array<i32>} : memref<256x64xf32, #tpu.memory_space<vmem>>, vector<16xf32>,
        %parallel_loop3A_312 = arith.mulf %parallel_loop3A_311, %parallel_loop3A_287 : vector<16xf32>
        %parallel_loop3A_313 = arith.addf %parallel_loop3A_312, %parallel_loop3A_288 : vector<16xf32>
        %parallel_loop3A_314 = arith.mulf %parallel_loop3A_313, %get3A_16 : vector<16xf32>
        %parallel_loop3A_315 = arith.addf %parallel_loop3A_314, %get3A_32 : vector<16xf32>
        %parallel_loop3A_316 = arith.index_cast %parallel_loop3A_285 : i32 to index
        %parallel_loop3A_317 = arith.constant 32 : index
        %parallel_loop3A_318 = tpu.vector_load %arg11[%parallel_loop3A_316, %parallel_loop3A_317] {strides = array<i32>} : memref<256x64xf32, #tpu.memory_space<vmem>>, vector<16xf32>,
        tpu.vector_store %arg11[%parallel_loop3A_316, %parallel_loop3A_317], %parallel_loop3A_315 {strides = array<i32>} : memref<256x64xf32, #tpu.memory_space<vmem>>, vector<16xf32>,
        %parallel_loop3A_319 = arith.index_cast %parallel_loop3A_285 : i32 to index
        %parallel_loop3A_320 = arith.constant 48 : index
        %parallel_loop3A_321 = tpu.vector_load %arg11[%parallel_loop3A_319, %parallel_loop3A_320] {strides = array<i32>} : memref<256x64xf32, #tpu.memory_space<vmem>>, vector<16xf32>,
        %parallel_loop3A_322 = arith.mulf %parallel_loop3A_321, %parallel_loop3A_287 : vector<16xf32>
        %parallel_loop3A_323 = arith.addf %parallel_loop3A_322, %parallel_loop3A_288 : vector<16xf32>
        %parallel_loop3A_324 = arith.mulf %parallel_loop3A_323, %get3A_20 : vector<16xf32>
        %parallel_loop3A_325 = arith.addf %parallel_loop3A_324, %get3A_36 : vector<16xf32>
        %parallel_loop3A_326 = arith.index_cast %parallel_loop3A_285 : i32 to index
        %parallel_loop3A_327 = arith.constant 48 : index
        %parallel_loop3A_328 = tpu.vector_load %arg11[%parallel_loop3A_326, %parallel_loop3A_327] {strides = array<i32>} : memref<256x64xf32, #tpu.memory_space<vmem>>, vector<16xf32>,
        tpu.vector_store %arg11[%parallel_loop3A_326, %parallel_loop3A_327], %parallel_loop3A_325 {strides = array<i32>} : memref<256x64xf32, #tpu.memory_space<vmem>>, vector<16xf32>,
      } {sc.loop_unroll_factor = 8 : i64, sc.parallel_access}
      %mul3A_261 = arith.constant 256 : i32
      %mul3A_262 = arith.muli %add3A_242, %mul3A_261 : i32
      %add3A_263 = arith.addi %mul3A_2, %mul3A_262 : i32
      %dma_start3A_264 = arith.constant 0 : i32
      %dma_start3A_265 = tpu.memref_slice %arg6[%add3A_263, %dma_start3A_264] : memref<819200x64xf32, #tpu.memory_space<hbm>> -> memref<256x64xf32, #tpu.memory_space<hbm>>
      %dma_start3A_266 = arith.constant 0 : i32
      %dma_start3A_267 = tpu.memref_slice %arg6[%add3A_263, %dma_start3A_266] : memref<819200x64xf32, #tpu.memory_space<hbm>> -> memref<256x64xf32, #tpu.memory_space<hbm>>
      tpu.enqueue_dma source(%arg11 : memref<256x64xf32, #tpu.memory_space<vmem>>) target(%dma_start3A_267 : memref<256x64xf32, #tpu.memory_space<hbm>>) target_semaphore(%arg24 : memref<!tpu.dma_semaphore, #tpu.memory_space<semaphore_mem>>)
      %add3A_268 = arith.constant 2 : i32
      %add3A_269 = arith.addi %add3A_242, %add3A_268 : i32
      %lt3A_270 = arith.constant 100 : i32
      %lt3A_271 = arith.cmpi slt, %add3A_269, %lt3A_270 : i32
      %ge3A_272 = arith.constant 2 : i32
      %ge3A_273 = arith.cmpi sge, %add3A_242, %ge3A_272 : i32
      %and3A_274 = arith.andi %lt3A_271, %ge3A_273 : i1
      %convert_element_type3A_275 = arith.extui %and3A_274 : i1 to i32
      %cond3A_276 = arith.constant 0 : i32
      %cond3A_277 = arith.cmpi ne, %convert_element_type3A_275, %cond3A_276 : i32
      scf.if %cond3A_277 {
        %dma_wait3A_285 = arith.constant 0 : i32
        %dma_wait3A_286 = arith.constant 0 : i32
        %dma_wait3A_287 = tpu.memref_slice %arg6[%dma_wait3A_285, %dma_wait3A_286] : memref<819200x64xf32, #tpu.memory_space<hbm>> -> memref<256x64xf32, #tpu.memory_space<hbm>>
        %dma_wait3A_288 = arith.constant 0 : i32
        %dma_wait3A_289 = arith.constant 0 : i32
        %dma_wait3A_290 = tpu.memref_slice %arg6[%dma_wait3A_288, %dma_wait3A_289] : memref<819200x64xf32, #tpu.memory_space<hbm>> -> memref<256x64xf32, #tpu.memory_space<hbm>>
        tpu.wait_dma2 semaphore(%arg22 : memref<!tpu.dma_semaphore, #tpu.memory_space<semaphore_mem>>) src(%arg9 : memref<256x64xf32, #tpu.memory_space<vmem>>) dst(%dma_wait3A_290 : memref<256x64xf32, #tpu.memory_space<hbm>>)
      } else {
      }
      %add3A_278 = arith.constant 2 : i32
      %add3A_279 = arith.addi %add3A_242, %add3A_278 : i32
      %lt3A_280 = arith.constant 100 : i32
      %lt3A_281 = arith.cmpi slt, %add3A_279, %lt3A_280 : i32
      %convert_element_type3A_282 = arith.extui %lt3A_281 : i1 to i32
      %cond3A_283 = arith.constant 0 : i32
      %cond3A_284 = arith.cmpi ne, %convert_element_type3A_282, %cond3A_283 : i32
      scf.if %cond3A_284 {
        %add3A_285 = arith.constant 2 : i32
        %add3A_286 = arith.addi %add3A_242, %add3A_285 : i32
        %mul3A_287 = arith.constant 2 : i32
        %mul3A_288 = arith.muli %add3A_286, %mul3A_287 : i32
        %add3A_289 = arith.constant 0 : i32
        %add3A_290 = arith.addi %mul3A_288, %add3A_289 : i32
        %dma_start3A_291 = arith.constant 0 : i32
        %dma_start3A_292 = arith.constant 0 : i32
        %dma_start3A_293 = tpu.memref_slice %arg9[%dma_start3A_291, %dma_start3A_292] : memref<256x64xf32, #tpu.memory_space<vmem>> -> memref<128x64xf32, #tpu.memory_space<vmem>>
        %dma_start3A_294 = arith.constant 0 : i32
        %dma_start3A_295 = tpu.memref_slice %arg7[%add3A_290, %dma_start3A_294] : memref<200x128xi32, #tpu.memory_space<vmem>> -> memref<1x128xi32, #tpu.memory_space<vmem>>
        %dma_start3A_296 = tpu.memref_squeeze %dma_start3A_295 : memref<1x128xi32, #tpu.memory_space<vmem>> -> memref<128xi32, #tpu.memory_space<vmem>>
        %dma_start3A_297 = arith.constant 0 : i32
        %dma_start3A_298 = arith.constant 0 : i32
        %dma_start3A_299 = tpu.memref_slice %arg2[%dma_start3A_297, %dma_start3A_298] : memref<1000000x64xf32, #tpu.memory_space<hbm>> -> memref<1000000x64xf32, #tpu.memory_space<hbm>>
        tpu.enqueue_indirect_dma source(%dma_start3A_299 : memref<1000000x64xf32, #tpu.memory_space<hbm>>) target(%dma_start3A_293 : memref<128x64xf32, #tpu.memory_space<vmem>>) offsets(%dma_start3A_296 : memref<128xi32, #tpu.memory_space<vmem>>) semaphore(%arg18 : memref<!tpu.dma_semaphore, #tpu.memory_space<semaphore_mem>>)
        %mul3A_300 = arith.constant 2 : i32
        %mul3A_301 = arith.muli %add3A_286, %mul3A_300 : i32
        %add3A_302 = arith.constant 1 : i32
        %add3A_303 = arith.addi %mul3A_301, %add3A_302 : i32
        %dma_start3A_304 = arith.constant 128 : i32
        %dma_start3A_305 = arith.constant 0 : i32
        %dma_start3A_306 = tpu.memref_slice %arg9[%dma_start3A_304, %dma_start3A_305] : memref<256x64xf32, #tpu.memory_space<vmem>> -> memref<128x64xf32, #tpu.memory_space<vmem>>
        %dma_start3A_307 = arith.constant 0 : i32
        %dma_start3A_308 = tpu.memref_slice %arg7[%add3A_303, %dma_start3A_307] : memref<200x128xi32, #tpu.memory_space<vmem>> -> memref<1x128xi32, #tpu.memory_space<vmem>>
        %dma_start3A_309 = tpu.memref_squeeze %dma_start3A_308 : memref<1x128xi32, #tpu.memory_space<vmem>> -> memref<128xi32, #tpu.memory_space<vmem>>
        %dma_start3A_310 = arith.constant 0 : i32
        %dma_start3A_311 = arith.constant 0 : i32
        %dma_start3A_312 = tpu.memref_slice %arg2[%dma_start3A_310, %dma_start3A_311] : memref<1000000x64xf32, #tpu.memory_space<hbm>> -> memref<1000000x64xf32, #tpu.memory_space<hbm>>
        tpu.enqueue_indirect_dma source(%dma_start3A_312 : memref<1000000x64xf32, #tpu.memory_space<hbm>>) target(%dma_start3A_306 : memref<128x64xf32, #tpu.memory_space<vmem>>) offsets(%dma_start3A_309 : memref<128xi32, #tpu.memory_space<vmem>>) semaphore(%arg18 : memref<!tpu.dma_semaphore, #tpu.memory_space<semaphore_mem>>)
      } else {
      }
    }
    %scan3A_82 = arith.constant 25 : i32
    %dma_wait3A = arith.constant 0 : i32
    %dma_wait3A_83 = arith.constant 0 : i32
    %dma_wait3A_84 = tpu.memref_slice %arg6[%dma_wait3A, %dma_wait3A_83] : memref<819200x64xf32, #tpu.memory_space<hbm>> -> memref<256x64xf32, #tpu.memory_space<hbm>>
    %dma_wait3A_85 = arith.constant 0 : i32
    %dma_wait3A_86 = arith.constant 0 : i32
    %dma_wait3A_87 = tpu.memref_slice %arg6[%dma_wait3A_85, %dma_wait3A_86] : memref<819200x64xf32, #tpu.memory_space<hbm>> -> memref<256x64xf32, #tpu.memory_space<hbm>>
    tpu.wait_dma2 semaphore(%arg21 : memref<!tpu.dma_semaphore, #tpu.memory_space<semaphore_mem>>) src(%arg8 : memref<256x64xf32, #tpu.memory_space<vmem>>) dst(%dma_wait3A_87 : memref<256x64xf32, #tpu.memory_space<hbm>>)
    %dma_wait3A_88 = arith.constant 0 : i32
    %dma_wait3A_89 = arith.constant 0 : i32
    %dma_wait3A_90 = tpu.memref_slice %arg6[%dma_wait3A_88, %dma_wait3A_89] : memref<819200x64xf32, #tpu.memory_space<hbm>> -> memref<256x64xf32, #tpu.memory_space<hbm>>
    %dma_wait3A_91 = arith.constant 0 : i32
    %dma_wait3A_92 = arith.constant 0 : i32
    %dma_wait3A_93 = tpu.memref_slice %arg6[%dma_wait3A_91, %dma_wait3A_92] : memref<819200x64xf32, #tpu.memory_space<hbm>> -> memref<256x64xf32, #tpu.memory_space<hbm>>
    tpu.wait_dma2 semaphore(%arg22 : memref<!tpu.dma_semaphore, #tpu.memory_space<semaphore_mem>>) src(%arg9 : memref<256x64xf32, #tpu.memory_space<vmem>>) dst(%dma_wait3A_93 : memref<256x64xf32, #tpu.memory_space<hbm>>)
    %dma_wait3A_94 = arith.constant 0 : i32
    %dma_wait3A_95 = arith.constant 0 : i32
    %dma_wait3A_96 = tpu.memref_slice %arg6[%dma_wait3A_94, %dma_wait3A_95] : memref<819200x64xf32, #tpu.memory_space<hbm>> -> memref<256x64xf32, #tpu.memory_space<hbm>>
    %dma_wait3A_97 = arith.constant 0 : i32
    %dma_wait3A_98 = arith.constant 0 : i32
    %dma_wait3A_99 = tpu.memref_slice %arg6[%dma_wait3A_97, %dma_wait3A_98] : memref<819200x64xf32, #tpu.memory_space<hbm>> -> memref<256x64xf32, #tpu.memory_space<hbm>>
    tpu.wait_dma2 semaphore(%arg23 : memref<!tpu.dma_semaphore, #tpu.memory_space<semaphore_mem>>) src(%arg10 : memref<256x64xf32, #tpu.memory_space<vmem>>) dst(%dma_wait3A_99 : memref<256x64xf32, #tpu.memory_space<hbm>>)
    %dma_wait3A_100 = arith.constant 0 : i32
    %dma_wait3A_101 = arith.constant 0 : i32
    %dma_wait3A_102 = tpu.memref_slice %arg6[%dma_wait3A_100, %dma_wait3A_101] : memref<819200x64xf32, #tpu.memory_space<hbm>> -> memref<256x64xf32, #tpu.memory_space<hbm>>
    %dma_wait3A_103 = arith.constant 0 : i32
    %dma_wait3A_104 = arith.constant 0 : i32
    %dma_wait3A_105 = tpu.memref_slice %arg6[%dma_wait3A_103, %dma_wait3A_104] : memref<819200x64xf32, #tpu.memory_space<hbm>> -> memref<256x64xf32, #tpu.memory_space<hbm>>
    tpu.wait_dma2 semaphore(%arg24 : memref<!tpu.dma_semaphore, #tpu.memory_space<semaphore_mem>>) src(%arg11 : memref<256x64xf32, #tpu.memory_space<vmem>>) dst(%dma_wait3A_105 : memref<256x64xf32, #tpu.memory_space<hbm>>)
    return
  }
}

</mosaic_0001>

<sc_bundles>
// kernel: kernel.3.cloned.1.call-start
scs
__scs_entry_jumppad:
0x0: {  	(pc) =	sbr.rel $0x88, $3  }
0x1: {  	(tag) =	ssettag $0x0;
	lr =	simm.s32 $0x1  }
0x2: {  	[smem:$0x3F9D] =	sst lr;
	_ =	strace $0xD0000000  }
0x3: {  	_ = 	snop  }
0x4: {  	_ = 	snop  }
0x5: {  	_ = 	snop  }
0x6: {  	_ = 	snop  }
0x7: {  	_ = 	snop  }
__scs_overlays_trampoline_lowered:
0x8: {  	[smem:$0x3FAC] =	sst s0  }
0x9: {  	[smem:$0x3FAD] =	sst s1  }
0xa: {  	[smem:$0x3FAE] =	sst s2  }
0xb: {  	[smem:$0x3FAF] =	sst s3  }
0xc: {  	[smem:$0x3FB0] =	sst s4  }
0xd: {  	[smem:$0x3FB1] =	sst s5  }
0xe: {  	[smem:$0x3FB2] =	sst s6  }
0xf: {  	[smem:$0x3FB3] =	sst s7  }
0x10: {  	[smem:$0x3FB4] =	sst s8  }
0x11: {  	[smem:$0x3FB5] =	sst s9;
	s0 =	simm.s32 @!p0 $0x0  }
0x12: {  	s1 =	sld [smem:$0x3F9B];
	s0 =	simm.s32 @p0 $0x1  }
0x13: {  	[smem:$0x3FB6] =	sst s0;
	s0 =	simm.s32 @!p1 $0x0  }
0x14: {  	s2 =	sld [smem:$0x3F9A];
	s0 =	simm.s32 @p1 $0x1  }
0x15: {  	[smem:$0x3FB7] =	sst s0;
	s0 =	simm.s32 @!p2 $0x0  }
0x16: {  	s3 =	sld [smem:$0x3FDB];
	s0 =	simm.s32 @p2 $0x1  }
0x17: {  	s4 =	simm.s32 $0x1BF5;
	[smem:$0x3FB9] =	sst s0  }
0x18: {  	s0 =	sld [smem:$0x3F9C];
	_ =	swait.ge [sflag:s4], $0x0  }
0x19: {  	s7 =	sld [smem:$0x3F9D]  }
0x1a: {  	s8 =	sadd.s32 $0xFFFFE003, lr  }
0x1b: {  	s9 =	sadd.s32 $0xFFFFFEF7, lr;
	s5 =	simm.s32 $0xFFFFFFFF;
	p2 =	slt.u32 s8, $0xFFFFF086  }
0x1c: {  	p1 =	slt.u32 s9, $0xF7A;
	s5 =	simm.s32 @!p2 $0x0  }
0x1d: {  	s5 =	simm.s32 @p1 $0x1;
	p0 =	seq.s32 s7, s2  }
0x1e: {  	s7 =	smul.u32 @!p0 $0xF7A, s2;
	p2 =	seq.s32 @!p0 s5, $0x0  }
0x1f: {  	s9 =	smul.u32 $0xF7A, s1;
	s8 =	simm.s32 @!p0 $0x1BF5;
	p2 =	por !p2, p0  }
0x20: {  	[sflag:s8] =	ssyncset.s32 @!p0 $0xFFFFF086;
	s6 =	sadd.s32 @!p0 s3, s7;
	s7 =	simm.s32 @!p0 $0x108  }
0x21: {  	s3 =	sadd.s32 s3, s9;
	s6 =	sadd.s32 @!p0 $0x88, s6;
	s7 =	simm.s32 @p2 $0x1082  }
0x22: {  	[simem:s7], [sflag:s8] =	dma.local @!p0 [hbm:s6], $0xF7A  }
0x23: {  	s9 =	sor.u32 $0xD0000000, s2;
	s6 =	simm.s32 $0x108;
	_ =	swait.ge @!p0 [sflag:s8], $0x0  }
0x24: {  	s3 =	sadd.s32 $0x88, s3;
	s6 =	simm.s32 @!p1 $0x1082;
	[sflag:s4] =	ssyncset.s32 $0xFFFFF086  }
0x25: {  	[simem:s6], [sflag:s4] =	dma.local [hbm:s3], $0xF7A  }
0x26: {  	[smem:$0x3F9D] =	sst s1;
	(tag) =	ssettag s2;
	_ =	strace s9  }
0x27: {  	s1 =	sld [smem:$0x3FAD]  }
0x28: {  	s2 =	sld [smem:$0x3FAE]  }
0x29: {  	s4 =	sld [smem:$0x3FB0]  }
0x2a: {  	p0 =	seq.s32 s5, $0x0;
	s5 =	sld [smem:$0x3FB1]  }
0x2b: {  	s6 =	sld [smem:$0x3FB2]  }
0x2c: {  	s7 =	sld [smem:$0x3FB3]  }
0x2d: {  	s3 =	simm.s32 $0x108;
	s8 =	sld [smem:$0x3FB4]  }
0x2e: {  	s3 =	simm.s32 @!p0 $0x1082;
	s9 =	sld [smem:$0x3FB5]  }
0x2f: {  	lr =	sadd.s32 s0, s3;
	s0 =	sld [smem:$0x3FAC]  }
0x30: {  	s3 =	sld [smem:$0x3FAF]  }
0x31: {  	[smem:$0x3FB8] =	sst s10  }
0x32: {  	s10 =	sld [smem:$0x3FB6];
	_ =	sdelay $0x3  }
0x33: {  	p0 =	seq.s32 s10, $0x1;
	s10 =	sld [smem:$0x3FB8];
	_ =	sdelay $0x3  }
0x34: {  	[smem:$0x3FB8] =	sst s10  }
0x35: {  	s10 =	sld [smem:$0x3FB7];
	_ =	sdelay $0x3  }
0x36: {  	p1 =	seq.s32 s10, $0x1;
	s10 =	sld [smem:$0x3FB8];
	_ =	sdelay $0x3  }
0x37: {  	[smem:$0x3FB8] =	sst s10  }
0x38: {  	s10 =	sld [smem:$0x3FB9]  }
0x39: {  	_ = 	snop;
	(pc) =	sbr.ind lr, $3  }
0x3a: {  	_ = 	snop  }
0x3b: {  	_ = 	snop  }
0x3c: {  	p2 =	seq.s32 s10, $0x1;
	s10 =	sld [smem:$0x3FB8]  }
0x3d: {  	_ =	shalt  }
0x3e: {  	_ =	shalt  }
0x3f: {  	_ =	shalt  }
0x40: {  	_ =	shalt  }
0x41: {  	_ =	shalt  }
0x42: {  	_ =	shalt  }
0x43: {  	_ =	shalt  }
0x44: {  	_ =	shalt  }
0x45: {  	_ =	shalt  }
0x46: {  	_ =	shalt  }
0x47: {  	_ =	shalt  }
0x48: {  	_ =	shalt  }
0x49: {  	_ =	shalt  }
0x4a: {  	_ =	shalt  }
0x4b: {  	_ =	shalt  }
0x4c: {  	_ =	shalt  }
0x4d: {  	_ =	shalt  }
0x4e: {  	_ =	shalt  }
0x4f: {  	_ =	shalt  }
0x50: {  	_ =	shalt  }
0x51: {  	_ =	shalt  }
0x52: {  	_ =	shalt  }
0x53: {  	_ =	shalt  }
0x54: {  	_ =	shalt  }
0x55: {  	_ =	shalt  }
0x56: {  	_ =	shalt  }
0x57: {  	_ =	shalt  }
0x58: {  	_ =	shalt  }
0x59: {  	_ =	shalt  }
0x5a: {  	_ =	shalt  }
0x5b: {  	_ =	shalt  }
0x5c: {  	_ =	shalt  }
0x5d: {  	_ =	shalt  }
0x5e: {  	_ =	shalt  }
0x5f: {  	_ =	shalt  }
0x60: {  	_ =	shalt  }
0x61: {  	_ =	shalt  }
0x62: {  	_ =	shalt  }
0x63: {  	_ =	shalt  }
0x64: {  	_ =	shalt  }
0x65: {  	_ =	shalt  }
0x66: {  	_ =	shalt  }
0x67: {  	_ =	shalt  }
0x68: {  	_ =	shalt  }
0x69: {  	_ =	shalt  }
0x6a: {  	_ =	shalt  }
0x6b: {  	_ =	shalt  }
0x6c: {  	_ =	shalt  }
0x6d: {  	_ =	shalt  }
0x6e: {  	_ =	shalt  }
0x6f: {  	_ =	shalt  }
0x70: {  	_ =	shalt  }
0x71: {  	_ =	shalt  }
0x72: {  	_ =	shalt  }
0x73: {  	_ =	shalt  }
0x74: {  	_ =	shalt  }
0x75: {  	_ =	shalt  }
0x76: {  	_ =	shalt  }
0x77: {  	_ =	shalt  }
0x78: {  	_ =	shalt  }
0x79: {  	_ =	shalt  }
0x7a: {  	_ =	shalt  }
0x7b: {  	_ =	shalt  }
0x7c: {  	_ =	shalt  }
0x7d: {  	_ =	shalt  }
0x7e: {  	_ =	shalt  }
0x7f: {  	_ =	shalt  }
0x80: {  	_ =	shalt  }
0x81: {  	_ =	shalt  }
0x82: {  	_ =	shalt  }
0x83: {  	_ =	shalt  }
0x84: {  	_ =	shalt  }
0x85: {  	_ =	shalt  }
0x86: {  	_ =	shalt  }
0x87: {  	_ =	shalt  }
.Lfunc_end0:
.L_simem_size_0:
called_computation.1_lowered:
.L_overlay_start_0:
0x88: {  	s2 =	sld [smem:$0x3FD9]  }
0x89: {  	s3 =	sld [smem:$0x3FFE];
	_ =	sdelay $0x1  }
0x8a: {  	s1 =	srdreg.scid  }
0x8b: {  	s0 =	sand.u32 $0x1, s1  }
0x8c: {  	s17 =	sshll.u32 s0, $0xA;
	s2 =	sadd.s32 s3, s2  }
0x8d: {  	s2 =	sadd.s32 s2, s17  }
0x8e: {  	[smem:$0x3FC4] =	sst s2  }
0x8f: {  	_ = 	snop  }
0x90: {  	s2 =	sld [smem:$0x3FC7]  }
0x91: {  	s18 =	sld [smem:$0x3FC6]  }
0x92: {  	s4 =	sld [smem:$0x3FD0];
	(tm) =	ssettm $0x1  }
0x93: {  	s5 =	sld [smem:$0x3FFB];
	_ =	sdelay $0x3  }
0x94: {  	_ =	strace s5  }
0x95: {  	s5 =	sld [smem:$0x3FFC];
	_ =	sdelay $0x3  }
0x96: {  	_ =	strace s5  }
0x97: {  	s5 =	sld [smem:$0x3FFD];
	_ =	sdelay $0x3  }
0x98: {  	_ =	strace s5  }
0x99: {  	_ =	strace $0x8FFFFFFF  }
0x9a: {  	s19 =	sld [smem:$0x3FDB];
	_ =	sdelay $0x1  }
0x9b: {  	s6 =	simm.s32 $_scs_section_size  }
0x9c: {  	s7 =	simm.s32 $_size__tile_overlayer_lowered;
	s8 =	simm.s32 $_tile_overlayer_lowered  }
0x9d: {  	s22 =	simm.s32 $0x1BFF;
	s21 =	sshll.u32 s8, $0x1;
	s5 =	sadd.s32 s6, s19  }
0x9e: {  	s9 =	simm.s32 $0x0;
	s20 =	sshll.u32 s7, $0x1;
	s7 =	sadd.s32 s21, s5  }
0x9f: {  	[timem:s9], [sflag:s22] =	dma.local [hbm:s7], s20  }
0xa0: {  	_ =	swait.ge [sflag:s22], s20  }
0xa1: {  	s6 =	ssub.s32 $0x0, s20;
	[sflag:s22] =	ssyncset.done $0x0  }
0xa2: {  	[sflag:s22] =	ssyncadd.s32 s6;
	_ =	sdelay $0x1  }
0xa3: {  	s23 =	simm.s32 $0x1B8B  }
0xa4: {  	_ =	swait.ge [sflag:s23], $0x1  }
0xa5: {  	[sflag:s23] =	ssyncset.done $0x0  }
0xa6: {  	s25 =	simm.s32 $0x1B8E;
	s24 =	sld [smem:$0x3FFE];
	[sflag:s23] =	ssyncadd.s32 $0xFFFFFFFF  }
0xa7: {  	s26 =	simm.s32 $execute0_lowered;
	[smem:$0x3FD2] =	sst s25  }
0xa8: {  	s7 =	sshll.u32 s26, $0x1;
	_ =	strace $0x80000046;
	[dreg:$0x1] =	wrdreg $0xFFFFFFFF  }
0xa9: {  	s28 =	simm.s32 $_size_execute0_lowered;
	s5 =	sadd.s32 s5, s7;
	[dreg:$0x0] =	wrdreg $0x0  }
0xaa: {  	s7 =	sshll.u32 s28, $0x1;
	[dreg:$0x2] =	wrdreg s5  }
0xab: {  	[dreg:$0x3] =	wrdreg s7  }
0xac: {  	[dreg:$0x4] =	wrdreg $0xC0  }
0xad: {  	_ =	task [dreg:s9], $0x5FFFF  }
0xae: {  	[dreg:$0x1] =	wrdreg $0xFFFFFFFF  }
0xaf: {  	[dreg:$0x0] =	wrdreg $0x60  }
0xb0: {  	[dreg:$0x2] =	wrdreg s24  }
0xb1: {  	[dreg:$0x3] =	wrdreg s2  }
0xb2: {  	[dreg:$0x4] =	wrdreg s18  }
0xb3: {  	[dreg:$0x5] =	wrdreg s4  }
0xb4: {  	[dreg:$0x6] =	wrdreg $0x9  }
0xb5: {  	_ =	task.clear_ibuf [dreg:s9], $0x7FFFF;
	_ =	strace $0x90000046  }
0xb6: {  	s29 =	simm.s32 $0x9;
	_ =	strace $0x80000048  }
0xb7: {  	_ =	swait.ge [sflag:s29], $0x1  }
0xb8: {  	[sflag:s29] =	ssyncadd.s32 $0xFFFFFFFF  }
0xb9: {  	_ =	strace $0x90000048  }
0xba: {  	_ =	sfence  }
0xbb: {  	s30 =	sld [smem:$0x0];
	_ =	sdelay $0x2  }
0xbc: {  	s31 =	sshll.u32 s1, $0xD;
	s1 =	sshrl.u32 s1, $0x2  }
0xbd: {  	s3 =	sand.u32 $0x4000, s31;
	s1 =	sadd.s32 s1, s30  }
0xbe: {  	s0 =	sor.u32 s3, s0;
	s1 =	sshll.u32 s1, $0x11  }
0xbf: {  	s0 =	sor.u32 s1, s0  }
0xc0: {  	s0 =	sadd.s32 $0x8F2B, s0  }
0xc1: {  	[sflag:s0] =	ssyncadd.remote.s32 $0x1  }
0xc2: {  	_ =	sfence.sel $0xFFFF  }
0xc3: {  	[dreg:$0x0] =	wrdreg $0xFFFFFFFF;
	(pc) =	sbr.abs _section_cstart, $3  }
0xc4: {  	[dreg:$0x1] =	wrdreg $0xFFFFFFFF  }
0xc5: {  	_ =	task.clear_ibuf [dreg:s9], $0x2FFFF;
	_ =	strace $0x9FFFFFFF  }
0xc6: {  	(tm) =	ssettm $0x7FFFFFFF  }
0xc7: {  	_ =	shalt  }
tec
execute0_lowered:
.L_overlay_start_1:
0x0: {  	(tag) =	ssettag $0x1  }
0x1: {  	s0 =	rddreg [dreg:$0x0]  }
0x2: {  	s1 =	srdreg.scid;
	s2 =	stileid.u32  }
0x3: {  	s4 =	rddreg [dreg:$0x3];
	s5 =	simm.s32 $0x0;
	s14 =	simm.s32 $0x80  }
0x4: {  	s15 =	simm.s32 $0x6400;
	s18 =	simm.s32 $0xA400;
	s21 =	simm.s32 $0x1  }
0x5: {  	s22 =	simm.s32 $0x16400;
	s23 =	simm.s32 $0x16500;
	s24 =	simm.s32 $0x16600  }
0x6: {  	s25 =	simm.s32 $0x16700;
	s26 =	simm.s32 $0xE400;
	s29 =	simm.s32 $0x2  }
0x7: {  	s30 =	simm.s32 $0x12400;
	s1 =	sand.u32 $0x1, s1;
	s2 =	sshll.u32 s2, $0x1  }
0x8: {  	s31 =	simm.s32 $0x14400;
	v0 =	vimm.s32 $0x0;
	vm0 =	vcmask $0x300;
	s10 =	simm.s32 $0x0;
	s2 =	sor.u32 s1, s2  }
0x9: {  	[smem:$0x7FF] =	sst s5;
	v0 =	vsel vm0, $0x3, v0;
	vm0 =	vcmask $0x3F3C;
	s1 =	ssub.s32 $0x2, s1;
	s3 =	smul.u32 $0xC80, s2  }
.Ltmp0:
0xa: {  	s7 =	sadd.s32 $0xF42E00, s0;
	s8 =	sshrl.u32 s1, $0x1;
	(pc) =	sbr.rel .LBB2_1-.Ltmp0, $4  }
0xb: {  	_ =	strace $0x80000047;
	s6 =	smul.u32 $0x190000, s2;
	s1 =	ssub.s32 s1, s8  }
0xc: {  	s2 =	simm.s32 $0x3;
	s0 =	sadd.s32 s3, s0;
	s28 =	smax.u32 s1, $0x1  }
0xd: {  	s9 =	sor.u32 $0x4000, s6;
	s0 =	sadd.s32 $0xA00, s0;
	[dreg:$0x6] =	wrdreg s28  }
0xe: {  	s3 =	simm.s32 $0x6;
	[dreg:$0x5] =	wrdreg s0;
	s0 =	simm.s32 $0x4  }
.LBB2_40:
0xf: {  	s1 =	simm.s32 $0x5  }
0x10: {  	_ =	swait.ge [sflag:s1], $0x4000  }
0x11: {  	[sflag:s1] =	ssyncset.done $0x0  }
0x12: {  	[sflag:s1] =	ssyncadd.s32 $0xFFFFC000  }
0x13: {  	_ =	swait.ge [sflag:s3], $0x4000  }
0x14: {  	[sflag:s3] =	ssyncset.done $0x0  }
0x15: {  	s20 =	simm.s32 $0x7;
	[sflag:s3] =	ssyncadd.s32 $0xFFFFC000  }
0x16: {  	_ =	swait.ge [sflag:s20], $0x4000  }
0x17: {  	[sflag:s20] =	ssyncset.done $0x0  }
0x18: {  	s8 =	simm.s32 $0x8;
	[sflag:s20] =	ssyncadd.s32 $0xFFFFC000  }
0x19: {  	_ =	swait.ge [sflag:s8], $0x4000  }
0x1a: {  	s10 =	rddreg [dreg:$0x7]  }
0x1b: {  	s28 =	rddreg [dreg:$0x6];
	s10 =	sadd.s32 $0x1, s10  }
0x1c: {  	p0 =	sne.s32 s10, s28  }
.Ltmp1:
0x1d: {  	_ = 	snop;
	(pc) =	sbr.rel @!p0 .LBB2_41-.Ltmp1, $3  }
0x1e: {  	_ =	sdelay $0x1  }
0x1f: {  	[sflag:s8] =	ssyncset.done $0x0  }
0x20: {  	[sflag:s8] =	ssyncadd.s32 $0xFFFFC000  }
.LBB2_1:
0x21: {  	[dreg:$0x7] =	wrdreg s10  }
0x22: {  	s1 =	rddreg [dreg:$0x5];
	s8 =	simm.s32 $0x9  }
0x23: {  	[tilespmem:s5], [sflag:$0x9] =	stream.linear.gather [hbm4b:s1+s5], $0x6400, $0x38;
	[tilespmem:$0x16880] =	vst v63  }
0x24: {  	_ =	swait.ge [sflag:s8], $0x6400  }
0x25: {  	[sflag:s8] =	ssyncset.done $0x0  }
0x26: {  	[sflag:s8] =	ssyncadd.s32 $0xFFFF9C00  }
0x27: {  	s12 =	simm.s32 $0x16800;
	s11 =	rddreg [dreg:$0x1]  }
0x28: {  	[tilespmem:s12], [sflag:$0x9] =	stream.linear.gather [hbm4b:s11+s5], $0x40, $0x38;
	[tilespmem:$0x16880] =	vst v63  }
0x29: {  	_ =	swait.ge [sflag:s8], $0x40  }
0x2a: {  	[sflag:s8] =	ssyncset.done $0x0  }
0x2b: {  	[sflag:s8] =	ssyncadd.s32 $0xFFFFFFC0  }
0x2c: {  	s16 =	simm.s32 $0x16840;
	s13 =	rddreg [dreg:$0x2]  }
0x2d: {  	[tilespmem:s16], [sflag:$0x9] =	stream.linear.gather [hbm4b:s13+s5], $0x40, $0x38;
	[tilespmem:$0x16880] =	vst v63  }
0x2e: {  	_ =	swait.ge [sflag:s8], $0x40  }
0x2f: {  	[sflag:s8] =	ssyncset.done $0x0  }
0x30: {  	[sflag:s8] =	ssyncadd.s32 $0xFFFFFFC0  }
0x31: {  	v1 =	vld [tilespmem:$0x16800]  }
0x32: {  	v2 =	vld [tilespmem:$0x16810]  }
0x33: {  	v3 =	vld [tilespmem:$0x16820]  }
0x34: {  	v4 =	vld [tilespmem:$0x16830]  }
0x35: {  	v5 =	vld [tilespmem:$0x16840]  }
0x36: {  	v6 =	vld [tilespmem:$0x16850]  }
0x37: {  	v7 =	vld [tilespmem:$0x16860]  }
0x38: {  	v8 =	vld [tilespmem:$0x16870];
	[tilespmem:s15], [sflag:$0x1] =	stream.indirect.gather [hbm4b:s7+s14], $0x40, s5, s14, $0xb8  }
0x39: {  	s17 =	simm.s32 $0x8400  }
0x3a: {  	[tilespmem:s17], [sflag:$0x1] =	stream.indirect.gather [hbm4b:s7+s14], $0x40, s14, s14, $0xb8;
	[tilespmem:$0x16880] =	vst v63  }
0x3b: {  	s19 =	simm.s32 $0x100  }
0x3c: {  	[tilespmem:s18], [sflag:$0x2] =	stream.indirect.gather [hbm4b:s7+s14], $0x40, s19, s14, $0xb8;
	[tilespmem:$0x16880] =	vst v63  }
0x3d: {  	s20 =	simm.s32 $0x180;
	s28 =	simm.s32 $0xC400;
	s17 =	simm.s32 $0x0  }
0x3e: {  	[tilespmem:s28], [sflag:$0x2] =	stream.indirect.gather [hbm4b:s7+s14], $0x40, s20, s14, $0xb8;
	[tilespmem:$0x16880] =	vst v63  }
.LBB2_2:
0x3f: {  	_ =	swait.ge [sflag:s21], $0x4000  }
0x40: {  	[sflag:s21] =	ssyncset.done $0x0  }
0x41: {  	s1 =	simm.s32 $0x6500;
	[sflag:s21] =	ssyncadd.s32 $0xFFFFC000  }
0x42: {  	v9 =	vld [tilespmem:s1+$0x30]  }
0x43: {  	v10 =	vld [tilespmem:s1+$0xFFFFFF00]  }
0x44: {  	v11 =	vld [tilespmem:s1+$0xA0]  }
0x45: {  	v12 =	vld [tilespmem:s1+$0xB0]  }
0x46: {  	v13 =	vld [tilespmem:s1+$0x90]  }
0x47: {  	v14 =	vld [tilespmem:s1+$0x80]  }
0x48: {  	v16 =	vld [tilespmem:s1+$0x60]  }
0x49: {  	v17 =	vld [tilespmem:s1+$0x50]  }
0x4a: {  	v18 =	vld [tilespmem:s1+$0x40]  }
0x4b: {  	v19 =	vld [tilespmem:s1+$0x20]  }
0x4c: {  	v20 =	vld [tilespmem:s1+$0x10]  }
0x4d: {  	s19 =	simm.s32 $0x4;
	s10 =	simm.s32 $0x5;
	v23 =	vld [tilespmem:s1+$0x0]  }
0x4e: {  	s20 =	simm.s32 $0x3;
	v37 =	vmov s19;
	v38 =	vmov s10;
	v28 =	vld [tilespmem:s1+$0xFFFFFFD0]  }
0x4f: {  	v39 =	vmov s20;
	v33 =	vld [tilespmem:s1+$0xFFFFFF70];
	v21 =	vmul.f32 v9, v9;
	v22 =	vmul.f32 v11, v11  }
0x50: {  	v37 =	vshrl.u32 v37, $0x3;
	v49 =	vld [tilespmem:s1+$0xFFFFFF60];
	v24 =	vmul.f32 v10, v10;
	v25 =	vmul.f32 v12, v12  }
0x51: {  	v15 =	vld [tilespmem:s1+$0x70];
	v11 =	vadd.f32 v12, v11;
	v12 =	vadd.f32 v13, v14;
	v14 =	vmul.f32 v14, v14  }
0x52: {  	v26 =	vld [tilespmem:s1+$0xFFFFFFF0];
	v13 =	vmul.f32 v13, v13;
	v29 =	vmul.f32 v17, v17;
	v9 =	vadd.f32 v9, v19  }
0x53: {  	v19 =	vmul.f32 v19, v19;
	v31 =	vmul.f32 v20, v20;
	v20 =	vadd.f32 v20, v23  }
0x54: {  	v27 =	vld [tilespmem:s1+$0xFFFFFFE0];
	v23 =	vmul.f32 v23, v23;
	v17 =	vadd.f32 v17, v18;
	v34 =	vmul.f32 v28, v28  }
0x55: {  	v30 =	vld [tilespmem:s1+$0xFFFFFFB0];
	v52 =	vadd.f32 v33, v49;
	v22 =	vadd.f32 v25, v22;
	v25 =	vmul.f32 v16, v16  }
0x56: {  	v32 =	vld [tilespmem:s1+$0xFFFFFFA0];
	v11 =	vadd.f32 v11, v12;
	v12 =	vadd.f32 v15, v16;
	v15 =	vmul.f32 v15, v15  }
0x57: {  	s8 =	simm.s32 $0x6;
	v35 =	vld [tilespmem:s1+$0xFFFFFF50];
	v14 =	vadd.f32 v13, v14;
	v13 =	vmul.f32 v18, v18;
	v18 =	vmul.f32 v26, v26  }
0x58: {  	v16 =	vld [tilespmem:s1+$0xFFFFFFC0];
	v19 =	vadd.f32 v21, v19;
	v23 =	vadd.f32 v31, v23;
	v31 =	vmov s8  }
0x59: {  	v21 =	vld [tilespmem:s1+$0xFFFFFF80];
	v26 =	vadd.f32 v26, v27;
	v9 =	vadd.f32 v9, v20;
	s8 =	simm.s32 $0x0;
	v20 =	vshrl.u32 v31, $0x3  }
0x5a: {  	v31 =	vld [tilespmem:s1+$0xFFFFFF30];
	v57 =	vmov s8;
	v13 =	vadd.f32 v29, v13;
	v12 =	vadd.f32 v12, v17  }
0x5b: {  	v29 =	vld [tilespmem:s1+$0xFFFFFF90];
	v17 =	vmul.f32 v27, v27;
	v19 =	vadd.f32 v19, v23;
	v27 =	vadd.f32 v30, v32  }
0x5c: {  	v23 =	vld [tilespmem:s1+$0xFFFFFF40];
	v15 =	vadd.f32 v15, v25;
	v30 =	vmul.f32 v30, v30;
	(xrf2) =	vadd.scan.msk.f32 $0xffff, v11;
	v11 =	vmul.f32 v33, v33  }
0x5d: {  	v25 =	vld [tilespmem:s1+$0xFFFFFF20];
	v14 =	vadd.f32 v22, v14;
	v17 =	vadd.f32 v18, v17;
	v18 =	vshrl.u32 v39, $0x3  }
0x5e: {  	v22 =	vld [tilespmem:s1+$0xC0];
	v28 =	vadd.f32 v28, v16;
	v16 =	vmul.f32 v16, v16;
	v18 =	vshll.u32 v18, v0  }
0x5f: {  	s13 =	simm.s32 $0x6700;
	v15 =	vadd.f32 v15, v13;
	v51 =	vmul.f32 v31, v31;
	v18 =	vadd.s32 $0x3, v18  }
0x60: {  	v58 =	vld [tilespmem:s13+$0x80];
	v36 =	vmul.f32 v29, v29;
	v16 =	vadd.f32 v34, v16;
	v29 =	vadd.f32 v29, v21  }
0x61: {  	v21 =	vmul.f32 v21, v21;
	v26 =	vadd.f32 v26, v28;
	v28 =	vld [tilespmem:s1+$0xFFFFFF10];
	v50 =	vadd.f32 v35, v23  }
0x62: {  	v23 =	vmul.f32 v23, v23;
	v13 =	vmul.f32 v25, v25;
	v25 =	vadd.f32 v31, v25  }
0x63: {  	v31 =	vmul.f32 v32, v32;
	v40 =	vmul.f32 v22, v22;
	v27 =	vadd.f32 v27, v29;
	(xrf2) =	vadd.scan.msk.f32 $0xffff, v26  }
0x64: {  	v55 =	vld [tilespmem:s13+$0x30];
	v21 =	vadd.f32 v36, v21;
	v29 =	vshrl.u32 v38, $0x3;
	(xrf2) =	vadd.scan.msk.f32 $0xffff, v9;
	v9 =	vmul.f32 v35, v35  }
0x65: {  	v38 =	vadd.f32 v51, v13;
	v26 =	vld [tilespmem:s1+$0xF0];
	v36 =	vshrl.u32 v57, $0x3;
	(xrf2) =	vadd.scan.msk.f32 $0xffff, v12;
	v12 =	vshll.u32 v37, v0  }
0x66: {  	v37 =	vmul.f32 v58, v58;
	v10 =	vadd.f32 v28, v10;
	v9 =	vadd.f32 v9, v23;
	v23 =	vld [tilespmem:s1+$0xD0]  }
0x67: {  	v56 =	vld [tilespmem:s13+$0x90];
	v53 =	vadd.s32 $0x4, v12;
	v12 =	vshll.u32 v29, v0;
	v28 =	vmul.f32 v28, v28  }
0x68: {  	(xrf2) =	vadd.scan.msk.f32 $0xffff, v15;
	v12 =	vadd.s32 $0x5, v12;
	v13 =	vadd.f32 v25, v10;
	v10 =	vmul.f32 v49, v49;
	v49 =	vld [tilespmem:s13+$0x0]  }
0x69: {  	(xrf2) =	vadd.scan.msk.f32 $0xffff, v27;
	v27 =	vmul.f32 v55, v55;
	v25 =	vadd.f32 v52, v50;
	v54 =	vbroadcast v12, $0x0;
	v50 =	vld [tilespmem:s13+$0xFFFFFFF0]  }
0x6a: {  	v15 =	vmul.f32 v26, v26;
	v52 =	vld [tilespmem:s13+$0xFFFFFFE0];
	v11 =	vadd.f32 v11, v10;
	v10 =	vbroadcast v18, $0x0  }
0x6b: {  	s28 =	simm.s32 $0x2;
	v63 =	vld [tilespmem:s13+$0x40];
	v60 =	vmul.f32 v23, v23;
	v22 =	vadd.f32 v23, v22;
	v23 =	vshll.u32 v36, v0  }
0x6c: {  	v43 =	vld [tilespmem:s13+$0x20];
	v29 =	vadd.f32 v11, v9;
	v9 =	vmov s28;
	v11 =	vadd.f32 v28, v24  }
0x6d: {  	v18 =	vld [tilespmem:s1+$0xE0];
	v24 =	vadd.f32 v17, v16;
	v16 =	vadd.f32 v30, v31;
	v17 =	vshll.u32 v20, v0  }
0x6e: {  	s11 =	simm.s32 $0xE;
	v44 =	vld [tilespmem:s13+$0x10];
	v9 =	vshrl.u32 v9, $0x3;
	v17 =	vadd.s32 $0x6, v17;
	v61 =	vadd.f32 v60, v40  }
0x6f: {  	v57 =	vld [tilespmem:s13+$0xFFFFFFB0];
	v31, _, _ =	vpop (xrf2);
	v46 =	vmul.f32 v49, v49;
	v60 =	vmov s11;
	v39 =	vadd.f32 v50, v52  }
0x70: {  	v20 =	vld [tilespmem:s13+$0xA0];
	v35, _, _ =	vpop (xrf2);
	v28 =	vadd.f32 v38, v11;
	v11 =	vadd.f32 v16, v21;
	v21 =	vbroadcast v53, $0x0  }
0x71: {  	v30 =	vld [tilespmem:s13+$0xB0];
	v9 =	vshll.u32 v9, v0;
	v59, _, _ =	vpop (xrf2);
	(xrf2) =	vadd.scan.msk.f32 $0xffff, v19;
	v19 =	vmul.f32 v56, v56;
	v53 =	vmul.f32 v63, v63  }
0x72: {  	v9 =	vadd.s32 $0x2, v9;
	v16 =	vmul.f32 v18, v18;
	v18 =	vadd.f32 v26, v18  }
0x73: {  	v41 =	vld [tilespmem:s13+$0x70];
	(xrf2) =	vadd.scan.msk.f32 $0xffff, v29;
	v29 =	vadd.f32 v55, v43;
	v55 =	vmul.f32 v43, v43;
	v9 =	vbroadcast v9, $0x0  }
0x74: {  	v12 =	vld [tilespmem:s13+$0xFFFFFF00];
	v42, _, _ =	vpop (xrf2);
	v19 =	vadd.f32 v19, v37;
	(xrf2) =	vadd.scan.msk.f32 $0xffff, v24;
	v24 =	vmul.f32 v44, v44;
	v37 =	vmul.f32 v52, v52  }
0x75: {  	v45 =	vld [tilespmem:s13+$0xFFFFFFD0];
	[tilespmem:v54+s22+$0x0] =	vst.idx.msk vm0, v42;
	v42 =	vmul.f32 v57, v57;
	v15 =	vadd.f32 v15, v16;
	v16 =	vbroadcast v23, $0x0  }
0x76: {  	v26 =	vld [tilespmem:s13+$0x60];
	v22 =	vadd.f32 v18, v22;
	v62 =	vmul.f32 v20, v20;
	v48 =	vmul.f32 v30, v30  }
0x77: {  	v32 =	vld [tilespmem:s13+$0xFFFFFFA0];
	v51, _, _ =	vpop (xrf2);
	v20 =	vadd.f32 v30, v20;
	v30 =	vadd.f32 v56, v58;
	v18 =	vbroadcast v17, $0x0;
	(xrf2) =	vadd.scan.msk.f32 $0xffff, v14  }
0x78: {  	v23 =	vld [tilespmem:s13+$0x50];
	v58, _, _ =	vpop (xrf2);
	v27 =	vadd.f32 v27, v55;
	(xrf2) =	vadd.scan.msk.f32 $0xffff, v25;
	v25 =	vmul.f32 v50, v50;
	v24 =	vadd.f32 v24, v46  }
0x79: {  	s10 =	simm.s32 $0x1;
	v36 =	vadd.f32 v15, v61;
	v15 =	vmul.f32 v12, v12;
	v17 =	vadd.f32 v48, v62  }
0x7a: {  	[tilespmem:v10+s22+$0x0] =	vst.idx.msk vm0, v35;
	v56 =	vld [tilespmem:s13+$0xFFFFFFC0];
	v20 =	vadd.f32 v20, v30;
	v30 =	vmov s10;
	v62 =	vmul.f32 v45, v45  }
0x7b: {  	v47 =	vld [tilespmem:s13+$0xFFFFFF70];
	v38 =	vmul.f32 v26, v26;
	v26 =	vadd.f32 v41, v26;
	v41 =	vmul.f32 v41, v41  }
0x7c: {  	[tilespmem:v54+s23+$0x0] =	vst.idx.msk vm0, v51;
	v55 =	vld [tilespmem:s13+$0xFFFFFF20];
	v30 =	vshrl.u32 v30, $0x3;
	v52 =	vadd.f32 v27, v24;
	v27 =	vadd.f32 v57, v32  }
0x7d: {  	v61 =	vld [tilespmem:s13+$0xFFFFFF80];
	v32 =	vmul.f32 v32, v32;
	v30 =	vshll.u32 v30, v0;
	v54 =	vmul.f32 v23, v23  }
0x7e: {  	s12 =	simm.s32 $0x7;
	[tilespmem:v21+s22+$0x0] =	vst.idx.msk vm0, v59;
	v59 =	vld [tilespmem:s13+$0xFFFFFF90];
	v14 =	vadd.s32 $0x1, v30;
	v30 =	vadd.f32 v44, v49;
	v23 =	vadd.f32 v23, v63  }
0x7f: {  	(xrf2) =	vadd.scan.msk.f32 $0xffff, v13;
	v57 =	vld [tilespmem:s13+$0xFFFFFF10];
	v63 =	vmov s12;
	v45 =	vadd.f32 v45, v56;
	v43 =	vmul.f32 v56, v56  }
0x80: {  	[tilespmem:v9+s22+$0x0] =	vst.idx.msk vm0, v58;
	v38 =	vadd.f32 v41, v38;
	v14 =	vbroadcast v14, $0x0;
	v33 =	vadd.f32 v54, v53  }
0x81: {  	[tilespmem:v18+s22+$0x0] =	vst.idx.msk vm0, v31;
	v23 =	vadd.f32 v26, v23;
	v29 =	vadd.f32 v29, v30;
	v30 =	vshrl.u32 v60, $0x3  }
0x82: {  	v24 =	vld [tilespmem:s13+$0xFFFFFF50];
	v48, _, _ =	vpop (xrf2);
	v35 =	vadd.f32 v62, v43;
	v39 =	vadd.f32 v39, v45;
	v62 =	vmul.f32 v55, v55  }
0x83: {  	v53 =	vld [tilespmem:s13+$0xFFFFFF30];
	[tilespmem:v21+s23+$0x0] =	vst.idx.msk vm0, v48;
	v21 =	vshrl.u32 v63, $0x3;
	v13 =	vmul.f32 v59, v59;
	v54, _, _ =	vpop (xrf2);
	(xrf2) =	vadd.scan.msk.f32 $0xffff, v28  }
0x84: {  	v31 =	vld [tilespmem:s13+$0xFFFFFF40];
	v34 =	vadd.f32 v59, v61;
	v12 =	vadd.f32 v57, v12;
	v63 =	vmul.f32 v47, v47  }
0x85: {  	s16 =	simm.s32 $0xC;
	v28 =	vmul.f32 v61, v61;
	v21 =	vshll.u32 v21, v0;
	v33 =	vadd.f32 v38, v33;
	v56, _, _ =	vpop (xrf2);
	(xrf2) =	vadd.scan.msk.f32 $0xffff, v22  }
0x86: {  	s19 =	simm.s32 $0xD;
	v22 =	vmov s16;
	v27 =	vadd.f32 v27, v34;
	v21 =	vadd.s32 $0x7, v21;
	v58, _, _ =	vpop (xrf2);
	(xrf2) =	vadd.scan.msk.f32 $0xffff, v20  }
0x87: {  	s20 =	simm.s32 $0xB;
	v20 =	vmov s19;
	v28 =	vadd.f32 v13, v28;
	v60 =	vbroadcast v21, $0x0;
	v13, _, _ =	vpop (xrf2);
	(xrf2) =	vadd.scan.msk.f32 $0xffff, v36  }
0x88: {  	v21 =	vmov s20;
	v61 =	vadd.f32 v53, v55;
	[tilespmem:v14+s22+$0x0] =	vst.idx.msk vm0, v13;
	v13 =	vmul.f32 v53, v53  }
0x89: {  	v26 =	vld [tilespmem:s13+$0xFFFFFF60];
	v59 =	vadd.f32 v24, v31;
	v31 =	vmul.f32 v31, v31;
	v22 =	vshrl.u32 v22, $0x3;
	(xrf2) =	vadd.scan.msk.f32 $0xffff, v39  }
0x8a: {  	(xrf2) =	vadd.scan.msk.f32 $0xffff, v29;
	v39 =	vadd.f32 v13, v62;
	v13 =	vadd.f32 v61, v12;
	v12 =	vshrl.u32 v21, $0x3  }
0x8b: {  	[tilespmem:v10+s23+$0x0] =	vst.idx.msk vm0, v56;
	v20 =	vshrl.u32 v20, $0x3;
	(xrf2) =	vadd.scan.msk.f32 $0xffff, v23;
	v21, _, _ =	vpop (xrf2);
	v12 =	vshll.u32 v12, v0  }
0x8c: {  	[tilespmem:v16+s22+$0x0] =	vst.idx.msk vm0, v21;
	v21 =	vmul.f32 v24, v24;
	v24 =	vadd.s32 $0x3, v12;
	v12 =	vshll.u32 v20, v0  }
0x8d: {  	[tilespmem:v18+s23+$0x0] =	vst.idx.msk vm0, v58;
	v23 =	vadd.f32 v25, v37;
	(xrf2) =	vadd.scan.msk.f32 $0xffff, v11;
	v12 =	vadd.s32 $0x5, v12;
	v11, _, _ =	vpop (xrf2)  }
0x8e: {  	s28 =	simm.s32 $0xA;
	v25 =	vmul.f32 v26, v26;
	[tilespmem:v16+s23+$0x0] =	vst.idx.msk vm0, v11;
	v11 =	vshll.u32 v22, v0  }
0x8f: {  	v18 =	vadd.f32 v17, v19;
	v17 =	vmov s28;
	v29 =	vadd.f32 v47, v26;
	[tilespmem:v14+s23+$0x0] =	vst.idx.msk vm0, v54;
	v20, _, _ =	vpop (xrf2)  }
0x90: {  	v16 =	vadd.f32 v63, v25;
	v25 =	vadd.f32 v21, v31;
	v21 =	vbroadcast v12, $0x0;
	v12, _, _ =	vpop (xrf2);
	(xrf2) =	vadd.scan.msk.f32 $0xffff, v33  }
0x91: {  	v14 =	vadd.f32 v29, v59;
	v22 =	vmul.f32 v57, v57;
	v26 =	vadd.s32 $0x4, v11;
	[tilespmem:v60+s22+$0x0] =	vst.idx.msk vm0, v20;
	v11, _, _ =	vpop (xrf2)  }
0x92: {  	v29 =	vld [tilespmem:s13+$0xF0];
	v10 =	vbroadcast v24, $0x0;
	[tilespmem:v60+s23+$0x0] =	vst.idx.msk vm0, v11;
	v11 =	vshrl.u32 v17, $0x3;
	v17 =	vadd.f32 v42, v32  }
0x93: {  	v31 =	vld [tilespmem:s13+$0xE0];
	v20 =	vshll.u32 v30, v0;
	v25 =	vadd.f32 v16, v25;
	v19 =	vadd.f32 v22, v15  }
0x94: {  	v22 =	vadd.s32 $0x6, v20;
	v20 =	vbroadcast v26, $0x0;
	v26 =	vld [tilespmem:s13+$0xD0];
	(xrf2) =	vadd.scan.msk.f32 $0xffff, v27;
	v16, _, _ =	vpop (xrf2);
	v11 =	vshll.u32 v11, v0  }
0x95: {  	v24 =	vadd.f32 v23, v35;
	v15, _, _ =	vpop (xrf2);
	v23 =	vadd.s32 $0x2, v11;
	v11 =	vadd.f32 v17, v28;
	v28 =	vld [tilespmem:s13+$0xC0]  }
0x96: {  	s8 =	simm.s32 $0x16410;
	v17, _, _ =	vpop (xrf2)  }
0x97: {  	s1 =	simm.s32 $0x16610;
	s11 =	simm.s32 $0x8;
	s10 =	simm.s32 $0x16710;
	v27 =	vmul.f32 v29, v29;
	(xrf2) =	vadd.scan.msk.f32 $0xffff, v52;
	[tilespmem:v21+s22+$0x0] =	vst.idx.msk vm0, v17;
	v17 =	vbroadcast v23, $0x0  }
0x98: {  	s12 =	simm.s32 $0x10;
	s19 =	simm.s32 $0x16510;
	v19 =	vadd.f32 v39, v19;
	s13 =	simm.s32 $0x6900;
	v30, _, _ =	vpop (xrf2);
	v23 =	vadd.f32 v29, v31;
	v29 =	vmul.f32 v31, v31  }
.LBB2_3:
0x99: {  	v31 =	vld [tilespmem:s13+$0x30];
	p0 =	slt.u32 s12, $0xF8;
	v32 =	vmov s11;
	v33 =	vmul.f32 v26, v26;
	[tilespmem:v9+s23+$0x0] =	vst.idx.msk vm0, v30;
	v9 =	vmov v17;
	s16 =	smov.u32 s12;
	s12 =	sadd.s32 $0x8, s12  }
0x9a: {  	v17 =	vld [tilespmem:s13+$0xFFFFFF00];
	[tilespmem:v20+s22+$0x0] =	vst.idx.msk vm0, v15;
	v15 =	vadd.f32 v26, v28;
	v26 =	vmul.f32 v28, v28;
	(xrf2) =	vadd.scan.msk.f32 $0xffff, v25;
	v25, _, _ =	vpop (xrf2)  }
0x9b: {  	v30 =	vshrl.u32 v32, $0x3;
	v28 =	vld [tilespmem:s13+$0xA0];
	[tilespmem:v21+s23+$0x0] =	vst.idx.msk vm0, v25;
	v25 =	vadd.f32 v27, v29  }
0x9c: {  	v21 =	vshll.u32 v30, v0;
	v27 =	vld [tilespmem:s13+$0xB0];
	v23 =	vadd.f32 v23, v15;
	v30 =	vadd.f32 v33, v26  }
0x9d: {  	v21 =	vbroadcast v21, $0x0;
	v26 =	vld [tilespmem:s13+$0x90];
	(xrf2) =	vadd.scan.msk.f32 $0xffff, v24  }
0x9e: {  	v24 =	vmul.f32 v31, v31;
	v29 =	vld [tilespmem:s13+$0x80];
	v25 =	vadd.f32 v25, v30;
	v15, _, _ =	vpop (xrf2)  }
0x9f: {  	v30 =	vld [tilespmem:s13+$0x70]  }
0xa0: {  	v32 =	vld [tilespmem:s13+$0x60];
	(xrf2) =	vadd.scan.msk.f32 $0xffff, v18  }
0xa1: {  	v18 =	vmul.f32 v28, v28;
	v33 =	vld [tilespmem:s13+$0x50];
	[tilespmem:v9+s22+$0x0] =	vst.idx.msk vm0, v15;
	v34, _, _ =	vpop (xrf2)  }
0xa2: {  	v15 =	vmul.f32 v17, v17;
	v28 =	vadd.f32 v27, v28;
	v27 =	vmul.f32 v27, v27;
	v35 =	vld [tilespmem:s13+$0x40]  }
0xa3: {  	v22 =	vbroadcast v22, $0x0;
	v36 =	vld [tilespmem:s13+$0x20];
	v37 =	vadd.f32 v26, v29;
	v29 =	vmul.f32 v29, v29;
	(xrf2) =	vadd.scan.msk.f32 $0xffff, v14  }
0xa4: {  	s20 =	sadd.s32 $0x1, s11;
	v26 =	vmul.f32 v26, v26;
	v18 =	vadd.f32 v27, v18;
	v14 =	vld [tilespmem:s13+$0x10];
	[tilespmem:v10+s22+$0x0] =	vst.idx.msk vm0, v16;
	v16, _, _ =	vpop (xrf2)  }
0xa5: {  	v27 =	vld [tilespmem:s13+$0x0];
	v38 =	vmul.f32 v32, v32;
	v28 =	vadd.f32 v28, v37;
	v37 =	vmov s20;
	[tilespmem:v20+s23+$0x0] =	vst.idx.msk vm0, v34  }
0xa6: {  	v32 =	vadd.f32 v30, v32;
	v30 =	vmul.f32 v30, v30;
	v20 =	vadd.f32 v26, v29;
	v34 =	vld [tilespmem:s13+$0xFFFFFFF0];
	(xrf2) =	vadd.scan.msk.f32 $0xffff, v13  }
0xa7: {  	v29 =	vmul.f32 v33, v33;
	v37 =	vshrl.u32 v37, $0x3;
	v13 =	vld [tilespmem:s13+$0xFFFFFFE0];
	v26 =	vmul.f32 v35, v35;
	v39, _, _ =	vpop (xrf2)  }
0xa8: {  	v37 =	vshll.u32 v37, v0;
	v40 =	vld [tilespmem:s13+$0xFFFFFFD0];
	v31 =	vadd.f32 v31, v36;
	v36 =	vmul.f32 v36, v36  }
0xa9: {  	s20 =	sadd.s32 $0x6, s16;
	v41 =	vld [tilespmem:s13+$0xFFFFFFC0];
	v42 =	vmul.f32 v14, v14;
	v26 =	vadd.f32 v29, v26;
	v29 =	vadd.s32 $0x1, v37;
	(xrf2) =	vadd.scan.msk.f32 $0xffff, v19  }
0xaa: {  	v33 =	vadd.f32 v33, v35;
	v19 =	vld [tilespmem:s13+$0xFFFFFFB0];
	v14 =	vadd.f32 v14, v27;
	v27 =	vmul.f32 v27, v27;
	v35, _, _ =	vpop (xrf2)  }
0xab: {  	v24 =	vadd.f32 v24, v36;
	v37 =	vld [tilespmem:s13+$0xFFFFFFA0];
	v43 =	vmul.f32 v34, v34;
	[tilespmem:v22+s22+$0x0] =	vst.idx.msk vm0, v12  }
0xac: {  	v36 =	vmov s20;
	v29 =	vbroadcast v29, $0x0;
	s20 =	sadd.s32 $0x7, s11;
	s11 =	smov.u32 s16;
	v12 =	vld [tilespmem:s13+$0xFFFFFF90];
	v27 =	vadd.f32 v42, v27;
	(xrf2) =	vadd.scan.msk.f32 $0xffff, v23  }
0xad: {  	v45 =	vmov s20;
	v34 =	vadd.f32 v34, v13;
	v42 =	vld [tilespmem:s13+$0xFFFFFF80];
	v44 =	vmul.f32 v40, v40;
	v46, _, _ =	vpop (xrf2)  }
0xae: {  	v32 =	vadd.f32 v32, v33;
	v47 =	vld [tilespmem:s13+$0xFFFFFF70];
	v40 =	vadd.f32 v40, v41;
	v41 =	vmul.f32 v41, v41  }
0xaf: {  	s16 =	sadd.s32 $0x4, s11;
	v13 =	vmul.f32 v13, v13;
	v23 =	vadd.f32 v24, v27;
	v24 =	vshrl.u32 v45, $0x3;
	v33 =	vld [tilespmem:s13+$0xFFFFFF60];
	(xrf2) =	vadd.scan.msk.f32 $0xffff, v28  }
0xb0: {  	v14 =	vadd.f32 v31, v14;
	v31 =	vshrl.u32 v36, $0x3;
	v27 =	vld [tilespmem:s13+$0xFFFFFF50];
	v28 =	vadd.f32 v19, v37;
	v36, _, _ =	vpop (xrf2)  }
0xb1: {  	v30 =	vadd.f32 v30, v38;
	v41 =	vadd.f32 v44, v41;
	v45 =	vld [tilespmem:s13+$0xFFFFFF40];
	v48 =	vmul.f32 v12, v12  }
0xb2: {  	v34 =	vadd.f32 v34, v40;
	v38 =	vld [tilespmem:s13+$0xFFFFFF30];
	v12 =	vadd.f32 v12, v42;
	v42 =	vmul.f32 v42, v42;
	(xrf2) =	vadd.scan.msk.f32 $0xffff, v25  }
0xb3: {  	v24 =	vshll.u32 v24, v0;
	v19 =	vmul.f32 v19, v19;
	v40 =	vmov s16;
	s16 =	sadd.s32 $0x5, s11;
	v25 =	vld [tilespmem:s13+$0xFFFFFF20];
	[tilespmem:v29+s22+$0x0] =	vst.idx.msk vm0, v46;
	v44, _, _ =	vpop (xrf2)  }
0xb4: {  	s20 =	sadd.s32 $0x3, s11;
	v46 =	vld [tilespmem:s13+$0xFFFFFF10];
	v28 =	vadd.f32 v28, v12;
	v12 =	vmov s16;
	[tilespmem:v29+s23+$0x0] =	vst.idx.msk vm0, v16;
	v16 =	vadd.s32 $0x7, v24  }
0xb5: {  	v29 =	vadd.f32 v48, v42;
	v24 =	vshrl.u32 v12, $0x3;
	(xrf2) =	vadd.scan.msk.f32 $0xffff, v34;
	[tilespmem:v21+s22+$0x0] =	vst.idx.msk vm0, v36  }
0xb6: {  	v16 =	vbroadcast v16, $0x0;
	v34 =	vadd.f32 v27, v45;
	v36 =	vmul.f32 v45, v45;
	[tilespmem:v21+s23+$0x0] =	vst.idx.msk vm0, v44;
	v21, _, _ =	vpop (xrf2)  }
0xb7: {  	v26 =	vadd.f32 v30, v26;
	v44 =	vmov s20;
	v42 =	vmul.f32 v38, v38;
	[tilespmem:v10+s23+$0x0] =	vst.idx.msk vm0, v39  }
0xb8: {  	v30 =	vmul.f32 v37, v37;
	v10 =	vadd.f32 v38, v25;
	v25 =	vmul.f32 v25, v25;
	(xrf2) =	vadd.scan.msk.f32 $0xffff, v14  }
0xb9: {  	v37 =	vshrl.u32 v40, $0x3;
	v14 =	vadd.f32 v46, v17;
	v17 =	vadd.f32 v47, v33;
	v12, _, _ =	vpop (xrf2);
	[tilespmem:v22+s23+$0x0] =	vst.idx.msk vm0, v35  }
0xba: {  	v35 =	vadd.f32 v43, v13;
	v22 =	vadd.f32 v42, v25;
	v25 =	vmul.f32 v47, v47  }
0xbb: {  	v13 =	vadd.f32 v10, v14;
	v10 =	vmul.f32 v33, v33;
	v33 =	vshrl.u32 v44, $0x3;
	(xrf2) =	vadd.scan.msk.f32 $0xffff, v32  }
0xbc: {  	v14 =	vadd.f32 v17, v34;
	v17 =	vshll.u32 v33, v0;
	[tilespmem:v16+s22+$0x0] =	vst.idx.msk vm0, v21;
	v21, _, _ =	vpop (xrf2)  }
0xbd: {  	v27 =	vmul.f32 v27, v27;
	v32 =	vshll.u32 v37, v0;
	v17 =	vadd.s32 $0x3, v17;
	[tilespmem:v16+s23+$0x0] =	vst.idx.msk vm0, v21  }
0xbe: {  	v21 =	vadd.f32 v25, v10;
	v10 =	vbroadcast v17, $0x0;
	v17 =	vadd.s32 $0x4, v32;
	(xrf2) =	vadd.scan.msk.f32 $0xffff, v11  }
0xbf: {  	s16 =	sadd.s32 $0x2, s11;
	v24 =	vshll.u32 v24, v0;
	v25 =	vadd.f32 v27, v36;
	v11 =	vmul.f32 v46, v46;
	v16, _, _ =	vpop (xrf2)  }
0xc0: {  	v18 =	vadd.f32 v18, v20;
	v24 =	vadd.s32 $0x5, v24  }
0xc1: {  	v20 =	vmov s16;
	v25 =	vadd.f32 v21, v25;
	v21 =	vbroadcast v24, $0x0;
	(xrf2) =	vadd.scan.msk.f32 $0xffff, v26  }
0xc2: {  	v20 =	vshrl.u32 v20, $0x3;
	v24 =	vadd.f32 v35, v41;
	v11 =	vadd.f32 v11, v15;
	v15, _, _ =	vpop (xrf2)  }
0xc3: {  	v20 =	vshll.u32 v20, v0;
	v27 =	vshll.u32 v31, v0;
	v26 =	vadd.f32 v19, v30;
	v31 =	vld [tilespmem:s13+$0xF0]  }
0xc4: {  	v30 =	vadd.s32 $0x2, v20;
	v19 =	vadd.f32 v22, v11;
	v22 =	vadd.s32 $0x6, v27;
	v32 =	vld [tilespmem:s13+$0xE0]  }
.Ltmp2:
0xc5: {  	v20 =	vbroadcast v17, $0x0;
	v11 =	vadd.f32 v26, v29;
	v26 =	vld [tilespmem:s13+$0xD0];
	(xrf2) =	vadd.scan.msk.f32 $0xffff, v28;
	v17, _, _ =	vpop (xrf2);
	(pc) =	sbr.rel @p0 .LBB2_3-.Ltmp2, $4  }
0xc6: {  	v28 =	vld [tilespmem:s13+$0xC0]  }
0xc7: {  	[tilespmem:v21+s22+$0x0] =	vst.idx.msk vm0, v17  }
0xc8: {  	v17 =	vbroadcast v30, $0x0;
	v27 =	vmul.f32 v31, v31;
	(xrf2) =	vadd.scan.msk.f32 $0xffff, v23;
	v30, _, _ =	vpop (xrf2)  }
0xc9: {  	s13 =	sadd.s32 $0x200, s13;
	v23 =	vadd.f32 v31, v32;
	v29 =	vmul.f32 v32, v32  }
0xca: {  	(xrf2) =	vadd.scan.msk.f32 $0xffff, v25  }
0xcb: {  	(xrf2) =	vadd.scan.msk.f32 $0xffff, v24  }
0xcc: {  	v42 =	vmul.f32 v26, v26;
	v43 =	vmul.f32 v28, v28;
	(xrf2) =	vadd.scan.msk.f32 $0xffff, v18  }
0xcd: {  	s12 =	sadd.s32 $0x1, s11;
	v45 =	vmov s11;
	v50 =	vbroadcast v22, $0x0;
	v46 =	vadd.f32 v26, v28;
	(xrf2) =	vadd.scan.msk.f32 $0xffff, v14  }
0xce: {  	v44 =	vmov s12;
	v48 =	vadd.f32 v27, v29;
	v14 =	vadd.f32 v42, v43  }
0xcf: {  	[tilespmem:v9+s23+$0x0] =	vst.idx.msk vm0, v30;
	v47 =	vshrl.u32 v44, $0x3;
	v9 =	vadd.f32 v23, v46;
	(xrf2) =	vadd.scan.msk.f32 $0xffff, v13  }
0xd0: {  	[tilespmem:v20+s22+$0x0] =	vst.idx.msk vm0, v15;
	v49, _, _ =	vpop (xrf2);
	v13 =	vshll.u32 v47, v0;
	(xrf2) =	vadd.scan.msk.f32 $0xffff, v19;
	v14 =	vadd.f32 v48, v14  }
0xd1: {  	s28 =	sadd.s32 $0x7, s11;
	[tilespmem:v10+s22+$0x0] =	vst.idx.msk vm0, v16;
	v52 =	vshrl.u32 v45, $0x3;
	v13 =	vadd.s32 $0x1, v13;
	v51, _, _ =	vpop (xrf2);
	(xrf2) =	vadd.scan.msk.f32 $0xffff, v9  }
0xd2: {  	v55 =	vmov s28;
	[tilespmem:v21+s23+$0x0] =	vst.idx.msk vm0, v49;
	v13 =	vbroadcast v13, $0x0;
	v53, _, _ =	vpop (xrf2);
	(xrf2) =	vadd.scan.msk.f32 $0xffff, v14  }
0xd3: {  	v15 =	vshll.u32 v52, v0;
	v57 =	vshrl.u32 v55, $0x3;
	[tilespmem:v17+s22+$0x0] =	vst.idx.msk vm0, v51;
	(xrf2) =	vadd.scan.msk.f32 $0xffff, v11  }
0xd4: {  	v16 =	vshll.u32 v57, v0;
	v9 =	vbroadcast v15, $0x0;
	[tilespmem:v50+s22+$0x0] =	vst.idx.msk vm0, v12;
	v54, _, _ =	vpop (xrf2)  }
0xd5: {  	v59 =	vadd.s32 $0x7, v16;
	[tilespmem:v20+s23+$0x0] =	vst.idx.msk vm0, v53;
	v56, _, _ =	vpop (xrf2)  }
0xd6: {  	v12 =	vbroadcast v59, $0x0;
	v11, _, _ =	vpop (xrf2);
	[tilespmem:v10+s23+$0x0] =	vst.idx.msk vm0, v56  }
0xd7: {  	v58, _, _ =	vpop (xrf2);
	[tilespmem:v50+s23+$0x0] =	vst.idx.msk vm0, v11  }
0xd8: {  	[tilespmem:v13+s22+$0x0] =	vst.idx.msk vm0, v58  }
0xd9: {  	v60, _, _ =	vpop (xrf2);
	[tilespmem:v13+s23+$0x0] =	vst.idx.msk vm0, v54  }
0xda: {  	v61, _, _ =	vpop (xrf2);
	[tilespmem:v9+s22+$0x0] =	vst.idx.msk vm0, v60  }
0xdb: {  	[tilespmem:v9+s23+$0x0] =	vst.idx.msk vm0, v61;
	v9, _, _ =	vpop (xrf2)  }
0xdc: {  	[tilespmem:v12+s22+$0x0] =	vst.idx.msk vm0, v9;
	v9, _, _ =	vpop (xrf2)  }
0xdd: {  	[tilespmem:v12+s23+$0x0] =	vst.idx.msk vm0, v9;
	v9, _, _ =	vpop (xrf2)  }
0xde: {  	[tilespmem:v17+s23+$0x0] =	vst.idx.msk vm0, v9  }
0xdf: {  	v9 =	vld [tilespmem:s8+$0xFFFFFFF0];
	_ =	sdelay $0x1  }
0xe0: {  	v10 =	vld [tilespmem:s19+$0xFFFFFFF0];
	_ =	sdelay $0x2  }
0xe1: {  	v9 =	vmul.f32 $1.562500000e-02, v9;
	_ =	sdelay $0x1  }
0xe2: {  	v10 =	vmul.f32 $1.562500000e-02, v10;
	v11 =	vmul.f32 v9, v9;
	_ =	sdelay $0x1  }
0xe3: {  	v10 =	vsub.f32 v10, v11;
	_ =	sdelay $0x1  }
0xe4: {  	v10 =	vadd.f32 $9.999999740e-06, v10;
	_ =	sdelay $0x1  }
0xe5: {  	v11 =	vshrl.u32 v10, $0x1;
	v10 =	vmul.f32 $5.000000000e-01, v10  }
0xe6: {  	v11 =	vsub.s32 $0x5F3759DF, v11  }
0xe7: {  	v62 =	vmul.f32 v11, v10;
	_ =	sdelay $0x1  }
0xe8: {  	v12 =	vmul.f32 v11, v62;
	_ =	sdelay $0x1  }
0xe9: {  	v12 =	vsub.f32 $1.500000000e+00, v12;
	_ =	sdelay $0x1  }
0xea: {  	v11 =	vmul.f32 v11, v12;
	_ =	sdelay $0x1  }
0xeb: {  	v10 =	vmul.f32 v11, v10;
	_ =	sdelay $0x1  }
0xec: {  	v10 =	vmul.f32 v10, v11;
	_ =	sdelay $0x1  }
0xed: {  	v10 =	vsub.f32 $1.500000000e+00, v10;
	_ =	sdelay $0x1  }
0xee: {  	v10 =	vmul.f32 v10, v11;
	_ =	sdelay $0x1  }
0xef: {  	v9 =	vmul.f32 v10, v9;
	_ =	sdelay $0x1  }
0xf0: {  	v9 =	vsub.f32 $0.0e+00, v9  }
0xf1: {  	[tilespmem:s1+$0xFFFFFFF0] =	vst v10  }
0xf2: {  	[tilespmem:s10+$0xFFFFFFF0] =	vst v9  }
0xf3: {  	v9 =	vld [tilespmem:s8+$0x0];
	_ =	sdelay $0x1  }
0xf4: {  	v10 =	vld [tilespmem:s19+$0x0];
	_ =	sdelay $0x2  }
0xf5: {  	v9 =	vmul.f32 $1.562500000e-02, v9;
	_ =	sdelay $0x1  }
0xf6: {  	v10 =	vmul.f32 $1.562500000e-02, v10;
	v11 =	vmul.f32 v9, v9;
	_ =	sdelay $0x1  }
0xf7: {  	v10 =	vsub.f32 v10, v11;
	_ =	sdelay $0x1  }
0xf8: {  	v10 =	vadd.f32 $9.999999740e-06, v10;
	_ =	sdelay $0x1  }
0xf9: {  	v11 =	vshrl.u32 v10, $0x1;
	v10 =	vmul.f32 $5.000000000e-01, v10  }
0xfa: {  	v11 =	vsub.s32 $0x5F3759DF, v11  }
0xfb: {  	v63 =	vmul.f32 v11, v10;
	_ =	sdelay $0x1  }
0xfc: {  	v12 =	vmul.f32 v11, v63;
	_ =	sdelay $0x1  }
0xfd: {  	v12 =	vsub.f32 $1.500000000e+00, v12;
	_ =	sdelay $0x1  }
0xfe: {  	v11 =	vmul.f32 v11, v12;
	_ =	sdelay $0x1  }
0xff: {  	v10 =	vmul.f32 v11, v10;
	_ =	sdelay $0x1  }
0x100: {  	v10 =	vmul.f32 v10, v11;
	_ =	sdelay $0x1  }
0x101: {  	v10 =	vsub.f32 $1.500000000e+00, v10;
	_ =	sdelay $0x1  }
0x102: {  	v10 =	vmul.f32 v10, v11  }
0x103: {  	p0 =	por $0x1, $0x1  }
.Ltmp3:
0x104: {  	v9 =	vmul.f32 v10, v9;
	(pc) =	sbr.rel @!p0 .LBB2_6-.Ltmp3, $4  }
0x105: {  	_ = 	snop  }
0x106: {  	v9 =	vsub.f32 $0.0e+00, v9  }
0x107: {  	s13 =	simm.s32 $0x16430;
	[tilespmem:s1+$0x0] =	vst v10  }
0x108: {  	s11 =	simm.s32 $0x0;
	s12 =	simm.s32 $0x0;
	s8 =	simm.s32 $0x6500;
	[tilespmem:s10+$0x0] =	vst v9  }
.LBB2_5:
0x109: {  	v9 =	vld [tilespmem:s13+$0xFFFFFFF0];
	s12 =	sadd.s32 $0x2, s12  }
0x10a: {  	s19 =	sadd.s32 $0x20, s19;
	p0 =	slt.u32 s12, $0xE  }
0x10b: {  	v10 =	vld [tilespmem:s19+$0xFFFFFFF0];
	_ =	sdelay $0x2  }
0x10c: {  	v9 =	vmul.f32 $1.562500000e-02, v9;
	_ =	sdelay $0x1  }
0x10d: {  	v10 =	vmul.f32 $1.562500000e-02, v10;
	v11 =	vmul.f32 v9, v9;
	_ =	sdelay $0x1  }
0x10e: {  	v10 =	vsub.f32 v10, v11;
	_ =	sdelay $0x1  }
0x10f: {  	v10 =	vadd.f32 $9.999999740e-06, v10;
	_ =	sdelay $0x1  }
0x110: {  	v11 =	vshrl.u32 v10, $0x1;
	v10 =	vmul.f32 $5.000000000e-01, v10  }
0x111: {  	v11 =	vsub.s32 $0x5F3759DF, v11  }
0x112: {  	v12 =	vmul.f32 v11, v10;
	_ =	sdelay $0x1  }
0x113: {  	v12 =	vmul.f32 v11, v12;
	_ =	sdelay $0x1  }
0x114: {  	v12 =	vsub.f32 $1.500000000e+00, v12;
	_ =	sdelay $0x1  }
0x115: {  	v11 =	vmul.f32 v11, v12;
	_ =	sdelay $0x1  }
0x116: {  	v10 =	vmul.f32 v11, v10;
	_ =	sdelay $0x1  }
0x117: {  	v10 =	vmul.f32 v10, v11;
	_ =	sdelay $0x1  }
0x118: {  	v10 =	vsub.f32 $1.500000000e+00, v10;
	_ =	sdelay $0x1  }
0x119: {  	v10 =	vmul.f32 v10, v11  }
0x11a: {  	s1 =	sadd.s32 $0x20, s1  }
0x11b: {  	[tilespmem:s1+$0xFFFFFFF0] =	vst v10;
	v9 =	vmul.f32 v10, v9;
	_ =	sdelay $0x1  }
0x11c: {  	v9 =	vsub.f32 $0.0e+00, v9  }
0x11d: {  	s10 =	sadd.s32 $0x20, s10  }
0x11e: {  	[tilespmem:s10+$0xFFFFFFF0] =	vst v9  }
0x11f: {  	v9 =	vld [tilespmem:s13+$0x0];
	_ =	sdelay $0x1  }
0x120: {  	v10 =	vld [tilespmem:s19+$0x0];
	_ =	sdelay $0x2  }
0x121: {  	v9 =	vmul.f32 $1.562500000e-02, v9;
	_ =	sdelay $0x1  }
0x122: {  	v10 =	vmul.f32 $1.562500000e-02, v10;
	v11 =	vmul.f32 v9, v9;
	_ =	sdelay $0x1  }
0x123: {  	v10 =	vsub.f32 v10, v11;
	_ =	sdelay $0x1  }
0x124: {  	v10 =	vadd.f32 $9.999999740e-06, v10;
	_ =	sdelay $0x1  }
0x125: {  	v11 =	vshrl.u32 v10, $0x1;
	v10 =	vmul.f32 $5.000000000e-01, v10  }
0x126: {  	v11 =	vsub.s32 $0x5F3759DF, v11  }
0x127: {  	v12 =	vmul.f32 v11, v10;
	_ =	sdelay $0x1  }
0x128: {  	v12 =	vmul.f32 v11, v12;
	_ =	sdelay $0x1  }
0x129: {  	v12 =	vsub.f32 $1.500000000e+00, v12;
	_ =	sdelay $0x1  }
0x12a: {  	v11 =	vmul.f32 v11, v12;
	_ =	sdelay $0x1  }
0x12b: {  	v10 =	vmul.f32 v11, v10;
	_ =	sdelay $0x1  }
0x12c: {  	v10 =	vmul.f32 v10, v11;
	_ =	sdelay $0x1  }
0x12d: {  	v10 =	vsub.f32 $1.500000000e+00, v10;
	_ =	sdelay $0x1  }
0x12e: {  	v10 =	vmul.f32 v10, v11;
	_ =	sdelay $0x1  }
.Ltmp4:
0x12f: {  	[tilespmem:s1+$0x0] =	vst v10;
	v9 =	vmul.f32 v10, v9;
	(pc) =	sbr.rel @p0 .LBB2_5-.Ltmp4, $3  }
0x130: {  	_ = 	snop  }
0x131: {  	v9 =	vsub.f32 $0.0e+00, v9;
	_ =	sdelay $0x1  }
0x132: {  	s13 =	sadd.s32 $0x20, s13;
	[tilespmem:s10+$0x0] =	vst v9  }
.LBB2_6:
0x133: {  	v9 =	vmov s11;
	s1 =	sadd.s32 $0x1, s11;
	s10 =	sadd.s32 $0x2, s11  }
0x134: {  	s16 =	sadd.s32 $0x3, s11;
	v10 =	vmov s1;
	v11 =	vmov s10;
	v9 =	vshrl.u32 v9, $0x3  }
0x135: {  	v12 =	vmov s16;
	v9 =	vshll.u32 v9, v0;
	v10 =	vshrl.u32 v10, $0x3  }
0x136: {  	v11 =	vshrl.u32 v11, $0x3;
	v15 =	vbroadcast v9, $0x0;
	v9 =	vshll.u32 v10, v0  }
0x137: {  	v10 =	vshrl.u32 v12, $0x3;
	v11 =	vshll.u32 v11, v0;
	v9 =	vadd.s32 $0x1, v9  }
0x138: {  	v10 =	vshll.u32 v10, v0;
	v11 =	vadd.s32 $0x2, v11;
	v14 =	vbroadcast v9, $0x0  }
0x139: {  	v9 =	vadd.s32 $0x3, v10;
	v12 =	vbroadcast v11, $0x0  }
0x13a: {  	s19 =	sadd.s32 $0x4, s11;
	s28 =	sadd.s32 $0x6, s11;
	v13 =	vbroadcast v9, $0x0  }
0x13b: {  	s20 =	sadd.s32 $0x5, s11;
	p1 =	slt.u32 s11, $0xF8;
	v11 =	vmov s28;
	v9 =	vmov s19  }
.Ltmp5:
0x13c: {  	v10 =	vmov s20;
	v11 =	vshrl.u32 v11, $0x3;
	v16 =	vshrl.u32 v9, $0x3;
	v9 =	vld.idx.msk [tilespmem:v15+s25+$0x0], $0xffff;
	(pc) =	sbr.rel @!p1 .LBB2_7-.Ltmp5, $4  }
0x13d: {  	v17 =	vshrl.u32 v10, $0x3;
	v11 =	vshll.u32 v11, v0;
	v10 =	vld.idx.msk [tilespmem:v15+s24+$0x0], $0xffff  }
0x13e: {  	v16 =	vshll.u32 v16, v0;
	v11 =	vadd.s32 $0x6, v11;
	v15 =	vshll.u32 v17, v0;
	v17 =	vld.idx.msk [tilespmem:v14+s25+$0x0], $0xffff  }
0x13f: {  	v16 =	vadd.s32 $0x4, v16;
	v28 =	vbroadcast v11, $0x0;
	v18 =	vadd.s32 $0x5, v15;
	v15 =	vld.idx.msk [tilespmem:v12+s25+$0x0], $0xffff  }
0x140: {  	s13 =	sadd.s32 $0x7, s11;
	p0 =	por $0x0, $0x0;
	s1 =	sadd.s32 $0x8, s11;
	v16 =	vbroadcast v16, $0x0;
	v21 =	vbroadcast v18, $0x0;
	v11 =	vld.idx.msk [tilespmem:v13+s25+$0x0], $0xffff  }
0x141: {  	_ =	sdelay $0x3  }
0x142: {  	v22 =	vld.idx.msk [tilespmem:v28+s25+$0x0], $0xffff  }
0x143: {  	v25 =	vld.idx.msk [tilespmem:v14+s24+$0x0], $0xffff  }
0x144: {  	v27 =	vld.idx.msk [tilespmem:v12+s24+$0x0], $0xffff  }
0x145: {  	v31 =	vld.idx.msk [tilespmem:v13+s24+$0x0], $0xffff  }
0x146: {  	v29 =	vld.idx.msk [tilespmem:v28+s24+$0x0], $0xffff  }
0x147: {  	v34 =	vld [tilespmem:s8+$0xF0]  }
0x148: {  	v18 =	vmov s13;
	v35 =	vld [tilespmem:s8+$0xFFFFFF10]  }
0x149: {  	v36 =	vld [tilespmem:s8+$0xFFFFFF20];
	v18 =	vshrl.u32 v18, $0x3  }
0x14a: {  	v38 =	vld [tilespmem:s8+$0xFFFFFF40];
	v18 =	vshll.u32 v18, v0  }
0x14b: {  	v50 =	vld [tilespmem:s8+$0xFFFFFFA0];
	v18 =	vadd.s32 $0x7, v18  }
0x14c: {  	s10 =	sadd.s32 $0x1, s1;
	s11 =	sadd.s32 $0x2, s1;
	v12 =	vmov s1;
	s19 =	sadd.s32 $0x4, s1;
	v26 =	vld.idx.msk [tilespmem:v16+s25+$0x0], $0xffff;
	v14 =	vbroadcast v18, $0x0  }
0x14d: {  	s20 =	sadd.s32 $0x5, s1;
	s28 =	sadd.s32 $0x6, s1;
	v32 =	vld.idx.msk [tilespmem:v16+s24+$0x0], $0xffff;
	v13 =	vmov s10;
	v16 =	vmov s11;
	v19 =	vmov s19  }
0x14e: {  	v54 =	vld [tilespmem:s8+$0xFFFFFFE0];
	v12 =	vshrl.u32 v12, $0x3;
	v20 =	vmov s20;
	v33 =	vmov s28  }
0x14f: {  	v23 =	vld.idx.msk [tilespmem:v21+s25+$0x0], $0xffff;
	v12 =	vshll.u32 v12, v0;
	v13 =	vshrl.u32 v13, $0x3;
	v16 =	vshrl.u32 v16, $0x3  }
0x150: {  	s16 =	sadd.s32 $0x3, s1;
	v30 =	vld.idx.msk [tilespmem:v21+s24+$0x0], $0xffff;
	v33 =	vshrl.u32 v33, $0x3;
	v21 =	vbroadcast v12, $0x0;
	v12 =	vshll.u32 v13, v0  }
0x151: {  	v45 =	vld [tilespmem:s8+$0xFFFFFF60];
	v13 =	vshll.u32 v16, v0;
	v18 =	vmov s16;
	v12 =	vadd.s32 $0x1, v12  }
0x152: {  	v13 =	vadd.s32 $0x2, v13;
	v18 =	vshrl.u32 v18, $0x3;
	v38 =	vmul.f32 v38, v25;
	v24 =	vld.idx.msk [tilespmem:v14+s24+$0x0], $0xffff  }
0x153: {  	v56 =	vmul.f32 v50, v27;
	v61 =	vmul.f32 v54, v31;
	v16 =	vshll.u32 v18, v0;
	v28 =	vld.idx.msk [tilespmem:v14+s25+$0x0], $0xffff  }
0x154: {  	v16 =	vadd.s32 $0x3, v16;
	v14 =	vshrl.u32 v19, $0x3;
	v19 =	vshrl.u32 v20, $0x3;
	v20 =	vld [tilespmem:s8+$0xFFFFFF00]  }
0x155: {  	v37 =	vld [tilespmem:s8+$0xFFFFFF30];
	v38 =	vadd.f32 v38, v17;
	v18 =	vshll.u32 v14, v0;
	v14 =	vbroadcast v12, $0x0  }
0x156: {  	v49 =	vld [tilespmem:s8+$0xFFFFFF80];
	v12 =	vbroadcast v13, $0x0;
	v13 =	vbroadcast v16, $0x0;
	v18 =	vadd.s32 $0x4, v18  }
0x157: {  	v39 =	vld [tilespmem:s8+$0xFFFFFF50];
	v42 =	vshll.u32 v19, v0;
	v19 =	vmul.f32 v36, v10;
	v16 =	vbroadcast v18, $0x0  }
0x158: {  	v46 =	vld [tilespmem:s8+$0xFFFFFF70];
	v59 =	vadd.f32 v56, v15;
	v18 =	vmul.f32 v35, v10;
	v35 =	vmul.f32 v45, v25  }
0x159: {  	v52 =	vld [tilespmem:s8+$0xFFFFFFC0];
	v41 =	vadd.f32 v19, v9;
	v34 =	vmul.f32 v34, v24;
	v20 =	vmul.f32 v20, v10  }
0x15a: {  	v43 =	vld [tilespmem:s8+$0xFFFFFF90];
	v48 =	vadd.f32 v18, v9;
	v10 =	vmul.f32 v37, v10;
	v35 =	vadd.f32 v35, v17  }
0x15b: {  	v37 =	vmul.f32 v49, v27;
	v40 =	vadd.f32 v34, v28;
	v20 =	vadd.f32 v20, v9  }
0x15c: {  	v51 =	vld [tilespmem:s8+$0xFFFFFFB0];
	v9 =	vadd.f32 v10, v9;
	v10 =	vmul.f32 v39, v25;
	v19 =	vmul.f32 v48, v2  }
0x15d: {  	v56 =	vadd.f32 v61, v11;
	v25 =	vmul.f32 v46, v25;
	v44 =	vmul.f32 v35, v3  }
0x15e: {  	v53 =	vld [tilespmem:s8+$0xFFFFFFD0];
	v34 =	vshll.u32 v33, v0;
	v33 =	vmul.f32 v52, v31;
	v47 =	vmul.f32 v40, v4  }
0x15f: {  	v57 =	vld [tilespmem:s8+$0xFFFFFFF0];
	v10 =	vadd.f32 v10, v17;
	v17 =	vadd.f32 v25, v17;
	v25 =	vmul.f32 v43, v27  }
0x160: {  	v58 =	vld [tilespmem:s8+$0x0];
	v55 =	vadd.f32 v37, v15;
	v18 =	vmul.f32 v20, v1;
	v20 =	vmul.f32 v41, v3  }
0x161: {  	v60 =	vld [tilespmem:s8+$0x10];
	v41 =	vmul.f32 v38, v1;
	v27 =	vmul.f32 v51, v27;
	v25 =	vadd.f32 v25, v15  }
0x162: {  	v62 =	vld [tilespmem:s8+$0x30];
	v45 =	vmul.f32 v55, v1;
	v33 =	vadd.f32 v33, v11;
	v51 =	vmul.f32 v56, v3  }
0x163: {  	v15 =	vadd.f32 v27, v15;
	v27 =	vld [tilespmem:s8+$0x20];
	v46 =	vmul.f32 v25, v2;
	v25 =	vmul.f32 v53, v31  }
0x164: {  	v63 =	vld [tilespmem:s8+$0x40];
	v36 =	vadd.f32 v47, v8;
	v10 =	vmul.f32 v10, v2;
	v31 =	vmul.f32 v57, v31  }
0x165: {  	v61 =	vld [tilespmem:s8+$0x80];
	v17 =	vmul.f32 v17, v4;
	v57 =	vmul.f32 v58, v32;
	v25 =	vadd.f32 v25, v11  }
0x166: {  	v47 =	vmul.f32 v59, v3;
	v43 =	vmul.f32 v33, v1;
	v58 =	vld [tilespmem:s8+$0x50];
	v11 =	vadd.f32 v31, v11  }
0x167: {  	v31 =	vld [tilespmem:s8+$0x60];
	v59 =	vadd.f32 v57, v26;
	v50 =	vmul.f32 v25, v2;
	v25 =	vmul.f32 v60, v32  }
0x168: {  	v27 =	vmul.f32 v27, v32;
	v60 =	vld [tilespmem:s8+$0x70];
	v52 =	vmul.f32 v11, v4  }
0x169: {  	v32 =	vmul.f32 v62, v32;
	v53 =	vmul.f32 v59, v1;
	v11 =	vadd.f32 v25, v26  }
0x16a: {  	v62 =	vmul.f32 v63, v30;
	v63 =	vld [tilespmem:s8+$0x90];
	v59 =	vmul.f32 v61, v29;
	v27 =	vadd.f32 v27, v26  }
0x16b: {  	v55 =	vld [tilespmem:s8+$0xA0];
	v54 =	vmul.f32 v58, v30;
	v25 =	vmul.f32 v11, v2;
	v11 =	vadd.f32 v32, v26  }
0x16c: {  	v33 =	vadd.f32 v62, v23;
	v31 =	vmul.f32 v31, v30;
	v26 =	vmul.f32 v27, v3  }
0x16d: {  	v56 =	vld [tilespmem:s8+$0xB0];
	v57 =	vmul.f32 v60, v30;
	v27 =	vmul.f32 v11, v4;
	v11 =	vadd.f32 v54, v23  }
0x16e: {  	v48 =	vld [tilespmem:s8+$0xC0];
	v15 =	vmul.f32 v15, v4;
	v61 =	vadd.f32 v59, v22;
	v58 =	vadd.f32 v31, v23  }
0x16f: {  	v49 =	vld [tilespmem:s8+$0xD0];
	v31 =	vmul.f32 v11, v2;
	v11 =	vadd.f32 v57, v23;
	v23 =	vmul.f32 v63, v29  }
0x170: {  	v62 =	vmul.f32 v55, v29;
	v30 =	vmul.f32 v33, v1;
	v60 =	vld [tilespmem:s8+$0xE0]  }
0x171: {  	[tilespmem:s8+$0xF0] =	vst v36;
	v33 =	vmul.f32 v61, v1;
	v36 =	vmul.f32 v11, v4;
	v11 =	vadd.f32 v23, v22  }
0x172: {  	v35 =	vmul.f32 v58, v3;
	v23 =	vmul.f32 v56, v29;
	v29 =	vadd.f32 v62, v22  }
0x173: {  	v63 =	vmul.f32 v48, v24;
	v48 =	vadd.f32 v46, v6;
	v37 =	vmul.f32 v11, v2  }
0x174: {  	v11 =	vadd.f32 v23, v22;
	v22 =	vmul.f32 v49, v24;
	v38 =	vmul.f32 v29, v3  }
0x175: {  	v23 =	vadd.f32 v63, v28;
	v24 =	vmul.f32 v60, v24;
	v29 =	vmul.f32 v9, v4  }
0x176: {  	v39 =	vmul.f32 v11, v4;
	v11 =	vadd.f32 v22, v28;
	v22 =	vadd.f32 v41, v5  }
0x177: {  	v40 =	vmul.f32 v23, v1;
	v23 =	vadd.f32 v24, v28;
	v24 =	vadd.f32 v10, v6  }
0x178: {  	p1 =	slt.u32 s1, $0xF8;
	v9 =	vld.idx.msk [tilespmem:v21+s25+$0x0], $0xffff;
	v32 =	vmul.f32 v11, v2;
	v11 =	vadd.f32 v17, v8;
	v17 =	vadd.s32 $0x5, v42  }
.Ltmp6:
0x179: {  	v46 =	vadd.f32 v50, v6;
	v28 =	vadd.f32 v44, v7;
	v10 =	vld.idx.msk [tilespmem:v21+s24+$0x0], $0xffff;
	[tilespmem:s8+$0xFFFFFF40] =	vst v22;
	v21 =	vbroadcast v17, $0x0;
	(pc) =	sbr.rel @!p1 .LBB2_9-.Ltmp6, $4  }
0x17a: {  	v49 =	vadd.f32 v15, v8;
	v41 =	vmul.f32 v23, v3;
	[tilespmem:s8+$0xFFFFFF50] =	vst v24;
	v23 =	vadd.s32 $0x6, v34  }
0x17b: {  	v15 =	vld.idx.msk [tilespmem:v12+s25+$0x0], $0xffff;
	v44 =	vadd.f32 v43, v5;
	v22 =	vadd.f32 v45, v5;
	[tilespmem:s8+$0xFFFFFF60] =	vst v28;
	v28 =	vbroadcast v23, $0x0  }
0x17c: {  	s13 =	sadd.s32 $0x7, s1;
	s12 =	sadd.s32 $0x8, s1;
	v43 =	vadd.f32 v51, v7;
	v45 =	vadd.f32 v47, v7;
	v17 =	vld.idx.msk [tilespmem:v14+s25+$0x0], $0xffff;
	[tilespmem:s8+$0xFFFFFF70] =	vst v11  }
0x17d: {  	p0 =	por $0x1, $0x1;
	s1 =	smov.u32 s8;
	s10 =	smov.u32 s8;
	v47 =	vadd.f32 v52, v8;
	v42 =	vadd.f32 v53, v5;
	v11 =	vld.idx.msk [tilespmem:v13+s25+$0x0], $0xffff;
	[tilespmem:s8+$0xFFFFFF80] =	vst v22  }
.LBB2_10:
0x17e: {  	p1 =	slt.u32 s12, $0xF8;
	v24 =	vld.idx.msk [tilespmem:v16+s25+$0x0], $0xffff;
	v22 =	vmov s13;
	[tilespmem:s10+$0xFFFFFF90] =	vst v48;
	v34 =	vadd.f32 v25, v6;
	v48 =	vadd.f32 v26, v7  }
0x17f: {  	v50 =	vadd.f32 v30, v5;
	v23 =	vld.idx.msk [tilespmem:v21+s25+$0x0], $0xffff;
	v22 =	vshrl.u32 v22, $0x3;
	[tilespmem:s10+$0xFFFFFFA0] =	vst v45;
	v45 =	vadd.f32 v27, v8  }
0x180: {  	v35 =	vadd.f32 v35, v7;
	v25 =	vshll.u32 v22, v0;
	[tilespmem:s10+$0xFFFFFFB0] =	vst v49;
	v49 =	vadd.f32 v31, v6  }
0x181: {  	v36 =	vadd.f32 v36, v8;
	v22 =	vld.idx.msk [tilespmem:v28+s25+$0x0], $0xffff;
	v25 =	vadd.s32 $0x7, v25;
	[tilespmem:s10+$0xFFFFFFC0] =	vst v44;
	v44 =	vadd.f32 v33, v5  }
0x182: {  	v37 =	vadd.f32 v37, v6;
	v38 =	vadd.f32 v38, v7;
	v31 =	vld.idx.msk [tilespmem:v14+s24+$0x0], $0xffff;
	v14 =	vbroadcast v25, $0x0;
	[tilespmem:s10+$0xFFFFFFD0] =	vst v46  }
0x183: {  	v39 =	vadd.f32 v39, v8;
	v40 =	vadd.f32 v40, v5;
	v27 =	vld.idx.msk [tilespmem:v12+s24+$0x0], $0xffff;
	[tilespmem:s10+$0xFFFFFFE0] =	vst v43  }
0x184: {  	s11 =	sadd.s32 $0x1, s12;
	v41 =	vadd.f32 v41, v7;
	v12 =	vmov s12;
	v43 =	vadd.f32 v32, v6;
	v26 =	vld.idx.msk [tilespmem:v13+s24+$0x0], $0xffff;
	[tilespmem:s10+$0xFFFFFFF0] =	vst v47  }
0x185: {  	v18 =	vadd.f32 v18, v5;
	v19 =	vadd.f32 v19, v6;
	v13 =	vmov s11;
	s11 =	sadd.s32 $0x2, s12;
	v25 =	vld.idx.msk [tilespmem:v16+s24+$0x0], $0xffff;
	[tilespmem:s10+$0x0] =	vst v42  }
0x186: {  	s13 =	sadd.s32 $0x4, s12;
	v46 =	vadd.f32 v29, v8;
	v16 =	vmov s11;
	s11 =	sadd.s32 $0x3, s12;
	v42 =	vadd.f32 v20, v7;
	v30 =	vld.idx.msk [tilespmem:v21+s24+$0x0], $0xffff;
	[tilespmem:s10+$0x10] =	vst v34  }
0x187: {  	v20 =	vmov s11;
	v21 =	vmov s13;
	s11 =	sadd.s32 $0x5, s12;
	s13 =	sadd.s32 $0x6, s12;
	v33 =	vld.idx.msk [tilespmem:v28+s24+$0x0], $0xffff;
	[tilespmem:s10+$0x20] =	vst v48  }
0x188: {  	v12 =	vshrl.u32 v12, $0x3;
	v28 =	vmov s11;
	v34 =	vmov s13;
	s10 =	sadd.s32 $0x200, s10;
	v29 =	vld.idx.msk [tilespmem:v14+s24+$0x0], $0xffff;
	[tilespmem:s1+$0x30] =	vst v45  }
0x189: {  	v12 =	vshll.u32 v12, v0;
	v13 =	vshrl.u32 v13, $0x3;
	v16 =	vshrl.u32 v16, $0x3;
	v45 =	vld [tilespmem:s10+$0xF0];
	[tilespmem:s1+$0x40] =	vst v50  }
0x18a: {  	v20 =	vshrl.u32 v20, $0x3;
	v21 =	vshrl.u32 v21, $0x3;
	v47 =	vshrl.u32 v28, $0x3;
	v32 =	vld.idx.msk [tilespmem:v14+s25+$0x0], $0xffff;
	[tilespmem:s1+$0x50] =	vst v49  }
0x18b: {  	v28 =	vbroadcast v12, $0x0;
	v12 =	vshll.u32 v13, v0;
	v13 =	vshrl.u32 v34, $0x3;
	v48 =	vld [tilespmem:s10+$0xFFFFFF00];
	[tilespmem:s1+$0x60] =	vst v35  }
0x18c: {  	v14 =	vshll.u32 v16, v0;
	v16 =	vshll.u32 v20, v0;
	v20 =	vshll.u32 v21, v0;
	v21 =	vld [tilespmem:s10+$0xFFFFFF10];
	[tilespmem:s1+$0x70] =	vst v36  }
0x18d: {  	v12 =	vadd.s32 $0x1, v12;
	v34 =	vshll.u32 v13, v0;
	v35 =	vshll.u32 v47, v0;
	v36 =	vld [tilespmem:s10+$0xFFFFFF20];
	[tilespmem:s1+$0x80] =	vst v44  }
0x18e: {  	v13 =	vadd.s32 $0x2, v14;
	v16 =	vadd.s32 $0x3, v16;
	v44 =	vld [tilespmem:s10+$0xFFFFFF30];
	v45 =	vmul.f32 v45, v29;
	[tilespmem:s1+$0x90] =	vst v37  }
0x18f: {  	v14 =	vbroadcast v12, $0x0;
	v20 =	vadd.s32 $0x4, v20;
	v12 =	vbroadcast v13, $0x0;
	v37 =	vld [tilespmem:s10+$0xFFFFFF40];
	[tilespmem:s1+$0xA0] =	vst v38  }
0x190: {  	v13 =	vbroadcast v16, $0x0;
	v38 =	vmul.f32 v48, v10;
	v47 =	vld [tilespmem:s10+$0xFFFFFF50];
	v45 =	vadd.f32 v45, v32;
	[tilespmem:s1+$0xB0] =	vst v39  }
0x191: {  	v16 =	vbroadcast v20, $0x0;
	v20 =	vadd.s32 $0x5, v35;
	v35 =	vmul.f32 v21, v10;
	v39 =	vld [tilespmem:s10+$0xFFFFFF60];
	[tilespmem:s1+$0xC0] =	vst v40  }
0x192: {  	v38 =	vadd.f32 v38, v9;
	v36 =	vmul.f32 v36, v10;
	v40 =	vld [tilespmem:s10+$0xFFFFFF70];
	v45 =	vmul.f32 v45, v4;
	[tilespmem:s1+$0xD0] =	vst v43  }
0x193: {  	v21 =	vbroadcast v20, $0x0;
	v20 =	vadd.f32 v35, v9;
	v10 =	vmul.f32 v44, v10;
	v35 =	vld [tilespmem:s10+$0xFFFFFF80];
	[tilespmem:s1+$0xE0] =	vst v41  }
0x194: {  	v36 =	vadd.f32 v36, v9;
	v37 =	vmul.f32 v37, v31;
	v41 =	vld [tilespmem:s10+$0xFFFFFF90];
	v43 =	vadd.f32 v45, v8;
	[tilespmem:s1+$0xFFFFFF00] =	vst v18  }
0x195: {  	v18 =	vmul.f32 v38, v1;
	v9 =	vadd.f32 v10, v9;
	v10 =	vmul.f32 v47, v31;
	v38 =	vld [tilespmem:s10+$0xFFFFFFA0];
	[tilespmem:s1+$0xFFFFFF10] =	vst v19  }
0x196: {  	v19 =	vmul.f32 v20, v2;
	v37 =	vadd.f32 v37, v17;
	v39 =	vmul.f32 v39, v31;
	v44 =	vld [tilespmem:s10+$0xFFFFFFB0];
	[tilespmem:s10+$0xF0] =	vst v43  }
0x197: {  	v20 =	vmul.f32 v36, v3;
	v10 =	vadd.f32 v10, v17;
	v31 =	vmul.f32 v40, v31;
	v36 =	vld [tilespmem:s10+$0xFFFFFFC0];
	[tilespmem:s1+$0xFFFFFF20] =	vst v42  }
0x198: {  	v40 =	vmul.f32 v37, v1;
	v37 =	vadd.f32 v39, v17;
	v35 =	vmul.f32 v35, v27;
	v39 =	vld [tilespmem:s10+$0xFFFFFFD0];
	[tilespmem:s1+$0xFFFFFF30] =	vst v46;
	s1 =	smov.u32 s10  }
0x199: {  	v10 =	vmul.f32 v10, v2;
	v17 =	vadd.f32 v31, v17;
	v31 =	vmul.f32 v41, v27;
	v41 =	vld [tilespmem:s10+$0xFFFFFFE0]  }
0x19a: {  	v42 =	vmul.f32 v37, v3;
	v35 =	vadd.f32 v35, v15;
	v37 =	vmul.f32 v38, v27;
	v38 =	vld [tilespmem:s10+$0xFFFFFFF0]  }
0x19b: {  	v17 =	vmul.f32 v17, v4;
	v31 =	vadd.f32 v31, v15;
	v27 =	vmul.f32 v44, v27;
	v43 =	vld [tilespmem:s10+$0x0]  }
0x19c: {  	v44 =	vmul.f32 v35, v1;
	v35 =	vadd.f32 v37, v15;
	v36 =	vmul.f32 v36, v26;
	v37 =	vld [tilespmem:s10+$0x10]  }
0x19d: {  	v45 =	vmul.f32 v31, v2;
	v15 =	vadd.f32 v27, v15;
	v27 =	vmul.f32 v39, v26;
	v31 =	vld [tilespmem:s10+$0x20]  }
0x19e: {  	v46 =	vmul.f32 v35, v3;
	v35 =	vadd.f32 v36, v11;
	v36 =	vmul.f32 v41, v26;
	v39 =	vld [tilespmem:s10+$0x30]  }
0x19f: {  	v15 =	vmul.f32 v15, v4;
	v27 =	vadd.f32 v27, v11;
	v26 =	vmul.f32 v38, v26;
	v38 =	vld [tilespmem:s10+$0x40]  }
0x1a0: {  	v47 =	vmul.f32 v35, v1;
	v35 =	vadd.f32 v36, v11;
	v36 =	vmul.f32 v43, v25;
	v41 =	vld [tilespmem:s10+$0x50]  }
0x1a1: {  	v43 =	vmul.f32 v27, v2;
	v11 =	vadd.f32 v26, v11;
	v26 =	vmul.f32 v37, v25;
	v27 =	vld [tilespmem:s10+$0x60]  }
0x1a2: {  	v50 =	vmul.f32 v35, v3;
	v35 =	vadd.f32 v36, v24;
	v31 =	vmul.f32 v31, v25;
	v36 =	vld [tilespmem:s10+$0x70]  }
0x1a3: {  	v51 =	vmul.f32 v11, v4;
	v11 =	vadd.f32 v26, v24;
	v26 =	vmul.f32 v39, v25;
	v37 =	vld [tilespmem:s10+$0x80]  }
0x1a4: {  	v52 =	vmul.f32 v35, v1;
	v31 =	vadd.f32 v31, v24;
	v35 =	vmul.f32 v38, v30;
	v38 =	vld [tilespmem:s10+$0x90]  }
0x1a5: {  	v25 =	vmul.f32 v11, v2;
	v11 =	vadd.f32 v26, v24;
	v24 =	vmul.f32 v41, v30;
	v39 =	vld [tilespmem:s10+$0xA0]  }
0x1a6: {  	v26 =	vmul.f32 v31, v3;
	v31 =	vadd.f32 v35, v23;
	v35 =	vmul.f32 v27, v30;
	v41 =	vld [tilespmem:s10+$0xB0]  }
0x1a7: {  	v27 =	vmul.f32 v11, v4;
	v11 =	vadd.f32 v24, v23;
	v24 =	vmul.f32 v36, v30;
	v48 =	vld [tilespmem:s10+$0xC0]  }
0x1a8: {  	v30 =	vmul.f32 v31, v1;
	v35 =	vadd.f32 v35, v23;
	v36 =	vmul.f32 v37, v33;
	v49 =	vld [tilespmem:s10+$0xD0]  }
0x1a9: {  	v31 =	vmul.f32 v11, v2;
	v11 =	vadd.f32 v24, v23;
	v23 =	vmul.f32 v38, v33;
	v24 =	vld [tilespmem:s10+$0xE0]  }
0x1aa: {  	v35 =	vmul.f32 v35, v3;
	v37 =	vadd.f32 v36, v22;
	v38 =	vmul.f32 v39, v33  }
0x1ab: {  	v36 =	vmul.f32 v11, v4;
	v11 =	vadd.f32 v23, v22;
	v23 =	vmul.f32 v41, v33  }
0x1ac: {  	v33 =	vmul.f32 v37, v1;
	v38 =	vadd.f32 v38, v22;
	v39 =	vmul.f32 v48, v29  }
0x1ad: {  	v37 =	vmul.f32 v11, v2;
	v11 =	vadd.f32 v23, v22;
	v22 =	vmul.f32 v49, v29  }
0x1ae: {  	v38 =	vmul.f32 v38, v3;
	v23 =	vadd.f32 v39, v32;
	v24 =	vmul.f32 v24, v29  }
0x1af: {  	v29 =	vmul.f32 v9, v4;
	v39 =	vmul.f32 v11, v4;
	v11 =	vadd.f32 v22, v32  }
0x1b0: {  	v22 =	vadd.f32 v40, v5;
	v40 =	vmul.f32 v23, v1;
	v23 =	vadd.f32 v24, v32  }
0x1b1: {  	v42 =	vadd.f32 v42, v7;
	v24 =	vadd.f32 v10, v6;
	v9 =	vld.idx.msk [tilespmem:v28+s25+$0x0], $0xffff;
	v32 =	vmul.f32 v11, v2  }
.Ltmp7:
0x1b2: {  	v11 =	vadd.f32 v17, v8;
	[tilespmem:s10+$0xFFFFFF40] =	vst v22;
	v22 =	vadd.f32 v44, v5;
	v41 =	vmul.f32 v23, v3;
	(pc) =	sbr.rel @p1 .LBB2_10-.Ltmp7, $4  }
0x1b3: {  	v48 =	vadd.f32 v45, v6;
	v45 =	vadd.f32 v46, v7;
	v23 =	vadd.s32 $0x6, v34;
	v10 =	vld.idx.msk [tilespmem:v28+s24+$0x0], $0xffff;
	[tilespmem:s10+$0xFFFFFF50] =	vst v24  }
0x1b4: {  	v49 =	vadd.f32 v15, v8;
	v44 =	vadd.f32 v47, v5;
	v28 =	vbroadcast v23, $0x0;
	v17 =	vld.idx.msk [tilespmem:v14+s25+$0x0], $0xffff;
	[tilespmem:s10+$0xFFFFFF60] =	vst v42  }
0x1b5: {  	v46 =	vadd.f32 v43, v6;
	v43 =	vadd.f32 v50, v7;
	v15 =	vld.idx.msk [tilespmem:v12+s25+$0x0], $0xffff;
	[tilespmem:s10+$0xFFFFFF70] =	vst v11  }
0x1b6: {  	s13 =	sadd.s32 $0x7, s12;
	s12 =	sadd.s32 $0x8, s12;
	v47 =	vadd.f32 v51, v8;
	v42 =	vadd.f32 v52, v5;
	v11 =	vld.idx.msk [tilespmem:v13+s25+$0x0], $0xffff;
	[tilespmem:s10+$0xFFFFFF80] =	vst v22  }
.LBB2_11:
0x1b7: {  	_ =	sdelay $0x3  }
0x1b8: {  	v24 =	vld.idx.msk [tilespmem:v16+s25+$0x0], $0xffff  }
0x1b9: {  	v23 =	vld.idx.msk [tilespmem:v21+s25+$0x0], $0xffff  }
0x1ba: {  	v50 =	vld.idx.msk [tilespmem:v14+s24+$0x0], $0xffff  }
0x1bb: {  	v52 =	vld.idx.msk [tilespmem:v12+s24+$0x0], $0xffff  }
0x1bc: {  	v53 =	vld.idx.msk [tilespmem:v13+s24+$0x0], $0xffff  }
0x1bd: {  	v22 =	vmov s13;
	v21 =	vld.idx.msk [tilespmem:v21+s24+$0x0], $0xffff  }
0x1be: {  	v14 =	vld.idx.msk [tilespmem:v28+s24+$0x0], $0xffff;
	s11 =	sadd.s32 @p0 $0x200, s10;
	v22 =	vshrl.u32 v22, $0x3  }
0x1bf: {  	s8 =	smov.u32 @p0 s11;
	v34 =	vshll.u32 v22, v0;
	v22 =	vld.idx.msk [tilespmem:v28+s25+$0x0], $0xffff  }
0x1c0: {  	v28 =	vadd.f32 @p0 v30, v5;
	v30 =	vld [tilespmem:s8+$0xFFFFFF00]  }
0x1c1: {  	[tilespmem:s10+$0xFFFFFF90] =	vst @p0 v48;
	v25 =	vadd.f32 @p0 v25, v6;
	v56 =	vld [tilespmem:s8+$0xFFFFFF10]  }
0x1c2: {  	[tilespmem:s10+$0xFFFFFFA0] =	vst @p0 v45;
	v26 =	vadd.f32 @p0 v26, v7;
	v58 =	vld [tilespmem:s8+$0xFFFFFF40]  }
0x1c3: {  	[tilespmem:s10+$0x10] =	vst @p0 v25;
	v25 =	vld [tilespmem:s8+$0xFFFFFF50]  }
0x1c4: {  	[tilespmem:s10+$0x20] =	vst @p0 v26;
	v26 =	vld [tilespmem:s8+$0xFFFFFF60]  }
0x1c5: {  	[tilespmem:s10+$0xFFFFFFB0] =	vst @p0 v49;
	v59 =	vld [tilespmem:s8+$0xFFFFFF90]  }
0x1c6: {  	[tilespmem:s10+$0xFFFFFFC0] =	vst @p0 v44;
	v60 =	vld [tilespmem:s8+$0xFFFFFFA0]  }
0x1c7: {  	v27 =	vadd.f32 @p0 v27, v8;
	[tilespmem:s10+$0xFFFFFFD0] =	vst @p0 v46;
	v31 =	vadd.f32 @p0 v31, v6;
	v61 =	vld [tilespmem:s8+$0xFFFFFFB0]  }
0x1c8: {  	v35 =	vadd.f32 @p0 v35, v7;
	v36 =	vadd.f32 @p0 v36, v8;
	[tilespmem:s10+$0xFFFFFFF0] =	vst @p0 v47;
	v62 =	vld [tilespmem:s8+$0xFFFFFFC0]  }
0x1c9: {  	v33 =	vadd.f32 @p0 v33, v5;
	v37 =	vadd.f32 @p0 v37, v6;
	[tilespmem:s10+$0x0] =	vst @p0 v42;
	v44 =	vld [tilespmem:s8+$0xFFFFFFE0]  }
0x1ca: {  	v38 =	vadd.f32 @p0 v38, v7;
	v20 =	vadd.f32 @p0 v20, v7;
	[tilespmem:s1+$0x50] =	vst @p0 v31;
	v47 =	vld [tilespmem:s8+$0xFFFFFFF0]  }
0x1cb: {  	v39 =	vadd.f32 @p0 v39, v8;
	v40 =	vadd.f32 @p0 v40, v5;
	[tilespmem:s1+$0x60] =	vst @p0 v35;
	v48 =	vld [tilespmem:s8+$0x0];
	v34 =	vadd.s32 $0x7, v34  }
0x1cc: {  	v46 =	vadd.f32 @p0 v19, v6;
	[tilespmem:s1+$0xFFFFFF20] =	vst @p0 v20;
	v20 =	vld [tilespmem:s8+$0x40];
	v51 =	vbroadcast v34, $0x0;
	v19 =	vmul.f32 v30, v10  }
0x1cd: {  	v45 =	vadd.f32 @p0 v18, v5;
	[tilespmem:s1+$0x30] =	vst @p0 v27;
	v27 =	vld [tilespmem:s8+$0xFFFFFF70];
	v18 =	vmul.f32 v56, v10;
	v31 =	vmul.f32 v58, v50  }
0x1ce: {  	[tilespmem:s1+$0x70] =	vst @p0 v36;
	v34 =	vld.idx.msk [tilespmem:v16+s24+$0x0], $0xffff;
	v25 =	vmul.f32 v25, v50;
	v26 =	vmul.f32 v26, v50  }
0x1cf: {  	v32 =	vadd.f32 @p0 v32, v6;
	[tilespmem:s1+$0x80] =	vst @p0 v33;
	v63 =	vld [tilespmem:s8+$0xFFFFFFD0];
	v35 =	vmul.f32 v60, v52;
	v36 =	vmul.f32 v61, v52  }
0x1d0: {  	v41 =	vadd.f32 @p0 v41, v7;
	[tilespmem:s1+$0xA0] =	vst @p0 v38;
	v33 =	vmul.f32 v62, v53;
	v38 =	vmul.f32 v44, v53  }
0x1d1: {  	[tilespmem:s1+$0xB0] =	vst @p0 v39;
	v16 =	vld [tilespmem:s8+$0xF0];
	v39 =	vmul.f32 v47, v53;
	v20 =	vmul.f32 v20, v21;
	v31 =	vadd.f32 v31, v17  }
0x1d2: {  	v27 =	vmul.f32 v27, v50;
	v25 =	vadd.f32 v25, v17;
	v26 =	vadd.f32 v26, v17;
	v13 =	vld.idx.msk [tilespmem:v51+s24+$0x0], $0xffff  }
0x1d3: {  	[tilespmem:s1+$0xC0] =	vst @p0 v40;
	v30 =	vld [tilespmem:s8+$0xFFFFFF80];
	v49 =	vadd.f32 v35, v15;
	v33 =	vadd.f32 v33, v11;
	v40 =	vmul.f32 v48, v34  }
0x1d4: {  	v12 =	vld.idx.msk [tilespmem:v51+s25+$0x0], $0xffff;
	v17 =	vadd.f32 v27, v17;
	v27 =	vmul.f32 v59, v52;
	v51 =	vmul.f32 v63, v53  }
0x1d5: {  	[tilespmem:s10+$0xFFFFFFE0] =	vst @p0 v43;
	v38 =	vadd.f32 v38, v11;
	v31 =	vmul.f32 v31, v1;
	v25 =	vmul.f32 v25, v2  }
0x1d6: {  	[tilespmem:s1+$0xD0] =	vst @p0 v32;
	v20 =	vadd.f32 v20, v23;
	v26 =	vmul.f32 v26, v3;
	v32 =	vmul.f32 v49, v3  }
0x1d7: {  	v29 =	vadd.f32 @p0 v29, v8;
	[tilespmem:s1+$0x90] =	vst @p0 v37;
	v50 =	vld [tilespmem:s8+$0x10];
	v33 =	vmul.f32 v33, v1;
	v16 =	vmul.f32 v16, v13  }
0x1d8: {  	[tilespmem:s1+$0xE0] =	vst @p0 v41;
	v53 =	vmul.f32 v38, v3;
	v55 =	vadd.f32 v40, v24;
	v20 =	vmul.f32 v20, v1  }
0x1d9: {  	[tilespmem:s1+$0x40] =	vst @p0 v28;
	v30 =	vmul.f32 v30, v52;
	v27 =	vadd.f32 v27, v15;
	v28 =	vadd.f32 v16, v12  }
0x1da: {  	v57 =	vld [tilespmem:s8+$0xFFFFFF20];
	[tilespmem:s1+$0xFFFFFF00] =	vst @p0 v45;
	v17 =	vmul.f32 v17, v4;
	v31 =	vadd.f32 v31, v5;
	v25 =	vadd.f32 v25, v6  }
0x1db: {  	[tilespmem:s1+$0xFFFFFF10] =	vst @p0 v46;
	v54 =	vld [tilespmem:s8+$0x50];
	v26 =	vadd.f32 v26, v7;
	v33 =	vadd.f32 v33, v5;
	v28 =	vmul.f32 v28, v4  }
0x1dc: {  	[tilespmem:s1+$0xFFFFFF30] =	vst @p0 v29;
	v52 =	vld [tilespmem:s8+$0x20];
	v29 =	vmul.f32 v50, v34;
	v30 =	vadd.f32 v30, v15;
	v15 =	vadd.f32 v36, v15  }
0x1dd: {  	v27 =	vmul.f32 v27, v2;
	v36 =	vadd.f32 v51, v11;
	[tilespmem:s8+$0xFFFFFF40] =	vst v31;
	v31 =	vld [tilespmem:s8+$0x60];
	v28 =	vadd.f32 v28, v8  }
0x1de: {  	v11 =	vadd.f32 v39, v11;
	v17 =	vadd.f32 v17, v8;
	[tilespmem:s8+$0xFFFFFF60] =	vst v26;
	v26 =	vld [tilespmem:s8+$0x70];
	v30 =	vmul.f32 v30, v1  }
0x1df: {  	v29 =	vadd.f32 v29, v24;
	v15 =	vmul.f32 v15, v4;
	v27 =	vadd.f32 v27, v6;
	[tilespmem:s8+$0xF0] =	vst v28;
	v28 =	vld [tilespmem:s8+$0x30]  }
0x1e0: {  	v36 =	vmul.f32 v36, v2;
	v11 =	vmul.f32 v11, v4;
	[tilespmem:s8+$0xFFFFFF70] =	vst v17;
	v17 =	vld [tilespmem:s8+$0x80];
	v30 =	vadd.f32 v30, v5  }
0x1e1: {  	v16 =	vadd.f32 v19, v9;
	v19 =	vmul.f32 v57, v10;
	v15 =	vadd.f32 v15, v8;
	[tilespmem:s8+$0xFFFFFF90] =	vst v27;
	v27 =	vld [tilespmem:s8+$0x90]  }
0x1e2: {  	v20 =	vadd.f32 v20, v5;
	v37 =	vmul.f32 v52, v34;
	v29 =	vmul.f32 v29, v2;
	[tilespmem:s8+$0xFFFFFF80] =	vst v30  }
0x1e3: {  	v11 =	vadd.f32 v11, v8;
	v30 =	vmul.f32 v54, v21;
	[tilespmem:s8+$0xFFFFFFB0] =	vst v15;
	v15 =	vmul.f32 v26, v21  }
0x1e4: {  	[tilespmem:s8+$0xFFFFFF50] =	vst v25;
	v31 =	vmul.f32 v31, v21;
	v21 =	vadd.f32 v53, v7;
	v25 =	vmul.f32 v28, v34  }
0x1e5: {  	v56 =	vadd.f32 v37, v24;
	[tilespmem:s8+$0xFFFFFFF0] =	vst v11;
	v11 =	vld [tilespmem:s8+$0xD0];
	v17 =	vmul.f32 v17, v14;
	v15 =	vadd.f32 v15, v23  }
0x1e6: {  	[tilespmem:s8+$0xFFFFFFE0] =	vst v21;
	v21 =	vmul.f32 v27, v14;
	v24 =	vadd.f32 v25, v24;
	v25 =	vadd.f32 v32, v7  }
0x1e7: {  	[tilespmem:s8+$0xFFFFFFC0] =	vst v33;
	v58 =	vadd.f32 v36, v6;
	v17 =	vadd.f32 v17, v22;
	v28 =	vmul.f32 v55, v1  }
0x1e8: {  	v30 =	vadd.f32 v30, v23;
	v15 =	vmul.f32 v15, v4;
	v21 =	vadd.f32 v21, v22;
	[tilespmem:s8+$0xFFFFFFA0] =	vst v25;
	v25 =	vld [tilespmem:s8+$0xA0]  }
0x1e9: {  	[tilespmem:s8+$0x40] =	vst v20;
	v26 =	vld [tilespmem:s8+$0xB0];
	v31 =	vadd.f32 v31, v23;
	v17 =	vmul.f32 v17, v1;
	v23 =	vadd.f32 v28, v5  }
0x1ea: {  	v59 =	vld [tilespmem:s8+$0xC0];
	[tilespmem:s8+$0xFFFFFFD0] =	vst v58;
	v11 =	vmul.f32 v11, v13;
	v15 =	vadd.f32 v15, v8;
	v21 =	vmul.f32 v21, v2  }
0x1eb: {  	v57 =	vmul.f32 v56, v3;
	v30 =	vmul.f32 v30, v2;
	v17 =	vadd.f32 v17, v5;
	[tilespmem:s8+$0x0] =	vst v23;
	v23 =	vld [tilespmem:s8+$0xE0]  }
0x1ec: {  	v27 =	vmul.f32 v31, v3;
	v11 =	vadd.f32 v11, v12;
	[tilespmem:s8+$0x70] =	vst v15;
	v21 =	vadd.f32 v21, v6  }
0x1ed: {  	[tilespmem:s8+$0x80] =	vst v17;
	v28 =	vadd.f32 v29, v6;
	v24 =	vmul.f32 v24, v4;
	v25 =	vmul.f32 v25, v14  }
0x1ee: {  	v20 =	vld [tilespmem:s8+$0xFFFFFF30];
	v11 =	vmul.f32 v11, v2;
	v29 =	vadd.f32 v57, v7;
	[tilespmem:s8+$0x90] =	vst v21;
	v14 =	vmul.f32 v26, v14  }
0x1ef: {  	[tilespmem:s8+$0x10] =	vst v28;
	v24 =	vadd.f32 v24, v8;
	v26 =	vmul.f32 v59, v13;
	v25 =	vadd.f32 v25, v22  }
0x1f0: {  	v11 =	vadd.f32 v11, v6;
	[tilespmem:s8+$0x20] =	vst v29;
	v13 =	vmul.f32 v23, v13;
	v14 =	vadd.f32 v14, v22  }
0x1f1: {  	v28 =	vadd.f32 v30, v6;
	[tilespmem:s8+$0x30] =	vst v24;
	v24 =	vmul.f32 v25, v3;
	v25 =	vadd.f32 v26, v12  }
0x1f2: {  	[tilespmem:s8+$0xD0] =	vst v11;
	v22 =	vadd.f32 v27, v7;
	v14 =	vmul.f32 v14, v4;
	v12 =	vadd.f32 v13, v12  }
0x1f3: {  	v10 =	vmul.f32 v20, v10;
	[tilespmem:s8+$0x50] =	vst v28;
	v15 =	vmul.f32 v25, v1;
	v13 =	vadd.f32 v24, v7  }
0x1f4: {  	v17 =	vadd.f32 v18, v9;
	[tilespmem:s8+$0x60] =	vst v22;
	v14 =	vadd.f32 v14, v8;
	v12 =	vmul.f32 v12, v3  }
0x1f5: {  	v16 =	vmul.f32 v16, v1;
	v15 =	vadd.f32 v15, v5;
	[tilespmem:s8+$0xA0] =	vst v13;
	v13 =	vadd.f32 v19, v9  }
0x1f6: {  	[tilespmem:s8+$0xB0] =	vst v14;
	v9 =	vadd.f32 v10, v9;
	v10 =	vmul.f32 v17, v2;
	v12 =	vadd.f32 v12, v7  }
0x1f7: {  	v14 =	vadd.f32 v16, v5;
	[tilespmem:s8+$0xC0] =	vst v15;
	v13 =	vmul.f32 v13, v3  }
0x1f8: {  	v9 =	vmul.f32 v9, v4;
	v10 =	vadd.f32 v10, v6;
	[tilespmem:s8+$0xE0] =	vst v12  }
0x1f9: {  	s19 =	sshll.u32 s17, $0x10;
	[tilespmem:s8+$0xFFFFFF00] =	vst v14;
	v11 =	vadd.f32 v13, v7  }
0x1fa: {  	s20 =	sadd.s32 s6, s19;
	v9 =	vadd.f32 v9, v8;
	[tilespmem:s8+$0xFFFFFF10] =	vst v10  }
0x1fb: {  	s1 =	sshrl.u32 s20, $0x3;
	[tilespmem:s8+$0xFFFFFF20] =	vst v11  }
0x1fc: {  	p0 =	seq.s32 s17, $0x0;
	s1 =	sadd.s32 s4, s1;
	[tilespmem:s8+$0xFFFFFF30] =	vst v9  }
0x1fd: {  	[hbm4b:s1+s5] =	stream.linear.scatter [tilespmem:s15], [sflag:$0x5], $0x4000, $0x38;
	[tilespmem:$0x16880] =	vst v63  }
0x1fe: {  	s10 =	sshll.u32 s17, $0x2;
	s1 =	simm.s32 @!p0 $0x7  }
0x1ff: {  	s8 =	sor.u32 $0x2, s10;
	_ =	swait.ge @!p0 [sflag:s1], $0x4000  }
0x200: {  	s28 =	sshll.u32 s8, $0x8;
	[sflag:s1] =	ssyncset.done @!p0 $0x0  }
0x201: {  	s12 =	sand.u32 $0x3FFFFF00, s28;
	[sflag:s1] =	ssyncadd.s32 @!p0 $0xFFFFC000  }
0x202: {  	[tilespmem:s26], [sflag:$0x3] =	stream.indirect.gather [hbm4b:s7+s14], $0x40, s12, s14, $0xb8;
	[tilespmem:$0x16880] =	vst v63  }
0x203: {  	s13 =	simm.s32 $0x10400;
	s1 =	sor.u32 $0x80, s12  }
0x204: {  	[tilespmem:s13], [sflag:$0x3] =	stream.indirect.gather [hbm4b:s7+s14], $0x40, s1, s14, $0xb8;
	[tilespmem:$0x16880] =	vst v63  }
0x205: {  	_ =	swait.ge [sflag:s29], $0x4000  }
0x206: {  	[sflag:s29] =	ssyncset.done $0x0  }
0x207: {  	s16 =	simm.s32 $0xA500;
	[sflag:s29] =	ssyncadd.s32 $0xFFFFC000  }
0x208: {  	v9 =	vld [tilespmem:s16+$0x30]  }
0x209: {  	v10 =	vld [tilespmem:s16+$0xFFFFFF00]  }
0x20a: {  	v11 =	vld [tilespmem:s16+$0xA0]  }
0x20b: {  	v12 =	vld [tilespmem:s16+$0xB0]  }
0x20c: {  	v13 =	vld [tilespmem:s16+$0x90]  }
0x20d: {  	v14 =	vld [tilespmem:s16+$0x80]  }
0x20e: {  	v17 =	vld [tilespmem:s16+$0x50]  }
0x20f: {  	v18 =	vld [tilespmem:s16+$0x40]  }
0x210: {  	v19 =	vld [tilespmem:s16+$0x20]  }
0x211: {  	s28 =	simm.s32 $0x4;
	v20 =	vld [tilespmem:s16+$0x10]  }
0x212: {  	v43 =	vmov s28;
	v23 =	vld [tilespmem:s16+$0x0]  }
0x213: {  	v37 =	vshrl.u32 v43, $0x3;
	s12 =	simm.s32 $0x5;
	v61 =	vld [tilespmem:s16+$0xFFFFFF70]  }
0x214: {  	v44 =	vmov s12;
	s12 =	simm.s32 $0x3;
	v42 =	vld [tilespmem:s16+$0xFFFFFF60];
	v21 =	vmul.f32 v9, v9;
	v22 =	vmul.f32 v11, v11  }
0x215: {  	v47 =	vmov s12;
	v16 =	vld [tilespmem:s16+$0x60];
	v24 =	vmul.f32 v10, v10;
	v25 =	vmul.f32 v12, v12  }
0x216: {  	v15 =	vld [tilespmem:s16+$0x70];
	v11 =	vadd.f32 v12, v11;
	v12 =	vadd.f32 v13, v14;
	v14 =	vmul.f32 v14, v14  }
0x217: {  	v26 =	vld [tilespmem:s16+$0xFFFFFFF0];
	v13 =	vmul.f32 v13, v13;
	v29 =	vmul.f32 v17, v17;
	v9 =	vadd.f32 v9, v19  }
0x218: {  	v27 =	vld [tilespmem:s16+$0xFFFFFFE0];
	v19 =	vmul.f32 v19, v19;
	v31 =	vmul.f32 v20, v20;
	v20 =	vadd.f32 v20, v23  }
0x219: {  	v28 =	vld [tilespmem:s16+$0xFFFFFFD0];
	v23 =	vmul.f32 v23, v23;
	v17 =	vadd.f32 v17, v18;
	v48 =	vadd.f32 v61, v42  }
0x21a: {  	v30 =	vld [tilespmem:s16+$0xFFFFFFB0];
	v22 =	vadd.f32 v25, v22;
	v25 =	vmul.f32 v16, v16;
	v11 =	vadd.f32 v11, v12  }
0x21b: {  	v60 =	vld [tilespmem:s16+$0xFFFFFFA0];
	v12 =	vadd.f32 v15, v16;
	v15 =	vmul.f32 v15, v15;
	v14 =	vadd.f32 v13, v14  }
0x21c: {  	s20 =	simm.s32 $0x6;
	v63 =	vld [tilespmem:s16+$0xFFFFFF50];
	v13 =	vmul.f32 v18, v18;
	v18 =	vmul.f32 v26, v26;
	v19 =	vadd.f32 v21, v19  }
0x21d: {  	v16 =	vld [tilespmem:s16+$0xFFFFFFC0];
	v23 =	vadd.f32 v31, v23;
	v31 =	vmov s20;
	v26 =	vadd.f32 v26, v27  }
0x21e: {  	v21 =	vld [tilespmem:s16+$0xFFFFFF80];
	v9 =	vadd.f32 v9, v20;
	v20 =	vshrl.u32 v31, $0x3;
	v13 =	vadd.f32 v29, v13  }
0x21f: {  	v31 =	vld [tilespmem:s16+$0xFFFFFF30];
	v12 =	vadd.f32 v12, v17;
	v17 =	vmul.f32 v27, v27;
	v19 =	vadd.f32 v19, v23  }
0x220: {  	v62 =	vmul.f32 v28, v28;
	v29 =	vld [tilespmem:s16+$0xFFFFFF90];
	v27 =	vadd.f32 v30, v60;
	v15 =	vadd.f32 v15, v25  }
0x221: {  	v23 =	vld [tilespmem:s16+$0xFFFFFF40];
	v30 =	vmul.f32 v30, v30;
	(xrf2) =	vadd.scan.msk.f32 $0xffff, v11;
	v11 =	vmul.f32 v61, v61;
	v17 =	vadd.f32 v18, v17  }
0x222: {  	v25 =	vld [tilespmem:s16+$0xFFFFFF20];
	v18 =	vshrl.u32 v47, $0x3;
	v28 =	vadd.f32 v28, v16;
	v16 =	vmul.f32 v16, v16  }
0x223: {  	s12 =	simm.s32 $0xA700;
	v14 =	vadd.f32 v22, v14;
	v22 =	vld [tilespmem:s16+$0xC0];
	v15 =	vadd.f32 v15, v13;
	v18 =	vshll.u32 v18, v0  }
0x224: {  	v56 =	vld [tilespmem:s12+$0x70];
	v46 =	vmul.f32 v31, v31;
	v18 =	vadd.s32 $0x3, v18;
	v16 =	vadd.f32 v62, v16  }
0x225: {  	v41 =	vmul.f32 v29, v29;
	v29 =	vadd.f32 v29, v21;
	v26 =	vadd.f32 v26, v28;
	v28 =	vld [tilespmem:s16+$0xFFFFFF10]  }
0x226: {  	v52 =	vld [tilespmem:s12+$0x80];
	v21 =	vmul.f32 v21, v21;
	v45 =	vadd.f32 v63, v23;
	v23 =	vmul.f32 v23, v23  }
0x227: {  	v13 =	vmul.f32 v25, v25;
	v25 =	vadd.f32 v31, v25;
	v31 =	vmul.f32 v60, v60  }
0x228: {  	v34 =	vld [tilespmem:s12+$0x30];
	v55 =	vmul.f32 v22, v22;
	v27 =	vadd.f32 v27, v29;
	v21 =	vadd.f32 v41, v21;
	(xrf2) =	vadd.scan.msk.f32 $0xffff, v26  }
0x229: {  	v29 =	vshrl.u32 v44, $0x3;
	v38 =	vadd.f32 v46, v13;
	(xrf2) =	vadd.scan.msk.f32 $0xffff, v9;
	v9 =	vmul.f32 v63, v63  }
0x22a: {  	v26 =	vld [tilespmem:s16+$0xF0];
	v41 =	vmul.f32 v56, v56;
	(xrf2) =	vadd.scan.msk.f32 $0xffff, v12;
	v12 =	vshll.u32 v37, v0;
	v10 =	vadd.f32 v28, v10  }
0x22b: {  	v37 =	vmul.f32 v52, v52;
	v49 =	vadd.s32 $0x4, v12;
	v9 =	vadd.f32 v9, v23;
	v23 =	vld [tilespmem:s16+$0xD0]  }
0x22c: {  	v12 =	vshll.u32 v29, v0;
	(xrf2) =	vadd.scan.msk.f32 $0xffff, v15;
	v13 =	vadd.f32 v25, v10;
	v10 =	vmul.f32 v42, v42  }
0x22d: {  	v60 =	vld [tilespmem:s12+$0x40];
	v28 =	vmul.f32 v28, v28;
	v12 =	vadd.s32 $0x5, v12;
	(xrf2) =	vadd.scan.msk.f32 $0xffff, v27;
	v27 =	vmul.f32 v34, v34  }
0x22e: {  	v25 =	vadd.f32 v48, v45;
	v11 =	vadd.f32 v11, v10;
	v10 =	vbroadcast v18, $0x0;
	v18 =	vld [tilespmem:s16+$0xE0];
	s16 =	simm.s32 $0x0  }
0x22f: {  	v62 =	vld [tilespmem:s12+$0x20];
	v33 =	vbroadcast v12, $0x0;
	v15 =	vmul.f32 v26, v26;
	v51 =	vmov s16  }
0x230: {  	s13 =	simm.s32 $0x2;
	v54 =	vmul.f32 v23, v23;
	v22 =	vadd.f32 v23, v22;
	v29 =	vadd.f32 v11, v9  }
0x231: {  	v50 =	vld [tilespmem:s12+$0x90];
	v9 =	vmov s13;
	v11 =	vadd.f32 v28, v24;
	v24 =	vadd.f32 v17, v16  }
0x232: {  	v63 =	vld [tilespmem:s12+$0x10];
	v16 =	vadd.f32 v30, v31;
	v17 =	vshll.u32 v20, v0;
	v36 =	vshrl.u32 v51, $0x3  }
0x233: {  	v12 =	vld [tilespmem:s12+$0xFFFFFF00];
	v51 =	vmul.f32 v60, v60;
	v9 =	vshrl.u32 v9, $0x3;
	v17 =	vadd.s32 $0x6, v17  }
0x234: {  	v48 =	vld [tilespmem:s12+$0x0];
	v31, _, _ =	vpop (xrf2);
	v23 =	vshll.u32 v36, v0;
	v58 =	vadd.f32 v54, v55;
	v54 =	vmul.f32 v62, v62  }
0x235: {  	v20 =	vld [tilespmem:s12+$0xA0];
	v35, _, _ =	vpop (xrf2);
	v9 =	vshll.u32 v9, v0;
	v28 =	vadd.f32 v38, v11;
	v11 =	vadd.f32 v16, v21  }
0x236: {  	v30 =	vld [tilespmem:s12+$0xB0];
	v21 =	vbroadcast v49, $0x0;
	v53, _, _ =	vpop (xrf2);
	(xrf2) =	vadd.scan.msk.f32 $0xffff, v19;
	v19 =	vmul.f32 v50, v50;
	v9 =	vadd.s32 $0x2, v9  }
0x237: {  	s11 =	simm.s32 $0x7;
	v55 =	vld [tilespmem:s12+$0xFFFFFFC0];
	v16 =	vmul.f32 v18, v18;
	v18 =	vadd.f32 v26, v18;
	(xrf2) =	vadd.scan.msk.f32 $0xffff, v29;
	v29 =	vadd.f32 v34, v62  }
0x238: {  	v49 =	vld [tilespmem:s12+$0xFFFFFFF0];
	v27 =	vadd.f32 v27, v54;
	v62 =	vmov s11;
	v9 =	vbroadcast v9, $0x0  }
0x239: {  	v26 =	vld [tilespmem:s12+$0x60];
	v19 =	vadd.f32 v19, v37;
	(xrf2) =	vadd.scan.msk.f32 $0xffff, v24;
	v24 =	vmul.f32 v63, v63;
	v15 =	vadd.f32 v15, v16  }
0x23a: {  	v37 =	vld [tilespmem:s12+$0xFFFFFFE0];
	v16 =	vbroadcast v23, $0x0;
	v22 =	vadd.f32 v18, v22;
	v59 =	vmul.f32 v20, v20  }
0x23b: {  	v57, _, _ =	vpop (xrf2);
	v23 =	vld [tilespmem:s12+$0x50];
	v61 =	vmul.f32 v30, v30;
	v20 =	vadd.f32 v30, v20;
	v30 =	vadd.f32 v50, v52  }
0x23c: {  	[tilespmem:v33+s22+$0x0] =	vst.idx.msk vm0, v57;
	v18 =	vbroadcast v17, $0x0;
	v43 =	vmul.f32 v55, v55;
	v36 =	vadd.f32 v15, v58  }
0x23d: {  	s20 =	simm.s32 $0x1;
	v50, _, _ =	vpop (xrf2);
	(xrf2) =	vadd.scan.msk.f32 $0xffff, v14;
	v15 =	vmul.f32 v12, v12;
	v17 =	vadd.f32 v61, v59;
	v20 =	vadd.f32 v20, v30  }
0x23e: {  	v32 =	vld [tilespmem:s12+$0xFFFFFFA0];
	v57, _, _ =	vpop (xrf2);
	(xrf2) =	vadd.scan.msk.f32 $0xffff, v25;
	v30 =	vmov s20;
	v25 =	vmul.f32 v49, v49;
	v38 =	vmul.f32 v26, v26  }
0x23f: {  	v42 =	vld [tilespmem:s12+$0xFFFFFFB0];
	[tilespmem:v10+s22+$0x0] =	vst.idx.msk vm0, v35;
	v26 =	vadd.f32 v56, v26;
	v30 =	vshrl.u32 v30, $0x3;
	v56 =	vmul.f32 v48, v48  }
0x240: {  	v58 =	vld [tilespmem:s12+$0xFFFFFF90];
	v30 =	vshll.u32 v30, v0;
	v39 =	vadd.f32 v49, v37;
	v52 =	vmul.f32 v23, v23  }
0x241: {  	s28 =	simm.s32 $0xE;
	[tilespmem:v21+s22+$0x0] =	vst.idx.msk vm0, v53;
	v53 =	vld [tilespmem:s12+$0xFFFFFFD0];
	v14 =	vadd.s32 $0x1, v30;
	v30 =	vadd.f32 v63, v48;
	v23 =	vadd.f32 v23, v60  }
0x242: {  	[tilespmem:v33+s23+$0x0] =	vst.idx.msk vm0, v50;
	v59 =	vmov s28;
	v24 =	vadd.f32 v24, v56;
	v38 =	vadd.f32 v41, v38  }
0x243: {  	v47 =	vld [tilespmem:s12+$0xFFFFFF70];
	v37 =	vmul.f32 v37, v37;
	v33 =	vadd.f32 v52, v51;
	v23 =	vadd.f32 v26, v23  }
0x244: {  	[tilespmem:v9+s22+$0x0] =	vst.idx.msk vm0, v57;
	v60 =	vld [tilespmem:s12+$0xFFFFFF80];
	v14 =	vbroadcast v14, $0x0;
	v52 =	vadd.f32 v27, v24;
	v27 =	vadd.f32 v42, v32  }
0x245: {  	(xrf2) =	vadd.scan.msk.f32 $0xffff, v13;
	v29 =	vadd.f32 v29, v30;
	v13 =	vmul.f32 v58, v58;
	v42 =	vmul.f32 v42, v42  }
0x246: {  	v57 =	vld [tilespmem:s12+$0xFFFFFF10];
	[tilespmem:v18+s22+$0x0] =	vst.idx.msk vm0, v31;
	v63, _, _ =	vpop (xrf2);
	v30 =	vshrl.u32 v59, $0x3;
	v32 =	vmul.f32 v32, v32;
	v61 =	vmul.f32 v53, v53  }
0x247: {  	s13 =	simm.s32 $0xC;
	v45 =	vadd.f32 v53, v55;
	[tilespmem:v21+s23+$0x0] =	vst.idx.msk vm0, v63;
	v21 =	vshrl.u32 v62, $0x3;
	v53 =	vld [tilespmem:s12+$0xFFFFFF30];
	v54, _, _ =	vpop (xrf2);
	(xrf2) =	vadd.scan.msk.f32 $0xffff, v28  }
0x248: {  	v55 =	vld [tilespmem:s12+$0xFFFFFF20];
	v63 =	vmul.f32 v47, v47;
	(xrf2) =	vadd.scan.msk.f32 $0xffff, v22;
	v22 =	vmov s13;
	v21 =	vshll.u32 v21, v0  }
0x249: {  	s16 =	simm.s32 $0xD;
	v56, _, _ =	vpop (xrf2);
	v33 =	vadd.f32 v38, v33;
	v35 =	vadd.f32 v61, v43;
	v28 =	vmul.f32 v60, v60  }
0x24a: {  	v31 =	vld [tilespmem:s12+$0xFFFFFF40];
	v34 =	vadd.f32 v58, v60;
	v39 =	vadd.f32 v39, v45;
	v58, _, _ =	vpop (xrf2);
	(xrf2) =	vadd.scan.msk.f32 $0xffff, v20;
	v20 =	vmov s16  }
0x24b: {  	s20 =	simm.s32 $0xB;
	v24 =	vld [tilespmem:s12+$0xFFFFFF50];
	v21 =	vadd.s32 $0x7, v21;
	v12 =	vadd.f32 v57, v12;
	[tilespmem:v10+s23+$0x0] =	vst.idx.msk vm0, v56;
	v28 =	vadd.f32 v13, v28;
	v13, _, _ =	vpop (xrf2)  }
0x24c: {  	(xrf2) =	vadd.scan.msk.f32 $0xffff, v36;
	v60 =	vbroadcast v21, $0x0;
	v21 =	vmov s20;
	[tilespmem:v14+s22+$0x0] =	vst.idx.msk vm0, v13  }
0x24d: {  	v13 =	vmul.f32 v53, v53;
	v61 =	vadd.f32 v53, v55;
	v62 =	vmul.f32 v55, v55  }
0x24e: {  	v26 =	vld [tilespmem:s12+$0xFFFFFF60];
	v22 =	vshrl.u32 v22, $0x3;
	v20 =	vshrl.u32 v20, $0x3;
	[tilespmem:v18+s23+$0x0] =	vst.idx.msk vm0, v58;
	(xrf2) =	vadd.scan.msk.f32 $0xffff, v39  }
0x24f: {  	(xrf2) =	vadd.scan.msk.f32 $0xffff, v29;
	v39 =	vadd.f32 v13, v62;
	v13 =	vadd.f32 v61, v12;
	v12 =	vshrl.u32 v21, $0x3  }
0x250: {  	v18 =	vadd.f32 v17, v19;
	v59 =	vadd.f32 v24, v31;
	(xrf2) =	vadd.scan.msk.f32 $0xffff, v23;
	v21, _, _ =	vpop (xrf2);
	v12 =	vshll.u32 v12, v0  }
0x251: {  	[tilespmem:v16+s22+$0x0] =	vst.idx.msk vm0, v21;
	v21 =	vmul.f32 v24, v24;
	v24 =	vadd.s32 $0x3, v12;
	v12 =	vshll.u32 v20, v0  }
0x252: {  	v31 =	vmul.f32 v31, v31;
	v23 =	vadd.f32 v25, v37;
	(xrf2) =	vadd.scan.msk.f32 $0xffff, v11;
	v11, _, _ =	vpop (xrf2);
	v12 =	vadd.s32 $0x5, v12  }
0x253: {  	s28 =	simm.s32 $0xA;
	v25 =	vmul.f32 v26, v26;
	[tilespmem:v16+s23+$0x0] =	vst.idx.msk vm0, v11;
	v11 =	vshll.u32 v22, v0  }
0x254: {  	v17 =	vmov s28;
	v27 =	vadd.f32 v27, v34;
	v29 =	vadd.f32 v47, v26;
	[tilespmem:v14+s23+$0x0] =	vst.idx.msk vm0, v54;
	v20, _, _ =	vpop (xrf2)  }
0x255: {  	v16 =	vadd.f32 v63, v25;
	v25 =	vadd.f32 v21, v31;
	v21 =	vbroadcast v12, $0x0;
	v12, _, _ =	vpop (xrf2);
	(xrf2) =	vadd.scan.msk.f32 $0xffff, v33  }
0x256: {  	v14 =	vadd.f32 v29, v59;
	v22 =	vmul.f32 v57, v57;
	v26 =	vadd.s32 $0x4, v11;
	[tilespmem:v60+s22+$0x0] =	vst.idx.msk vm0, v20;
	v11, _, _ =	vpop (xrf2)  }
0x257: {  	v29 =	vld [tilespmem:s12+$0xF0];
	v10 =	vbroadcast v24, $0x0;
	[tilespmem:v60+s23+$0x0] =	vst.idx.msk vm0, v11;
	v11 =	vshrl.u32 v17, $0x3;
	v17 =	vadd.f32 v42, v32  }
0x258: {  	v31 =	vld [tilespmem:s12+$0xE0];
	v20 =	vshll.u32 v30, v0;
	v25 =	vadd.f32 v16, v25;
	v19 =	vadd.f32 v22, v15  }
0x259: {  	v22 =	vadd.s32 $0x6, v20;
	v20 =	vbroadcast v26, $0x0;
	v26 =	vld [tilespmem:s12+$0xD0];
	(xrf2) =	vadd.scan.msk.f32 $0xffff, v27;
	v16, _, _ =	vpop (xrf2);
	v11 =	vshll.u32 v11, v0  }
0x25a: {  	v24 =	vadd.f32 v23, v35;
	v15, _, _ =	vpop (xrf2);
	v23 =	vadd.s32 $0x2, v11;
	v11 =	vadd.f32 v17, v28;
	v28 =	vld [tilespmem:s12+$0xC0]  }
0x25b: {  	v17, _, _ =	vpop (xrf2)  }
0x25c: {  	v27 =	vmul.f32 v29, v29;
	(xrf2) =	vadd.scan.msk.f32 $0xffff, v52;
	[tilespmem:v21+s22+$0x0] =	vst.idx.msk vm0, v17;
	v17 =	vbroadcast v23, $0x0  }
0x25d: {  	s1 =	simm.s32 $0x8;
	s11 =	simm.s32 $0x10;
	v19 =	vadd.f32 v39, v19;
	s12 =	simm.s32 $0xA900;
	v30, _, _ =	vpop (xrf2);
	v23 =	vadd.f32 v29, v31;
	v29 =	vmul.f32 v31, v31  }
.LBB2_12:
0x25e: {  	v31 =	vld [tilespmem:s12+$0x30];
	p1 =	slt.u32 s11, $0xF8;
	v32 =	vmov s1;
	v33 =	vmul.f32 v26, v26;
	[tilespmem:v9+s23+$0x0] =	vst.idx.msk vm0, v30;
	v9 =	vmov v17;
	s13 =	smov.u32 s11;
	s11 =	sadd.s32 $0x8, s11  }
0x25f: {  	v17 =	vld [tilespmem:s12+$0xFFFFFF00];
	[tilespmem:v20+s22+$0x0] =	vst.idx.msk vm0, v15;
	v15 =	vadd.f32 v26, v28;
	v26 =	vmul.f32 v28, v28;
	(xrf2) =	vadd.scan.msk.f32 $0xffff, v25;
	v25, _, _ =	vpop (xrf2)  }
0x260: {  	v30 =	vshrl.u32 v32, $0x3;
	v28 =	vld [tilespmem:s12+$0xA0];
	[tilespmem:v21+s23+$0x0] =	vst.idx.msk vm0, v25;
	v25 =	vadd.f32 v27, v29  }
0x261: {  	v21 =	vshll.u32 v30, v0;
	v27 =	vld [tilespmem:s12+$0xB0];
	v23 =	vadd.f32 v23, v15;
	v30 =	vadd.f32 v33, v26  }
0x262: {  	v21 =	vbroadcast v21, $0x0;
	v26 =	vld [tilespmem:s12+$0x90];
	(xrf2) =	vadd.scan.msk.f32 $0xffff, v24  }
0x263: {  	v24 =	vmul.f32 v31, v31;
	v29 =	vld [tilespmem:s12+$0x80];
	v25 =	vadd.f32 v25, v30;
	v15, _, _ =	vpop (xrf2)  }
0x264: {  	v30 =	vld [tilespmem:s12+$0x70]  }
0x265: {  	v32 =	vld [tilespmem:s12+$0x60];
	(xrf2) =	vadd.scan.msk.f32 $0xffff, v18  }
0x266: {  	v18 =	vmul.f32 v28, v28;
	v33 =	vld [tilespmem:s12+$0x50];
	[tilespmem:v9+s22+$0x0] =	vst.idx.msk vm0, v15;
	v34, _, _ =	vpop (xrf2)  }
0x267: {  	v15 =	vmul.f32 v17, v17;
	v28 =	vadd.f32 v27, v28;
	v27 =	vmul.f32 v27, v27;
	v35 =	vld [tilespmem:s12+$0x40]  }
0x268: {  	v22 =	vbroadcast v22, $0x0;
	v36 =	vld [tilespmem:s12+$0x20];
	v37 =	vadd.f32 v26, v29;
	v29 =	vmul.f32 v29, v29;
	(xrf2) =	vadd.scan.msk.f32 $0xffff, v14  }
0x269: {  	s16 =	sadd.s32 $0x1, s1;
	v26 =	vmul.f32 v26, v26;
	v18 =	vadd.f32 v27, v18;
	v14 =	vld [tilespmem:s12+$0x10];
	[tilespmem:v10+s22+$0x0] =	vst.idx.msk vm0, v16;
	v16, _, _ =	vpop (xrf2)  }
0x26a: {  	v27 =	vld [tilespmem:s12+$0x0];
	v38 =	vmul.f32 v32, v32;
	v28 =	vadd.f32 v28, v37;
	v37 =	vmov s16;
	[tilespmem:v20+s23+$0x0] =	vst.idx.msk vm0, v34  }
0x26b: {  	v32 =	vadd.f32 v30, v32;
	v30 =	vmul.f32 v30, v30;
	v20 =	vadd.f32 v26, v29;
	v34 =	vld [tilespmem:s12+$0xFFFFFFF0];
	(xrf2) =	vadd.scan.msk.f32 $0xffff, v13  }
0x26c: {  	v29 =	vmul.f32 v33, v33;
	v37 =	vshrl.u32 v37, $0x3;
	v13 =	vld [tilespmem:s12+$0xFFFFFFE0];
	v26 =	vmul.f32 v35, v35;
	v39, _, _ =	vpop (xrf2)  }
0x26d: {  	v37 =	vshll.u32 v37, v0;
	v40 =	vld [tilespmem:s12+$0xFFFFFFD0];
	v31 =	vadd.f32 v31, v36;
	v36 =	vmul.f32 v36, v36  }
0x26e: {  	s16 =	sadd.s32 $0x6, s13;
	v41 =	vld [tilespmem:s12+$0xFFFFFFC0];
	v42 =	vmul.f32 v14, v14;
	v26 =	vadd.f32 v29, v26;
	v29 =	vadd.s32 $0x1, v37;
	(xrf2) =	vadd.scan.msk.f32 $0xffff, v19  }
0x26f: {  	v33 =	vadd.f32 v33, v35;
	v19 =	vld [tilespmem:s12+$0xFFFFFFB0];
	v14 =	vadd.f32 v14, v27;
	v27 =	vmul.f32 v27, v27;
	v35, _, _ =	vpop (xrf2)  }
0x270: {  	v24 =	vadd.f32 v24, v36;
	v37 =	vld [tilespmem:s12+$0xFFFFFFA0];
	v43 =	vmul.f32 v34, v34;
	[tilespmem:v22+s22+$0x0] =	vst.idx.msk vm0, v12  }
0x271: {  	v36 =	vmov s16;
	v29 =	vbroadcast v29, $0x0;
	s16 =	sadd.s32 $0x7, s1;
	s1 =	smov.u32 s13;
	v12 =	vld [tilespmem:s12+$0xFFFFFF90];
	v27 =	vadd.f32 v42, v27;
	(xrf2) =	vadd.scan.msk.f32 $0xffff, v23  }
0x272: {  	v45 =	vmov s16;
	v34 =	vadd.f32 v34, v13;
	v42 =	vld [tilespmem:s12+$0xFFFFFF80];
	v44 =	vmul.f32 v40, v40;
	v46, _, _ =	vpop (xrf2)  }
0x273: {  	v32 =	vadd.f32 v32, v33;
	v47 =	vld [tilespmem:s12+$0xFFFFFF70];
	v40 =	vadd.f32 v40, v41;
	v41 =	vmul.f32 v41, v41  }
0x274: {  	s13 =	sadd.s32 $0x4, s1;
	v13 =	vmul.f32 v13, v13;
	v23 =	vadd.f32 v24, v27;
	v24 =	vshrl.u32 v45, $0x3;
	v33 =	vld [tilespmem:s12+$0xFFFFFF60];
	(xrf2) =	vadd.scan.msk.f32 $0xffff, v28  }
0x275: {  	v14 =	vadd.f32 v31, v14;
	v31 =	vshrl.u32 v36, $0x3;
	v27 =	vld [tilespmem:s12+$0xFFFFFF50];
	v28 =	vadd.f32 v19, v37;
	v36, _, _ =	vpop (xrf2)  }
0x276: {  	v30 =	vadd.f32 v30, v38;
	v41 =	vadd.f32 v44, v41;
	v45 =	vld [tilespmem:s12+$0xFFFFFF40];
	v48 =	vmul.f32 v12, v12  }
0x277: {  	v34 =	vadd.f32 v34, v40;
	v38 =	vld [tilespmem:s12+$0xFFFFFF30];
	v12 =	vadd.f32 v12, v42;
	v42 =	vmul.f32 v42, v42;
	(xrf2) =	vadd.scan.msk.f32 $0xffff, v25  }
0x278: {  	v24 =	vshll.u32 v24, v0;
	v19 =	vmul.f32 v19, v19;
	v40 =	vmov s13;
	s13 =	sadd.s32 $0x5, s1;
	v25 =	vld [tilespmem:s12+$0xFFFFFF20];
	[tilespmem:v29+s22+$0x0] =	vst.idx.msk vm0, v46;
	v44, _, _ =	vpop (xrf2)  }
0x279: {  	s16 =	sadd.s32 $0x3, s1;
	v46 =	vld [tilespmem:s12+$0xFFFFFF10];
	v28 =	vadd.f32 v28, v12;
	v12 =	vmov s13;
	[tilespmem:v29+s23+$0x0] =	vst.idx.msk vm0, v16;
	v16 =	vadd.s32 $0x7, v24  }
0x27a: {  	v29 =	vadd.f32 v48, v42;
	v24 =	vshrl.u32 v12, $0x3;
	(xrf2) =	vadd.scan.msk.f32 $0xffff, v34;
	[tilespmem:v21+s22+$0x0] =	vst.idx.msk vm0, v36  }
0x27b: {  	v16 =	vbroadcast v16, $0x0;
	v34 =	vadd.f32 v27, v45;
	v36 =	vmul.f32 v45, v45;
	[tilespmem:v21+s23+$0x0] =	vst.idx.msk vm0, v44;
	v21, _, _ =	vpop (xrf2)  }
0x27c: {  	v26 =	vadd.f32 v30, v26;
	v44 =	vmov s16;
	v42 =	vmul.f32 v38, v38;
	[tilespmem:v10+s23+$0x0] =	vst.idx.msk vm0, v39  }
0x27d: {  	v30 =	vmul.f32 v37, v37;
	v10 =	vadd.f32 v38, v25;
	v25 =	vmul.f32 v25, v25;
	(xrf2) =	vadd.scan.msk.f32 $0xffff, v14  }
0x27e: {  	v37 =	vshrl.u32 v40, $0x3;
	v14 =	vadd.f32 v46, v17;
	v17 =	vadd.f32 v47, v33;
	v12, _, _ =	vpop (xrf2);
	[tilespmem:v22+s23+$0x0] =	vst.idx.msk vm0, v35  }
0x27f: {  	v35 =	vadd.f32 v43, v13;
	v22 =	vadd.f32 v42, v25;
	v25 =	vmul.f32 v47, v47  }
0x280: {  	v13 =	vadd.f32 v10, v14;
	v10 =	vmul.f32 v33, v33;
	v33 =	vshrl.u32 v44, $0x3;
	(xrf2) =	vadd.scan.msk.f32 $0xffff, v32  }
0x281: {  	v14 =	vadd.f32 v17, v34;
	v17 =	vshll.u32 v33, v0;
	[tilespmem:v16+s22+$0x0] =	vst.idx.msk vm0, v21;
	v21, _, _ =	vpop (xrf2)  }
0x282: {  	v27 =	vmul.f32 v27, v27;
	v32 =	vshll.u32 v37, v0;
	v17 =	vadd.s32 $0x3, v17;
	[tilespmem:v16+s23+$0x0] =	vst.idx.msk vm0, v21  }
0x283: {  	v21 =	vadd.f32 v25, v10;
	v10 =	vbroadcast v17, $0x0;
	v17 =	vadd.s32 $0x4, v32;
	(xrf2) =	vadd.scan.msk.f32 $0xffff, v11  }
0x284: {  	s13 =	sadd.s32 $0x2, s1;
	v24 =	vshll.u32 v24, v0;
	v25 =	vadd.f32 v27, v36;
	v11 =	vmul.f32 v46, v46;
	v16, _, _ =	vpop (xrf2)  }
0x285: {  	v18 =	vadd.f32 v18, v20;
	v24 =	vadd.s32 $0x5, v24  }
0x286: {  	v20 =	vmov s13;
	v25 =	vadd.f32 v21, v25;
	v21 =	vbroadcast v24, $0x0;
	(xrf2) =	vadd.scan.msk.f32 $0xffff, v26  }
0x287: {  	v20 =	vshrl.u32 v20, $0x3;
	v24 =	vadd.f32 v35, v41;
	v11 =	vadd.f32 v11, v15;
	v15, _, _ =	vpop (xrf2)  }
0x288: {  	v20 =	vshll.u32 v20, v0;
	v27 =	vshll.u32 v31, v0;
	v26 =	vadd.f32 v19, v30;
	v31 =	vld [tilespmem:s12+$0xF0]  }
0x289: {  	v30 =	vadd.s32 $0x2, v20;
	v19 =	vadd.f32 v22, v11;
	v22 =	vadd.s32 $0x6, v27;
	v32 =	vld [tilespmem:s12+$0xE0]  }
.Ltmp8:
0x28a: {  	v20 =	vbroadcast v17, $0x0;
	v11 =	vadd.f32 v26, v29;
	v26 =	vld [tilespmem:s12+$0xD0];
	(xrf2) =	vadd.scan.msk.f32 $0xffff, v28;
	v17, _, _ =	vpop (xrf2);
	(pc) =	sbr.rel @p1 .LBB2_12-.Ltmp8, $4  }
0x28b: {  	v28 =	vld [tilespmem:s12+$0xC0]  }
0x28c: {  	[tilespmem:v21+s22+$0x0] =	vst.idx.msk vm0, v17  }
0x28d: {  	s20 =	simm.s32 $0x16710;
	s16 =	simm.s32 $0x16610;
	v17 =	vbroadcast v30, $0x0;
	v27 =	vmul.f32 v31, v31;
	(xrf2) =	vadd.scan.msk.f32 $0xffff, v23;
	v30, _, _ =	vpop (xrf2)  }
0x28e: {  	s28 =	simm.s32 $0x16510;
	s13 =	simm.s32 $0x16410;
	s12 =	sadd.s32 $0x200, s12;
	v23 =	vadd.f32 v31, v32;
	v29 =	vmul.f32 v32, v32  }
0x28f: {  	(xrf2) =	vadd.scan.msk.f32 $0xffff, v25  }
0x290: {  	(xrf2) =	vadd.scan.msk.f32 $0xffff, v24  }
0x291: {  	v42 =	vmul.f32 v26, v26;
	v43 =	vmul.f32 v28, v28;
	(xrf2) =	vadd.scan.msk.f32 $0xffff, v18  }
0x292: {  	s11 =	sadd.s32 $0x1, s1;
	v45 =	vmov s1;
	v50 =	vbroadcast v22, $0x0;
	v46 =	vadd.f32 v26, v28;
	(xrf2) =	vadd.scan.msk.f32 $0xffff, v14  }
0x293: {  	v44 =	vmov s11;
	v48 =	vadd.f32 v27, v29;
	v14 =	vadd.f32 v42, v43  }
0x294: {  	[tilespmem:v9+s23+$0x0] =	vst.idx.msk vm0, v30;
	v47 =	vshrl.u32 v44, $0x3;
	v9 =	vadd.f32 v23, v46;
	(xrf2) =	vadd.scan.msk.f32 $0xffff, v13  }
0x295: {  	[tilespmem:v20+s22+$0x0] =	vst.idx.msk vm0, v15;
	v13 =	vshll.u32 v47, v0;
	(xrf2) =	vadd.scan.msk.f32 $0xffff, v19;
	v14 =	vadd.f32 v48, v14  }
0x296: {  	s12 =	sadd.s32 $0x7, s1;
	[tilespmem:v10+s22+$0x0] =	vst.idx.msk vm0, v16;
	v49, _, _ =	vpop (xrf2);
	v52 =	vshrl.u32 v45, $0x3;
	v13 =	vadd.s32 $0x1, v13;
	(xrf2) =	vadd.scan.msk.f32 $0xffff, v9  }
0x297: {  	v55 =	vmov s12;
	[tilespmem:v21+s23+$0x0] =	vst.idx.msk vm0, v49;
	v51, _, _ =	vpop (xrf2);
	v13 =	vbroadcast v13, $0x0;
	(xrf2) =	vadd.scan.msk.f32 $0xffff, v14  }
0x298: {  	v15 =	vshll.u32 v52, v0;
	v57 =	vshrl.u32 v55, $0x3;
	[tilespmem:v17+s22+$0x0] =	vst.idx.msk vm0, v51;
	v53, _, _ =	vpop (xrf2);
	(xrf2) =	vadd.scan.msk.f32 $0xffff, v11  }
0x299: {  	v16 =	vshll.u32 v57, v0;
	v9 =	vbroadcast v15, $0x0;
	[tilespmem:v50+s22+$0x0] =	vst.idx.msk vm0, v12;
	v54, _, _ =	vpop (xrf2)  }
0x29a: {  	v59 =	vadd.s32 $0x7, v16;
	[tilespmem:v20+s23+$0x0] =	vst.idx.msk vm0, v53;
	v56, _, _ =	vpop (xrf2)  }
0x29b: {  	v12 =	vbroadcast v59, $0x0;
	v11, _, _ =	vpop (xrf2);
	[tilespmem:v10+s23+$0x0] =	vst.idx.msk vm0, v56  }
0x29c: {  	v58, _, _ =	vpop (xrf2);
	[tilespmem:v50+s23+$0x0] =	vst.idx.msk vm0, v11  }
0x29d: {  	[tilespmem:v13+s22+$0x0] =	vst.idx.msk vm0, v58  }
0x29e: {  	v60, _, _ =	vpop (xrf2);
	[tilespmem:v13+s23+$0x0] =	vst.idx.msk vm0, v54  }
0x29f: {  	v61, _, _ =	vpop (xrf2);
	[tilespmem:v9+s22+$0x0] =	vst.idx.msk vm0, v60  }
0x2a0: {  	[tilespmem:v9+s23+$0x0] =	vst.idx.msk vm0, v61;
	v9, _, _ =	vpop (xrf2)  }
0x2a1: {  	[tilespmem:v12+s22+$0x0] =	vst.idx.msk vm0, v9;
	v9, _, _ =	vpop (xrf2)  }
0x2a2: {  	[tilespmem:v12+s23+$0x0] =	vst.idx.msk vm0, v9;
	v9, _, _ =	vpop (xrf2)  }
0x2a3: {  	[tilespmem:v17+s23+$0x0] =	vst.idx.msk vm0, v9  }
0x2a4: {  	v9 =	vld [tilespmem:s13+$0xFFFFFFF0];
	_ =	sdelay $0x1  }
0x2a5: {  	v10 =	vld [tilespmem:s28+$0xFFFFFFF0];
	_ =	sdelay $0x2  }
0x2a6: {  	v9 =	vmul.f32 $1.562500000e-02, v9;
	_ =	sdelay $0x1  }
0x2a7: {  	v10 =	vmul.f32 $1.562500000e-02, v10;
	v11 =	vmul.f32 v9, v9;
	_ =	sdelay $0x1  }
0x2a8: {  	v10 =	vsub.f32 v10, v11;
	_ =	sdelay $0x1  }
0x2a9: {  	v10 =	vadd.f32 $9.999999740e-06, v10;
	_ =	sdelay $0x1  }
0x2aa: {  	v11 =	vshrl.u32 v10, $0x1;
	v10 =	vmul.f32 $5.000000000e-01, v10  }
0x2ab: {  	v11 =	vsub.s32 $0x5F3759DF, v11  }
0x2ac: {  	v62 =	vmul.f32 v11, v10;
	_ =	sdelay $0x1  }
0x2ad: {  	v12 =	vmul.f32 v11, v62;
	_ =	sdelay $0x1  }
0x2ae: {  	v12 =	vsub.f32 $1.500000000e+00, v12;
	_ =	sdelay $0x1  }
0x2af: {  	v11 =	vmul.f32 v11, v12;
	_ =	sdelay $0x1  }
0x2b0: {  	v10 =	vmul.f32 v11, v10;
	_ =	sdelay $0x1  }
0x2b1: {  	v10 =	vmul.f32 v10, v11;
	_ =	sdelay $0x1  }
0x2b2: {  	v10 =	vsub.f32 $1.500000000e+00, v10;
	_ =	sdelay $0x1  }
0x2b3: {  	v10 =	vmul.f32 v10, v11;
	_ =	sdelay $0x1  }
0x2b4: {  	v9 =	vmul.f32 v10, v9;
	_ =	sdelay $0x1  }
0x2b5: {  	v9 =	vsub.f32 $0.0e+00, v9  }
0x2b6: {  	[tilespmem:s16+$0xFFFFFFF0] =	vst v10  }
0x2b7: {  	[tilespmem:s20+$0xFFFFFFF0] =	vst v9  }
0x2b8: {  	v9 =	vld [tilespmem:s13+$0x0];
	_ =	sdelay $0x1  }
0x2b9: {  	v10 =	vld [tilespmem:s28+$0x0];
	_ =	sdelay $0x2  }
0x2ba: {  	v9 =	vmul.f32 $1.562500000e-02, v9;
	_ =	sdelay $0x1  }
0x2bb: {  	v10 =	vmul.f32 $1.562500000e-02, v10;
	v11 =	vmul.f32 v9, v9;
	_ =	sdelay $0x1  }
0x2bc: {  	v10 =	vsub.f32 v10, v11;
	_ =	sdelay $0x1  }
0x2bd: {  	v10 =	vadd.f32 $9.999999740e-06, v10;
	_ =	sdelay $0x1  }
0x2be: {  	v11 =	vshrl.u32 v10, $0x1;
	v10 =	vmul.f32 $5.000000000e-01, v10  }
0x2bf: {  	v11 =	vsub.s32 $0x5F3759DF, v11  }
0x2c0: {  	v63 =	vmul.f32 v11, v10;
	_ =	sdelay $0x1  }
0x2c1: {  	v12 =	vmul.f32 v11, v63;
	_ =	sdelay $0x1  }
0x2c2: {  	v12 =	vsub.f32 $1.500000000e+00, v12;
	_ =	sdelay $0x1  }
0x2c3: {  	v11 =	vmul.f32 v11, v12;
	_ =	sdelay $0x1  }
0x2c4: {  	v10 =	vmul.f32 v11, v10;
	_ =	sdelay $0x1  }
0x2c5: {  	v10 =	vmul.f32 v10, v11;
	_ =	sdelay $0x1  }
0x2c6: {  	v10 =	vsub.f32 $1.500000000e+00, v10;
	_ =	sdelay $0x1  }
0x2c7: {  	v10 =	vmul.f32 v10, v11  }
0x2c8: {  	p1 =	por $0x1, $0x1  }
.Ltmp9:
0x2c9: {  	v9 =	vmul.f32 v10, v9;
	(pc) =	sbr.rel @!p1 .LBB2_15-.Ltmp9, $4  }
0x2ca: {  	_ = 	snop  }
0x2cb: {  	v9 =	vsub.f32 $0.0e+00, v9  }
0x2cc: {  	s1 =	simm.s32 $0x0;
	[tilespmem:s16+$0x0] =	vst v10  }
0x2cd: {  	s11 =	simm.s32 $0x0;
	s12 =	simm.s32 $0x16430;
	s13 =	simm.s32 $0xA500;
	[tilespmem:s20+$0x0] =	vst v9  }
.LBB2_14:
0x2ce: {  	v9 =	vld [tilespmem:s12+$0xFFFFFFF0];
	s11 =	sadd.s32 $0x2, s11  }
0x2cf: {  	s28 =	sadd.s32 $0x20, s28;
	p1 =	slt.u32 s11, $0xE  }
0x2d0: {  	v10 =	vld [tilespmem:s28+$0xFFFFFFF0];
	_ =	sdelay $0x2  }
0x2d1: {  	v9 =	vmul.f32 $1.562500000e-02, v9;
	_ =	sdelay $0x1  }
0x2d2: {  	v10 =	vmul.f32 $1.562500000e-02, v10;
	v11 =	vmul.f32 v9, v9;
	_ =	sdelay $0x1  }
0x2d3: {  	v10 =	vsub.f32 v10, v11;
	_ =	sdelay $0x1  }
0x2d4: {  	v10 =	vadd.f32 $9.999999740e-06, v10;
	_ =	sdelay $0x1  }
0x2d5: {  	v11 =	vshrl.u32 v10, $0x1;
	v10 =	vmul.f32 $5.000000000e-01, v10  }
0x2d6: {  	v11 =	vsub.s32 $0x5F3759DF, v11  }
0x2d7: {  	v12 =	vmul.f32 v11, v10;
	_ =	sdelay $0x1  }
0x2d8: {  	v12 =	vmul.f32 v11, v12;
	_ =	sdelay $0x1  }
0x2d9: {  	v12 =	vsub.f32 $1.500000000e+00, v12;
	_ =	sdelay $0x1  }
0x2da: {  	v11 =	vmul.f32 v11, v12;
	_ =	sdelay $0x1  }
0x2db: {  	v10 =	vmul.f32 v11, v10;
	_ =	sdelay $0x1  }
0x2dc: {  	v10 =	vmul.f32 v10, v11;
	_ =	sdelay $0x1  }
0x2dd: {  	v10 =	vsub.f32 $1.500000000e+00, v10;
	_ =	sdelay $0x1  }
0x2de: {  	v10 =	vmul.f32 v10, v11  }
0x2df: {  	s16 =	sadd.s32 $0x20, s16  }
0x2e0: {  	[tilespmem:s16+$0xFFFFFFF0] =	vst v10;
	v9 =	vmul.f32 v10, v9;
	_ =	sdelay $0x1  }
0x2e1: {  	v9 =	vsub.f32 $0.0e+00, v9  }
0x2e2: {  	s20 =	sadd.s32 $0x20, s20  }
0x2e3: {  	[tilespmem:s20+$0xFFFFFFF0] =	vst v9  }
0x2e4: {  	v9 =	vld [tilespmem:s12+$0x0];
	_ =	sdelay $0x1  }
0x2e5: {  	v10 =	vld [tilespmem:s28+$0x0];
	_ =	sdelay $0x2  }
0x2e6: {  	v9 =	vmul.f32 $1.562500000e-02, v9;
	_ =	sdelay $0x1  }
0x2e7: {  	v10 =	vmul.f32 $1.562500000e-02, v10;
	v11 =	vmul.f32 v9, v9;
	_ =	sdelay $0x1  }
0x2e8: {  	v10 =	vsub.f32 v10, v11;
	_ =	sdelay $0x1  }
0x2e9: {  	v10 =	vadd.f32 $9.999999740e-06, v10;
	_ =	sdelay $0x1  }
0x2ea: {  	v11 =	vshrl.u32 v10, $0x1;
	v10 =	vmul.f32 $5.000000000e-01, v10  }
0x2eb: {  	v11 =	vsub.s32 $0x5F3759DF, v11  }
0x2ec: {  	v12 =	vmul.f32 v11, v10;
	_ =	sdelay $0x1  }
0x2ed: {  	v12 =	vmul.f32 v11, v12;
	_ =	sdelay $0x1  }
0x2ee: {  	v12 =	vsub.f32 $1.500000000e+00, v12;
	_ =	sdelay $0x1  }
0x2ef: {  	v11 =	vmul.f32 v11, v12;
	_ =	sdelay $0x1  }
0x2f0: {  	v10 =	vmul.f32 v11, v10;
	_ =	sdelay $0x1  }
0x2f1: {  	v10 =	vmul.f32 v10, v11;
	_ =	sdelay $0x1  }
0x2f2: {  	v10 =	vsub.f32 $1.500000000e+00, v10;
	_ =	sdelay $0x1  }
0x2f3: {  	v10 =	vmul.f32 v10, v11;
	_ =	sdelay $0x1  }
.Ltmp10:
0x2f4: {  	[tilespmem:s16+$0x0] =	vst v10;
	v9 =	vmul.f32 v10, v9;
	(pc) =	sbr.rel @p1 .LBB2_14-.Ltmp10, $3  }
0x2f5: {  	_ = 	snop  }
0x2f6: {  	v9 =	vsub.f32 $0.0e+00, v9;
	_ =	sdelay $0x1  }
0x2f7: {  	s12 =	sadd.s32 $0x20, s12;
	[tilespmem:s20+$0x0] =	vst v9  }
.LBB2_15:
0x2f8: {  	v9 =	vmov s1;
	s11 =	sadd.s32 $0x1, s1;
	s12 =	sadd.s32 $0x2, s1  }
0x2f9: {  	v10 =	vmov s11;
	v11 =	vmov s12;
	s12 =	sadd.s32 $0x3, s1;
	v9 =	vshrl.u32 v9, $0x3  }
0x2fa: {  	v12 =	vmov s12;
	v9 =	vshll.u32 v9, v0;
	v10 =	vshrl.u32 v10, $0x3  }
0x2fb: {  	v11 =	vshrl.u32 v11, $0x3;
	v15 =	vbroadcast v9, $0x0;
	v9 =	vshll.u32 v10, v0  }
0x2fc: {  	v10 =	vshrl.u32 v12, $0x3;
	v11 =	vshll.u32 v11, v0;
	v9 =	vadd.s32 $0x1, v9  }
0x2fd: {  	v10 =	vshll.u32 v10, v0;
	v11 =	vadd.s32 $0x2, v11;
	v14 =	vbroadcast v9, $0x0  }
0x2fe: {  	v9 =	vadd.s32 $0x3, v10;
	v12 =	vbroadcast v11, $0x0  }
0x2ff: {  	s16 =	sadd.s32 $0x4, s1;
	s28 =	sadd.s32 $0x6, s1;
	v13 =	vbroadcast v9, $0x0  }
0x300: {  	s20 =	sadd.s32 $0x5, s1;
	p2 =	slt.u32 s1, $0xF8;
	v11 =	vmov s28;
	v9 =	vmov s16  }
.Ltmp11:
0x301: {  	v10 =	vmov s20;
	v11 =	vshrl.u32 v11, $0x3;
	v16 =	vshrl.u32 v9, $0x3;
	v9 =	vld.idx.msk [tilespmem:v15+s25+$0x0], $0xffff;
	(pc) =	sbr.rel @!p2 .LBB2_16-.Ltmp11, $4  }
0x302: {  	v17 =	vshrl.u32 v10, $0x3;
	v11 =	vshll.u32 v11, v0;
	v10 =	vld.idx.msk [tilespmem:v15+s24+$0x0], $0xffff  }
0x303: {  	v16 =	vshll.u32 v16, v0;
	v11 =	vadd.s32 $0x6, v11;
	v15 =	vshll.u32 v17, v0;
	v17 =	vld.idx.msk [tilespmem:v14+s25+$0x0], $0xffff  }
0x304: {  	v16 =	vadd.s32 $0x4, v16;
	v28 =	vbroadcast v11, $0x0;
	v18 =	vadd.s32 $0x5, v15;
	v15 =	vld.idx.msk [tilespmem:v12+s25+$0x0], $0xffff  }
0x305: {  	p1 =	por $0x0, $0x0;
	s16 =	sadd.s32 $0x7, s1;
	s1 =	sadd.s32 $0x8, s1;
	v16 =	vbroadcast v16, $0x0;
	v21 =	vbroadcast v18, $0x0;
	v11 =	vld.idx.msk [tilespmem:v13+s25+$0x0], $0xffff  }
0x306: {  	_ =	sdelay $0x3  }
0x307: {  	v22 =	vld.idx.msk [tilespmem:v28+s25+$0x0], $0xffff  }
0x308: {  	v25 =	vld.idx.msk [tilespmem:v14+s24+$0x0], $0xffff  }
0x309: {  	v27 =	vld.idx.msk [tilespmem:v12+s24+$0x0], $0xffff  }
0x30a: {  	v31 =	vld.idx.msk [tilespmem:v13+s24+$0x0], $0xffff  }
0x30b: {  	v29 =	vld.idx.msk [tilespmem:v28+s24+$0x0], $0xffff  }
0x30c: {  	v34 =	vld [tilespmem:s13+$0xF0]  }
0x30d: {  	v18 =	vmov s16;
	v35 =	vld [tilespmem:s13+$0xFFFFFF10]  }
0x30e: {  	v36 =	vld [tilespmem:s13+$0xFFFFFF20];
	v18 =	vshrl.u32 v18, $0x3  }
0x30f: {  	v38 =	vld [tilespmem:s13+$0xFFFFFF40];
	v18 =	vshll.u32 v18, v0  }
0x310: {  	v50 =	vld [tilespmem:s13+$0xFFFFFFA0];
	v18 =	vadd.s32 $0x7, v18  }
0x311: {  	s11 =	sadd.s32 $0x1, s1;
	s12 =	sadd.s32 $0x2, s1;
	v12 =	vmov s1;
	s16 =	sadd.s32 $0x4, s1;
	v26 =	vld.idx.msk [tilespmem:v16+s25+$0x0], $0xffff;
	v14 =	vbroadcast v18, $0x0  }
0x312: {  	s20 =	sadd.s32 $0x5, s1;
	s28 =	sadd.s32 $0x6, s1;
	v32 =	vld.idx.msk [tilespmem:v16+s24+$0x0], $0xffff;
	v13 =	vmov s11;
	v16 =	vmov s12;
	v19 =	vmov s16  }
0x313: {  	v54 =	vld [tilespmem:s13+$0xFFFFFFE0];
	v12 =	vshrl.u32 v12, $0x3;
	v20 =	vmov s20;
	v33 =	vmov s28  }
0x314: {  	v23 =	vld.idx.msk [tilespmem:v21+s25+$0x0], $0xffff;
	v12 =	vshll.u32 v12, v0;
	v13 =	vshrl.u32 v13, $0x3;
	v16 =	vshrl.u32 v16, $0x3  }
0x315: {  	v30 =	vld.idx.msk [tilespmem:v21+s24+$0x0], $0xffff;
	s12 =	sadd.s32 $0x3, s1;
	v33 =	vshrl.u32 v33, $0x3;
	v21 =	vbroadcast v12, $0x0;
	v12 =	vshll.u32 v13, v0  }
0x316: {  	v45 =	vld [tilespmem:s13+$0xFFFFFF60];
	v13 =	vshll.u32 v16, v0;
	v18 =	vmov s12;
	v12 =	vadd.s32 $0x1, v12  }
0x317: {  	v13 =	vadd.s32 $0x2, v13;
	v18 =	vshrl.u32 v18, $0x3;
	v38 =	vmul.f32 v38, v25;
	v24 =	vld.idx.msk [tilespmem:v14+s24+$0x0], $0xffff  }
0x318: {  	v56 =	vmul.f32 v50, v27;
	v61 =	vmul.f32 v54, v31;
	v16 =	vshll.u32 v18, v0;
	v28 =	vld.idx.msk [tilespmem:v14+s25+$0x0], $0xffff  }
0x319: {  	v16 =	vadd.s32 $0x3, v16;
	v14 =	vshrl.u32 v19, $0x3;
	v19 =	vshrl.u32 v20, $0x3;
	v20 =	vld [tilespmem:s13+$0xFFFFFF00]  }
0x31a: {  	v37 =	vld [tilespmem:s13+$0xFFFFFF30];
	v38 =	vadd.f32 v38, v17;
	v18 =	vshll.u32 v14, v0;
	v14 =	vbroadcast v12, $0x0  }
0x31b: {  	v49 =	vld [tilespmem:s13+$0xFFFFFF80];
	v12 =	vbroadcast v13, $0x0;
	v13 =	vbroadcast v16, $0x0;
	v18 =	vadd.s32 $0x4, v18  }
0x31c: {  	v39 =	vld [tilespmem:s13+$0xFFFFFF50];
	v42 =	vshll.u32 v19, v0;
	v19 =	vmul.f32 v36, v10;
	v16 =	vbroadcast v18, $0x0  }
0x31d: {  	v46 =	vld [tilespmem:s13+$0xFFFFFF70];
	v59 =	vadd.f32 v56, v15;
	v18 =	vmul.f32 v35, v10;
	v35 =	vmul.f32 v45, v25  }
0x31e: {  	v52 =	vld [tilespmem:s13+$0xFFFFFFC0];
	v41 =	vadd.f32 v19, v9;
	v34 =	vmul.f32 v34, v24;
	v20 =	vmul.f32 v20, v10  }
0x31f: {  	v43 =	vld [tilespmem:s13+$0xFFFFFF90];
	v48 =	vadd.f32 v18, v9;
	v10 =	vmul.f32 v37, v10;
	v35 =	vadd.f32 v35, v17  }
0x320: {  	v37 =	vmul.f32 v49, v27;
	v40 =	vadd.f32 v34, v28;
	v20 =	vadd.f32 v20, v9  }
0x321: {  	v51 =	vld [tilespmem:s13+$0xFFFFFFB0];
	v9 =	vadd.f32 v10, v9;
	v10 =	vmul.f32 v39, v25;
	v19 =	vmul.f32 v48, v2  }
0x322: {  	v56 =	vadd.f32 v61, v11;
	v25 =	vmul.f32 v46, v25;
	v44 =	vmul.f32 v35, v3  }
0x323: {  	v53 =	vld [tilespmem:s13+$0xFFFFFFD0];
	v34 =	vshll.u32 v33, v0;
	v33 =	vmul.f32 v52, v31;
	v47 =	vmul.f32 v40, v4  }
0x324: {  	v57 =	vld [tilespmem:s13+$0xFFFFFFF0];
	v10 =	vadd.f32 v10, v17;
	v17 =	vadd.f32 v25, v17;
	v25 =	vmul.f32 v43, v27  }
0x325: {  	v58 =	vld [tilespmem:s13+$0x0];
	v55 =	vadd.f32 v37, v15;
	v18 =	vmul.f32 v20, v1;
	v20 =	vmul.f32 v41, v3  }
0x326: {  	v60 =	vld [tilespmem:s13+$0x10];
	v41 =	vmul.f32 v38, v1;
	v27 =	vmul.f32 v51, v27;
	v25 =	vadd.f32 v25, v15  }
0x327: {  	v62 =	vld [tilespmem:s13+$0x30];
	v45 =	vmul.f32 v55, v1;
	v33 =	vadd.f32 v33, v11;
	v51 =	vmul.f32 v56, v3  }
0x328: {  	v15 =	vadd.f32 v27, v15;
	v27 =	vld [tilespmem:s13+$0x20];
	v46 =	vmul.f32 v25, v2;
	v25 =	vmul.f32 v53, v31  }
0x329: {  	v63 =	vld [tilespmem:s13+$0x40];
	v36 =	vadd.f32 v47, v8;
	v10 =	vmul.f32 v10, v2;
	v31 =	vmul.f32 v57, v31  }
0x32a: {  	v61 =	vld [tilespmem:s13+$0x80];
	v17 =	vmul.f32 v17, v4;
	v57 =	vmul.f32 v58, v32;
	v25 =	vadd.f32 v25, v11  }
0x32b: {  	v47 =	vmul.f32 v59, v3;
	v43 =	vmul.f32 v33, v1;
	v58 =	vld [tilespmem:s13+$0x50];
	v11 =	vadd.f32 v31, v11  }
0x32c: {  	v31 =	vld [tilespmem:s13+$0x60];
	v59 =	vadd.f32 v57, v26;
	v50 =	vmul.f32 v25, v2;
	v25 =	vmul.f32 v60, v32  }
0x32d: {  	v27 =	vmul.f32 v27, v32;
	v60 =	vld [tilespmem:s13+$0x70];
	v52 =	vmul.f32 v11, v4  }
0x32e: {  	v32 =	vmul.f32 v62, v32;
	v53 =	vmul.f32 v59, v1;
	v11 =	vadd.f32 v25, v26  }
0x32f: {  	v62 =	vmul.f32 v63, v30;
	v63 =	vld [tilespmem:s13+$0x90];
	v59 =	vmul.f32 v61, v29;
	v27 =	vadd.f32 v27, v26  }
0x330: {  	v55 =	vld [tilespmem:s13+$0xA0];
	v54 =	vmul.f32 v58, v30;
	v25 =	vmul.f32 v11, v2;
	v11 =	vadd.f32 v32, v26  }
0x331: {  	v33 =	vadd.f32 v62, v23;
	v31 =	vmul.f32 v31, v30;
	v26 =	vmul.f32 v27, v3  }
0x332: {  	v56 =	vld [tilespmem:s13+$0xB0];
	v57 =	vmul.f32 v60, v30;
	v27 =	vmul.f32 v11, v4;
	v11 =	vadd.f32 v54, v23  }
0x333: {  	v48 =	vld [tilespmem:s13+$0xC0];
	v15 =	vmul.f32 v15, v4;
	v61 =	vadd.f32 v59, v22;
	v58 =	vadd.f32 v31, v23  }
0x334: {  	v49 =	vld [tilespmem:s13+$0xD0];
	v31 =	vmul.f32 v11, v2;
	v11 =	vadd.f32 v57, v23;
	v23 =	vmul.f32 v63, v29  }
0x335: {  	v62 =	vmul.f32 v55, v29;
	v30 =	vmul.f32 v33, v1;
	v60 =	vld [tilespmem:s13+$0xE0]  }
0x336: {  	[tilespmem:s13+$0xF0] =	vst v36;
	v33 =	vmul.f32 v61, v1;
	v36 =	vmul.f32 v11, v4;
	v11 =	vadd.f32 v23, v22  }
0x337: {  	v35 =	vmul.f32 v58, v3;
	v23 =	vmul.f32 v56, v29;
	v29 =	vadd.f32 v62, v22  }
0x338: {  	v63 =	vmul.f32 v48, v24;
	v48 =	vadd.f32 v46, v6;
	v37 =	vmul.f32 v11, v2  }
0x339: {  	v11 =	vadd.f32 v23, v22;
	v22 =	vmul.f32 v49, v24;
	v38 =	vmul.f32 v29, v3  }
0x33a: {  	v23 =	vadd.f32 v63, v28;
	v24 =	vmul.f32 v60, v24;
	v29 =	vmul.f32 v9, v4  }
0x33b: {  	v39 =	vmul.f32 v11, v4;
	v11 =	vadd.f32 v22, v28;
	v22 =	vadd.f32 v41, v5  }
0x33c: {  	v40 =	vmul.f32 v23, v1;
	v23 =	vadd.f32 v24, v28;
	v24 =	vadd.f32 v10, v6  }
0x33d: {  	p2 =	slt.u32 s1, $0xF8;
	v9 =	vld.idx.msk [tilespmem:v21+s25+$0x0], $0xffff;
	v32 =	vmul.f32 v11, v2;
	v11 =	vadd.f32 v17, v8;
	v17 =	vadd.s32 $0x5, v42  }
.Ltmp12:
0x33e: {  	v46 =	vadd.f32 v50, v6;
	v28 =	vadd.f32 v44, v7;
	v10 =	vld.idx.msk [tilespmem:v21+s24+$0x0], $0xffff;
	[tilespmem:s13+$0xFFFFFF40] =	vst v22;
	v21 =	vbroadcast v17, $0x0;
	(pc) =	sbr.rel @!p2 .LBB2_18-.Ltmp12, $4  }
0x33f: {  	v49 =	vadd.f32 v15, v8;
	v41 =	vmul.f32 v23, v3;
	[tilespmem:s13+$0xFFFFFF50] =	vst v24;
	v23 =	vadd.s32 $0x6, v34  }
0x340: {  	v15 =	vld.idx.msk [tilespmem:v12+s25+$0x0], $0xffff;
	v44 =	vadd.f32 v43, v5;
	v22 =	vadd.f32 v45, v5;
	[tilespmem:s13+$0xFFFFFF60] =	vst v28;
	v28 =	vbroadcast v23, $0x0  }
0x341: {  	p1 =	por $0x1, $0x1;
	s16 =	sadd.s32 $0x7, s1;
	v43 =	vadd.f32 v51, v7;
	v45 =	vadd.f32 v47, v7;
	v17 =	vld.idx.msk [tilespmem:v14+s25+$0x0], $0xffff;
	[tilespmem:s13+$0xFFFFFF70] =	vst v11  }
0x342: {  	s11 =	sadd.s32 $0x8, s1;
	s1 =	smov.u32 s13;
	s12 =	smov.u32 s13;
	v47 =	vadd.f32 v52, v8;
	v42 =	vadd.f32 v53, v5;
	v11 =	vld.idx.msk [tilespmem:v13+s25+$0x0], $0xffff;
	[tilespmem:s13+$0xFFFFFF80] =	vst v22  }
.LBB2_19:
0x343: {  	p2 =	slt.u32 s11, $0xF8;
	v24 =	vld.idx.msk [tilespmem:v16+s25+$0x0], $0xffff;
	v22 =	vmov s16;
	[tilespmem:s12+$0xFFFFFF90] =	vst v48;
	v34 =	vadd.f32 v25, v6;
	v48 =	vadd.f32 v26, v7  }
0x344: {  	v50 =	vadd.f32 v30, v5;
	v23 =	vld.idx.msk [tilespmem:v21+s25+$0x0], $0xffff;
	v22 =	vshrl.u32 v22, $0x3;
	[tilespmem:s12+$0xFFFFFFA0] =	vst v45;
	v45 =	vadd.f32 v27, v8  }
0x345: {  	v35 =	vadd.f32 v35, v7;
	v25 =	vshll.u32 v22, v0;
	[tilespmem:s12+$0xFFFFFFB0] =	vst v49;
	v49 =	vadd.f32 v31, v6  }
0x346: {  	v36 =	vadd.f32 v36, v8;
	v22 =	vld.idx.msk [tilespmem:v28+s25+$0x0], $0xffff;
	v25 =	vadd.s32 $0x7, v25;
	[tilespmem:s12+$0xFFFFFFC0] =	vst v44;
	v44 =	vadd.f32 v33, v5  }
0x347: {  	v37 =	vadd.f32 v37, v6;
	v38 =	vadd.f32 v38, v7;
	v31 =	vld.idx.msk [tilespmem:v14+s24+$0x0], $0xffff;
	v14 =	vbroadcast v25, $0x0;
	[tilespmem:s12+$0xFFFFFFD0] =	vst v46  }
0x348: {  	v39 =	vadd.f32 v39, v8;
	v40 =	vadd.f32 v40, v5;
	v27 =	vld.idx.msk [tilespmem:v12+s24+$0x0], $0xffff;
	[tilespmem:s12+$0xFFFFFFE0] =	vst v43  }
0x349: {  	s16 =	sadd.s32 $0x1, s11;
	v41 =	vadd.f32 v41, v7;
	v12 =	vmov s11;
	v43 =	vadd.f32 v32, v6;
	v26 =	vld.idx.msk [tilespmem:v13+s24+$0x0], $0xffff;
	[tilespmem:s12+$0xFFFFFFF0] =	vst v47  }
0x34a: {  	v18 =	vadd.f32 v18, v5;
	v19 =	vadd.f32 v19, v6;
	v13 =	vmov s16;
	s16 =	sadd.s32 $0x2, s11;
	v25 =	vld.idx.msk [tilespmem:v16+s24+$0x0], $0xffff;
	[tilespmem:s12+$0x0] =	vst v42  }
0x34b: {  	s20 =	sadd.s32 $0x4, s11;
	v46 =	vadd.f32 v29, v8;
	v16 =	vmov s16;
	s16 =	sadd.s32 $0x3, s11;
	v42 =	vadd.f32 v20, v7;
	v30 =	vld.idx.msk [tilespmem:v21+s24+$0x0], $0xffff;
	[tilespmem:s12+$0x10] =	vst v34  }
0x34c: {  	v20 =	vmov s16;
	v21 =	vmov s20;
	s16 =	sadd.s32 $0x5, s11;
	s20 =	sadd.s32 $0x6, s11;
	v33 =	vld.idx.msk [tilespmem:v28+s24+$0x0], $0xffff;
	[tilespmem:s12+$0x20] =	vst v48  }
0x34d: {  	v12 =	vshrl.u32 v12, $0x3;
	v28 =	vmov s16;
	v34 =	vmov s20;
	s12 =	sadd.s32 $0x200, s12;
	v29 =	vld.idx.msk [tilespmem:v14+s24+$0x0], $0xffff;
	[tilespmem:s1+$0x30] =	vst v45  }
0x34e: {  	v12 =	vshll.u32 v12, v0;
	v13 =	vshrl.u32 v13, $0x3;
	v16 =	vshrl.u32 v16, $0x3;
	v45 =	vld [tilespmem:s12+$0xF0];
	[tilespmem:s1+$0x40] =	vst v50  }
0x34f: {  	v20 =	vshrl.u32 v20, $0x3;
	v21 =	vshrl.u32 v21, $0x3;
	v47 =	vshrl.u32 v28, $0x3;
	v32 =	vld.idx.msk [tilespmem:v14+s25+$0x0], $0xffff;
	[tilespmem:s1+$0x50] =	vst v49  }
0x350: {  	v28 =	vbroadcast v12, $0x0;
	v12 =	vshll.u32 v13, v0;
	v13 =	vshrl.u32 v34, $0x3;
	v48 =	vld [tilespmem:s12+$0xFFFFFF00];
	[tilespmem:s1+$0x60] =	vst v35  }
0x351: {  	v14 =	vshll.u32 v16, v0;
	v16 =	vshll.u32 v20, v0;
	v20 =	vshll.u32 v21, v0;
	v21 =	vld [tilespmem:s12+$0xFFFFFF10];
	[tilespmem:s1+$0x70] =	vst v36  }
0x352: {  	v12 =	vadd.s32 $0x1, v12;
	v34 =	vshll.u32 v13, v0;
	v35 =	vshll.u32 v47, v0;
	v36 =	vld [tilespmem:s12+$0xFFFFFF20];
	[tilespmem:s1+$0x80] =	vst v44  }
0x353: {  	v13 =	vadd.s32 $0x2, v14;
	v16 =	vadd.s32 $0x3, v16;
	v44 =	vld [tilespmem:s12+$0xFFFFFF30];
	v45 =	vmul.f32 v45, v29;
	[tilespmem:s1+$0x90] =	vst v37  }
0x354: {  	v14 =	vbroadcast v12, $0x0;
	v20 =	vadd.s32 $0x4, v20;
	v12 =	vbroadcast v13, $0x0;
	v37 =	vld [tilespmem:s12+$0xFFFFFF40];
	[tilespmem:s1+$0xA0] =	vst v38  }
0x355: {  	v13 =	vbroadcast v16, $0x0;
	v38 =	vmul.f32 v48, v10;
	v47 =	vld [tilespmem:s12+$0xFFFFFF50];
	v45 =	vadd.f32 v45, v32;
	[tilespmem:s1+$0xB0] =	vst v39  }
0x356: {  	v16 =	vbroadcast v20, $0x0;
	v20 =	vadd.s32 $0x5, v35;
	v35 =	vmul.f32 v21, v10;
	v39 =	vld [tilespmem:s12+$0xFFFFFF60];
	[tilespmem:s1+$0xC0] =	vst v40  }
0x357: {  	v38 =	vadd.f32 v38, v9;
	v36 =	vmul.f32 v36, v10;
	v40 =	vld [tilespmem:s12+$0xFFFFFF70];
	v45 =	vmul.f32 v45, v4;
	[tilespmem:s1+$0xD0] =	vst v43  }
0x358: {  	v21 =	vbroadcast v20, $0x0;
	v20 =	vadd.f32 v35, v9;
	v10 =	vmul.f32 v44, v10;
	v35 =	vld [tilespmem:s12+$0xFFFFFF80];
	[tilespmem:s1+$0xE0] =	vst v41  }
0x359: {  	v36 =	vadd.f32 v36, v9;
	v37 =	vmul.f32 v37, v31;
	v41 =	vld [tilespmem:s12+$0xFFFFFF90];
	v43 =	vadd.f32 v45, v8;
	[tilespmem:s1+$0xFFFFFF00] =	vst v18  }
0x35a: {  	v18 =	vmul.f32 v38, v1;
	v9 =	vadd.f32 v10, v9;
	v10 =	vmul.f32 v47, v31;
	v38 =	vld [tilespmem:s12+$0xFFFFFFA0];
	[tilespmem:s1+$0xFFFFFF10] =	vst v19  }
0x35b: {  	v19 =	vmul.f32 v20, v2;
	v37 =	vadd.f32 v37, v17;
	v39 =	vmul.f32 v39, v31;
	v44 =	vld [tilespmem:s12+$0xFFFFFFB0];
	[tilespmem:s12+$0xF0] =	vst v43  }
0x35c: {  	v20 =	vmul.f32 v36, v3;
	v10 =	vadd.f32 v10, v17;
	v31 =	vmul.f32 v40, v31;
	v36 =	vld [tilespmem:s12+$0xFFFFFFC0];
	[tilespmem:s1+$0xFFFFFF20] =	vst v42  }
0x35d: {  	v40 =	vmul.f32 v37, v1;
	v37 =	vadd.f32 v39, v17;
	v35 =	vmul.f32 v35, v27;
	v39 =	vld [tilespmem:s12+$0xFFFFFFD0];
	[tilespmem:s1+$0xFFFFFF30] =	vst v46;
	s1 =	smov.u32 s12  }
0x35e: {  	v10 =	vmul.f32 v10, v2;
	v17 =	vadd.f32 v31, v17;
	v31 =	vmul.f32 v41, v27;
	v41 =	vld [tilespmem:s12+$0xFFFFFFE0]  }
0x35f: {  	v42 =	vmul.f32 v37, v3;
	v35 =	vadd.f32 v35, v15;
	v37 =	vmul.f32 v38, v27;
	v38 =	vld [tilespmem:s12+$0xFFFFFFF0]  }
0x360: {  	v17 =	vmul.f32 v17, v4;
	v31 =	vadd.f32 v31, v15;
	v27 =	vmul.f32 v44, v27;
	v43 =	vld [tilespmem:s12+$0x0]  }
0x361: {  	v44 =	vmul.f32 v35, v1;
	v35 =	vadd.f32 v37, v15;
	v36 =	vmul.f32 v36, v26;
	v37 =	vld [tilespmem:s12+$0x10]  }
0x362: {  	v45 =	vmul.f32 v31, v2;
	v15 =	vadd.f32 v27, v15;
	v27 =	vmul.f32 v39, v26;
	v31 =	vld [tilespmem:s12+$0x20]  }
0x363: {  	v46 =	vmul.f32 v35, v3;
	v35 =	vadd.f32 v36, v11;
	v36 =	vmul.f32 v41, v26;
	v39 =	vld [tilespmem:s12+$0x30]  }
0x364: {  	v15 =	vmul.f32 v15, v4;
	v27 =	vadd.f32 v27, v11;
	v26 =	vmul.f32 v38, v26;
	v38 =	vld [tilespmem:s12+$0x40]  }
0x365: {  	v47 =	vmul.f32 v35, v1;
	v35 =	vadd.f32 v36, v11;
	v36 =	vmul.f32 v43, v25;
	v41 =	vld [tilespmem:s12+$0x50]  }
0x366: {  	v43 =	vmul.f32 v27, v2;
	v11 =	vadd.f32 v26, v11;
	v26 =	vmul.f32 v37, v25;
	v27 =	vld [tilespmem:s12+$0x60]  }
0x367: {  	v50 =	vmul.f32 v35, v3;
	v35 =	vadd.f32 v36, v24;
	v31 =	vmul.f32 v31, v25;
	v36 =	vld [tilespmem:s12+$0x70]  }
0x368: {  	v51 =	vmul.f32 v11, v4;
	v11 =	vadd.f32 v26, v24;
	v26 =	vmul.f32 v39, v25;
	v37 =	vld [tilespmem:s12+$0x80]  }
0x369: {  	v52 =	vmul.f32 v35, v1;
	v31 =	vadd.f32 v31, v24;
	v35 =	vmul.f32 v38, v30;
	v38 =	vld [tilespmem:s12+$0x90]  }
0x36a: {  	v25 =	vmul.f32 v11, v2;
	v11 =	vadd.f32 v26, v24;
	v24 =	vmul.f32 v41, v30;
	v39 =	vld [tilespmem:s12+$0xA0]  }
0x36b: {  	v26 =	vmul.f32 v31, v3;
	v31 =	vadd.f32 v35, v23;
	v35 =	vmul.f32 v27, v30;
	v41 =	vld [tilespmem:s12+$0xB0]  }
0x36c: {  	v27 =	vmul.f32 v11, v4;
	v11 =	vadd.f32 v24, v23;
	v24 =	vmul.f32 v36, v30;
	v48 =	vld [tilespmem:s12+$0xC0]  }
0x36d: {  	v30 =	vmul.f32 v31, v1;
	v35 =	vadd.f32 v35, v23;
	v36 =	vmul.f32 v37, v33;
	v49 =	vld [tilespmem:s12+$0xD0]  }
0x36e: {  	v31 =	vmul.f32 v11, v2;
	v11 =	vadd.f32 v24, v23;
	v23 =	vmul.f32 v38, v33;
	v24 =	vld [tilespmem:s12+$0xE0]  }
0x36f: {  	v35 =	vmul.f32 v35, v3;
	v37 =	vadd.f32 v36, v22;
	v38 =	vmul.f32 v39, v33  }
0x370: {  	v36 =	vmul.f32 v11, v4;
	v11 =	vadd.f32 v23, v22;
	v23 =	vmul.f32 v41, v33  }
0x371: {  	v33 =	vmul.f32 v37, v1;
	v38 =	vadd.f32 v38, v22;
	v39 =	vmul.f32 v48, v29  }
0x372: {  	v37 =	vmul.f32 v11, v2;
	v11 =	vadd.f32 v23, v22;
	v22 =	vmul.f32 v49, v29  }
0x373: {  	v38 =	vmul.f32 v38, v3;
	v23 =	vadd.f32 v39, v32;
	v24 =	vmul.f32 v24, v29  }
0x374: {  	v29 =	vmul.f32 v9, v4;
	v39 =	vmul.f32 v11, v4;
	v11 =	vadd.f32 v22, v32  }
0x375: {  	v22 =	vadd.f32 v40, v5;
	v40 =	vmul.f32 v23, v1;
	v23 =	vadd.f32 v24, v32  }
0x376: {  	v42 =	vadd.f32 v42, v7;
	v24 =	vadd.f32 v10, v6;
	v9 =	vld.idx.msk [tilespmem:v28+s25+$0x0], $0xffff;
	v32 =	vmul.f32 v11, v2  }
.Ltmp13:
0x377: {  	v11 =	vadd.f32 v17, v8;
	[tilespmem:s12+$0xFFFFFF40] =	vst v22;
	v22 =	vadd.f32 v44, v5;
	v41 =	vmul.f32 v23, v3;
	(pc) =	sbr.rel @p2 .LBB2_19-.Ltmp13, $4  }
0x378: {  	v48 =	vadd.f32 v45, v6;
	v45 =	vadd.f32 v46, v7;
	v23 =	vadd.s32 $0x6, v34;
	v10 =	vld.idx.msk [tilespmem:v28+s24+$0x0], $0xffff;
	[tilespmem:s12+$0xFFFFFF50] =	vst v24  }
0x379: {  	v49 =	vadd.f32 v15, v8;
	v44 =	vadd.f32 v47, v5;
	v28 =	vbroadcast v23, $0x0;
	v17 =	vld.idx.msk [tilespmem:v14+s25+$0x0], $0xffff;
	[tilespmem:s12+$0xFFFFFF60] =	vst v42  }
0x37a: {  	v46 =	vadd.f32 v43, v6;
	v43 =	vadd.f32 v50, v7;
	v15 =	vld.idx.msk [tilespmem:v12+s25+$0x0], $0xffff;
	[tilespmem:s12+$0xFFFFFF70] =	vst v11  }
0x37b: {  	s16 =	sadd.s32 $0x7, s11;
	s11 =	sadd.s32 $0x8, s11;
	v47 =	vadd.f32 v51, v8;
	v42 =	vadd.f32 v52, v5;
	v11 =	vld.idx.msk [tilespmem:v13+s25+$0x0], $0xffff;
	[tilespmem:s12+$0xFFFFFF80] =	vst v22  }
.LBB2_20:
0x37c: {  	_ =	sdelay $0x3  }
0x37d: {  	v24 =	vld.idx.msk [tilespmem:v16+s25+$0x0], $0xffff  }
0x37e: {  	v23 =	vld.idx.msk [tilespmem:v21+s25+$0x0], $0xffff  }
0x37f: {  	v50 =	vld.idx.msk [tilespmem:v14+s24+$0x0], $0xffff  }
0x380: {  	v52 =	vld.idx.msk [tilespmem:v12+s24+$0x0], $0xffff  }
0x381: {  	v53 =	vld.idx.msk [tilespmem:v13+s24+$0x0], $0xffff  }
0x382: {  	v22 =	vmov s16;
	v21 =	vld.idx.msk [tilespmem:v21+s24+$0x0], $0xffff  }
0x383: {  	v14 =	vld.idx.msk [tilespmem:v28+s24+$0x0], $0xffff;
	s11 =	sadd.s32 @p1 $0x200, s12;
	v22 =	vshrl.u32 v22, $0x3  }
0x384: {  	s13 =	smov.u32 @p1 s11;
	v34 =	vshll.u32 v22, v0;
	v22 =	vld.idx.msk [tilespmem:v28+s25+$0x0], $0xffff  }
0x385: {  	v28 =	vadd.f32 @p1 v30, v5;
	v30 =	vld [tilespmem:s13+$0xFFFFFF00]  }
0x386: {  	[tilespmem:s12+$0xFFFFFF90] =	vst @p1 v48;
	v25 =	vadd.f32 @p1 v25, v6;
	v56 =	vld [tilespmem:s13+$0xFFFFFF10]  }
0x387: {  	[tilespmem:s12+$0xFFFFFFA0] =	vst @p1 v45;
	v26 =	vadd.f32 @p1 v26, v7;
	v58 =	vld [tilespmem:s13+$0xFFFFFF40]  }
0x388: {  	[tilespmem:s12+$0x10] =	vst @p1 v25;
	v25 =	vld [tilespmem:s13+$0xFFFFFF50]  }
0x389: {  	[tilespmem:s12+$0x20] =	vst @p1 v26;
	v26 =	vld [tilespmem:s13+$0xFFFFFF60]  }
0x38a: {  	[tilespmem:s12+$0xFFFFFFB0] =	vst @p1 v49;
	v59 =	vld [tilespmem:s13+$0xFFFFFF90]  }
0x38b: {  	[tilespmem:s12+$0xFFFFFFC0] =	vst @p1 v44;
	v60 =	vld [tilespmem:s13+$0xFFFFFFA0]  }
0x38c: {  	v27 =	vadd.f32 @p1 v27, v8;
	[tilespmem:s12+$0xFFFFFFD0] =	vst @p1 v46;
	v31 =	vadd.f32 @p1 v31, v6;
	v61 =	vld [tilespmem:s13+$0xFFFFFFB0]  }
0x38d: {  	v35 =	vadd.f32 @p1 v35, v7;
	v36 =	vadd.f32 @p1 v36, v8;
	[tilespmem:s12+$0xFFFFFFF0] =	vst @p1 v47;
	v62 =	vld [tilespmem:s13+$0xFFFFFFC0]  }
0x38e: {  	v33 =	vadd.f32 @p1 v33, v5;
	v37 =	vadd.f32 @p1 v37, v6;
	[tilespmem:s12+$0x0] =	vst @p1 v42;
	v44 =	vld [tilespmem:s13+$0xFFFFFFE0]  }
0x38f: {  	v38 =	vadd.f32 @p1 v38, v7;
	v20 =	vadd.f32 @p1 v20, v7;
	[tilespmem:s1+$0x50] =	vst @p1 v31;
	v47 =	vld [tilespmem:s13+$0xFFFFFFF0]  }
0x390: {  	v39 =	vadd.f32 @p1 v39, v8;
	v40 =	vadd.f32 @p1 v40, v5;
	[tilespmem:s1+$0x60] =	vst @p1 v35;
	v48 =	vld [tilespmem:s13+$0x0];
	v34 =	vadd.s32 $0x7, v34  }
0x391: {  	v46 =	vadd.f32 @p1 v19, v6;
	[tilespmem:s1+$0xFFFFFF20] =	vst @p1 v20;
	v20 =	vld [tilespmem:s13+$0x40];
	v51 =	vbroadcast v34, $0x0;
	v19 =	vmul.f32 v30, v10  }
0x392: {  	v45 =	vadd.f32 @p1 v18, v5;
	[tilespmem:s1+$0x30] =	vst @p1 v27;
	v27 =	vld [tilespmem:s13+$0xFFFFFF70];
	v18 =	vmul.f32 v56, v10;
	v31 =	vmul.f32 v58, v50  }
0x393: {  	[tilespmem:s1+$0x70] =	vst @p1 v36;
	v34 =	vld.idx.msk [tilespmem:v16+s24+$0x0], $0xffff;
	v25 =	vmul.f32 v25, v50;
	v26 =	vmul.f32 v26, v50  }
0x394: {  	v32 =	vadd.f32 @p1 v32, v6;
	[tilespmem:s1+$0x80] =	vst @p1 v33;
	v63 =	vld [tilespmem:s13+$0xFFFFFFD0];
	v35 =	vmul.f32 v60, v52;
	v36 =	vmul.f32 v61, v52  }
0x395: {  	v41 =	vadd.f32 @p1 v41, v7;
	[tilespmem:s1+$0xA0] =	vst @p1 v38;
	v33 =	vmul.f32 v62, v53;
	v38 =	vmul.f32 v44, v53  }
0x396: {  	[tilespmem:s1+$0xB0] =	vst @p1 v39;
	v16 =	vld [tilespmem:s13+$0xF0];
	v39 =	vmul.f32 v47, v53;
	v20 =	vmul.f32 v20, v21;
	v31 =	vadd.f32 v31, v17  }
0x397: {  	v27 =	vmul.f32 v27, v50;
	v25 =	vadd.f32 v25, v17;
	v26 =	vadd.f32 v26, v17;
	v13 =	vld.idx.msk [tilespmem:v51+s24+$0x0], $0xffff  }
0x398: {  	[tilespmem:s1+$0xC0] =	vst @p1 v40;
	v30 =	vld [tilespmem:s13+$0xFFFFFF80];
	v49 =	vadd.f32 v35, v15;
	v33 =	vadd.f32 v33, v11;
	v40 =	vmul.f32 v48, v34  }
0x399: {  	v12 =	vld.idx.msk [tilespmem:v51+s25+$0x0], $0xffff;
	v17 =	vadd.f32 v27, v17;
	v27 =	vmul.f32 v59, v52;
	v51 =	vmul.f32 v63, v53  }
0x39a: {  	[tilespmem:s12+$0xFFFFFFE0] =	vst @p1 v43;
	v38 =	vadd.f32 v38, v11;
	v31 =	vmul.f32 v31, v1;
	v25 =	vmul.f32 v25, v2  }
0x39b: {  	[tilespmem:s1+$0xD0] =	vst @p1 v32;
	v20 =	vadd.f32 v20, v23;
	v26 =	vmul.f32 v26, v3;
	v32 =	vmul.f32 v49, v3  }
0x39c: {  	v29 =	vadd.f32 @p1 v29, v8;
	[tilespmem:s1+$0x90] =	vst @p1 v37;
	v50 =	vld [tilespmem:s13+$0x10];
	v33 =	vmul.f32 v33, v1;
	v16 =	vmul.f32 v16, v13  }
0x39d: {  	[tilespmem:s1+$0xE0] =	vst @p1 v41;
	v53 =	vmul.f32 v38, v3;
	v55 =	vadd.f32 v40, v24;
	v20 =	vmul.f32 v20, v1  }
0x39e: {  	[tilespmem:s1+$0x40] =	vst @p1 v28;
	v30 =	vmul.f32 v30, v52;
	v27 =	vadd.f32 v27, v15;
	v28 =	vadd.f32 v16, v12  }
0x39f: {  	v57 =	vld [tilespmem:s13+$0xFFFFFF20];
	[tilespmem:s1+$0xFFFFFF00] =	vst @p1 v45;
	v17 =	vmul.f32 v17, v4;
	v31 =	vadd.f32 v31, v5;
	v25 =	vadd.f32 v25, v6  }
0x3a0: {  	[tilespmem:s1+$0xFFFFFF10] =	vst @p1 v46;
	v54 =	vld [tilespmem:s13+$0x50];
	v26 =	vadd.f32 v26, v7;
	v33 =	vadd.f32 v33, v5;
	v28 =	vmul.f32 v28, v4  }
0x3a1: {  	[tilespmem:s1+$0xFFFFFF30] =	vst @p1 v29;
	v52 =	vld [tilespmem:s13+$0x20];
	v29 =	vmul.f32 v50, v34;
	v30 =	vadd.f32 v30, v15;
	v15 =	vadd.f32 v36, v15  }
0x3a2: {  	v27 =	vmul.f32 v27, v2;
	v36 =	vadd.f32 v51, v11;
	[tilespmem:s13+$0xFFFFFF40] =	vst v31;
	v31 =	vld [tilespmem:s13+$0x60];
	v28 =	vadd.f32 v28, v8  }
0x3a3: {  	v11 =	vadd.f32 v39, v11;
	v17 =	vadd.f32 v17, v8;
	[tilespmem:s13+$0xFFFFFF60] =	vst v26;
	v26 =	vld [tilespmem:s13+$0x70];
	v30 =	vmul.f32 v30, v1  }
0x3a4: {  	v29 =	vadd.f32 v29, v24;
	v15 =	vmul.f32 v15, v4;
	v27 =	vadd.f32 v27, v6;
	[tilespmem:s13+$0xF0] =	vst v28;
	v28 =	vld [tilespmem:s13+$0x30]  }
0x3a5: {  	v36 =	vmul.f32 v36, v2;
	v11 =	vmul.f32 v11, v4;
	[tilespmem:s13+$0xFFFFFF70] =	vst v17;
	v17 =	vld [tilespmem:s13+$0x80];
	v30 =	vadd.f32 v30, v5  }
0x3a6: {  	v16 =	vadd.f32 v19, v9;
	v19 =	vmul.f32 v57, v10;
	v15 =	vadd.f32 v15, v8;
	[tilespmem:s13+$0xFFFFFF90] =	vst v27;
	v27 =	vld [tilespmem:s13+$0x90]  }
0x3a7: {  	v20 =	vadd.f32 v20, v5;
	v37 =	vmul.f32 v52, v34;
	v29 =	vmul.f32 v29, v2;
	[tilespmem:s13+$0xFFFFFF80] =	vst v30  }
0x3a8: {  	v11 =	vadd.f32 v11, v8;
	v30 =	vmul.f32 v54, v21;
	[tilespmem:s13+$0xFFFFFFB0] =	vst v15;
	v15 =	vmul.f32 v26, v21  }
0x3a9: {  	[tilespmem:s13+$0xFFFFFF50] =	vst v25;
	v31 =	vmul.f32 v31, v21;
	v21 =	vadd.f32 v53, v7;
	v25 =	vmul.f32 v28, v34  }
0x3aa: {  	v56 =	vadd.f32 v37, v24;
	[tilespmem:s13+$0xFFFFFFF0] =	vst v11;
	v11 =	vld [tilespmem:s13+$0xD0];
	v17 =	vmul.f32 v17, v14;
	v15 =	vadd.f32 v15, v23  }
0x3ab: {  	[tilespmem:s13+$0xFFFFFFE0] =	vst v21;
	v21 =	vmul.f32 v27, v14;
	v24 =	vadd.f32 v25, v24;
	v25 =	vadd.f32 v32, v7  }
0x3ac: {  	[tilespmem:s13+$0xFFFFFFC0] =	vst v33;
	v58 =	vadd.f32 v36, v6;
	v17 =	vadd.f32 v17, v22;
	v28 =	vmul.f32 v55, v1  }
0x3ad: {  	v30 =	vadd.f32 v30, v23;
	v15 =	vmul.f32 v15, v4;
	v21 =	vadd.f32 v21, v22;
	[tilespmem:s13+$0xFFFFFFA0] =	vst v25;
	v25 =	vld [tilespmem:s13+$0xA0]  }
0x3ae: {  	[tilespmem:s13+$0x40] =	vst v20;
	v26 =	vld [tilespmem:s13+$0xB0];
	v31 =	vadd.f32 v31, v23;
	v17 =	vmul.f32 v17, v1;
	v23 =	vadd.f32 v28, v5  }
0x3af: {  	v59 =	vld [tilespmem:s13+$0xC0];
	[tilespmem:s13+$0xFFFFFFD0] =	vst v58;
	v11 =	vmul.f32 v11, v13;
	v15 =	vadd.f32 v15, v8;
	v21 =	vmul.f32 v21, v2  }
0x3b0: {  	v57 =	vmul.f32 v56, v3;
	v30 =	vmul.f32 v30, v2;
	v17 =	vadd.f32 v17, v5;
	[tilespmem:s13+$0x0] =	vst v23;
	v23 =	vld [tilespmem:s13+$0xE0]  }
0x3b1: {  	v27 =	vmul.f32 v31, v3;
	v11 =	vadd.f32 v11, v12;
	[tilespmem:s13+$0x70] =	vst v15;
	v21 =	vadd.f32 v21, v6  }
0x3b2: {  	[tilespmem:s13+$0x80] =	vst v17;
	v28 =	vadd.f32 v29, v6;
	v24 =	vmul.f32 v24, v4;
	v25 =	vmul.f32 v25, v14  }
0x3b3: {  	v20 =	vld [tilespmem:s13+$0xFFFFFF30];
	v11 =	vmul.f32 v11, v2;
	v29 =	vadd.f32 v57, v7;
	[tilespmem:s13+$0x90] =	vst v21;
	v14 =	vmul.f32 v26, v14  }
0x3b4: {  	[tilespmem:s13+$0x10] =	vst v28;
	v24 =	vadd.f32 v24, v8;
	v26 =	vmul.f32 v59, v13;
	v25 =	vadd.f32 v25, v22  }
0x3b5: {  	v11 =	vadd.f32 v11, v6;
	[tilespmem:s13+$0x20] =	vst v29;
	v13 =	vmul.f32 v23, v13;
	v14 =	vadd.f32 v14, v22  }
0x3b6: {  	v28 =	vadd.f32 v30, v6;
	[tilespmem:s13+$0x30] =	vst v24;
	v24 =	vmul.f32 v25, v3;
	v25 =	vadd.f32 v26, v12  }
0x3b7: {  	[tilespmem:s13+$0xD0] =	vst v11;
	v22 =	vadd.f32 v27, v7;
	v14 =	vmul.f32 v14, v4;
	v12 =	vadd.f32 v13, v12  }
0x3b8: {  	v10 =	vmul.f32 v20, v10;
	[tilespmem:s13+$0x50] =	vst v28;
	v15 =	vmul.f32 v25, v1;
	v13 =	vadd.f32 v24, v7  }
0x3b9: {  	v17 =	vadd.f32 v18, v9;
	[tilespmem:s13+$0x60] =	vst v22;
	v14 =	vadd.f32 v14, v8;
	v12 =	vmul.f32 v12, v3  }
0x3ba: {  	v16 =	vmul.f32 v16, v1;
	v15 =	vadd.f32 v15, v5;
	[tilespmem:s13+$0xA0] =	vst v13;
	v13 =	vadd.f32 v19, v9  }
0x3bb: {  	[tilespmem:s13+$0xB0] =	vst v14;
	v9 =	vadd.f32 v10, v9;
	v10 =	vmul.f32 v17, v2;
	v12 =	vadd.f32 v12, v7  }
0x3bc: {  	v14 =	vadd.f32 v16, v5;
	[tilespmem:s13+$0xC0] =	vst v15;
	v13 =	vmul.f32 v13, v3  }
0x3bd: {  	v9 =	vmul.f32 v9, v4;
	v10 =	vadd.f32 v10, v6;
	[tilespmem:s13+$0xE0] =	vst v12  }
0x3be: {  	[tilespmem:s13+$0xFFFFFF00] =	vst v14;
	v11 =	vadd.f32 v13, v7  }
0x3bf: {  	s12 =	sadd.s32 s19, s9;
	v9 =	vadd.f32 v9, v8;
	[tilespmem:s13+$0xFFFFFF10] =	vst v10  }
0x3c0: {  	s1 =	sshrl.u32 s12, $0x3;
	[tilespmem:s13+$0xFFFFFF20] =	vst v11  }
0x3c1: {  	s1 =	sadd.s32 s4, s1;
	[tilespmem:s13+$0xFFFFFF30] =	vst v9  }
0x3c2: {  	[hbm4b:s1+s5] =	stream.linear.scatter [tilespmem:s18], [sflag:$0x6], $0x4000, $0x38;
	[tilespmem:$0x16880] =	vst v63  }
0x3c3: {  	s1 =	simm.s32 @!p0 $0x8  }
0x3c4: {  	s19 =	sor.u32 $0x3, s10;
	_ =	swait.ge @!p0 [sflag:s1], $0x4000  }
0x3c5: {  	s10 =	sshll.u32 s19, $0x8;
	[sflag:s1] =	ssyncset.done @!p0 $0x0  }
0x3c6: {  	s16 =	sand.u32 $0x3FFFFF00, s10;
	[sflag:s1] =	ssyncadd.s32 @!p0 $0xFFFFC000  }
0x3c7: {  	[tilespmem:s30], [sflag:$0x4] =	stream.indirect.gather [hbm4b:s7+s14], $0x40, s16, s14, $0xb8;
	[tilespmem:$0x16880] =	vst v63  }
0x3c8: {  	s1 =	sor.u32 $0x80, s16  }
0x3c9: {  	[tilespmem:s31], [sflag:$0x4] =	stream.indirect.gather [hbm4b:s7+s14], $0x40, s1, s14, $0xb8;
	[tilespmem:$0x16880] =	vst v63  }
0x3ca: {  	_ =	swait.ge [sflag:s2], $0x4000  }
0x3cb: {  	[sflag:s2] =	ssyncset.done $0x0  }
0x3cc: {  	s20 =	simm.s32 $0xE500;
	[sflag:s2] =	ssyncadd.s32 $0xFFFFC000  }
0x3cd: {  	v9 =	vld [tilespmem:s20+$0x30]  }
0x3ce: {  	v10 =	vld [tilespmem:s20+$0xFFFFFF00]  }
0x3cf: {  	v11 =	vld [tilespmem:s20+$0xA0]  }
0x3d0: {  	v12 =	vld [tilespmem:s20+$0xB0]  }
0x3d1: {  	v13 =	vld [tilespmem:s20+$0x90]  }
0x3d2: {  	v14 =	vld [tilespmem:s20+$0x80]  }
0x3d3: {  	v17 =	vld [tilespmem:s20+$0x50]  }
0x3d4: {  	v18 =	vld [tilespmem:s20+$0x40]  }
0x3d5: {  	v19 =	vld [tilespmem:s20+$0x20]  }
0x3d6: {  	v20 =	vld [tilespmem:s20+$0x10]  }
0x3d7: {  	s11 =	simm.s32 $0x4;
	s12 =	simm.s32 $0x5;
	v23 =	vld [tilespmem:s20+$0x0]  }
0x3d8: {  	v43 =	vmov s11;
	v44 =	vmov s12;
	v61 =	vld [tilespmem:s20+$0xFFFFFF70]  }
0x3d9: {  	v37 =	vshrl.u32 v43, $0x3;
	s13 =	simm.s32 $0x3;
	v42 =	vld [tilespmem:s20+$0xFFFFFF60];
	v21 =	vmul.f32 v9, v9;
	v22 =	vmul.f32 v11, v11  }
0x3da: {  	v47 =	vmov s13;
	v16 =	vld [tilespmem:s20+$0x60];
	v24 =	vmul.f32 v10, v10;
	v25 =	vmul.f32 v12, v12  }
0x3db: {  	v15 =	vld [tilespmem:s20+$0x70];
	v11 =	vadd.f32 v12, v11;
	v12 =	vadd.f32 v13, v14;
	v14 =	vmul.f32 v14, v14  }
0x3dc: {  	v26 =	vld [tilespmem:s20+$0xFFFFFFF0];
	v13 =	vmul.f32 v13, v13;
	v29 =	vmul.f32 v17, v17;
	v9 =	vadd.f32 v9, v19  }
0x3dd: {  	v27 =	vld [tilespmem:s20+$0xFFFFFFE0];
	v19 =	vmul.f32 v19, v19;
	v31 =	vmul.f32 v20, v20;
	v20 =	vadd.f32 v20, v23  }
0x3de: {  	v28 =	vld [tilespmem:s20+$0xFFFFFFD0];
	v23 =	vmul.f32 v23, v23;
	v17 =	vadd.f32 v17, v18;
	v48 =	vadd.f32 v61, v42  }
0x3df: {  	v30 =	vld [tilespmem:s20+$0xFFFFFFB0];
	v22 =	vadd.f32 v25, v22;
	v25 =	vmul.f32 v16, v16;
	v11 =	vadd.f32 v11, v12  }
0x3e0: {  	v60 =	vld [tilespmem:s20+$0xFFFFFFA0];
	v12 =	vadd.f32 v15, v16;
	v15 =	vmul.f32 v15, v15;
	v14 =	vadd.f32 v13, v14  }
0x3e1: {  	s28 =	simm.s32 $0x6;
	v63 =	vld [tilespmem:s20+$0xFFFFFF50];
	v13 =	vmul.f32 v18, v18;
	v18 =	vmul.f32 v26, v26;
	v19 =	vadd.f32 v21, v19  }
0x3e2: {  	v16 =	vld [tilespmem:s20+$0xFFFFFFC0];
	v23 =	vadd.f32 v31, v23;
	v31 =	vmov s28;
	v26 =	vadd.f32 v26, v27  }
0x3e3: {  	v21 =	vld [tilespmem:s20+$0xFFFFFF80];
	v9 =	vadd.f32 v9, v20;
	v20 =	vshrl.u32 v31, $0x3;
	v13 =	vadd.f32 v29, v13  }
0x3e4: {  	v31 =	vld [tilespmem:s20+$0xFFFFFF30];
	v12 =	vadd.f32 v12, v17;
	v17 =	vmul.f32 v27, v27;
	v19 =	vadd.f32 v19, v23  }
0x3e5: {  	v62 =	vmul.f32 v28, v28;
	v29 =	vld [tilespmem:s20+$0xFFFFFF90];
	v27 =	vadd.f32 v30, v60;
	v15 =	vadd.f32 v15, v25  }
0x3e6: {  	v23 =	vld [tilespmem:s20+$0xFFFFFF40];
	v30 =	vmul.f32 v30, v30;
	(xrf2) =	vadd.scan.msk.f32 $0xffff, v11;
	v11 =	vmul.f32 v61, v61;
	v17 =	vadd.f32 v18, v17  }
0x3e7: {  	v25 =	vld [tilespmem:s20+$0xFFFFFF20];
	v18 =	vshrl.u32 v47, $0x3;
	v28 =	vadd.f32 v28, v16;
	v16 =	vmul.f32 v16, v16  }
0x3e8: {  	s11 =	simm.s32 $0xE700;
	v14 =	vadd.f32 v22, v14;
	v22 =	vld [tilespmem:s20+$0xC0];
	v15 =	vadd.f32 v15, v13;
	v18 =	vshll.u32 v18, v0  }
0x3e9: {  	v56 =	vld [tilespmem:s11+$0x70];
	v46 =	vmul.f32 v31, v31;
	v18 =	vadd.s32 $0x3, v18;
	v16 =	vadd.f32 v62, v16  }
0x3ea: {  	v41 =	vmul.f32 v29, v29;
	v29 =	vadd.f32 v29, v21;
	v26 =	vadd.f32 v26, v28;
	v28 =	vld [tilespmem:s20+$0xFFFFFF10]  }
0x3eb: {  	v52 =	vld [tilespmem:s11+$0x80];
	v21 =	vmul.f32 v21, v21;
	v45 =	vadd.f32 v63, v23;
	v23 =	vmul.f32 v23, v23  }
0x3ec: {  	v13 =	vmul.f32 v25, v25;
	v25 =	vadd.f32 v31, v25;
	v31 =	vmul.f32 v60, v60  }
0x3ed: {  	v34 =	vld [tilespmem:s11+$0x30];
	v55 =	vmul.f32 v22, v22;
	v27 =	vadd.f32 v27, v29;
	v21 =	vadd.f32 v41, v21;
	(xrf2) =	vadd.scan.msk.f32 $0xffff, v26  }
0x3ee: {  	v29 =	vshrl.u32 v44, $0x3;
	v38 =	vadd.f32 v46, v13;
	(xrf2) =	vadd.scan.msk.f32 $0xffff, v9;
	v9 =	vmul.f32 v63, v63  }
0x3ef: {  	v26 =	vld [tilespmem:s20+$0xF0];
	v41 =	vmul.f32 v56, v56;
	(xrf2) =	vadd.scan.msk.f32 $0xffff, v12;
	v12 =	vshll.u32 v37, v0;
	v10 =	vadd.f32 v28, v10  }
0x3f0: {  	v37 =	vmul.f32 v52, v52;
	v49 =	vadd.s32 $0x4, v12;
	v9 =	vadd.f32 v9, v23;
	v23 =	vld [tilespmem:s20+$0xD0]  }
0x3f1: {  	v12 =	vshll.u32 v29, v0;
	(xrf2) =	vadd.scan.msk.f32 $0xffff, v15;
	v13 =	vadd.f32 v25, v10;
	v10 =	vmul.f32 v42, v42  }
0x3f2: {  	v60 =	vld [tilespmem:s11+$0x40];
	v28 =	vmul.f32 v28, v28;
	v12 =	vadd.s32 $0x5, v12;
	(xrf2) =	vadd.scan.msk.f32 $0xffff, v27;
	v27 =	vmul.f32 v34, v34  }
0x3f3: {  	v25 =	vadd.f32 v48, v45;
	v11 =	vadd.f32 v11, v10;
	v10 =	vbroadcast v18, $0x0;
	v18 =	vld [tilespmem:s20+$0xE0];
	s20 =	simm.s32 $0x0  }
0x3f4: {  	v62 =	vld [tilespmem:s11+$0x20];
	v33 =	vbroadcast v12, $0x0;
	v15 =	vmul.f32 v26, v26;
	v51 =	vmov s20  }
0x3f5: {  	s16 =	simm.s32 $0x2;
	v54 =	vmul.f32 v23, v23;
	v22 =	vadd.f32 v23, v22;
	v29 =	vadd.f32 v11, v9  }
0x3f6: {  	v50 =	vld [tilespmem:s11+$0x90];
	v9 =	vmov s16;
	v11 =	vadd.f32 v28, v24;
	v24 =	vadd.f32 v17, v16  }
0x3f7: {  	v63 =	vld [tilespmem:s11+$0x10];
	v16 =	vadd.f32 v30, v31;
	v17 =	vshll.u32 v20, v0;
	v36 =	vshrl.u32 v51, $0x3  }
0x3f8: {  	v12 =	vld [tilespmem:s11+$0xFFFFFF00];
	v51 =	vmul.f32 v60, v60;
	v9 =	vshrl.u32 v9, $0x3;
	v17 =	vadd.s32 $0x6, v17  }
0x3f9: {  	v48 =	vld [tilespmem:s11+$0x0];
	v31, _, _ =	vpop (xrf2);
	v23 =	vshll.u32 v36, v0;
	v58 =	vadd.f32 v54, v55;
	v54 =	vmul.f32 v62, v62  }
0x3fa: {  	v20 =	vld [tilespmem:s11+$0xA0];
	v35, _, _ =	vpop (xrf2);
	v9 =	vshll.u32 v9, v0;
	v28 =	vadd.f32 v38, v11;
	v11 =	vadd.f32 v16, v21  }
0x3fb: {  	v30 =	vld [tilespmem:s11+$0xB0];
	v21 =	vbroadcast v49, $0x0;
	v53, _, _ =	vpop (xrf2);
	(xrf2) =	vadd.scan.msk.f32 $0xffff, v19;
	v19 =	vmul.f32 v50, v50;
	v9 =	vadd.s32 $0x2, v9  }
0x3fc: {  	s12 =	simm.s32 $0x7;
	v55 =	vld [tilespmem:s11+$0xFFFFFFC0];
	v16 =	vmul.f32 v18, v18;
	v18 =	vadd.f32 v26, v18;
	(xrf2) =	vadd.scan.msk.f32 $0xffff, v29;
	v29 =	vadd.f32 v34, v62  }
0x3fd: {  	v49 =	vld [tilespmem:s11+$0xFFFFFFF0];
	v27 =	vadd.f32 v27, v54;
	v62 =	vmov s12;
	v9 =	vbroadcast v9, $0x0  }
0x3fe: {  	v26 =	vld [tilespmem:s11+$0x60];
	v19 =	vadd.f32 v19, v37;
	(xrf2) =	vadd.scan.msk.f32 $0xffff, v24;
	v24 =	vmul.f32 v63, v63;
	v15 =	vadd.f32 v15, v16  }
0x3ff: {  	v37 =	vld [tilespmem:s11+$0xFFFFFFE0];
	v16 =	vbroadcast v23, $0x0;
	v22 =	vadd.f32 v18, v22;
	v59 =	vmul.f32 v20, v20  }
0x400: {  	v57, _, _ =	vpop (xrf2);
	v23 =	vld [tilespmem:s11+$0x50];
	v61 =	vmul.f32 v30, v30;
	v20 =	vadd.f32 v30, v20;
	v30 =	vadd.f32 v50, v52  }
0x401: {  	[tilespmem:v33+s22+$0x0] =	vst.idx.msk vm0, v57;
	v18 =	vbroadcast v17, $0x0;
	v43 =	vmul.f32 v55, v55;
	v36 =	vadd.f32 v15, v58  }
0x402: {  	s28 =	simm.s32 $0x1;
	v50, _, _ =	vpop (xrf2);
	(xrf2) =	vadd.scan.msk.f32 $0xffff, v14;
	v15 =	vmul.f32 v12, v12;
	v17 =	vadd.f32 v61, v59;
	v20 =	vadd.f32 v20, v30  }
0x403: {  	v32 =	vld [tilespmem:s11+$0xFFFFFFA0];
	v57, _, _ =	vpop (xrf2);
	(xrf2) =	vadd.scan.msk.f32 $0xffff, v25;
	v30 =	vmov s28;
	v25 =	vmul.f32 v49, v49;
	v38 =	vmul.f32 v26, v26  }
0x404: {  	v42 =	vld [tilespmem:s11+$0xFFFFFFB0];
	[tilespmem:v10+s22+$0x0] =	vst.idx.msk vm0, v35;
	v26 =	vadd.f32 v56, v26;
	v30 =	vshrl.u32 v30, $0x3;
	v56 =	vmul.f32 v48, v48  }
0x405: {  	v58 =	vld [tilespmem:s11+$0xFFFFFF90];
	v30 =	vshll.u32 v30, v0;
	v39 =	vadd.f32 v49, v37;
	v52 =	vmul.f32 v23, v23  }
0x406: {  	s10 =	simm.s32 $0xE;
	[tilespmem:v21+s22+$0x0] =	vst.idx.msk vm0, v53;
	v53 =	vld [tilespmem:s11+$0xFFFFFFD0];
	v14 =	vadd.s32 $0x1, v30;
	v30 =	vadd.f32 v63, v48;
	v23 =	vadd.f32 v23, v60  }
0x407: {  	[tilespmem:v33+s23+$0x0] =	vst.idx.msk vm0, v50;
	v59 =	vmov s10;
	v24 =	vadd.f32 v24, v56;
	v38 =	vadd.f32 v41, v38  }
0x408: {  	v47 =	vld [tilespmem:s11+$0xFFFFFF70];
	v37 =	vmul.f32 v37, v37;
	v33 =	vadd.f32 v52, v51;
	v23 =	vadd.f32 v26, v23  }
0x409: {  	[tilespmem:v9+s22+$0x0] =	vst.idx.msk vm0, v57;
	v60 =	vld [tilespmem:s11+$0xFFFFFF80];
	v14 =	vbroadcast v14, $0x0;
	v52 =	vadd.f32 v27, v24;
	v27 =	vadd.f32 v42, v32  }
0x40a: {  	(xrf2) =	vadd.scan.msk.f32 $0xffff, v13;
	v29 =	vadd.f32 v29, v30;
	v13 =	vmul.f32 v58, v58;
	v42 =	vmul.f32 v42, v42  }
0x40b: {  	v57 =	vld [tilespmem:s11+$0xFFFFFF10];
	[tilespmem:v18+s22+$0x0] =	vst.idx.msk vm0, v31;
	v63, _, _ =	vpop (xrf2);
	v30 =	vshrl.u32 v59, $0x3;
	v32 =	vmul.f32 v32, v32;
	v61 =	vmul.f32 v53, v53  }
0x40c: {  	s13 =	simm.s32 $0xC;
	v45 =	vadd.f32 v53, v55;
	[tilespmem:v21+s23+$0x0] =	vst.idx.msk vm0, v63;
	v21 =	vshrl.u32 v62, $0x3;
	v53 =	vld [tilespmem:s11+$0xFFFFFF30];
	v54, _, _ =	vpop (xrf2);
	(xrf2) =	vadd.scan.msk.f32 $0xffff, v28  }
0x40d: {  	v55 =	vld [tilespmem:s11+$0xFFFFFF20];
	v63 =	vmul.f32 v47, v47;
	(xrf2) =	vadd.scan.msk.f32 $0xffff, v22;
	v22 =	vmov s13;
	v21 =	vshll.u32 v21, v0  }
0x40e: {  	s16 =	simm.s32 $0xD;
	v56, _, _ =	vpop (xrf2);
	v33 =	vadd.f32 v38, v33;
	v35 =	vadd.f32 v61, v43;
	v28 =	vmul.f32 v60, v60  }
0x40f: {  	v31 =	vld [tilespmem:s11+$0xFFFFFF40];
	v34 =	vadd.f32 v58, v60;
	v39 =	vadd.f32 v39, v45;
	v58, _, _ =	vpop (xrf2);
	(xrf2) =	vadd.scan.msk.f32 $0xffff, v20;
	v20 =	vmov s16  }
0x410: {  	s20 =	simm.s32 $0xB;
	v24 =	vld [tilespmem:s11+$0xFFFFFF50];
	v21 =	vadd.s32 $0x7, v21;
	v12 =	vadd.f32 v57, v12;
	[tilespmem:v10+s23+$0x0] =	vst.idx.msk vm0, v56;
	v28 =	vadd.f32 v13, v28;
	v13, _, _ =	vpop (xrf2)  }
0x411: {  	(xrf2) =	vadd.scan.msk.f32 $0xffff, v36;
	v60 =	vbroadcast v21, $0x0;
	v21 =	vmov s20;
	[tilespmem:v14+s22+$0x0] =	vst.idx.msk vm0, v13  }
0x412: {  	v13 =	vmul.f32 v53, v53;
	v61 =	vadd.f32 v53, v55;
	v62 =	vmul.f32 v55, v55  }
0x413: {  	v26 =	vld [tilespmem:s11+$0xFFFFFF60];
	v22 =	vshrl.u32 v22, $0x3;
	v20 =	vshrl.u32 v20, $0x3;
	[tilespmem:v18+s23+$0x0] =	vst.idx.msk vm0, v58;
	(xrf2) =	vadd.scan.msk.f32 $0xffff, v39  }
0x414: {  	(xrf2) =	vadd.scan.msk.f32 $0xffff, v29;
	v39 =	vadd.f32 v13, v62;
	v13 =	vadd.f32 v61, v12;
	v12 =	vshrl.u32 v21, $0x3  }
0x415: {  	v18 =	vadd.f32 v17, v19;
	v59 =	vadd.f32 v24, v31;
	(xrf2) =	vadd.scan.msk.f32 $0xffff, v23;
	v21, _, _ =	vpop (xrf2);
	v12 =	vshll.u32 v12, v0  }
0x416: {  	[tilespmem:v16+s22+$0x0] =	vst.idx.msk vm0, v21;
	v21 =	vmul.f32 v24, v24;
	v24 =	vadd.s32 $0x3, v12;
	v12 =	vshll.u32 v20, v0  }
0x417: {  	v31 =	vmul.f32 v31, v31;
	v23 =	vadd.f32 v25, v37;
	(xrf2) =	vadd.scan.msk.f32 $0xffff, v11;
	v11, _, _ =	vpop (xrf2);
	v12 =	vadd.s32 $0x5, v12  }
0x418: {  	s28 =	simm.s32 $0xA;
	v25 =	vmul.f32 v26, v26;
	[tilespmem:v16+s23+$0x0] =	vst.idx.msk vm0, v11;
	v11 =	vshll.u32 v22, v0  }
0x419: {  	v17 =	vmov s28;
	v27 =	vadd.f32 v27, v34;
	v29 =	vadd.f32 v47, v26;
	[tilespmem:v14+s23+$0x0] =	vst.idx.msk vm0, v54;
	v20, _, _ =	vpop (xrf2)  }
0x41a: {  	v16 =	vadd.f32 v63, v25;
	v25 =	vadd.f32 v21, v31;
	v21 =	vbroadcast v12, $0x0;
	v12, _, _ =	vpop (xrf2);
	(xrf2) =	vadd.scan.msk.f32 $0xffff, v33  }
0x41b: {  	v14 =	vadd.f32 v29, v59;
	v22 =	vmul.f32 v57, v57;
	v26 =	vadd.s32 $0x4, v11;
	[tilespmem:v60+s22+$0x0] =	vst.idx.msk vm0, v20;
	v11, _, _ =	vpop (xrf2)  }
0x41c: {  	v29 =	vld [tilespmem:s11+$0xF0];
	v10 =	vbroadcast v24, $0x0;
	[tilespmem:v60+s23+$0x0] =	vst.idx.msk vm0, v11;
	v11 =	vshrl.u32 v17, $0x3;
	v17 =	vadd.f32 v42, v32  }
0x41d: {  	v31 =	vld [tilespmem:s11+$0xE0];
	v20 =	vshll.u32 v30, v0;
	v25 =	vadd.f32 v16, v25;
	v19 =	vadd.f32 v22, v15  }
0x41e: {  	v22 =	vadd.s32 $0x6, v20;
	v20 =	vbroadcast v26, $0x0;
	v26 =	vld [tilespmem:s11+$0xD0];
	(xrf2) =	vadd.scan.msk.f32 $0xffff, v27;
	v16, _, _ =	vpop (xrf2);
	v11 =	vshll.u32 v11, v0  }
0x41f: {  	v24 =	vadd.f32 v23, v35;
	v15, _, _ =	vpop (xrf2);
	v23 =	vadd.s32 $0x2, v11;
	v11 =	vadd.f32 v17, v28;
	v28 =	vld [tilespmem:s11+$0xC0]  }
0x420: {  	v17, _, _ =	vpop (xrf2)  }
0x421: {  	v27 =	vmul.f32 v29, v29;
	(xrf2) =	vadd.scan.msk.f32 $0xffff, v52;
	[tilespmem:v21+s22+$0x0] =	vst.idx.msk vm0, v17;
	v17 =	vbroadcast v23, $0x0  }
0x422: {  	s1 =	simm.s32 $0x8;
	s10 =	simm.s32 $0x10;
	v19 =	vadd.f32 v39, v19;
	s11 =	simm.s32 $0xE900;
	v30, _, _ =	vpop (xrf2);
	v23 =	vadd.f32 v29, v31;
	v29 =	vmul.f32 v31, v31  }
.LBB2_21:
0x423: {  	v31 =	vld [tilespmem:s11+$0x30];
	p0 =	slt.u32 s10, $0xF8;
	v32 =	vmov s1;
	v33 =	vmul.f32 v26, v26;
	[tilespmem:v9+s23+$0x0] =	vst.idx.msk vm0, v30;
	v9 =	vmov v17;
	s12 =	smov.u32 s10;
	s10 =	sadd.s32 $0x8, s10  }
0x424: {  	v17 =	vld [tilespmem:s11+$0xFFFFFF00];
	[tilespmem:v20+s22+$0x0] =	vst.idx.msk vm0, v15;
	v15 =	vadd.f32 v26, v28;
	v26 =	vmul.f32 v28, v28;
	(xrf2) =	vadd.scan.msk.f32 $0xffff, v25;
	v25, _, _ =	vpop (xrf2)  }
0x425: {  	v30 =	vshrl.u32 v32, $0x3;
	v28 =	vld [tilespmem:s11+$0xA0];
	[tilespmem:v21+s23+$0x0] =	vst.idx.msk vm0, v25;
	v25 =	vadd.f32 v27, v29  }
0x426: {  	v21 =	vshll.u32 v30, v0;
	v27 =	vld [tilespmem:s11+$0xB0];
	v23 =	vadd.f32 v23, v15;
	v30 =	vadd.f32 v33, v26  }
0x427: {  	v21 =	vbroadcast v21, $0x0;
	v26 =	vld [tilespmem:s11+$0x90];
	(xrf2) =	vadd.scan.msk.f32 $0xffff, v24  }
0x428: {  	v24 =	vmul.f32 v31, v31;
	v29 =	vld [tilespmem:s11+$0x80];
	v25 =	vadd.f32 v25, v30;
	v15, _, _ =	vpop (xrf2)  }
0x429: {  	v30 =	vld [tilespmem:s11+$0x70]  }
0x42a: {  	v32 =	vld [tilespmem:s11+$0x60];
	(xrf2) =	vadd.scan.msk.f32 $0xffff, v18  }
0x42b: {  	v18 =	vmul.f32 v28, v28;
	v33 =	vld [tilespmem:s11+$0x50];
	[tilespmem:v9+s22+$0x0] =	vst.idx.msk vm0, v15;
	v34, _, _ =	vpop (xrf2)  }
0x42c: {  	v15 =	vmul.f32 v17, v17;
	v28 =	vadd.f32 v27, v28;
	v27 =	vmul.f32 v27, v27;
	v35 =	vld [tilespmem:s11+$0x40]  }
0x42d: {  	v22 =	vbroadcast v22, $0x0;
	v36 =	vld [tilespmem:s11+$0x20];
	v37 =	vadd.f32 v26, v29;
	v29 =	vmul.f32 v29, v29;
	(xrf2) =	vadd.scan.msk.f32 $0xffff, v14  }
0x42e: {  	s13 =	sadd.s32 $0x1, s1;
	v26 =	vmul.f32 v26, v26;
	v18 =	vadd.f32 v27, v18;
	v14 =	vld [tilespmem:s11+$0x10];
	[tilespmem:v10+s22+$0x0] =	vst.idx.msk vm0, v16;
	v16, _, _ =	vpop (xrf2)  }
0x42f: {  	v27 =	vld [tilespmem:s11+$0x0];
	v38 =	vmul.f32 v32, v32;
	v28 =	vadd.f32 v28, v37;
	v37 =	vmov s13;
	[tilespmem:v20+s23+$0x0] =	vst.idx.msk vm0, v34  }
0x430: {  	v32 =	vadd.f32 v30, v32;
	v30 =	vmul.f32 v30, v30;
	v20 =	vadd.f32 v26, v29;
	v34 =	vld [tilespmem:s11+$0xFFFFFFF0];
	(xrf2) =	vadd.scan.msk.f32 $0xffff, v13  }
0x431: {  	v29 =	vmul.f32 v33, v33;
	v37 =	vshrl.u32 v37, $0x3;
	v13 =	vld [tilespmem:s11+$0xFFFFFFE0];
	v26 =	vmul.f32 v35, v35;
	v39, _, _ =	vpop (xrf2)  }
0x432: {  	v37 =	vshll.u32 v37, v0;
	v40 =	vld [tilespmem:s11+$0xFFFFFFD0];
	v31 =	vadd.f32 v31, v36;
	v36 =	vmul.f32 v36, v36  }
0x433: {  	s13 =	sadd.s32 $0x6, s12;
	v41 =	vld [tilespmem:s11+$0xFFFFFFC0];
	v42 =	vmul.f32 v14, v14;
	v26 =	vadd.f32 v29, v26;
	v29 =	vadd.s32 $0x1, v37;
	(xrf2) =	vadd.scan.msk.f32 $0xffff, v19  }
0x434: {  	v33 =	vadd.f32 v33, v35;
	v19 =	vld [tilespmem:s11+$0xFFFFFFB0];
	v14 =	vadd.f32 v14, v27;
	v27 =	vmul.f32 v27, v27;
	v35, _, _ =	vpop (xrf2)  }
0x435: {  	v24 =	vadd.f32 v24, v36;
	v37 =	vld [tilespmem:s11+$0xFFFFFFA0];
	v43 =	vmul.f32 v34, v34;
	[tilespmem:v22+s22+$0x0] =	vst.idx.msk vm0, v12  }
0x436: {  	v36 =	vmov s13;
	v29 =	vbroadcast v29, $0x0;
	s13 =	sadd.s32 $0x7, s1;
	s1 =	smov.u32 s12;
	v12 =	vld [tilespmem:s11+$0xFFFFFF90];
	v27 =	vadd.f32 v42, v27;
	(xrf2) =	vadd.scan.msk.f32 $0xffff, v23  }
0x437: {  	v45 =	vmov s13;
	v34 =	vadd.f32 v34, v13;
	v42 =	vld [tilespmem:s11+$0xFFFFFF80];
	v44 =	vmul.f32 v40, v40;
	v46, _, _ =	vpop (xrf2)  }
0x438: {  	v32 =	vadd.f32 v32, v33;
	v47 =	vld [tilespmem:s11+$0xFFFFFF70];
	v40 =	vadd.f32 v40, v41;
	v41 =	vmul.f32 v41, v41  }
0x439: {  	s12 =	sadd.s32 $0x4, s1;
	v13 =	vmul.f32 v13, v13;
	v23 =	vadd.f32 v24, v27;
	v24 =	vshrl.u32 v45, $0x3;
	v33 =	vld [tilespmem:s11+$0xFFFFFF60];
	(xrf2) =	vadd.scan.msk.f32 $0xffff, v28  }
0x43a: {  	v14 =	vadd.f32 v31, v14;
	v31 =	vshrl.u32 v36, $0x3;
	v27 =	vld [tilespmem:s11+$0xFFFFFF50];
	v28 =	vadd.f32 v19, v37;
	v36, _, _ =	vpop (xrf2)  }
0x43b: {  	v30 =	vadd.f32 v30, v38;
	v41 =	vadd.f32 v44, v41;
	v45 =	vld [tilespmem:s11+$0xFFFFFF40];
	v48 =	vmul.f32 v12, v12  }
0x43c: {  	v34 =	vadd.f32 v34, v40;
	v38 =	vld [tilespmem:s11+$0xFFFFFF30];
	v12 =	vadd.f32 v12, v42;
	v42 =	vmul.f32 v42, v42;
	(xrf2) =	vadd.scan.msk.f32 $0xffff, v25  }
0x43d: {  	v24 =	vshll.u32 v24, v0;
	v19 =	vmul.f32 v19, v19;
	v40 =	vmov s12;
	s12 =	sadd.s32 $0x5, s1;
	v25 =	vld [tilespmem:s11+$0xFFFFFF20];
	[tilespmem:v29+s22+$0x0] =	vst.idx.msk vm0, v46;
	v44, _, _ =	vpop (xrf2)  }
0x43e: {  	s13 =	sadd.s32 $0x3, s1;
	v46 =	vld [tilespmem:s11+$0xFFFFFF10];
	v28 =	vadd.f32 v28, v12;
	v12 =	vmov s12;
	[tilespmem:v29+s23+$0x0] =	vst.idx.msk vm0, v16;
	v16 =	vadd.s32 $0x7, v24  }
0x43f: {  	v29 =	vadd.f32 v48, v42;
	v24 =	vshrl.u32 v12, $0x3;
	(xrf2) =	vadd.scan.msk.f32 $0xffff, v34;
	[tilespmem:v21+s22+$0x0] =	vst.idx.msk vm0, v36  }
0x440: {  	v16 =	vbroadcast v16, $0x0;
	v34 =	vadd.f32 v27, v45;
	v36 =	vmul.f32 v45, v45;
	[tilespmem:v21+s23+$0x0] =	vst.idx.msk vm0, v44;
	v21, _, _ =	vpop (xrf2)  }
0x441: {  	v26 =	vadd.f32 v30, v26;
	v44 =	vmov s13;
	v42 =	vmul.f32 v38, v38;
	[tilespmem:v10+s23+$0x0] =	vst.idx.msk vm0, v39  }
0x442: {  	v30 =	vmul.f32 v37, v37;
	v10 =	vadd.f32 v38, v25;
	v25 =	vmul.f32 v25, v25;
	(xrf2) =	vadd.scan.msk.f32 $0xffff, v14  }
0x443: {  	v37 =	vshrl.u32 v40, $0x3;
	v14 =	vadd.f32 v46, v17;
	v17 =	vadd.f32 v47, v33;
	v12, _, _ =	vpop (xrf2);
	[tilespmem:v22+s23+$0x0] =	vst.idx.msk vm0, v35  }
0x444: {  	v35 =	vadd.f32 v43, v13;
	v22 =	vadd.f32 v42, v25;
	v25 =	vmul.f32 v47, v47  }
0x445: {  	v13 =	vadd.f32 v10, v14;
	v10 =	vmul.f32 v33, v33;
	v33 =	vshrl.u32 v44, $0x3;
	(xrf2) =	vadd.scan.msk.f32 $0xffff, v32  }
0x446: {  	v14 =	vadd.f32 v17, v34;
	v17 =	vshll.u32 v33, v0;
	[tilespmem:v16+s22+$0x0] =	vst.idx.msk vm0, v21;
	v21, _, _ =	vpop (xrf2)  }
0x447: {  	v27 =	vmul.f32 v27, v27;
	v32 =	vshll.u32 v37, v0;
	v17 =	vadd.s32 $0x3, v17;
	[tilespmem:v16+s23+$0x0] =	vst.idx.msk vm0, v21  }
0x448: {  	v21 =	vadd.f32 v25, v10;
	v10 =	vbroadcast v17, $0x0;
	v17 =	vadd.s32 $0x4, v32;
	(xrf2) =	vadd.scan.msk.f32 $0xffff, v11  }
0x449: {  	s12 =	sadd.s32 $0x2, s1;
	v24 =	vshll.u32 v24, v0;
	v25 =	vadd.f32 v27, v36;
	v11 =	vmul.f32 v46, v46;
	v16, _, _ =	vpop (xrf2)  }
0x44a: {  	v18 =	vadd.f32 v18, v20;
	v24 =	vadd.s32 $0x5, v24  }
0x44b: {  	v20 =	vmov s12;
	v25 =	vadd.f32 v21, v25;
	v21 =	vbroadcast v24, $0x0;
	(xrf2) =	vadd.scan.msk.f32 $0xffff, v26  }
0x44c: {  	v20 =	vshrl.u32 v20, $0x3;
	v24 =	vadd.f32 v35, v41;
	v11 =	vadd.f32 v11, v15;
	v15, _, _ =	vpop (xrf2)  }
0x44d: {  	v20 =	vshll.u32 v20, v0;
	v27 =	vshll.u32 v31, v0;
	v26 =	vadd.f32 v19, v30;
	v31 =	vld [tilespmem:s11+$0xF0]  }
0x44e: {  	v30 =	vadd.s32 $0x2, v20;
	v19 =	vadd.f32 v22, v11;
	v22 =	vadd.s32 $0x6, v27;
	v32 =	vld [tilespmem:s11+$0xE0]  }
.Ltmp14:
0x44f: {  	v20 =	vbroadcast v17, $0x0;
	v11 =	vadd.f32 v26, v29;
	v26 =	vld [tilespmem:s11+$0xD0];
	(xrf2) =	vadd.scan.msk.f32 $0xffff, v28;
	v17, _, _ =	vpop (xrf2);
	(pc) =	sbr.rel @p0 .LBB2_21-.Ltmp14, $4  }
0x450: {  	v28 =	vld [tilespmem:s11+$0xC0]  }
0x451: {  	[tilespmem:v21+s22+$0x0] =	vst.idx.msk vm0, v17  }
0x452: {  	s12 =	simm.s32 $0x16610;
	s13 =	simm.s32 $0x16710;
	v17 =	vbroadcast v30, $0x0;
	v27 =	vmul.f32 v31, v31;
	(xrf2) =	vadd.scan.msk.f32 $0xffff, v23;
	v30, _, _ =	vpop (xrf2)  }
0x453: {  	s20 =	simm.s32 $0x16410;
	s16 =	simm.s32 $0x16510;
	s11 =	sadd.s32 $0x200, s11;
	v23 =	vadd.f32 v31, v32;
	v29 =	vmul.f32 v32, v32  }
0x454: {  	(xrf2) =	vadd.scan.msk.f32 $0xffff, v25  }
0x455: {  	(xrf2) =	vadd.scan.msk.f32 $0xffff, v24  }
0x456: {  	v42 =	vmul.f32 v26, v26;
	v43 =	vmul.f32 v28, v28;
	(xrf2) =	vadd.scan.msk.f32 $0xffff, v18  }
0x457: {  	s10 =	sadd.s32 $0x1, s1;
	v45 =	vmov s1;
	v50 =	vbroadcast v22, $0x0;
	v46 =	vadd.f32 v26, v28;
	(xrf2) =	vadd.scan.msk.f32 $0xffff, v14  }
0x458: {  	v44 =	vmov s10;
	v48 =	vadd.f32 v27, v29;
	v14 =	vadd.f32 v42, v43  }
0x459: {  	[tilespmem:v9+s23+$0x0] =	vst.idx.msk vm0, v30;
	v47 =	vshrl.u32 v44, $0x3;
	v9 =	vadd.f32 v23, v46;
	(xrf2) =	vadd.scan.msk.f32 $0xffff, v13  }
0x45a: {  	[tilespmem:v20+s22+$0x0] =	vst.idx.msk vm0, v15;
	v13 =	vshll.u32 v47, v0;
	(xrf2) =	vadd.scan.msk.f32 $0xffff, v19;
	v14 =	vadd.f32 v48, v14  }
0x45b: {  	s28 =	sadd.s32 $0x7, s1;
	[tilespmem:v10+s22+$0x0] =	vst.idx.msk vm0, v16;
	v49, _, _ =	vpop (xrf2);
	v52 =	vshrl.u32 v45, $0x3;
	v13 =	vadd.s32 $0x1, v13;
	(xrf2) =	vadd.scan.msk.f32 $0xffff, v9  }
0x45c: {  	v55 =	vmov s28;
	[tilespmem:v21+s23+$0x0] =	vst.idx.msk vm0, v49;
	v51, _, _ =	vpop (xrf2);
	v13 =	vbroadcast v13, $0x0;
	(xrf2) =	vadd.scan.msk.f32 $0xffff, v14  }
0x45d: {  	v15 =	vshll.u32 v52, v0;
	v57 =	vshrl.u32 v55, $0x3;
	[tilespmem:v17+s22+$0x0] =	vst.idx.msk vm0, v51;
	v53, _, _ =	vpop (xrf2);
	(xrf2) =	vadd.scan.msk.f32 $0xffff, v11  }
0x45e: {  	v16 =	vshll.u32 v57, v0;
	v9 =	vbroadcast v15, $0x0;
	[tilespmem:v50+s22+$0x0] =	vst.idx.msk vm0, v12;
	v54, _, _ =	vpop (xrf2)  }
0x45f: {  	v59 =	vadd.s32 $0x7, v16;
	[tilespmem:v20+s23+$0x0] =	vst.idx.msk vm0, v53;
	v56, _, _ =	vpop (xrf2)  }
0x460: {  	v12 =	vbroadcast v59, $0x0;
	v11, _, _ =	vpop (xrf2);
	[tilespmem:v10+s23+$0x0] =	vst.idx.msk vm0, v56  }
0x461: {  	v58, _, _ =	vpop (xrf2);
	[tilespmem:v50+s23+$0x0] =	vst.idx.msk vm0, v11  }
0x462: {  	[tilespmem:v13+s22+$0x0] =	vst.idx.msk vm0, v58  }
0x463: {  	v60, _, _ =	vpop (xrf2);
	[tilespmem:v13+s23+$0x0] =	vst.idx.msk vm0, v54  }
0x464: {  	v61, _, _ =	vpop (xrf2);
	[tilespmem:v9+s22+$0x0] =	vst.idx.msk vm0, v60  }
0x465: {  	[tilespmem:v9+s23+$0x0] =	vst.idx.msk vm0, v61;
	v9, _, _ =	vpop (xrf2)  }
0x466: {  	[tilespmem:v12+s22+$0x0] =	vst.idx.msk vm0, v9;
	v9, _, _ =	vpop (xrf2)  }
0x467: {  	[tilespmem:v12+s23+$0x0] =	vst.idx.msk vm0, v9;
	v9, _, _ =	vpop (xrf2)  }
0x468: {  	[tilespmem:v17+s23+$0x0] =	vst.idx.msk vm0, v9  }
0x469: {  	v9 =	vld [tilespmem:s20+$0xFFFFFFF0];
	_ =	sdelay $0x1  }
0x46a: {  	v10 =	vld [tilespmem:s16+$0xFFFFFFF0];
	_ =	sdelay $0x2  }
0x46b: {  	v9 =	vmul.f32 $1.562500000e-02, v9;
	_ =	sdelay $0x1  }
0x46c: {  	v10 =	vmul.f32 $1.562500000e-02, v10;
	v11 =	vmul.f32 v9, v9;
	_ =	sdelay $0x1  }
0x46d: {  	v10 =	vsub.f32 v10, v11;
	_ =	sdelay $0x1  }
0x46e: {  	v10 =	vadd.f32 $9.999999740e-06, v10;
	_ =	sdelay $0x1  }
0x46f: {  	v11 =	vshrl.u32 v10, $0x1;
	v10 =	vmul.f32 $5.000000000e-01, v10  }
0x470: {  	v11 =	vsub.s32 $0x5F3759DF, v11  }
0x471: {  	v62 =	vmul.f32 v11, v10;
	_ =	sdelay $0x1  }
0x472: {  	v12 =	vmul.f32 v11, v62;
	_ =	sdelay $0x1  }
0x473: {  	v12 =	vsub.f32 $1.500000000e+00, v12;
	_ =	sdelay $0x1  }
0x474: {  	v11 =	vmul.f32 v11, v12;
	_ =	sdelay $0x1  }
0x475: {  	v10 =	vmul.f32 v11, v10;
	_ =	sdelay $0x1  }
0x476: {  	v10 =	vmul.f32 v10, v11;
	_ =	sdelay $0x1  }
0x477: {  	v10 =	vsub.f32 $1.500000000e+00, v10;
	_ =	sdelay $0x1  }
0x478: {  	v10 =	vmul.f32 v10, v11;
	_ =	sdelay $0x1  }
0x479: {  	v9 =	vmul.f32 v10, v9;
	_ =	sdelay $0x1  }
0x47a: {  	v9 =	vsub.f32 $0.0e+00, v9  }
0x47b: {  	[tilespmem:s12+$0xFFFFFFF0] =	vst v10  }
0x47c: {  	[tilespmem:s13+$0xFFFFFFF0] =	vst v9  }
0x47d: {  	v9 =	vld [tilespmem:s20+$0x0];
	_ =	sdelay $0x1  }
0x47e: {  	v10 =	vld [tilespmem:s16+$0x0];
	_ =	sdelay $0x2  }
0x47f: {  	v9 =	vmul.f32 $1.562500000e-02, v9;
	_ =	sdelay $0x1  }
0x480: {  	v10 =	vmul.f32 $1.562500000e-02, v10;
	v11 =	vmul.f32 v9, v9;
	_ =	sdelay $0x1  }
0x481: {  	v10 =	vsub.f32 v10, v11;
	_ =	sdelay $0x1  }
0x482: {  	v10 =	vadd.f32 $9.999999740e-06, v10;
	_ =	sdelay $0x1  }
0x483: {  	v11 =	vshrl.u32 v10, $0x1;
	v10 =	vmul.f32 $5.000000000e-01, v10  }
0x484: {  	v11 =	vsub.s32 $0x5F3759DF, v11  }
0x485: {  	v63 =	vmul.f32 v11, v10;
	_ =	sdelay $0x1  }
0x486: {  	v12 =	vmul.f32 v11, v63;
	_ =	sdelay $0x1  }
0x487: {  	v12 =	vsub.f32 $1.500000000e+00, v12;
	_ =	sdelay $0x1  }
0x488: {  	v11 =	vmul.f32 v11, v12;
	_ =	sdelay $0x1  }
0x489: {  	v10 =	vmul.f32 v11, v10;
	_ =	sdelay $0x1  }
0x48a: {  	v10 =	vmul.f32 v10, v11;
	_ =	sdelay $0x1  }
0x48b: {  	v10 =	vsub.f32 $1.500000000e+00, v10;
	_ =	sdelay $0x1  }
0x48c: {  	v10 =	vmul.f32 v10, v11  }
0x48d: {  	p0 =	por $0x1, $0x1  }
.Ltmp15:
0x48e: {  	v9 =	vmul.f32 v10, v9;
	(pc) =	sbr.rel @!p0 .LBB2_24-.Ltmp15, $4  }
0x48f: {  	_ = 	snop  }
0x490: {  	v9 =	vsub.f32 $0.0e+00, v9  }
0x491: {  	s11 =	simm.s32 $0x0;
	[tilespmem:s12+$0x0] =	vst v10  }
0x492: {  	s1 =	simm.s32 $0x0;
	s10 =	simm.s32 $0xE500;
	s20 =	simm.s32 $0x16430;
	[tilespmem:s13+$0x0] =	vst v9  }
.LBB2_23:
0x493: {  	v9 =	vld [tilespmem:s20+$0xFFFFFFF0];
	s11 =	sadd.s32 $0x2, s11  }
0x494: {  	s16 =	sadd.s32 $0x20, s16;
	p0 =	slt.u32 s11, $0xE  }
0x495: {  	v10 =	vld [tilespmem:s16+$0xFFFFFFF0];
	_ =	sdelay $0x2  }
0x496: {  	v9 =	vmul.f32 $1.562500000e-02, v9;
	_ =	sdelay $0x1  }
0x497: {  	v10 =	vmul.f32 $1.562500000e-02, v10;
	v11 =	vmul.f32 v9, v9;
	_ =	sdelay $0x1  }
0x498: {  	v10 =	vsub.f32 v10, v11;
	_ =	sdelay $0x1  }
0x499: {  	v10 =	vadd.f32 $9.999999740e-06, v10;
	_ =	sdelay $0x1  }
0x49a: {  	v11 =	vshrl.u32 v10, $0x1;
	v10 =	vmul.f32 $5.000000000e-01, v10  }
0x49b: {  	v11 =	vsub.s32 $0x5F3759DF, v11  }
0x49c: {  	v12 =	vmul.f32 v11, v10;
	_ =	sdelay $0x1  }
0x49d: {  	v12 =	vmul.f32 v11, v12;
	_ =	sdelay $0x1  }
0x49e: {  	v12 =	vsub.f32 $1.500000000e+00, v12;
	_ =	sdelay $0x1  }
0x49f: {  	v11 =	vmul.f32 v11, v12;
	_ =	sdelay $0x1  }
0x4a0: {  	v10 =	vmul.f32 v11, v10;
	_ =	sdelay $0x1  }
0x4a1: {  	v10 =	vmul.f32 v10, v11;
	_ =	sdelay $0x1  }
0x4a2: {  	v10 =	vsub.f32 $1.500000000e+00, v10;
	_ =	sdelay $0x1  }
0x4a3: {  	v10 =	vmul.f32 v10, v11  }
0x4a4: {  	s12 =	sadd.s32 $0x20, s12  }
0x4a5: {  	[tilespmem:s12+$0xFFFFFFF0] =	vst v10;
	v9 =	vmul.f32 v10, v9;
	_ =	sdelay $0x1  }
0x4a6: {  	v9 =	vsub.f32 $0.0e+00, v9  }
0x4a7: {  	s13 =	sadd.s32 $0x20, s13  }
0x4a8: {  	[tilespmem:s13+$0xFFFFFFF0] =	vst v9  }
0x4a9: {  	v9 =	vld [tilespmem:s20+$0x0];
	_ =	sdelay $0x1  }
0x4aa: {  	v10 =	vld [tilespmem:s16+$0x0];
	_ =	sdelay $0x2  }
0x4ab: {  	v9 =	vmul.f32 $1.562500000e-02, v9;
	_ =	sdelay $0x1  }
0x4ac: {  	v10 =	vmul.f32 $1.562500000e-02, v10;
	v11 =	vmul.f32 v9, v9;
	_ =	sdelay $0x1  }
0x4ad: {  	v10 =	vsub.f32 v10, v11;
	_ =	sdelay $0x1  }
0x4ae: {  	v10 =	vadd.f32 $9.999999740e-06, v10;
	_ =	sdelay $0x1  }
0x4af: {  	v11 =	vshrl.u32 v10, $0x1;
	v10 =	vmul.f32 $5.000000000e-01, v10  }
0x4b0: {  	v11 =	vsub.s32 $0x5F3759DF, v11  }
0x4b1: {  	v12 =	vmul.f32 v11, v10;
	_ =	sdelay $0x1  }
0x4b2: {  	v12 =	vmul.f32 v11, v12;
	_ =	sdelay $0x1  }
0x4b3: {  	v12 =	vsub.f32 $1.500000000e+00, v12;
	_ =	sdelay $0x1  }
0x4b4: {  	v11 =	vmul.f32 v11, v12;
	_ =	sdelay $0x1  }
0x4b5: {  	v10 =	vmul.f32 v11, v10;
	_ =	sdelay $0x1  }
0x4b6: {  	v10 =	vmul.f32 v10, v11;
	_ =	sdelay $0x1  }
0x4b7: {  	v10 =	vsub.f32 $1.500000000e+00, v10;
	_ =	sdelay $0x1  }
0x4b8: {  	v10 =	vmul.f32 v10, v11;
	_ =	sdelay $0x1  }
.Ltmp16:
0x4b9: {  	[tilespmem:s12+$0x0] =	vst v10;
	v9 =	vmul.f32 v10, v9;
	(pc) =	sbr.rel @p0 .LBB2_23-.Ltmp16, $3  }
0x4ba: {  	_ = 	snop  }
0x4bb: {  	v9 =	vsub.f32 $0.0e+00, v9;
	_ =	sdelay $0x1  }
0x4bc: {  	s20 =	sadd.s32 $0x20, s20;
	[tilespmem:s13+$0x0] =	vst v9  }
.LBB2_24:
0x4bd: {  	v9 =	vmov s1;
	s11 =	sadd.s32 $0x1, s1;
	s12 =	sadd.s32 $0x2, s1  }
0x4be: {  	s13 =	sadd.s32 $0x3, s1;
	v10 =	vmov s11;
	v11 =	vmov s12;
	v9 =	vshrl.u32 v9, $0x3  }
0x4bf: {  	v12 =	vmov s13;
	v9 =	vshll.u32 v9, v0;
	v10 =	vshrl.u32 v10, $0x3  }
0x4c0: {  	v11 =	vshrl.u32 v11, $0x3;
	v15 =	vbroadcast v9, $0x0;
	v9 =	vshll.u32 v10, v0  }
0x4c1: {  	v10 =	vshrl.u32 v12, $0x3;
	v11 =	vshll.u32 v11, v0;
	v9 =	vadd.s32 $0x1, v9  }
0x4c2: {  	v10 =	vshll.u32 v10, v0;
	v11 =	vadd.s32 $0x2, v11;
	v14 =	vbroadcast v9, $0x0  }
0x4c3: {  	v9 =	vadd.s32 $0x3, v10;
	v12 =	vbroadcast v11, $0x0  }
0x4c4: {  	s16 =	sadd.s32 $0x4, s1;
	s28 =	sadd.s32 $0x6, s1;
	v13 =	vbroadcast v9, $0x0  }
0x4c5: {  	s20 =	sadd.s32 $0x5, s1;
	p1 =	slt.u32 s1, $0xF8;
	v11 =	vmov s28;
	v9 =	vmov s16  }
.Ltmp17:
0x4c6: {  	v10 =	vmov s20;
	v11 =	vshrl.u32 v11, $0x3;
	v16 =	vshrl.u32 v9, $0x3;
	v9 =	vld.idx.msk [tilespmem:v15+s25+$0x0], $0xffff;
	(pc) =	sbr.rel @!p1 .LBB2_25-.Ltmp17, $4  }
0x4c7: {  	v17 =	vshrl.u32 v10, $0x3;
	v11 =	vshll.u32 v11, v0;
	v10 =	vld.idx.msk [tilespmem:v15+s24+$0x0], $0xffff  }
0x4c8: {  	v16 =	vshll.u32 v16, v0;
	v11 =	vadd.s32 $0x6, v11;
	v15 =	vshll.u32 v17, v0;
	v17 =	vld.idx.msk [tilespmem:v14+s25+$0x0], $0xffff  }
0x4c9: {  	v16 =	vadd.s32 $0x4, v16;
	v28 =	vbroadcast v11, $0x0;
	v18 =	vadd.s32 $0x5, v15;
	v15 =	vld.idx.msk [tilespmem:v12+s25+$0x0], $0xffff  }
0x4ca: {  	p0 =	por $0x0, $0x0;
	s13 =	sadd.s32 $0x7, s1;
	s1 =	sadd.s32 $0x8, s1;
	v16 =	vbroadcast v16, $0x0;
	v21 =	vbroadcast v18, $0x0;
	v11 =	vld.idx.msk [tilespmem:v13+s25+$0x0], $0xffff  }
0x4cb: {  	_ =	sdelay $0x3  }
0x4cc: {  	v22 =	vld.idx.msk [tilespmem:v28+s25+$0x0], $0xffff  }
0x4cd: {  	v25 =	vld.idx.msk [tilespmem:v14+s24+$0x0], $0xffff  }
0x4ce: {  	v27 =	vld.idx.msk [tilespmem:v12+s24+$0x0], $0xffff  }
0x4cf: {  	v31 =	vld.idx.msk [tilespmem:v13+s24+$0x0], $0xffff  }
0x4d0: {  	v29 =	vld.idx.msk [tilespmem:v28+s24+$0x0], $0xffff  }
0x4d1: {  	v34 =	vld [tilespmem:s10+$0xF0]  }
0x4d2: {  	v18 =	vmov s13;
	v35 =	vld [tilespmem:s10+$0xFFFFFF10]  }
0x4d3: {  	v36 =	vld [tilespmem:s10+$0xFFFFFF20];
	v18 =	vshrl.u32 v18, $0x3  }
0x4d4: {  	v38 =	vld [tilespmem:s10+$0xFFFFFF40];
	v18 =	vshll.u32 v18, v0  }
0x4d5: {  	v50 =	vld [tilespmem:s10+$0xFFFFFFA0];
	v18 =	vadd.s32 $0x7, v18  }
0x4d6: {  	s11 =	sadd.s32 $0x1, s1;
	s12 =	sadd.s32 $0x2, s1;
	v12 =	vmov s1;
	s16 =	sadd.s32 $0x4, s1;
	v26 =	vld.idx.msk [tilespmem:v16+s25+$0x0], $0xffff;
	v14 =	vbroadcast v18, $0x0  }
0x4d7: {  	s20 =	sadd.s32 $0x5, s1;
	s28 =	sadd.s32 $0x6, s1;
	v32 =	vld.idx.msk [tilespmem:v16+s24+$0x0], $0xffff;
	v13 =	vmov s11;
	v16 =	vmov s12;
	v19 =	vmov s16  }
0x4d8: {  	v54 =	vld [tilespmem:s10+$0xFFFFFFE0];
	v12 =	vshrl.u32 v12, $0x3;
	v20 =	vmov s20;
	v33 =	vmov s28  }
0x4d9: {  	v23 =	vld.idx.msk [tilespmem:v21+s25+$0x0], $0xffff;
	v12 =	vshll.u32 v12, v0;
	v13 =	vshrl.u32 v13, $0x3;
	v16 =	vshrl.u32 v16, $0x3  }
0x4da: {  	s13 =	sadd.s32 $0x3, s1;
	v30 =	vld.idx.msk [tilespmem:v21+s24+$0x0], $0xffff;
	v33 =	vshrl.u32 v33, $0x3;
	v21 =	vbroadcast v12, $0x0;
	v12 =	vshll.u32 v13, v0  }
0x4db: {  	v45 =	vld [tilespmem:s10+$0xFFFFFF60];
	v13 =	vshll.u32 v16, v0;
	v18 =	vmov s13;
	v12 =	vadd.s32 $0x1, v12  }
0x4dc: {  	v13 =	vadd.s32 $0x2, v13;
	v18 =	vshrl.u32 v18, $0x3;
	v38 =	vmul.f32 v38, v25;
	v24 =	vld.idx.msk [tilespmem:v14+s24+$0x0], $0xffff  }
0x4dd: {  	v56 =	vmul.f32 v50, v27;
	v61 =	vmul.f32 v54, v31;
	v16 =	vshll.u32 v18, v0;
	v28 =	vld.idx.msk [tilespmem:v14+s25+$0x0], $0xffff  }
0x4de: {  	v16 =	vadd.s32 $0x3, v16;
	v14 =	vshrl.u32 v19, $0x3;
	v19 =	vshrl.u32 v20, $0x3;
	v20 =	vld [tilespmem:s10+$0xFFFFFF00]  }
0x4df: {  	v37 =	vld [tilespmem:s10+$0xFFFFFF30];
	v38 =	vadd.f32 v38, v17;
	v18 =	vshll.u32 v14, v0;
	v14 =	vbroadcast v12, $0x0  }
0x4e0: {  	v49 =	vld [tilespmem:s10+$0xFFFFFF80];
	v12 =	vbroadcast v13, $0x0;
	v13 =	vbroadcast v16, $0x0;
	v18 =	vadd.s32 $0x4, v18  }
0x4e1: {  	v39 =	vld [tilespmem:s10+$0xFFFFFF50];
	v42 =	vshll.u32 v19, v0;
	v19 =	vmul.f32 v36, v10;
	v16 =	vbroadcast v18, $0x0  }
0x4e2: {  	v46 =	vld [tilespmem:s10+$0xFFFFFF70];
	v59 =	vadd.f32 v56, v15;
	v18 =	vmul.f32 v35, v10;
	v35 =	vmul.f32 v45, v25  }
0x4e3: {  	v52 =	vld [tilespmem:s10+$0xFFFFFFC0];
	v41 =	vadd.f32 v19, v9;
	v34 =	vmul.f32 v34, v24;
	v20 =	vmul.f32 v20, v10  }
0x4e4: {  	v43 =	vld [tilespmem:s10+$0xFFFFFF90];
	v48 =	vadd.f32 v18, v9;
	v10 =	vmul.f32 v37, v10;
	v35 =	vadd.f32 v35, v17  }
0x4e5: {  	v37 =	vmul.f32 v49, v27;
	v40 =	vadd.f32 v34, v28;
	v20 =	vadd.f32 v20, v9  }
0x4e6: {  	v51 =	vld [tilespmem:s10+$0xFFFFFFB0];
	v9 =	vadd.f32 v10, v9;
	v10 =	vmul.f32 v39, v25;
	v19 =	vmul.f32 v48, v2  }
0x4e7: {  	v56 =	vadd.f32 v61, v11;
	v25 =	vmul.f32 v46, v25;
	v44 =	vmul.f32 v35, v3  }
0x4e8: {  	v53 =	vld [tilespmem:s10+$0xFFFFFFD0];
	v34 =	vshll.u32 v33, v0;
	v33 =	vmul.f32 v52, v31;
	v47 =	vmul.f32 v40, v4  }
0x4e9: {  	v57 =	vld [tilespmem:s10+$0xFFFFFFF0];
	v10 =	vadd.f32 v10, v17;
	v17 =	vadd.f32 v25, v17;
	v25 =	vmul.f32 v43, v27  }
0x4ea: {  	v58 =	vld [tilespmem:s10+$0x0];
	v55 =	vadd.f32 v37, v15;
	v18 =	vmul.f32 v20, v1;
	v20 =	vmul.f32 v41, v3  }
0x4eb: {  	v60 =	vld [tilespmem:s10+$0x10];
	v41 =	vmul.f32 v38, v1;
	v27 =	vmul.f32 v51, v27;
	v25 =	vadd.f32 v25, v15  }
0x4ec: {  	v62 =	vld [tilespmem:s10+$0x30];
	v45 =	vmul.f32 v55, v1;
	v33 =	vadd.f32 v33, v11;
	v51 =	vmul.f32 v56, v3  }
0x4ed: {  	v15 =	vadd.f32 v27, v15;
	v27 =	vld [tilespmem:s10+$0x20];
	v46 =	vmul.f32 v25, v2;
	v25 =	vmul.f32 v53, v31  }
0x4ee: {  	v63 =	vld [tilespmem:s10+$0x40];
	v36 =	vadd.f32 v47, v8;
	v10 =	vmul.f32 v10, v2;
	v31 =	vmul.f32 v57, v31  }
0x4ef: {  	v61 =	vld [tilespmem:s10+$0x80];
	v17 =	vmul.f32 v17, v4;
	v57 =	vmul.f32 v58, v32;
	v25 =	vadd.f32 v25, v11  }
0x4f0: {  	v47 =	vmul.f32 v59, v3;
	v43 =	vmul.f32 v33, v1;
	v58 =	vld [tilespmem:s10+$0x50];
	v11 =	vadd.f32 v31, v11  }
0x4f1: {  	v31 =	vld [tilespmem:s10+$0x60];
	v59 =	vadd.f32 v57, v26;
	v50 =	vmul.f32 v25, v2;
	v25 =	vmul.f32 v60, v32  }
0x4f2: {  	v27 =	vmul.f32 v27, v32;
	v60 =	vld [tilespmem:s10+$0x70];
	v52 =	vmul.f32 v11, v4  }
0x4f3: {  	v32 =	vmul.f32 v62, v32;
	v53 =	vmul.f32 v59, v1;
	v11 =	vadd.f32 v25, v26  }
0x4f4: {  	v62 =	vmul.f32 v63, v30;
	v63 =	vld [tilespmem:s10+$0x90];
	v59 =	vmul.f32 v61, v29;
	v27 =	vadd.f32 v27, v26  }
0x4f5: {  	v55 =	vld [tilespmem:s10+$0xA0];
	v54 =	vmul.f32 v58, v30;
	v25 =	vmul.f32 v11, v2;
	v11 =	vadd.f32 v32, v26  }
0x4f6: {  	v33 =	vadd.f32 v62, v23;
	v31 =	vmul.f32 v31, v30;
	v26 =	vmul.f32 v27, v3  }
0x4f7: {  	v56 =	vld [tilespmem:s10+$0xB0];
	v57 =	vmul.f32 v60, v30;
	v27 =	vmul.f32 v11, v4;
	v11 =	vadd.f32 v54, v23  }
0x4f8: {  	v48 =	vld [tilespmem:s10+$0xC0];
	v15 =	vmul.f32 v15, v4;
	v61 =	vadd.f32 v59, v22;
	v58 =	vadd.f32 v31, v23  }
0x4f9: {  	v49 =	vld [tilespmem:s10+$0xD0];
	v31 =	vmul.f32 v11, v2;
	v11 =	vadd.f32 v57, v23;
	v23 =	vmul.f32 v63, v29  }
0x4fa: {  	v62 =	vmul.f32 v55, v29;
	v30 =	vmul.f32 v33, v1;
	v60 =	vld [tilespmem:s10+$0xE0]  }
0x4fb: {  	[tilespmem:s10+$0xF0] =	vst v36;
	v33 =	vmul.f32 v61, v1;
	v36 =	vmul.f32 v11, v4;
	v11 =	vadd.f32 v23, v22  }
0x4fc: {  	v35 =	vmul.f32 v58, v3;
	v23 =	vmul.f32 v56, v29;
	v29 =	vadd.f32 v62, v22  }
0x4fd: {  	v63 =	vmul.f32 v48, v24;
	v48 =	vadd.f32 v46, v6;
	v37 =	vmul.f32 v11, v2  }
0x4fe: {  	v11 =	vadd.f32 v23, v22;
	v22 =	vmul.f32 v49, v24;
	v38 =	vmul.f32 v29, v3  }
0x4ff: {  	v23 =	vadd.f32 v63, v28;
	v24 =	vmul.f32 v60, v24;
	v29 =	vmul.f32 v9, v4  }
0x500: {  	v39 =	vmul.f32 v11, v4;
	v11 =	vadd.f32 v22, v28;
	v22 =	vadd.f32 v41, v5  }
0x501: {  	v40 =	vmul.f32 v23, v1;
	v23 =	vadd.f32 v24, v28;
	v24 =	vadd.f32 v10, v6  }
0x502: {  	p1 =	slt.u32 s1, $0xF8;
	v9 =	vld.idx.msk [tilespmem:v21+s25+$0x0], $0xffff;
	v32 =	vmul.f32 v11, v2;
	v11 =	vadd.f32 v17, v8;
	v17 =	vadd.s32 $0x5, v42  }
.Ltmp18:
0x503: {  	v46 =	vadd.f32 v50, v6;
	v28 =	vadd.f32 v44, v7;
	v10 =	vld.idx.msk [tilespmem:v21+s24+$0x0], $0xffff;
	[tilespmem:s10+$0xFFFFFF40] =	vst v22;
	v21 =	vbroadcast v17, $0x0;
	(pc) =	sbr.rel @!p1 .LBB2_27-.Ltmp18, $4  }
0x504: {  	v49 =	vadd.f32 v15, v8;
	v41 =	vmul.f32 v23, v3;
	[tilespmem:s10+$0xFFFFFF50] =	vst v24;
	v23 =	vadd.s32 $0x6, v34  }
0x505: {  	v15 =	vld.idx.msk [tilespmem:v12+s25+$0x0], $0xffff;
	v44 =	vadd.f32 v43, v5;
	v22 =	vadd.f32 v45, v5;
	[tilespmem:s10+$0xFFFFFF60] =	vst v28;
	v28 =	vbroadcast v23, $0x0  }
0x506: {  	p0 =	por $0x1, $0x1;
	s11 =	sadd.s32 $0x8, s1;
	v43 =	vadd.f32 v51, v7;
	v45 =	vadd.f32 v47, v7;
	v17 =	vld.idx.msk [tilespmem:v14+s25+$0x0], $0xffff;
	[tilespmem:s10+$0xFFFFFF70] =	vst v11  }
0x507: {  	s12 =	smov.u32 s10;
	s13 =	sadd.s32 $0x7, s1;
	s1 =	smov.u32 s10;
	v47 =	vadd.f32 v52, v8;
	v42 =	vadd.f32 v53, v5;
	v11 =	vld.idx.msk [tilespmem:v13+s25+$0x0], $0xffff;
	[tilespmem:s10+$0xFFFFFF80] =	vst v22  }
.LBB2_28:
0x508: {  	p1 =	slt.u32 s11, $0xF8;
	v24 =	vld.idx.msk [tilespmem:v16+s25+$0x0], $0xffff;
	v22 =	vmov s13;
	[tilespmem:s12+$0xFFFFFF90] =	vst v48;
	v34 =	vadd.f32 v25, v6;
	v48 =	vadd.f32 v26, v7  }
0x509: {  	v50 =	vadd.f32 v30, v5;
	v23 =	vld.idx.msk [tilespmem:v21+s25+$0x0], $0xffff;
	v22 =	vshrl.u32 v22, $0x3;
	[tilespmem:s12+$0xFFFFFFA0] =	vst v45;
	v45 =	vadd.f32 v27, v8  }
0x50a: {  	v35 =	vadd.f32 v35, v7;
	v25 =	vshll.u32 v22, v0;
	[tilespmem:s12+$0xFFFFFFB0] =	vst v49;
	v49 =	vadd.f32 v31, v6  }
0x50b: {  	v36 =	vadd.f32 v36, v8;
	v22 =	vld.idx.msk [tilespmem:v28+s25+$0x0], $0xffff;
	v25 =	vadd.s32 $0x7, v25;
	[tilespmem:s12+$0xFFFFFFC0] =	vst v44;
	v44 =	vadd.f32 v33, v5  }
0x50c: {  	v37 =	vadd.f32 v37, v6;
	v38 =	vadd.f32 v38, v7;
	v31 =	vld.idx.msk [tilespmem:v14+s24+$0x0], $0xffff;
	v14 =	vbroadcast v25, $0x0;
	[tilespmem:s12+$0xFFFFFFD0] =	vst v46  }
0x50d: {  	v39 =	vadd.f32 v39, v8;
	v40 =	vadd.f32 v40, v5;
	v27 =	vld.idx.msk [tilespmem:v12+s24+$0x0], $0xffff;
	[tilespmem:s12+$0xFFFFFFE0] =	vst v43  }
0x50e: {  	s13 =	sadd.s32 $0x1, s11;
	v41 =	vadd.f32 v41, v7;
	v12 =	vmov s11;
	v43 =	vadd.f32 v32, v6;
	v26 =	vld.idx.msk [tilespmem:v13+s24+$0x0], $0xffff;
	[tilespmem:s12+$0xFFFFFFF0] =	vst v47  }
0x50f: {  	v18 =	vadd.f32 v18, v5;
	v19 =	vadd.f32 v19, v6;
	v13 =	vmov s13;
	s13 =	sadd.s32 $0x2, s11;
	v25 =	vld.idx.msk [tilespmem:v16+s24+$0x0], $0xffff;
	[tilespmem:s12+$0x0] =	vst v42  }
0x510: {  	s16 =	sadd.s32 $0x4, s11;
	v46 =	vadd.f32 v29, v8;
	v16 =	vmov s13;
	s13 =	sadd.s32 $0x3, s11;
	v42 =	vadd.f32 v20, v7;
	v30 =	vld.idx.msk [tilespmem:v21+s24+$0x0], $0xffff;
	[tilespmem:s12+$0x10] =	vst v34  }
0x511: {  	v20 =	vmov s13;
	v21 =	vmov s16;
	s13 =	sadd.s32 $0x5, s11;
	s16 =	sadd.s32 $0x6, s11;
	v33 =	vld.idx.msk [tilespmem:v28+s24+$0x0], $0xffff;
	[tilespmem:s12+$0x20] =	vst v48  }
0x512: {  	v12 =	vshrl.u32 v12, $0x3;
	v28 =	vmov s13;
	v34 =	vmov s16;
	s12 =	sadd.s32 $0x200, s12;
	v29 =	vld.idx.msk [tilespmem:v14+s24+$0x0], $0xffff;
	[tilespmem:s1+$0x30] =	vst v45  }
0x513: {  	v12 =	vshll.u32 v12, v0;
	v13 =	vshrl.u32 v13, $0x3;
	v16 =	vshrl.u32 v16, $0x3;
	v45 =	vld [tilespmem:s12+$0xF0];
	[tilespmem:s1+$0x40] =	vst v50  }
0x514: {  	v20 =	vshrl.u32 v20, $0x3;
	v21 =	vshrl.u32 v21, $0x3;
	v47 =	vshrl.u32 v28, $0x3;
	v32 =	vld.idx.msk [tilespmem:v14+s25+$0x0], $0xffff;
	[tilespmem:s1+$0x50] =	vst v49  }
0x515: {  	v28 =	vbroadcast v12, $0x0;
	v12 =	vshll.u32 v13, v0;
	v13 =	vshrl.u32 v34, $0x3;
	v48 =	vld [tilespmem:s12+$0xFFFFFF00];
	[tilespmem:s1+$0x60] =	vst v35  }
0x516: {  	v14 =	vshll.u32 v16, v0;
	v16 =	vshll.u32 v20, v0;
	v20 =	vshll.u32 v21, v0;
	v21 =	vld [tilespmem:s12+$0xFFFFFF10];
	[tilespmem:s1+$0x70] =	vst v36  }
0x517: {  	v12 =	vadd.s32 $0x1, v12;
	v34 =	vshll.u32 v13, v0;
	v35 =	vshll.u32 v47, v0;
	v36 =	vld [tilespmem:s12+$0xFFFFFF20];
	[tilespmem:s1+$0x80] =	vst v44  }
0x518: {  	v13 =	vadd.s32 $0x2, v14;
	v16 =	vadd.s32 $0x3, v16;
	v44 =	vld [tilespmem:s12+$0xFFFFFF30];
	v45 =	vmul.f32 v45, v29;
	[tilespmem:s1+$0x90] =	vst v37  }
0x519: {  	v14 =	vbroadcast v12, $0x0;
	v20 =	vadd.s32 $0x4, v20;
	v12 =	vbroadcast v13, $0x0;
	v37 =	vld [tilespmem:s12+$0xFFFFFF40];
	[tilespmem:s1+$0xA0] =	vst v38  }
0x51a: {  	v13 =	vbroadcast v16, $0x0;
	v38 =	vmul.f32 v48, v10;
	v47 =	vld [tilespmem:s12+$0xFFFFFF50];
	v45 =	vadd.f32 v45, v32;
	[tilespmem:s1+$0xB0] =	vst v39  }
0x51b: {  	v16 =	vbroadcast v20, $0x0;
	v20 =	vadd.s32 $0x5, v35;
	v35 =	vmul.f32 v21, v10;
	v39 =	vld [tilespmem:s12+$0xFFFFFF60];
	[tilespmem:s1+$0xC0] =	vst v40  }
0x51c: {  	v38 =	vadd.f32 v38, v9;
	v36 =	vmul.f32 v36, v10;
	v40 =	vld [tilespmem:s12+$0xFFFFFF70];
	v45 =	vmul.f32 v45, v4;
	[tilespmem:s1+$0xD0] =	vst v43  }
0x51d: {  	v21 =	vbroadcast v20, $0x0;
	v20 =	vadd.f32 v35, v9;
	v10 =	vmul.f32 v44, v10;
	v35 =	vld [tilespmem:s12+$0xFFFFFF80];
	[tilespmem:s1+$0xE0] =	vst v41  }
0x51e: {  	v36 =	vadd.f32 v36, v9;
	v37 =	vmul.f32 v37, v31;
	v41 =	vld [tilespmem:s12+$0xFFFFFF90];
	v43 =	vadd.f32 v45, v8;
	[tilespmem:s1+$0xFFFFFF00] =	vst v18  }
0x51f: {  	v18 =	vmul.f32 v38, v1;
	v9 =	vadd.f32 v10, v9;
	v10 =	vmul.f32 v47, v31;
	v38 =	vld [tilespmem:s12+$0xFFFFFFA0];
	[tilespmem:s1+$0xFFFFFF10] =	vst v19  }
0x520: {  	v19 =	vmul.f32 v20, v2;
	v37 =	vadd.f32 v37, v17;
	v39 =	vmul.f32 v39, v31;
	v44 =	vld [tilespmem:s12+$0xFFFFFFB0];
	[tilespmem:s12+$0xF0] =	vst v43  }
0x521: {  	v20 =	vmul.f32 v36, v3;
	v10 =	vadd.f32 v10, v17;
	v31 =	vmul.f32 v40, v31;
	v36 =	vld [tilespmem:s12+$0xFFFFFFC0];
	[tilespmem:s1+$0xFFFFFF20] =	vst v42  }
0x522: {  	v40 =	vmul.f32 v37, v1;
	v37 =	vadd.f32 v39, v17;
	v35 =	vmul.f32 v35, v27;
	v39 =	vld [tilespmem:s12+$0xFFFFFFD0];
	[tilespmem:s1+$0xFFFFFF30] =	vst v46;
	s1 =	smov.u32 s12  }
0x523: {  	v10 =	vmul.f32 v10, v2;
	v17 =	vadd.f32 v31, v17;
	v31 =	vmul.f32 v41, v27;
	v41 =	vld [tilespmem:s12+$0xFFFFFFE0]  }
0x524: {  	v42 =	vmul.f32 v37, v3;
	v35 =	vadd.f32 v35, v15;
	v37 =	vmul.f32 v38, v27;
	v38 =	vld [tilespmem:s12+$0xFFFFFFF0]  }
0x525: {  	v17 =	vmul.f32 v17, v4;
	v31 =	vadd.f32 v31, v15;
	v27 =	vmul.f32 v44, v27;
	v43 =	vld [tilespmem:s12+$0x0]  }
0x526: {  	v44 =	vmul.f32 v35, v1;
	v35 =	vadd.f32 v37, v15;
	v36 =	vmul.f32 v36, v26;
	v37 =	vld [tilespmem:s12+$0x10]  }
0x527: {  	v45 =	vmul.f32 v31, v2;
	v15 =	vadd.f32 v27, v15;
	v27 =	vmul.f32 v39, v26;
	v31 =	vld [tilespmem:s12+$0x20]  }
0x528: {  	v46 =	vmul.f32 v35, v3;
	v35 =	vadd.f32 v36, v11;
	v36 =	vmul.f32 v41, v26;
	v39 =	vld [tilespmem:s12+$0x30]  }
0x529: {  	v15 =	vmul.f32 v15, v4;
	v27 =	vadd.f32 v27, v11;
	v26 =	vmul.f32 v38, v26;
	v38 =	vld [tilespmem:s12+$0x40]  }
0x52a: {  	v47 =	vmul.f32 v35, v1;
	v35 =	vadd.f32 v36, v11;
	v36 =	vmul.f32 v43, v25;
	v41 =	vld [tilespmem:s12+$0x50]  }
0x52b: {  	v43 =	vmul.f32 v27, v2;
	v11 =	vadd.f32 v26, v11;
	v26 =	vmul.f32 v37, v25;
	v27 =	vld [tilespmem:s12+$0x60]  }
0x52c: {  	v50 =	vmul.f32 v35, v3;
	v35 =	vadd.f32 v36, v24;
	v31 =	vmul.f32 v31, v25;
	v36 =	vld [tilespmem:s12+$0x70]  }
0x52d: {  	v51 =	vmul.f32 v11, v4;
	v11 =	vadd.f32 v26, v24;
	v26 =	vmul.f32 v39, v25;
	v37 =	vld [tilespmem:s12+$0x80]  }
0x52e: {  	v52 =	vmul.f32 v35, v1;
	v31 =	vadd.f32 v31, v24;
	v35 =	vmul.f32 v38, v30;
	v38 =	vld [tilespmem:s12+$0x90]  }
0x52f: {  	v25 =	vmul.f32 v11, v2;
	v11 =	vadd.f32 v26, v24;
	v24 =	vmul.f32 v41, v30;
	v39 =	vld [tilespmem:s12+$0xA0]  }
0x530: {  	v26 =	vmul.f32 v31, v3;
	v31 =	vadd.f32 v35, v23;
	v35 =	vmul.f32 v27, v30;
	v41 =	vld [tilespmem:s12+$0xB0]  }
0x531: {  	v27 =	vmul.f32 v11, v4;
	v11 =	vadd.f32 v24, v23;
	v24 =	vmul.f32 v36, v30;
	v48 =	vld [tilespmem:s12+$0xC0]  }
0x532: {  	v30 =	vmul.f32 v31, v1;
	v35 =	vadd.f32 v35, v23;
	v36 =	vmul.f32 v37, v33;
	v49 =	vld [tilespmem:s12+$0xD0]  }
0x533: {  	v31 =	vmul.f32 v11, v2;
	v11 =	vadd.f32 v24, v23;
	v23 =	vmul.f32 v38, v33;
	v24 =	vld [tilespmem:s12+$0xE0]  }
0x534: {  	v35 =	vmul.f32 v35, v3;
	v37 =	vadd.f32 v36, v22;
	v38 =	vmul.f32 v39, v33  }
0x535: {  	v36 =	vmul.f32 v11, v4;
	v11 =	vadd.f32 v23, v22;
	v23 =	vmul.f32 v41, v33  }
0x536: {  	v33 =	vmul.f32 v37, v1;
	v38 =	vadd.f32 v38, v22;
	v39 =	vmul.f32 v48, v29  }
0x537: {  	v37 =	vmul.f32 v11, v2;
	v11 =	vadd.f32 v23, v22;
	v22 =	vmul.f32 v49, v29  }
0x538: {  	v38 =	vmul.f32 v38, v3;
	v23 =	vadd.f32 v39, v32;
	v24 =	vmul.f32 v24, v29  }
0x539: {  	v29 =	vmul.f32 v9, v4;
	v39 =	vmul.f32 v11, v4;
	v11 =	vadd.f32 v22, v32  }
0x53a: {  	v22 =	vadd.f32 v40, v5;
	v40 =	vmul.f32 v23, v1;
	v23 =	vadd.f32 v24, v32  }
0x53b: {  	v42 =	vadd.f32 v42, v7;
	v24 =	vadd.f32 v10, v6;
	v9 =	vld.idx.msk [tilespmem:v28+s25+$0x0], $0xffff;
	v32 =	vmul.f32 v11, v2  }
.Ltmp19:
0x53c: {  	v11 =	vadd.f32 v17, v8;
	[tilespmem:s12+$0xFFFFFF40] =	vst v22;
	v22 =	vadd.f32 v44, v5;
	v41 =	vmul.f32 v23, v3;
	(pc) =	sbr.rel @p1 .LBB2_28-.Ltmp19, $4  }
0x53d: {  	v48 =	vadd.f32 v45, v6;
	v45 =	vadd.f32 v46, v7;
	v23 =	vadd.s32 $0x6, v34;
	v10 =	vld.idx.msk [tilespmem:v28+s24+$0x0], $0xffff;
	[tilespmem:s12+$0xFFFFFF50] =	vst v24  }
0x53e: {  	v49 =	vadd.f32 v15, v8;
	v44 =	vadd.f32 v47, v5;
	v28 =	vbroadcast v23, $0x0;
	v17 =	vld.idx.msk [tilespmem:v14+s25+$0x0], $0xffff;
	[tilespmem:s12+$0xFFFFFF60] =	vst v42  }
0x53f: {  	v46 =	vadd.f32 v43, v6;
	v43 =	vadd.f32 v50, v7;
	v15 =	vld.idx.msk [tilespmem:v12+s25+$0x0], $0xffff;
	[tilespmem:s12+$0xFFFFFF70] =	vst v11  }
0x540: {  	s13 =	sadd.s32 $0x7, s11;
	s11 =	sadd.s32 $0x8, s11;
	v47 =	vadd.f32 v51, v8;
	v42 =	vadd.f32 v52, v5;
	v11 =	vld.idx.msk [tilespmem:v13+s25+$0x0], $0xffff;
	[tilespmem:s12+$0xFFFFFF80] =	vst v22  }
.LBB2_29:
0x541: {  	_ =	sdelay $0x3  }
0x542: {  	v24 =	vld.idx.msk [tilespmem:v16+s25+$0x0], $0xffff  }
0x543: {  	v23 =	vld.idx.msk [tilespmem:v21+s25+$0x0], $0xffff  }
0x544: {  	v50 =	vld.idx.msk [tilespmem:v14+s24+$0x0], $0xffff  }
0x545: {  	v52 =	vld.idx.msk [tilespmem:v12+s24+$0x0], $0xffff  }
0x546: {  	v53 =	vld.idx.msk [tilespmem:v13+s24+$0x0], $0xffff  }
0x547: {  	v22 =	vmov s13;
	v21 =	vld.idx.msk [tilespmem:v21+s24+$0x0], $0xffff  }
0x548: {  	v14 =	vld.idx.msk [tilespmem:v28+s24+$0x0], $0xffff;
	s11 =	sadd.s32 @p0 $0x200, s12;
	v22 =	vshrl.u32 v22, $0x3  }
0x549: {  	s10 =	smov.u32 @p0 s11;
	v34 =	vshll.u32 v22, v0;
	v22 =	vld.idx.msk [tilespmem:v28+s25+$0x0], $0xffff  }
0x54a: {  	v28 =	vadd.f32 @p0 v30, v5;
	v30 =	vld [tilespmem:s10+$0xFFFFFF00]  }
0x54b: {  	[tilespmem:s12+$0xFFFFFF90] =	vst @p0 v48;
	v25 =	vadd.f32 @p0 v25, v6;
	v56 =	vld [tilespmem:s10+$0xFFFFFF10]  }
0x54c: {  	[tilespmem:s12+$0xFFFFFFA0] =	vst @p0 v45;
	v26 =	vadd.f32 @p0 v26, v7;
	v58 =	vld [tilespmem:s10+$0xFFFFFF40]  }
0x54d: {  	[tilespmem:s12+$0x10] =	vst @p0 v25;
	v25 =	vld [tilespmem:s10+$0xFFFFFF50]  }
0x54e: {  	[tilespmem:s12+$0x20] =	vst @p0 v26;
	v26 =	vld [tilespmem:s10+$0xFFFFFF60]  }
0x54f: {  	[tilespmem:s12+$0xFFFFFFB0] =	vst @p0 v49;
	v59 =	vld [tilespmem:s10+$0xFFFFFF90]  }
0x550: {  	[tilespmem:s12+$0xFFFFFFC0] =	vst @p0 v44;
	v60 =	vld [tilespmem:s10+$0xFFFFFFA0]  }
0x551: {  	v27 =	vadd.f32 @p0 v27, v8;
	[tilespmem:s12+$0xFFFFFFD0] =	vst @p0 v46;
	v31 =	vadd.f32 @p0 v31, v6;
	v61 =	vld [tilespmem:s10+$0xFFFFFFB0]  }
0x552: {  	v35 =	vadd.f32 @p0 v35, v7;
	v36 =	vadd.f32 @p0 v36, v8;
	[tilespmem:s12+$0xFFFFFFF0] =	vst @p0 v47;
	v62 =	vld [tilespmem:s10+$0xFFFFFFC0]  }
0x553: {  	v33 =	vadd.f32 @p0 v33, v5;
	v37 =	vadd.f32 @p0 v37, v6;
	[tilespmem:s12+$0x0] =	vst @p0 v42;
	v44 =	vld [tilespmem:s10+$0xFFFFFFE0]  }
0x554: {  	v38 =	vadd.f32 @p0 v38, v7;
	v20 =	vadd.f32 @p0 v20, v7;
	[tilespmem:s1+$0x50] =	vst @p0 v31;
	v47 =	vld [tilespmem:s10+$0xFFFFFFF0]  }
0x555: {  	v39 =	vadd.f32 @p0 v39, v8;
	v40 =	vadd.f32 @p0 v40, v5;
	[tilespmem:s1+$0x60] =	vst @p0 v35;
	v48 =	vld [tilespmem:s10+$0x0];
	v34 =	vadd.s32 $0x7, v34  }
0x556: {  	v46 =	vadd.f32 @p0 v19, v6;
	[tilespmem:s1+$0xFFFFFF20] =	vst @p0 v20;
	v20 =	vld [tilespmem:s10+$0x40];
	v51 =	vbroadcast v34, $0x0;
	v19 =	vmul.f32 v30, v10  }
0x557: {  	v45 =	vadd.f32 @p0 v18, v5;
	[tilespmem:s1+$0x30] =	vst @p0 v27;
	v27 =	vld [tilespmem:s10+$0xFFFFFF70];
	v18 =	vmul.f32 v56, v10;
	v31 =	vmul.f32 v58, v50  }
0x558: {  	[tilespmem:s1+$0x70] =	vst @p0 v36;
	v34 =	vld.idx.msk [tilespmem:v16+s24+$0x0], $0xffff;
	v25 =	vmul.f32 v25, v50;
	v26 =	vmul.f32 v26, v50  }
0x559: {  	v32 =	vadd.f32 @p0 v32, v6;
	[tilespmem:s1+$0x80] =	vst @p0 v33;
	v63 =	vld [tilespmem:s10+$0xFFFFFFD0];
	v35 =	vmul.f32 v60, v52;
	v36 =	vmul.f32 v61, v52  }
0x55a: {  	v41 =	vadd.f32 @p0 v41, v7;
	[tilespmem:s1+$0xA0] =	vst @p0 v38;
	v33 =	vmul.f32 v62, v53;
	v38 =	vmul.f32 v44, v53  }
0x55b: {  	[tilespmem:s1+$0xB0] =	vst @p0 v39;
	v16 =	vld [tilespmem:s10+$0xF0];
	v39 =	vmul.f32 v47, v53;
	v20 =	vmul.f32 v20, v21;
	v31 =	vadd.f32 v31, v17  }
0x55c: {  	v27 =	vmul.f32 v27, v50;
	v25 =	vadd.f32 v25, v17;
	v26 =	vadd.f32 v26, v17;
	v13 =	vld.idx.msk [tilespmem:v51+s24+$0x0], $0xffff  }
0x55d: {  	[tilespmem:s1+$0xC0] =	vst @p0 v40;
	v30 =	vld [tilespmem:s10+$0xFFFFFF80];
	v49 =	vadd.f32 v35, v15;
	v33 =	vadd.f32 v33, v11;
	v40 =	vmul.f32 v48, v34  }
0x55e: {  	v12 =	vld.idx.msk [tilespmem:v51+s25+$0x0], $0xffff;
	v17 =	vadd.f32 v27, v17;
	v27 =	vmul.f32 v59, v52;
	v51 =	vmul.f32 v63, v53  }
0x55f: {  	[tilespmem:s12+$0xFFFFFFE0] =	vst @p0 v43;
	v38 =	vadd.f32 v38, v11;
	v31 =	vmul.f32 v31, v1;
	v25 =	vmul.f32 v25, v2  }
0x560: {  	[tilespmem:s1+$0xD0] =	vst @p0 v32;
	v20 =	vadd.f32 v20, v23;
	v26 =	vmul.f32 v26, v3;
	v32 =	vmul.f32 v49, v3  }
0x561: {  	v29 =	vadd.f32 @p0 v29, v8;
	[tilespmem:s1+$0x90] =	vst @p0 v37;
	v50 =	vld [tilespmem:s10+$0x10];
	v33 =	vmul.f32 v33, v1;
	v16 =	vmul.f32 v16, v13  }
0x562: {  	[tilespmem:s1+$0xE0] =	vst @p0 v41;
	v53 =	vmul.f32 v38, v3;
	v55 =	vadd.f32 v40, v24;
	v20 =	vmul.f32 v20, v1  }
0x563: {  	[tilespmem:s1+$0x40] =	vst @p0 v28;
	v30 =	vmul.f32 v30, v52;
	v27 =	vadd.f32 v27, v15;
	v28 =	vadd.f32 v16, v12  }
0x564: {  	v57 =	vld [tilespmem:s10+$0xFFFFFF20];
	[tilespmem:s1+$0xFFFFFF00] =	vst @p0 v45;
	v17 =	vmul.f32 v17, v4;
	v31 =	vadd.f32 v31, v5;
	v25 =	vadd.f32 v25, v6  }
0x565: {  	[tilespmem:s1+$0xFFFFFF10] =	vst @p0 v46;
	v54 =	vld [tilespmem:s10+$0x50];
	v26 =	vadd.f32 v26, v7;
	v33 =	vadd.f32 v33, v5;
	v28 =	vmul.f32 v28, v4  }
0x566: {  	[tilespmem:s1+$0xFFFFFF30] =	vst @p0 v29;
	v52 =	vld [tilespmem:s10+$0x20];
	v29 =	vmul.f32 v50, v34;
	v30 =	vadd.f32 v30, v15;
	v15 =	vadd.f32 v36, v15  }
0x567: {  	v27 =	vmul.f32 v27, v2;
	v36 =	vadd.f32 v51, v11;
	[tilespmem:s10+$0xFFFFFF40] =	vst v31;
	v31 =	vld [tilespmem:s10+$0x60];
	v28 =	vadd.f32 v28, v8  }
0x568: {  	v11 =	vadd.f32 v39, v11;
	v17 =	vadd.f32 v17, v8;
	[tilespmem:s10+$0xFFFFFF60] =	vst v26;
	v26 =	vld [tilespmem:s10+$0x70];
	v30 =	vmul.f32 v30, v1  }
0x569: {  	v29 =	vadd.f32 v29, v24;
	v15 =	vmul.f32 v15, v4;
	v27 =	vadd.f32 v27, v6;
	[tilespmem:s10+$0xF0] =	vst v28;
	v28 =	vld [tilespmem:s10+$0x30]  }
0x56a: {  	v36 =	vmul.f32 v36, v2;
	v11 =	vmul.f32 v11, v4;
	[tilespmem:s10+$0xFFFFFF70] =	vst v17;
	v17 =	vld [tilespmem:s10+$0x80];
	v30 =	vadd.f32 v30, v5  }
0x56b: {  	v16 =	vadd.f32 v19, v9;
	v19 =	vmul.f32 v57, v10;
	v15 =	vadd.f32 v15, v8;
	[tilespmem:s10+$0xFFFFFF90] =	vst v27;
	v27 =	vld [tilespmem:s10+$0x90]  }
0x56c: {  	v20 =	vadd.f32 v20, v5;
	v37 =	vmul.f32 v52, v34;
	v29 =	vmul.f32 v29, v2;
	[tilespmem:s10+$0xFFFFFF80] =	vst v30  }
0x56d: {  	v11 =	vadd.f32 v11, v8;
	v30 =	vmul.f32 v54, v21;
	[tilespmem:s10+$0xFFFFFFB0] =	vst v15;
	v15 =	vmul.f32 v26, v21  }
0x56e: {  	[tilespmem:s10+$0xFFFFFF50] =	vst v25;
	v31 =	vmul.f32 v31, v21;
	v21 =	vadd.f32 v53, v7;
	v25 =	vmul.f32 v28, v34  }
0x56f: {  	v56 =	vadd.f32 v37, v24;
	[tilespmem:s10+$0xFFFFFFF0] =	vst v11;
	v11 =	vld [tilespmem:s10+$0xD0];
	v17 =	vmul.f32 v17, v14;
	v15 =	vadd.f32 v15, v23  }
0x570: {  	[tilespmem:s10+$0xFFFFFFE0] =	vst v21;
	v21 =	vmul.f32 v27, v14;
	v24 =	vadd.f32 v25, v24;
	v25 =	vadd.f32 v32, v7  }
0x571: {  	[tilespmem:s10+$0xFFFFFFC0] =	vst v33;
	v58 =	vadd.f32 v36, v6;
	v17 =	vadd.f32 v17, v22;
	v28 =	vmul.f32 v55, v1  }
0x572: {  	v30 =	vadd.f32 v30, v23;
	v15 =	vmul.f32 v15, v4;
	v21 =	vadd.f32 v21, v22;
	[tilespmem:s10+$0xFFFFFFA0] =	vst v25;
	v25 =	vld [tilespmem:s10+$0xA0]  }
0x573: {  	[tilespmem:s10+$0x40] =	vst v20;
	v26 =	vld [tilespmem:s10+$0xB0];
	v31 =	vadd.f32 v31, v23;
	v17 =	vmul.f32 v17, v1;
	v23 =	vadd.f32 v28, v5  }
0x574: {  	v59 =	vld [tilespmem:s10+$0xC0];
	[tilespmem:s10+$0xFFFFFFD0] =	vst v58;
	v11 =	vmul.f32 v11, v13;
	v15 =	vadd.f32 v15, v8;
	v21 =	vmul.f32 v21, v2  }
0x575: {  	v57 =	vmul.f32 v56, v3;
	v30 =	vmul.f32 v30, v2;
	v17 =	vadd.f32 v17, v5;
	[tilespmem:s10+$0x0] =	vst v23;
	v23 =	vld [tilespmem:s10+$0xE0]  }
0x576: {  	v27 =	vmul.f32 v31, v3;
	v11 =	vadd.f32 v11, v12;
	[tilespmem:s10+$0x70] =	vst v15;
	v21 =	vadd.f32 v21, v6  }
0x577: {  	[tilespmem:s10+$0x80] =	vst v17;
	v28 =	vadd.f32 v29, v6;
	v24 =	vmul.f32 v24, v4;
	v25 =	vmul.f32 v25, v14  }
0x578: {  	v20 =	vld [tilespmem:s10+$0xFFFFFF30];
	v11 =	vmul.f32 v11, v2;
	v29 =	vadd.f32 v57, v7;
	[tilespmem:s10+$0x90] =	vst v21;
	v14 =	vmul.f32 v26, v14  }
0x579: {  	[tilespmem:s10+$0x10] =	vst v28;
	v24 =	vadd.f32 v24, v8;
	v26 =	vmul.f32 v59, v13;
	v25 =	vadd.f32 v25, v22  }
0x57a: {  	v11 =	vadd.f32 v11, v6;
	[tilespmem:s10+$0x20] =	vst v29;
	v13 =	vmul.f32 v23, v13;
	v14 =	vadd.f32 v14, v22  }
0x57b: {  	v28 =	vadd.f32 v30, v6;
	[tilespmem:s10+$0x30] =	vst v24;
	v24 =	vmul.f32 v25, v3;
	v25 =	vadd.f32 v26, v12  }
0x57c: {  	[tilespmem:s10+$0xD0] =	vst v11;
	v22 =	vadd.f32 v27, v7;
	v14 =	vmul.f32 v14, v4;
	v12 =	vadd.f32 v13, v12  }
0x57d: {  	v10 =	vmul.f32 v20, v10;
	[tilespmem:s10+$0x50] =	vst v28;
	v15 =	vmul.f32 v25, v1;
	v13 =	vadd.f32 v24, v7  }
0x57e: {  	v17 =	vadd.f32 v18, v9;
	[tilespmem:s10+$0x60] =	vst v22;
	v14 =	vadd.f32 v14, v8;
	v12 =	vmul.f32 v12, v3  }
0x57f: {  	v16 =	vmul.f32 v16, v1;
	v15 =	vadd.f32 v15, v5;
	[tilespmem:s10+$0xA0] =	vst v13;
	v13 =	vadd.f32 v19, v9  }
0x580: {  	[tilespmem:s10+$0xB0] =	vst v14;
	v9 =	vadd.f32 v10, v9;
	v10 =	vmul.f32 v17, v2;
	v12 =	vadd.f32 v12, v7  }
0x581: {  	v14 =	vadd.f32 v16, v5;
	[tilespmem:s10+$0xC0] =	vst v15;
	v13 =	vmul.f32 v13, v3  }
0x582: {  	v9 =	vmul.f32 v9, v4;
	v10 =	vadd.f32 v10, v6;
	[tilespmem:s10+$0xE0] =	vst v12  }
0x583: {  	s20 =	sshll.u32 s8, $0xE;
	[tilespmem:s10+$0xFFFFFF00] =	vst v14;
	v11 =	vadd.f32 v13, v7  }
0x584: {  	s1 =	sadd.s32 s6, s20;
	v9 =	vadd.f32 v9, v8;
	[tilespmem:s10+$0xFFFFFF10] =	vst v10  }
0x585: {  	s1 =	sshrl.u32 s1, $0x3;
	[tilespmem:s10+$0xFFFFFF20] =	vst v11  }
0x586: {  	p0 =	seq.s32 s17, $0x18;
	s1 =	sadd.s32 s4, s1;
	[tilespmem:s10+$0xFFFFFF30] =	vst v9  }
0x587: {  	[hbm4b:s1+s5] =	stream.linear.scatter [tilespmem:s26], [sflag:$0x7], $0x4000, $0x38;
	[tilespmem:$0x16880] =	vst v63  }
0x588: {  	s1 =	simm.s32 @!p0 $0x5  }
0x589: {  	_ =	swait.ge @!p0 [sflag:s1], $0x4000  }
0x58a: {  	s8 =	sshll.u32 @!p0 s17, $0xA;
	[sflag:s1] =	ssyncset.done @!p0 $0x0  }
0x58b: {  	[sflag:s1] =	ssyncadd.s32 @!p0 $0xFFFFC000;
	s1 =	sand.u32 @!p0 $0x3FFFFC00, s8  }
0x58c: {  	s11 =	simm.s32 @!p0 $0x6400;
	s10 =	simm.s32 @!p0 $0x80;
	s8 =	sadd.s32 @!p0 $0x400, s1  }
0x58d: {  	[tilespmem:s11], [sflag:$0x1] =	stream.indirect.gather @!p0 [hbm4b:s7+s10], $0x40, s8, s10, $0xb8;
	[tilespmem:$0x16880] =	vst v63  }
0x58e: {  	s1 =	sadd.s32 @!p0 $0x480, s1;
	s8 =	simm.s32 @!p0 $0x8400  }
0x58f: {  	[tilespmem:s8], [sflag:$0x1] =	stream.indirect.gather @!p0 [hbm4b:s7+s10], $0x40, s1, s10, $0xb8;
	[tilespmem:$0x16880] =	vst v63  }
0x590: {  	_ =	swait.ge [sflag:s0], $0x4000  }
0x591: {  	[sflag:s0] =	ssyncset.done $0x0  }
0x592: {  	s28 =	simm.s32 $0x12500;
	[sflag:s0] =	ssyncadd.s32 $0xFFFFC000  }
0x593: {  	v9 =	vld [tilespmem:s28+$0x30]  }
0x594: {  	v10 =	vld [tilespmem:s28+$0xFFFFFF00]  }
0x595: {  	v11 =	vld [tilespmem:s28+$0xA0]  }
0x596: {  	v12 =	vld [tilespmem:s28+$0xB0]  }
0x597: {  	v13 =	vld [tilespmem:s28+$0x90]  }
0x598: {  	v14 =	vld [tilespmem:s28+$0x80]  }
0x599: {  	v17 =	vld [tilespmem:s28+$0x50]  }
0x59a: {  	v18 =	vld [tilespmem:s28+$0x40]  }
0x59b: {  	v19 =	vld [tilespmem:s28+$0x20]  }
0x59c: {  	v20 =	vld [tilespmem:s28+$0x10]  }
0x59d: {  	s13 =	simm.s32 $0x5;
	s12 =	simm.s32 $0x4;
	v23 =	vld [tilespmem:s28+$0x0]  }
0x59e: {  	s16 =	simm.s32 $0x3;
	v43 =	vmov s12;
	v44 =	vmov s13;
	v61 =	vld [tilespmem:s28+$0xFFFFFF70]  }
0x59f: {  	v47 =	vmov s16;
	v42 =	vld [tilespmem:s28+$0xFFFFFF60];
	v21 =	vmul.f32 v9, v9;
	v22 =	vmul.f32 v11, v11  }
0x5a0: {  	v37 =	vshrl.u32 v43, $0x3;
	v16 =	vld [tilespmem:s28+$0x60];
	v24 =	vmul.f32 v10, v10;
	v25 =	vmul.f32 v12, v12  }
0x5a1: {  	v15 =	vld [tilespmem:s28+$0x70];
	v11 =	vadd.f32 v12, v11;
	v12 =	vadd.f32 v13, v14;
	v14 =	vmul.f32 v14, v14  }
0x5a2: {  	v26 =	vld [tilespmem:s28+$0xFFFFFFF0];
	v13 =	vmul.f32 v13, v13;
	v29 =	vmul.f32 v17, v17;
	v9 =	vadd.f32 v9, v19  }
0x5a3: {  	v27 =	vld [tilespmem:s28+$0xFFFFFFE0];
	v19 =	vmul.f32 v19, v19;
	v31 =	vmul.f32 v20, v20;
	v20 =	vadd.f32 v20, v23  }
0x5a4: {  	v28 =	vld [tilespmem:s28+$0xFFFFFFD0];
	v23 =	vmul.f32 v23, v23;
	v17 =	vadd.f32 v17, v18;
	v48 =	vadd.f32 v61, v42  }
0x5a5: {  	v30 =	vld [tilespmem:s28+$0xFFFFFFB0];
	v22 =	vadd.f32 v25, v22;
	v25 =	vmul.f32 v16, v16;
	v11 =	vadd.f32 v11, v12  }
0x5a6: {  	v60 =	vld [tilespmem:s28+$0xFFFFFFA0];
	v12 =	vadd.f32 v15, v16;
	v15 =	vmul.f32 v15, v15;
	v14 =	vadd.f32 v13, v14  }
0x5a7: {  	s11 =	simm.s32 $0x6;
	v63 =	vld [tilespmem:s28+$0xFFFFFF50];
	v13 =	vmul.f32 v18, v18;
	v18 =	vmul.f32 v26, v26;
	v19 =	vadd.f32 v21, v19  }
0x5a8: {  	v16 =	vld [tilespmem:s28+$0xFFFFFFC0];
	v23 =	vadd.f32 v31, v23;
	v31 =	vmov s11;
	v26 =	vadd.f32 v26, v27  }
0x5a9: {  	v21 =	vld [tilespmem:s28+$0xFFFFFF80];
	v9 =	vadd.f32 v9, v20;
	v20 =	vshrl.u32 v31, $0x3;
	v13 =	vadd.f32 v29, v13  }
0x5aa: {  	v31 =	vld [tilespmem:s28+$0xFFFFFF30];
	v12 =	vadd.f32 v12, v17;
	v17 =	vmul.f32 v27, v27;
	v19 =	vadd.f32 v19, v23  }
0x5ab: {  	v62 =	vmul.f32 v28, v28;
	v29 =	vld [tilespmem:s28+$0xFFFFFF90];
	v27 =	vadd.f32 v30, v60;
	v15 =	vadd.f32 v15, v25  }
0x5ac: {  	v23 =	vld [tilespmem:s28+$0xFFFFFF40];
	v30 =	vmul.f32 v30, v30;
	(xrf2) =	vadd.scan.msk.f32 $0xffff, v11;
	v11 =	vmul.f32 v61, v61;
	v17 =	vadd.f32 v18, v17  }
0x5ad: {  	v25 =	vld [tilespmem:s28+$0xFFFFFF20];
	v18 =	vshrl.u32 v47, $0x3;
	v28 =	vadd.f32 v28, v16;
	v16 =	vmul.f32 v16, v16  }
0x5ae: {  	s10 =	simm.s32 $0x12700;
	v14 =	vadd.f32 v22, v14;
	v22 =	vld [tilespmem:s28+$0xC0];
	v15 =	vadd.f32 v15, v13;
	v18 =	vshll.u32 v18, v0  }
0x5af: {  	v56 =	vld [tilespmem:s10+$0x70];
	v46 =	vmul.f32 v31, v31;
	v18 =	vadd.s32 $0x3, v18;
	v16 =	vadd.f32 v62, v16  }
0x5b0: {  	v41 =	vmul.f32 v29, v29;
	v29 =	vadd.f32 v29, v21;
	v26 =	vadd.f32 v26, v28;
	v28 =	vld [tilespmem:s28+$0xFFFFFF10]  }
0x5b1: {  	v52 =	vld [tilespmem:s10+$0x80];
	v21 =	vmul.f32 v21, v21;
	v45 =	vadd.f32 v63, v23;
	v23 =	vmul.f32 v23, v23  }
0x5b2: {  	v13 =	vmul.f32 v25, v25;
	v25 =	vadd.f32 v31, v25;
	v31 =	vmul.f32 v60, v60  }
0x5b3: {  	v34 =	vld [tilespmem:s10+$0x30];
	v55 =	vmul.f32 v22, v22;
	v27 =	vadd.f32 v27, v29;
	v21 =	vadd.f32 v41, v21;
	(xrf2) =	vadd.scan.msk.f32 $0xffff, v26  }
0x5b4: {  	v29 =	vshrl.u32 v44, $0x3;
	v38 =	vadd.f32 v46, v13;
	(xrf2) =	vadd.scan.msk.f32 $0xffff, v9;
	v9 =	vmul.f32 v63, v63  }
0x5b5: {  	v26 =	vld [tilespmem:s28+$0xF0];
	v41 =	vmul.f32 v56, v56;
	(xrf2) =	vadd.scan.msk.f32 $0xffff, v12;
	v12 =	vshll.u32 v37, v0;
	v10 =	vadd.f32 v28, v10  }
0x5b6: {  	v37 =	vmul.f32 v52, v52;
	v49 =	vadd.s32 $0x4, v12;
	v9 =	vadd.f32 v9, v23;
	v23 =	vld [tilespmem:s28+$0xD0]  }
0x5b7: {  	v12 =	vshll.u32 v29, v0;
	(xrf2) =	vadd.scan.msk.f32 $0xffff, v15;
	v13 =	vadd.f32 v25, v10;
	v10 =	vmul.f32 v42, v42  }
0x5b8: {  	v60 =	vld [tilespmem:s10+$0x40];
	v28 =	vmul.f32 v28, v28;
	v12 =	vadd.s32 $0x5, v12;
	(xrf2) =	vadd.scan.msk.f32 $0xffff, v27;
	v27 =	vmul.f32 v34, v34  }
0x5b9: {  	v25 =	vadd.f32 v48, v45;
	v11 =	vadd.f32 v11, v10;
	v10 =	vbroadcast v18, $0x0;
	v18 =	vld [tilespmem:s28+$0xE0];
	s28 =	simm.s32 $0x0  }
0x5ba: {  	v62 =	vld [tilespmem:s10+$0x20];
	v33 =	vbroadcast v12, $0x0;
	v15 =	vmul.f32 v26, v26;
	v51 =	vmov s28  }
0x5bb: {  	s20 =	simm.s32 $0x2;
	v54 =	vmul.f32 v23, v23;
	v22 =	vadd.f32 v23, v22;
	v29 =	vadd.f32 v11, v9  }
0x5bc: {  	v50 =	vld [tilespmem:s10+$0x90];
	v9 =	vmov s20;
	v11 =	vadd.f32 v28, v24;
	v24 =	vadd.f32 v17, v16  }
0x5bd: {  	v63 =	vld [tilespmem:s10+$0x10];
	v16 =	vadd.f32 v30, v31;
	v17 =	vshll.u32 v20, v0;
	v36 =	vshrl.u32 v51, $0x3  }
0x5be: {  	v12 =	vld [tilespmem:s10+$0xFFFFFF00];
	v51 =	vmul.f32 v60, v60;
	v9 =	vshrl.u32 v9, $0x3;
	v17 =	vadd.s32 $0x6, v17  }
0x5bf: {  	v48 =	vld [tilespmem:s10+$0x0];
	v31, _, _ =	vpop (xrf2);
	v23 =	vshll.u32 v36, v0;
	v58 =	vadd.f32 v54, v55;
	v54 =	vmul.f32 v62, v62  }
0x5c0: {  	v20 =	vld [tilespmem:s10+$0xA0];
	v35, _, _ =	vpop (xrf2);
	v9 =	vshll.u32 v9, v0;
	v28 =	vadd.f32 v38, v11;
	v11 =	vadd.f32 v16, v21  }
0x5c1: {  	v30 =	vld [tilespmem:s10+$0xB0];
	v21 =	vbroadcast v49, $0x0;
	v53, _, _ =	vpop (xrf2);
	(xrf2) =	vadd.scan.msk.f32 $0xffff, v19;
	v19 =	vmul.f32 v50, v50;
	v9 =	vadd.s32 $0x2, v9  }
0x5c2: {  	s12 =	simm.s32 $0x7;
	v55 =	vld [tilespmem:s10+$0xFFFFFFC0];
	v16 =	vmul.f32 v18, v18;
	v18 =	vadd.f32 v26, v18;
	(xrf2) =	vadd.scan.msk.f32 $0xffff, v29;
	v29 =	vadd.f32 v34, v62  }
0x5c3: {  	v49 =	vld [tilespmem:s10+$0xFFFFFFF0];
	v27 =	vadd.f32 v27, v54;
	v62 =	vmov s12;
	v9 =	vbroadcast v9, $0x0  }
0x5c4: {  	v26 =	vld [tilespmem:s10+$0x60];
	v19 =	vadd.f32 v19, v37;
	(xrf2) =	vadd.scan.msk.f32 $0xffff, v24;
	v24 =	vmul.f32 v63, v63;
	v15 =	vadd.f32 v15, v16  }
0x5c5: {  	v37 =	vld [tilespmem:s10+$0xFFFFFFE0];
	v16 =	vbroadcast v23, $0x0;
	v22 =	vadd.f32 v18, v22;
	v59 =	vmul.f32 v20, v20  }
0x5c6: {  	v57, _, _ =	vpop (xrf2);
	v23 =	vld [tilespmem:s10+$0x50];
	v61 =	vmul.f32 v30, v30;
	v20 =	vadd.f32 v30, v20;
	v30 =	vadd.f32 v50, v52  }
0x5c7: {  	[tilespmem:v33+s22+$0x0] =	vst.idx.msk vm0, v57;
	v18 =	vbroadcast v17, $0x0;
	v43 =	vmul.f32 v55, v55;
	v36 =	vadd.f32 v15, v58  }
0x5c8: {  	s8 =	simm.s32 $0x1;
	v50, _, _ =	vpop (xrf2);
	(xrf2) =	vadd.scan.msk.f32 $0xffff, v14;
	v15 =	vmul.f32 v12, v12;
	v17 =	vadd.f32 v61, v59;
	v20 =	vadd.f32 v20, v30  }
0x5c9: {  	v32 =	vld [tilespmem:s10+$0xFFFFFFA0];
	v57, _, _ =	vpop (xrf2);
	(xrf2) =	vadd.scan.msk.f32 $0xffff, v25;
	v30 =	vmov s8;
	v25 =	vmul.f32 v49, v49;
	v38 =	vmul.f32 v26, v26  }
0x5ca: {  	v42 =	vld [tilespmem:s10+$0xFFFFFFB0];
	[tilespmem:v10+s22+$0x0] =	vst.idx.msk vm0, v35;
	v26 =	vadd.f32 v56, v26;
	v30 =	vshrl.u32 v30, $0x3;
	v56 =	vmul.f32 v48, v48  }
0x5cb: {  	v58 =	vld [tilespmem:s10+$0xFFFFFF90];
	v30 =	vshll.u32 v30, v0;
	v39 =	vadd.f32 v49, v37;
	v52 =	vmul.f32 v23, v23  }
0x5cc: {  	s11 =	simm.s32 $0xE;
	[tilespmem:v21+s22+$0x0] =	vst.idx.msk vm0, v53;
	v53 =	vld [tilespmem:s10+$0xFFFFFFD0];
	v14 =	vadd.s32 $0x1, v30;
	v30 =	vadd.f32 v63, v48;
	v23 =	vadd.f32 v23, v60  }
0x5cd: {  	[tilespmem:v33+s23+$0x0] =	vst.idx.msk vm0, v50;
	v59 =	vmov s11;
	v24 =	vadd.f32 v24, v56;
	v38 =	vadd.f32 v41, v38  }
0x5ce: {  	v47 =	vld [tilespmem:s10+$0xFFFFFF70];
	v37 =	vmul.f32 v37, v37;
	v33 =	vadd.f32 v52, v51;
	v23 =	vadd.f32 v26, v23  }
0x5cf: {  	[tilespmem:v9+s22+$0x0] =	vst.idx.msk vm0, v57;
	v60 =	vld [tilespmem:s10+$0xFFFFFF80];
	v14 =	vbroadcast v14, $0x0;
	v52 =	vadd.f32 v27, v24;
	v27 =	vadd.f32 v42, v32  }
0x5d0: {  	(xrf2) =	vadd.scan.msk.f32 $0xffff, v13;
	v29 =	vadd.f32 v29, v30;
	v13 =	vmul.f32 v58, v58;
	v42 =	vmul.f32 v42, v42  }
0x5d1: {  	v57 =	vld [tilespmem:s10+$0xFFFFFF10];
	[tilespmem:v18+s22+$0x0] =	vst.idx.msk vm0, v31;
	v63, _, _ =	vpop (xrf2);
	v30 =	vshrl.u32 v59, $0x3;
	v32 =	vmul.f32 v32, v32;
	v61 =	vmul.f32 v53, v53  }
0x5d2: {  	s13 =	simm.s32 $0xC;
	v45 =	vadd.f32 v53, v55;
	[tilespmem:v21+s23+$0x0] =	vst.idx.msk vm0, v63;
	v21 =	vshrl.u32 v62, $0x3;
	v53 =	vld [tilespmem:s10+$0xFFFFFF30];
	v54, _, _ =	vpop (xrf2);
	(xrf2) =	vadd.scan.msk.f32 $0xffff, v28  }
0x5d3: {  	v55 =	vld [tilespmem:s10+$0xFFFFFF20];
	v63 =	vmul.f32 v47, v47;
	(xrf2) =	vadd.scan.msk.f32 $0xffff, v22;
	v22 =	vmov s13;
	v21 =	vshll.u32 v21, v0  }
0x5d4: {  	s16 =	simm.s32 $0xD;
	v56, _, _ =	vpop (xrf2);
	v33 =	vadd.f32 v38, v33;
	v35 =	vadd.f32 v61, v43;
	v28 =	vmul.f32 v60, v60  }
0x5d5: {  	v31 =	vld [tilespmem:s10+$0xFFFFFF40];
	v34 =	vadd.f32 v58, v60;
	v39 =	vadd.f32 v39, v45;
	v58, _, _ =	vpop (xrf2);
	(xrf2) =	vadd.scan.msk.f32 $0xffff, v20;
	v20 =	vmov s16  }
0x5d6: {  	s20 =	simm.s32 $0xB;
	v24 =	vld [tilespmem:s10+$0xFFFFFF50];
	v21 =	vadd.s32 $0x7, v21;
	v12 =	vadd.f32 v57, v12;
	[tilespmem:v10+s23+$0x0] =	vst.idx.msk vm0, v56;
	v28 =	vadd.f32 v13, v28;
	v13, _, _ =	vpop (xrf2)  }
0x5d7: {  	(xrf2) =	vadd.scan.msk.f32 $0xffff, v36;
	v60 =	vbroadcast v21, $0x0;
	v21 =	vmov s20;
	[tilespmem:v14+s22+$0x0] =	vst.idx.msk vm0, v13  }
0x5d8: {  	v13 =	vmul.f32 v53, v53;
	v61 =	vadd.f32 v53, v55;
	v62 =	vmul.f32 v55, v55  }
0x5d9: {  	v26 =	vld [tilespmem:s10+$0xFFFFFF60];
	v22 =	vshrl.u32 v22, $0x3;
	v20 =	vshrl.u32 v20, $0x3;
	[tilespmem:v18+s23+$0x0] =	vst.idx.msk vm0, v58;
	(xrf2) =	vadd.scan.msk.f32 $0xffff, v39  }
0x5da: {  	(xrf2) =	vadd.scan.msk.f32 $0xffff, v29;
	v39 =	vadd.f32 v13, v62;
	v13 =	vadd.f32 v61, v12;
	v12 =	vshrl.u32 v21, $0x3  }
0x5db: {  	v18 =	vadd.f32 v17, v19;
	v59 =	vadd.f32 v24, v31;
	(xrf2) =	vadd.scan.msk.f32 $0xffff, v23;
	v21, _, _ =	vpop (xrf2);
	v12 =	vshll.u32 v12, v0  }
0x5dc: {  	[tilespmem:v16+s22+$0x0] =	vst.idx.msk vm0, v21;
	v21 =	vmul.f32 v24, v24;
	v24 =	vadd.s32 $0x3, v12;
	v12 =	vshll.u32 v20, v0  }
0x5dd: {  	v31 =	vmul.f32 v31, v31;
	v23 =	vadd.f32 v25, v37;
	(xrf2) =	vadd.scan.msk.f32 $0xffff, v11;
	v11, _, _ =	vpop (xrf2);
	v12 =	vadd.s32 $0x5, v12  }
0x5de: {  	s28 =	simm.s32 $0xA;
	v25 =	vmul.f32 v26, v26;
	[tilespmem:v16+s23+$0x0] =	vst.idx.msk vm0, v11;
	v11 =	vshll.u32 v22, v0  }
0x5df: {  	v17 =	vmov s28;
	v27 =	vadd.f32 v27, v34;
	v29 =	vadd.f32 v47, v26;
	[tilespmem:v14+s23+$0x0] =	vst.idx.msk vm0, v54;
	v20, _, _ =	vpop (xrf2)  }
0x5e0: {  	v16 =	vadd.f32 v63, v25;
	v25 =	vadd.f32 v21, v31;
	v21 =	vbroadcast v12, $0x0;
	v12, _, _ =	vpop (xrf2);
	(xrf2) =	vadd.scan.msk.f32 $0xffff, v33  }
0x5e1: {  	v14 =	vadd.f32 v29, v59;
	v22 =	vmul.f32 v57, v57;
	v26 =	vadd.s32 $0x4, v11;
	[tilespmem:v60+s22+$0x0] =	vst.idx.msk vm0, v20;
	v11, _, _ =	vpop (xrf2)  }
0x5e2: {  	v29 =	vld [tilespmem:s10+$0xF0];
	v10 =	vbroadcast v24, $0x0;
	[tilespmem:v60+s23+$0x0] =	vst.idx.msk vm0, v11;
	v11 =	vshrl.u32 v17, $0x3;
	v17 =	vadd.f32 v42, v32  }
0x5e3: {  	v31 =	vld [tilespmem:s10+$0xE0];
	v20 =	vshll.u32 v30, v0;
	v25 =	vadd.f32 v16, v25;
	v19 =	vadd.f32 v22, v15  }
0x5e4: {  	v22 =	vadd.s32 $0x6, v20;
	v20 =	vbroadcast v26, $0x0;
	v26 =	vld [tilespmem:s10+$0xD0];
	(xrf2) =	vadd.scan.msk.f32 $0xffff, v27;
	v16, _, _ =	vpop (xrf2);
	v11 =	vshll.u32 v11, v0  }
0x5e5: {  	v24 =	vadd.f32 v23, v35;
	v15, _, _ =	vpop (xrf2);
	v23 =	vadd.s32 $0x2, v11;
	v11 =	vadd.f32 v17, v28;
	v28 =	vld [tilespmem:s10+$0xC0]  }
0x5e6: {  	v17, _, _ =	vpop (xrf2)  }
0x5e7: {  	v27 =	vmul.f32 v29, v29;
	(xrf2) =	vadd.scan.msk.f32 $0xffff, v52;
	[tilespmem:v21+s22+$0x0] =	vst.idx.msk vm0, v17;
	v17 =	vbroadcast v23, $0x0  }
0x5e8: {  	s1 =	simm.s32 $0x8;
	s8 =	simm.s32 $0x10;
	v19 =	vadd.f32 v39, v19;
	s10 =	simm.s32 $0x12900;
	v30, _, _ =	vpop (xrf2);
	v23 =	vadd.f32 v29, v31;
	v29 =	vmul.f32 v31, v31  }
.LBB2_30:
0x5e9: {  	v31 =	vld [tilespmem:s10+$0x30];
	p1 =	slt.u32 s8, $0xF8;
	v32 =	vmov s1;
	v33 =	vmul.f32 v26, v26;
	[tilespmem:v9+s23+$0x0] =	vst.idx.msk vm0, v30;
	v9 =	vmov v17;
	s11 =	smov.u32 s8;
	s8 =	sadd.s32 $0x8, s8  }
0x5ea: {  	v17 =	vld [tilespmem:s10+$0xFFFFFF00];
	[tilespmem:v20+s22+$0x0] =	vst.idx.msk vm0, v15;
	v15 =	vadd.f32 v26, v28;
	v26 =	vmul.f32 v28, v28;
	(xrf2) =	vadd.scan.msk.f32 $0xffff, v25;
	v25, _, _ =	vpop (xrf2)  }
0x5eb: {  	v30 =	vshrl.u32 v32, $0x3;
	v28 =	vld [tilespmem:s10+$0xA0];
	[tilespmem:v21+s23+$0x0] =	vst.idx.msk vm0, v25;
	v25 =	vadd.f32 v27, v29  }
0x5ec: {  	v21 =	vshll.u32 v30, v0;
	v27 =	vld [tilespmem:s10+$0xB0];
	v23 =	vadd.f32 v23, v15;
	v30 =	vadd.f32 v33, v26  }
0x5ed: {  	v21 =	vbroadcast v21, $0x0;
	v26 =	vld [tilespmem:s10+$0x90];
	(xrf2) =	vadd.scan.msk.f32 $0xffff, v24  }
0x5ee: {  	v24 =	vmul.f32 v31, v31;
	v29 =	vld [tilespmem:s10+$0x80];
	v25 =	vadd.f32 v25, v30;
	v15, _, _ =	vpop (xrf2)  }
0x5ef: {  	v30 =	vld [tilespmem:s10+$0x70]  }
0x5f0: {  	v32 =	vld [tilespmem:s10+$0x60];
	(xrf2) =	vadd.scan.msk.f32 $0xffff, v18  }
0x5f1: {  	v18 =	vmul.f32 v28, v28;
	v33 =	vld [tilespmem:s10+$0x50];
	[tilespmem:v9+s22+$0x0] =	vst.idx.msk vm0, v15;
	v34, _, _ =	vpop (xrf2)  }
0x5f2: {  	v15 =	vmul.f32 v17, v17;
	v28 =	vadd.f32 v27, v28;
	v27 =	vmul.f32 v27, v27;
	v35 =	vld [tilespmem:s10+$0x40]  }
0x5f3: {  	v22 =	vbroadcast v22, $0x0;
	v36 =	vld [tilespmem:s10+$0x20];
	v37 =	vadd.f32 v26, v29;
	v29 =	vmul.f32 v29, v29;
	(xrf2) =	vadd.scan.msk.f32 $0xffff, v14  }
0x5f4: {  	s12 =	sadd.s32 $0x1, s1;
	v26 =	vmul.f32 v26, v26;
	v18 =	vadd.f32 v27, v18;
	v14 =	vld [tilespmem:s10+$0x10];
	[tilespmem:v10+s22+$0x0] =	vst.idx.msk vm0, v16;
	v16, _, _ =	vpop (xrf2)  }
0x5f5: {  	v27 =	vld [tilespmem:s10+$0x0];
	v38 =	vmul.f32 v32, v32;
	v28 =	vadd.f32 v28, v37;
	v37 =	vmov s12;
	[tilespmem:v20+s23+$0x0] =	vst.idx.msk vm0, v34  }
0x5f6: {  	v32 =	vadd.f32 v30, v32;
	v30 =	vmul.f32 v30, v30;
	v20 =	vadd.f32 v26, v29;
	v34 =	vld [tilespmem:s10+$0xFFFFFFF0];
	(xrf2) =	vadd.scan.msk.f32 $0xffff, v13  }
0x5f7: {  	v29 =	vmul.f32 v33, v33;
	v37 =	vshrl.u32 v37, $0x3;
	v13 =	vld [tilespmem:s10+$0xFFFFFFE0];
	v26 =	vmul.f32 v35, v35;
	v39, _, _ =	vpop (xrf2)  }
0x5f8: {  	v37 =	vshll.u32 v37, v0;
	v40 =	vld [tilespmem:s10+$0xFFFFFFD0];
	v31 =	vadd.f32 v31, v36;
	v36 =	vmul.f32 v36, v36  }
0x5f9: {  	s12 =	sadd.s32 $0x6, s11;
	v41 =	vld [tilespmem:s10+$0xFFFFFFC0];
	v42 =	vmul.f32 v14, v14;
	v26 =	vadd.f32 v29, v26;
	v29 =	vadd.s32 $0x1, v37;
	(xrf2) =	vadd.scan.msk.f32 $0xffff, v19  }
0x5fa: {  	v33 =	vadd.f32 v33, v35;
	v19 =	vld [tilespmem:s10+$0xFFFFFFB0];
	v14 =	vadd.f32 v14, v27;
	v27 =	vmul.f32 v27, v27;
	v35, _, _ =	vpop (xrf2)  }
0x5fb: {  	v24 =	vadd.f32 v24, v36;
	v37 =	vld [tilespmem:s10+$0xFFFFFFA0];
	v43 =	vmul.f32 v34, v34;
	[tilespmem:v22+s22+$0x0] =	vst.idx.msk vm0, v12  }
0x5fc: {  	v36 =	vmov s12;
	v29 =	vbroadcast v29, $0x0;
	s12 =	sadd.s32 $0x7, s1;
	s1 =	smov.u32 s11;
	v12 =	vld [tilespmem:s10+$0xFFFFFF90];
	v27 =	vadd.f32 v42, v27;
	(xrf2) =	vadd.scan.msk.f32 $0xffff, v23  }
0x5fd: {  	v45 =	vmov s12;
	v34 =	vadd.f32 v34, v13;
	v42 =	vld [tilespmem:s10+$0xFFFFFF80];
	v44 =	vmul.f32 v40, v40;
	v46, _, _ =	vpop (xrf2)  }
0x5fe: {  	v32 =	vadd.f32 v32, v33;
	v47 =	vld [tilespmem:s10+$0xFFFFFF70];
	v40 =	vadd.f32 v40, v41;
	v41 =	vmul.f32 v41, v41  }
0x5ff: {  	s11 =	sadd.s32 $0x4, s1;
	v13 =	vmul.f32 v13, v13;
	v23 =	vadd.f32 v24, v27;
	v24 =	vshrl.u32 v45, $0x3;
	v33 =	vld [tilespmem:s10+$0xFFFFFF60];
	(xrf2) =	vadd.scan.msk.f32 $0xffff, v28  }
0x600: {  	v14 =	vadd.f32 v31, v14;
	v31 =	vshrl.u32 v36, $0x3;
	v27 =	vld [tilespmem:s10+$0xFFFFFF50];
	v28 =	vadd.f32 v19, v37;
	v36, _, _ =	vpop (xrf2)  }
0x601: {  	v30 =	vadd.f32 v30, v38;
	v41 =	vadd.f32 v44, v41;
	v45 =	vld [tilespmem:s10+$0xFFFFFF40];
	v48 =	vmul.f32 v12, v12  }
0x602: {  	v34 =	vadd.f32 v34, v40;
	v38 =	vld [tilespmem:s10+$0xFFFFFF30];
	v12 =	vadd.f32 v12, v42;
	v42 =	vmul.f32 v42, v42;
	(xrf2) =	vadd.scan.msk.f32 $0xffff, v25  }
0x603: {  	v24 =	vshll.u32 v24, v0;
	v19 =	vmul.f32 v19, v19;
	v40 =	vmov s11;
	s11 =	sadd.s32 $0x5, s1;
	v25 =	vld [tilespmem:s10+$0xFFFFFF20];
	[tilespmem:v29+s22+$0x0] =	vst.idx.msk vm0, v46;
	v44, _, _ =	vpop (xrf2)  }
0x604: {  	s12 =	sadd.s32 $0x3, s1;
	v46 =	vld [tilespmem:s10+$0xFFFFFF10];
	v28 =	vadd.f32 v28, v12;
	v12 =	vmov s11;
	[tilespmem:v29+s23+$0x0] =	vst.idx.msk vm0, v16;
	v16 =	vadd.s32 $0x7, v24  }
0x605: {  	v29 =	vadd.f32 v48, v42;
	v24 =	vshrl.u32 v12, $0x3;
	(xrf2) =	vadd.scan.msk.f32 $0xffff, v34;
	[tilespmem:v21+s22+$0x0] =	vst.idx.msk vm0, v36  }
0x606: {  	v16 =	vbroadcast v16, $0x0;
	v34 =	vadd.f32 v27, v45;
	v36 =	vmul.f32 v45, v45;
	[tilespmem:v21+s23+$0x0] =	vst.idx.msk vm0, v44;
	v21, _, _ =	vpop (xrf2)  }
0x607: {  	v26 =	vadd.f32 v30, v26;
	v44 =	vmov s12;
	v42 =	vmul.f32 v38, v38;
	[tilespmem:v10+s23+$0x0] =	vst.idx.msk vm0, v39  }
0x608: {  	v30 =	vmul.f32 v37, v37;
	v10 =	vadd.f32 v38, v25;
	v25 =	vmul.f32 v25, v25;
	(xrf2) =	vadd.scan.msk.f32 $0xffff, v14  }
0x609: {  	v37 =	vshrl.u32 v40, $0x3;
	v14 =	vadd.f32 v46, v17;
	v17 =	vadd.f32 v47, v33;
	v12, _, _ =	vpop (xrf2);
	[tilespmem:v22+s23+$0x0] =	vst.idx.msk vm0, v35  }
0x60a: {  	v35 =	vadd.f32 v43, v13;
	v22 =	vadd.f32 v42, v25;
	v25 =	vmul.f32 v47, v47  }
0x60b: {  	v13 =	vadd.f32 v10, v14;
	v10 =	vmul.f32 v33, v33;
	v33 =	vshrl.u32 v44, $0x3;
	(xrf2) =	vadd.scan.msk.f32 $0xffff, v32  }
0x60c: {  	v14 =	vadd.f32 v17, v34;
	v17 =	vshll.u32 v33, v0;
	[tilespmem:v16+s22+$0x0] =	vst.idx.msk vm0, v21;
	v21, _, _ =	vpop (xrf2)  }
0x60d: {  	v27 =	vmul.f32 v27, v27;
	v32 =	vshll.u32 v37, v0;
	v17 =	vadd.s32 $0x3, v17;
	[tilespmem:v16+s23+$0x0] =	vst.idx.msk vm0, v21  }
0x60e: {  	v21 =	vadd.f32 v25, v10;
	v10 =	vbroadcast v17, $0x0;
	v17 =	vadd.s32 $0x4, v32;
	(xrf2) =	vadd.scan.msk.f32 $0xffff, v11  }
0x60f: {  	s11 =	sadd.s32 $0x2, s1;
	v24 =	vshll.u32 v24, v0;
	v25 =	vadd.f32 v27, v36;
	v11 =	vmul.f32 v46, v46;
	v16, _, _ =	vpop (xrf2)  }
0x610: {  	v18 =	vadd.f32 v18, v20;
	v24 =	vadd.s32 $0x5, v24  }
0x611: {  	v20 =	vmov s11;
	v25 =	vadd.f32 v21, v25;
	v21 =	vbroadcast v24, $0x0;
	(xrf2) =	vadd.scan.msk.f32 $0xffff, v26  }
0x612: {  	v20 =	vshrl.u32 v20, $0x3;
	v24 =	vadd.f32 v35, v41;
	v11 =	vadd.f32 v11, v15;
	v15, _, _ =	vpop (xrf2)  }
0x613: {  	v20 =	vshll.u32 v20, v0;
	v27 =	vshll.u32 v31, v0;
	v26 =	vadd.f32 v19, v30;
	v31 =	vld [tilespmem:s10+$0xF0]  }
0x614: {  	v30 =	vadd.s32 $0x2, v20;
	v19 =	vadd.f32 v22, v11;
	v22 =	vadd.s32 $0x6, v27;
	v32 =	vld [tilespmem:s10+$0xE0]  }
.Ltmp20:
0x615: {  	v20 =	vbroadcast v17, $0x0;
	v11 =	vadd.f32 v26, v29;
	v26 =	vld [tilespmem:s10+$0xD0];
	(xrf2) =	vadd.scan.msk.f32 $0xffff, v28;
	v17, _, _ =	vpop (xrf2);
	(pc) =	sbr.rel @p1 .LBB2_30-.Ltmp20, $4  }
0x616: {  	v28 =	vld [tilespmem:s10+$0xC0]  }
0x617: {  	[tilespmem:v21+s22+$0x0] =	vst.idx.msk vm0, v17  }
0x618: {  	s11 =	simm.s32 $0x16610;
	s12 =	simm.s32 $0x16710;
	v17 =	vbroadcast v30, $0x0;
	v27 =	vmul.f32 v31, v31;
	(xrf2) =	vadd.scan.msk.f32 $0xffff, v23;
	v30, _, _ =	vpop (xrf2)  }
0x619: {  	s16 =	simm.s32 $0x16410;
	s13 =	simm.s32 $0x16510;
	s10 =	sadd.s32 $0x200, s10;
	v23 =	vadd.f32 v31, v32;
	v29 =	vmul.f32 v32, v32  }
0x61a: {  	(xrf2) =	vadd.scan.msk.f32 $0xffff, v25  }
0x61b: {  	(xrf2) =	vadd.scan.msk.f32 $0xffff, v24  }
0x61c: {  	v42 =	vmul.f32 v26, v26;
	v43 =	vmul.f32 v28, v28;
	(xrf2) =	vadd.scan.msk.f32 $0xffff, v18  }
0x61d: {  	s8 =	sadd.s32 $0x1, s1;
	v45 =	vmov s1;
	v50 =	vbroadcast v22, $0x0;
	v46 =	vadd.f32 v26, v28;
	(xrf2) =	vadd.scan.msk.f32 $0xffff, v14  }
0x61e: {  	v44 =	vmov s8;
	v48 =	vadd.f32 v27, v29;
	v14 =	vadd.f32 v42, v43  }
0x61f: {  	[tilespmem:v9+s23+$0x0] =	vst.idx.msk vm0, v30;
	v47 =	vshrl.u32 v44, $0x3;
	v9 =	vadd.f32 v23, v46;
	(xrf2) =	vadd.scan.msk.f32 $0xffff, v13  }
0x620: {  	[tilespmem:v20+s22+$0x0] =	vst.idx.msk vm0, v15;
	v13 =	vshll.u32 v47, v0;
	(xrf2) =	vadd.scan.msk.f32 $0xffff, v19;
	v14 =	vadd.f32 v48, v14  }
0x621: {  	s28 =	sadd.s32 $0x7, s1;
	[tilespmem:v10+s22+$0x0] =	vst.idx.msk vm0, v16;
	v49, _, _ =	vpop (xrf2);
	v52 =	vshrl.u32 v45, $0x3;
	v13 =	vadd.s32 $0x1, v13;
	(xrf2) =	vadd.scan.msk.f32 $0xffff, v9  }
0x622: {  	v55 =	vmov s28;
	[tilespmem:v21+s23+$0x0] =	vst.idx.msk vm0, v49;
	v51, _, _ =	vpop (xrf2);
	v13 =	vbroadcast v13, $0x0;
	(xrf2) =	vadd.scan.msk.f32 $0xffff, v14  }
0x623: {  	v15 =	vshll.u32 v52, v0;
	v57 =	vshrl.u32 v55, $0x3;
	[tilespmem:v17+s22+$0x0] =	vst.idx.msk vm0, v51;
	v53, _, _ =	vpop (xrf2);
	(xrf2) =	vadd.scan.msk.f32 $0xffff, v11  }
0x624: {  	v16 =	vshll.u32 v57, v0;
	v9 =	vbroadcast v15, $0x0;
	[tilespmem:v50+s22+$0x0] =	vst.idx.msk vm0, v12;
	v54, _, _ =	vpop (xrf2)  }
0x625: {  	v59 =	vadd.s32 $0x7, v16;
	[tilespmem:v20+s23+$0x0] =	vst.idx.msk vm0, v53;
	v56, _, _ =	vpop (xrf2)  }
0x626: {  	v12 =	vbroadcast v59, $0x0;
	v11, _, _ =	vpop (xrf2);
	[tilespmem:v10+s23+$0x0] =	vst.idx.msk vm0, v56  }
0x627: {  	v58, _, _ =	vpop (xrf2);
	[tilespmem:v50+s23+$0x0] =	vst.idx.msk vm0, v11  }
0x628: {  	[tilespmem:v13+s22+$0x0] =	vst.idx.msk vm0, v58  }
0x629: {  	v60, _, _ =	vpop (xrf2);
	[tilespmem:v13+s23+$0x0] =	vst.idx.msk vm0, v54  }
0x62a: {  	v61, _, _ =	vpop (xrf2);
	[tilespmem:v9+s22+$0x0] =	vst.idx.msk vm0, v60  }
0x62b: {  	[tilespmem:v9+s23+$0x0] =	vst.idx.msk vm0, v61;
	v9, _, _ =	vpop (xrf2)  }
0x62c: {  	[tilespmem:v12+s22+$0x0] =	vst.idx.msk vm0, v9;
	v9, _, _ =	vpop (xrf2)  }
0x62d: {  	[tilespmem:v12+s23+$0x0] =	vst.idx.msk vm0, v9;
	v9, _, _ =	vpop (xrf2)  }
0x62e: {  	[tilespmem:v17+s23+$0x0] =	vst.idx.msk vm0, v9  }
0x62f: {  	v9 =	vld [tilespmem:s16+$0xFFFFFFF0];
	_ =	sdelay $0x1  }
0x630: {  	v10 =	vld [tilespmem:s13+$0xFFFFFFF0];
	_ =	sdelay $0x2  }
0x631: {  	v9 =	vmul.f32 $1.562500000e-02, v9;
	_ =	sdelay $0x1  }
0x632: {  	v10 =	vmul.f32 $1.562500000e-02, v10;
	v11 =	vmul.f32 v9, v9;
	_ =	sdelay $0x1  }
0x633: {  	v10 =	vsub.f32 v10, v11;
	_ =	sdelay $0x1  }
0x634: {  	v10 =	vadd.f32 $9.999999740e-06, v10;
	_ =	sdelay $0x1  }
0x635: {  	v11 =	vshrl.u32 v10, $0x1;
	v10 =	vmul.f32 $5.000000000e-01, v10  }
0x636: {  	v11 =	vsub.s32 $0x5F3759DF, v11  }
0x637: {  	v62 =	vmul.f32 v11, v10;
	_ =	sdelay $0x1  }
0x638: {  	v12 =	vmul.f32 v11, v62;
	_ =	sdelay $0x1  }
0x639: {  	v12 =	vsub.f32 $1.500000000e+00, v12;
	_ =	sdelay $0x1  }
0x63a: {  	v11 =	vmul.f32 v11, v12;
	_ =	sdelay $0x1  }
0x63b: {  	v10 =	vmul.f32 v11, v10;
	_ =	sdelay $0x1  }
0x63c: {  	v10 =	vmul.f32 v10, v11;
	_ =	sdelay $0x1  }
0x63d: {  	v10 =	vsub.f32 $1.500000000e+00, v10;
	_ =	sdelay $0x1  }
0x63e: {  	v10 =	vmul.f32 v10, v11;
	_ =	sdelay $0x1  }
0x63f: {  	v9 =	vmul.f32 v10, v9;
	_ =	sdelay $0x1  }
0x640: {  	v9 =	vsub.f32 $0.0e+00, v9  }
0x641: {  	[tilespmem:s11+$0xFFFFFFF0] =	vst v10  }
0x642: {  	[tilespmem:s12+$0xFFFFFFF0] =	vst v9  }
0x643: {  	v9 =	vld [tilespmem:s16+$0x0];
	_ =	sdelay $0x1  }
0x644: {  	v10 =	vld [tilespmem:s13+$0x0];
	_ =	sdelay $0x2  }
0x645: {  	v9 =	vmul.f32 $1.562500000e-02, v9;
	_ =	sdelay $0x1  }
0x646: {  	v10 =	vmul.f32 $1.562500000e-02, v10;
	v11 =	vmul.f32 v9, v9;
	_ =	sdelay $0x1  }
0x647: {  	v10 =	vsub.f32 v10, v11;
	_ =	sdelay $0x1  }
0x648: {  	v10 =	vadd.f32 $9.999999740e-06, v10;
	_ =	sdelay $0x1  }
0x649: {  	v11 =	vshrl.u32 v10, $0x1;
	v10 =	vmul.f32 $5.000000000e-01, v10  }
0x64a: {  	v11 =	vsub.s32 $0x5F3759DF, v11  }
0x64b: {  	v63 =	vmul.f32 v11, v10;
	_ =	sdelay $0x1  }
0x64c: {  	v12 =	vmul.f32 v11, v63;
	_ =	sdelay $0x1  }
0x64d: {  	v12 =	vsub.f32 $1.500000000e+00, v12;
	_ =	sdelay $0x1  }
0x64e: {  	v11 =	vmul.f32 v11, v12;
	_ =	sdelay $0x1  }
0x64f: {  	v10 =	vmul.f32 v11, v10;
	_ =	sdelay $0x1  }
0x650: {  	v10 =	vmul.f32 v10, v11;
	_ =	sdelay $0x1  }
0x651: {  	v10 =	vsub.f32 $1.500000000e+00, v10;
	_ =	sdelay $0x1  }
0x652: {  	v10 =	vmul.f32 v10, v11  }
0x653: {  	p1 =	por $0x1, $0x1  }
.Ltmp21:
0x654: {  	v9 =	vmul.f32 v10, v9;
	(pc) =	sbr.rel @!p1 .LBB2_33-.Ltmp21, $4  }
0x655: {  	_ = 	snop  }
0x656: {  	v9 =	vsub.f32 $0.0e+00, v9  }
0x657: {  	s10 =	simm.s32 $0x0;
	[tilespmem:s11+$0x0] =	vst v10  }
0x658: {  	s1 =	simm.s32 $0x0;
	s8 =	simm.s32 $0x12500;
	s16 =	simm.s32 $0x16430;
	[tilespmem:s12+$0x0] =	vst v9  }
.LBB2_32:
0x659: {  	v9 =	vld [tilespmem:s16+$0xFFFFFFF0];
	s10 =	sadd.s32 $0x2, s10  }
0x65a: {  	s13 =	sadd.s32 $0x20, s13;
	p1 =	slt.u32 s10, $0xE  }
0x65b: {  	v10 =	vld [tilespmem:s13+$0xFFFFFFF0];
	_ =	sdelay $0x2  }
0x65c: {  	v9 =	vmul.f32 $1.562500000e-02, v9;
	_ =	sdelay $0x1  }
0x65d: {  	v10 =	vmul.f32 $1.562500000e-02, v10;
	v11 =	vmul.f32 v9, v9;
	_ =	sdelay $0x1  }
0x65e: {  	v10 =	vsub.f32 v10, v11;
	_ =	sdelay $0x1  }
0x65f: {  	v10 =	vadd.f32 $9.999999740e-06, v10;
	_ =	sdelay $0x1  }
0x660: {  	v11 =	vshrl.u32 v10, $0x1;
	v10 =	vmul.f32 $5.000000000e-01, v10  }
0x661: {  	v11 =	vsub.s32 $0x5F3759DF, v11  }
0x662: {  	v12 =	vmul.f32 v11, v10;
	_ =	sdelay $0x1  }
0x663: {  	v12 =	vmul.f32 v11, v12;
	_ =	sdelay $0x1  }
0x664: {  	v12 =	vsub.f32 $1.500000000e+00, v12;
	_ =	sdelay $0x1  }
0x665: {  	v11 =	vmul.f32 v11, v12;
	_ =	sdelay $0x1  }
0x666: {  	v10 =	vmul.f32 v11, v10;
	_ =	sdelay $0x1  }
0x667: {  	v10 =	vmul.f32 v10, v11;
	_ =	sdelay $0x1  }
0x668: {  	v10 =	vsub.f32 $1.500000000e+00, v10;
	_ =	sdelay $0x1  }
0x669: {  	v10 =	vmul.f32 v10, v11  }
0x66a: {  	s11 =	sadd.s32 $0x20, s11  }
0x66b: {  	[tilespmem:s11+$0xFFFFFFF0] =	vst v10;
	v9 =	vmul.f32 v10, v9;
	_ =	sdelay $0x1  }
0x66c: {  	v9 =	vsub.f32 $0.0e+00, v9  }
0x66d: {  	s12 =	sadd.s32 $0x20, s12  }
0x66e: {  	[tilespmem:s12+$0xFFFFFFF0] =	vst v9  }
0x66f: {  	v9 =	vld [tilespmem:s16+$0x0];
	_ =	sdelay $0x1  }
0x670: {  	v10 =	vld [tilespmem:s13+$0x0];
	_ =	sdelay $0x2  }
0x671: {  	v9 =	vmul.f32 $1.562500000e-02, v9;
	_ =	sdelay $0x1  }
0x672: {  	v10 =	vmul.f32 $1.562500000e-02, v10;
	v11 =	vmul.f32 v9, v9;
	_ =	sdelay $0x1  }
0x673: {  	v10 =	vsub.f32 v10, v11;
	_ =	sdelay $0x1  }
0x674: {  	v10 =	vadd.f32 $9.999999740e-06, v10;
	_ =	sdelay $0x1  }
0x675: {  	v11 =	vshrl.u32 v10, $0x1;
	v10 =	vmul.f32 $5.000000000e-01, v10  }
0x676: {  	v11 =	vsub.s32 $0x5F3759DF, v11  }
0x677: {  	v12 =	vmul.f32 v11, v10;
	_ =	sdelay $0x1  }
0x678: {  	v12 =	vmul.f32 v11, v12;
	_ =	sdelay $0x1  }
0x679: {  	v12 =	vsub.f32 $1.500000000e+00, v12;
	_ =	sdelay $0x1  }
0x67a: {  	v11 =	vmul.f32 v11, v12;
	_ =	sdelay $0x1  }
0x67b: {  	v10 =	vmul.f32 v11, v10;
	_ =	sdelay $0x1  }
0x67c: {  	v10 =	vmul.f32 v10, v11;
	_ =	sdelay $0x1  }
0x67d: {  	v10 =	vsub.f32 $1.500000000e+00, v10;
	_ =	sdelay $0x1  }
0x67e: {  	v10 =	vmul.f32 v10, v11;
	_ =	sdelay $0x1  }
.Ltmp22:
0x67f: {  	[tilespmem:s11+$0x0] =	vst v10;
	v9 =	vmul.f32 v10, v9;
	(pc) =	sbr.rel @p1 .LBB2_32-.Ltmp22, $3  }
0x680: {  	_ = 	snop  }
0x681: {  	v9 =	vsub.f32 $0.0e+00, v9;
	_ =	sdelay $0x1  }
0x682: {  	s16 =	sadd.s32 $0x20, s16;
	[tilespmem:s12+$0x0] =	vst v9  }
.LBB2_33:
0x683: {  	v9 =	vmov s1;
	s10 =	sadd.s32 $0x1, s1;
	s11 =	sadd.s32 $0x2, s1  }
0x684: {  	s13 =	sadd.s32 $0x3, s1;
	v10 =	vmov s10;
	v11 =	vmov s11;
	v9 =	vshrl.u32 v9, $0x3  }
0x685: {  	v12 =	vmov s13;
	v9 =	vshll.u32 v9, v0;
	v10 =	vshrl.u32 v10, $0x3  }
0x686: {  	v11 =	vshrl.u32 v11, $0x3;
	v15 =	vbroadcast v9, $0x0;
	v9 =	vshll.u32 v10, v0  }
0x687: {  	v10 =	vshrl.u32 v12, $0x3;
	v11 =	vshll.u32 v11, v0;
	v9 =	vadd.s32 $0x1, v9  }
0x688: {  	v10 =	vshll.u32 v10, v0;
	v11 =	vadd.s32 $0x2, v11;
	v14 =	vbroadcast v9, $0x0  }
0x689: {  	v9 =	vadd.s32 $0x3, v10;
	v12 =	vbroadcast v11, $0x0  }
0x68a: {  	s16 =	sadd.s32 $0x4, s1;
	s28 =	sadd.s32 $0x6, s1;
	v13 =	vbroadcast v9, $0x0  }
0x68b: {  	s20 =	sadd.s32 $0x5, s1;
	p2 =	slt.u32 s1, $0xF8;
	v11 =	vmov s28;
	v9 =	vmov s16  }
.Ltmp23:
0x68c: {  	v10 =	vmov s20;
	v11 =	vshrl.u32 v11, $0x3;
	v16 =	vshrl.u32 v9, $0x3;
	v9 =	vld.idx.msk [tilespmem:v15+s25+$0x0], $0xffff;
	(pc) =	sbr.rel @!p2 .LBB2_34-.Ltmp23, $4  }
0x68d: {  	v17 =	vshrl.u32 v10, $0x3;
	v11 =	vshll.u32 v11, v0;
	v10 =	vld.idx.msk [tilespmem:v15+s24+$0x0], $0xffff  }
0x68e: {  	v16 =	vshll.u32 v16, v0;
	v11 =	vadd.s32 $0x6, v11;
	v15 =	vshll.u32 v17, v0;
	v17 =	vld.idx.msk [tilespmem:v14+s25+$0x0], $0xffff  }
0x68f: {  	v16 =	vadd.s32 $0x4, v16;
	v28 =	vbroadcast v11, $0x0;
	v18 =	vadd.s32 $0x5, v15;
	v15 =	vld.idx.msk [tilespmem:v12+s25+$0x0], $0xffff  }
0x690: {  	s12 =	sadd.s32 $0x7, s1;
	s1 =	sadd.s32 $0x8, s1;
	p1 =	por $0x0, $0x0;
	v16 =	vbroadcast v16, $0x0;
	v21 =	vbroadcast v18, $0x0;
	v11 =	vld.idx.msk [tilespmem:v13+s25+$0x0], $0xffff  }
0x691: {  	_ =	sdelay $0x3  }
0x692: {  	v22 =	vld.idx.msk [tilespmem:v28+s25+$0x0], $0xffff  }
0x693: {  	v25 =	vld.idx.msk [tilespmem:v14+s24+$0x0], $0xffff  }
0x694: {  	v27 =	vld.idx.msk [tilespmem:v12+s24+$0x0], $0xffff  }
0x695: {  	v31 =	vld.idx.msk [tilespmem:v13+s24+$0x0], $0xffff  }
0x696: {  	v29 =	vld.idx.msk [tilespmem:v28+s24+$0x0], $0xffff  }
0x697: {  	v34 =	vld [tilespmem:s8+$0xF0]  }
0x698: {  	v18 =	vmov s12;
	v35 =	vld [tilespmem:s8+$0xFFFFFF10]  }
0x699: {  	v36 =	vld [tilespmem:s8+$0xFFFFFF20];
	v18 =	vshrl.u32 v18, $0x3  }
0x69a: {  	v38 =	vld [tilespmem:s8+$0xFFFFFF40];
	v18 =	vshll.u32 v18, v0  }
0x69b: {  	v50 =	vld [tilespmem:s8+$0xFFFFFFA0];
	v18 =	vadd.s32 $0x7, v18  }
0x69c: {  	s10 =	sadd.s32 $0x1, s1;
	s11 =	sadd.s32 $0x2, s1;
	v12 =	vmov s1;
	s16 =	sadd.s32 $0x4, s1;
	v26 =	vld.idx.msk [tilespmem:v16+s25+$0x0], $0xffff;
	v14 =	vbroadcast v18, $0x0  }
0x69d: {  	s20 =	sadd.s32 $0x5, s1;
	s28 =	sadd.s32 $0x6, s1;
	v32 =	vld.idx.msk [tilespmem:v16+s24+$0x0], $0xffff;
	v13 =	vmov s10;
	v16 =	vmov s11;
	v19 =	vmov s16  }
0x69e: {  	v54 =	vld [tilespmem:s8+$0xFFFFFFE0];
	v12 =	vshrl.u32 v12, $0x3;
	v20 =	vmov s20;
	v33 =	vmov s28  }
0x69f: {  	v23 =	vld.idx.msk [tilespmem:v21+s25+$0x0], $0xffff;
	v12 =	vshll.u32 v12, v0;
	v13 =	vshrl.u32 v13, $0x3;
	v16 =	vshrl.u32 v16, $0x3  }
0x6a0: {  	s13 =	sadd.s32 $0x3, s1;
	v30 =	vld.idx.msk [tilespmem:v21+s24+$0x0], $0xffff;
	v33 =	vshrl.u32 v33, $0x3;
	v21 =	vbroadcast v12, $0x0;
	v12 =	vshll.u32 v13, v0  }
0x6a1: {  	v45 =	vld [tilespmem:s8+$0xFFFFFF60];
	v13 =	vshll.u32 v16, v0;
	v18 =	vmov s13;
	v12 =	vadd.s32 $0x1, v12  }
0x6a2: {  	v13 =	vadd.s32 $0x2, v13;
	v18 =	vshrl.u32 v18, $0x3;
	v38 =	vmul.f32 v38, v25;
	v24 =	vld.idx.msk [tilespmem:v14+s24+$0x0], $0xffff  }
0x6a3: {  	v56 =	vmul.f32 v50, v27;
	v61 =	vmul.f32 v54, v31;
	v16 =	vshll.u32 v18, v0;
	v28 =	vld.idx.msk [tilespmem:v14+s25+$0x0], $0xffff  }
0x6a4: {  	v16 =	vadd.s32 $0x3, v16;
	v14 =	vshrl.u32 v19, $0x3;
	v19 =	vshrl.u32 v20, $0x3;
	v20 =	vld [tilespmem:s8+$0xFFFFFF00]  }
0x6a5: {  	v37 =	vld [tilespmem:s8+$0xFFFFFF30];
	v38 =	vadd.f32 v38, v17;
	v18 =	vshll.u32 v14, v0;
	v14 =	vbroadcast v12, $0x0  }
0x6a6: {  	v49 =	vld [tilespmem:s8+$0xFFFFFF80];
	v12 =	vbroadcast v13, $0x0;
	v13 =	vbroadcast v16, $0x0;
	v18 =	vadd.s32 $0x4, v18  }
0x6a7: {  	v39 =	vld [tilespmem:s8+$0xFFFFFF50];
	v42 =	vshll.u32 v19, v0;
	v19 =	vmul.f32 v36, v10;
	v16 =	vbroadcast v18, $0x0  }
0x6a8: {  	v46 =	vld [tilespmem:s8+$0xFFFFFF70];
	v59 =	vadd.f32 v56, v15;
	v18 =	vmul.f32 v35, v10;
	v35 =	vmul.f32 v45, v25  }
0x6a9: {  	v52 =	vld [tilespmem:s8+$0xFFFFFFC0];
	v41 =	vadd.f32 v19, v9;
	v34 =	vmul.f32 v34, v24;
	v20 =	vmul.f32 v20, v10  }
0x6aa: {  	v43 =	vld [tilespmem:s8+$0xFFFFFF90];
	v48 =	vadd.f32 v18, v9;
	v10 =	vmul.f32 v37, v10;
	v35 =	vadd.f32 v35, v17  }
0x6ab: {  	v37 =	vmul.f32 v49, v27;
	v40 =	vadd.f32 v34, v28;
	v20 =	vadd.f32 v20, v9  }
0x6ac: {  	v51 =	vld [tilespmem:s8+$0xFFFFFFB0];
	v9 =	vadd.f32 v10, v9;
	v10 =	vmul.f32 v39, v25;
	v19 =	vmul.f32 v48, v2  }
0x6ad: {  	v56 =	vadd.f32 v61, v11;
	v25 =	vmul.f32 v46, v25;
	v44 =	vmul.f32 v35, v3  }
0x6ae: {  	v53 =	vld [tilespmem:s8+$0xFFFFFFD0];
	v34 =	vshll.u32 v33, v0;
	v33 =	vmul.f32 v52, v31;
	v47 =	vmul.f32 v40, v4  }
0x6af: {  	v57 =	vld [tilespmem:s8+$0xFFFFFFF0];
	v10 =	vadd.f32 v10, v17;
	v17 =	vadd.f32 v25, v17;
	v25 =	vmul.f32 v43, v27  }
0x6b0: {  	v58 =	vld [tilespmem:s8+$0x0];
	v55 =	vadd.f32 v37, v15;
	v18 =	vmul.f32 v20, v1;
	v20 =	vmul.f32 v41, v3  }
0x6b1: {  	v60 =	vld [tilespmem:s8+$0x10];
	v41 =	vmul.f32 v38, v1;
	v27 =	vmul.f32 v51, v27;
	v25 =	vadd.f32 v25, v15  }
0x6b2: {  	v62 =	vld [tilespmem:s8+$0x30];
	v45 =	vmul.f32 v55, v1;
	v33 =	vadd.f32 v33, v11;
	v51 =	vmul.f32 v56, v3  }
0x6b3: {  	v15 =	vadd.f32 v27, v15;
	v27 =	vld [tilespmem:s8+$0x20];
	v46 =	vmul.f32 v25, v2;
	v25 =	vmul.f32 v53, v31  }
0x6b4: {  	v63 =	vld [tilespmem:s8+$0x40];
	v36 =	vadd.f32 v47, v8;
	v10 =	vmul.f32 v10, v2;
	v31 =	vmul.f32 v57, v31  }
0x6b5: {  	v61 =	vld [tilespmem:s8+$0x80];
	v17 =	vmul.f32 v17, v4;
	v57 =	vmul.f32 v58, v32;
	v25 =	vadd.f32 v25, v11  }
0x6b6: {  	v47 =	vmul.f32 v59, v3;
	v43 =	vmul.f32 v33, v1;
	v58 =	vld [tilespmem:s8+$0x50];
	v11 =	vadd.f32 v31, v11  }
0x6b7: {  	v31 =	vld [tilespmem:s8+$0x60];
	v59 =	vadd.f32 v57, v26;
	v50 =	vmul.f32 v25, v2;
	v25 =	vmul.f32 v60, v32  }
0x6b8: {  	v27 =	vmul.f32 v27, v32;
	v60 =	vld [tilespmem:s8+$0x70];
	v52 =	vmul.f32 v11, v4  }
0x6b9: {  	v32 =	vmul.f32 v62, v32;
	v53 =	vmul.f32 v59, v1;
	v11 =	vadd.f32 v25, v26  }
0x6ba: {  	v62 =	vmul.f32 v63, v30;
	v63 =	vld [tilespmem:s8+$0x90];
	v59 =	vmul.f32 v61, v29;
	v27 =	vadd.f32 v27, v26  }
0x6bb: {  	v55 =	vld [tilespmem:s8+$0xA0];
	v54 =	vmul.f32 v58, v30;
	v25 =	vmul.f32 v11, v2;
	v11 =	vadd.f32 v32, v26  }
0x6bc: {  	v33 =	vadd.f32 v62, v23;
	v31 =	vmul.f32 v31, v30;
	v26 =	vmul.f32 v27, v3  }
0x6bd: {  	v56 =	vld [tilespmem:s8+$0xB0];
	v57 =	vmul.f32 v60, v30;
	v27 =	vmul.f32 v11, v4;
	v11 =	vadd.f32 v54, v23  }
0x6be: {  	v48 =	vld [tilespmem:s8+$0xC0];
	v15 =	vmul.f32 v15, v4;
	v61 =	vadd.f32 v59, v22;
	v58 =	vadd.f32 v31, v23  }
0x6bf: {  	v49 =	vld [tilespmem:s8+$0xD0];
	v31 =	vmul.f32 v11, v2;
	v11 =	vadd.f32 v57, v23;
	v23 =	vmul.f32 v63, v29  }
0x6c0: {  	v62 =	vmul.f32 v55, v29;
	v30 =	vmul.f32 v33, v1;
	v60 =	vld [tilespmem:s8+$0xE0]  }
0x6c1: {  	[tilespmem:s8+$0xF0] =	vst v36;
	v33 =	vmul.f32 v61, v1;
	v36 =	vmul.f32 v11, v4;
	v11 =	vadd.f32 v23, v22  }
0x6c2: {  	v35 =	vmul.f32 v58, v3;
	v23 =	vmul.f32 v56, v29;
	v29 =	vadd.f32 v62, v22  }
0x6c3: {  	v63 =	vmul.f32 v48, v24;
	v48 =	vadd.f32 v46, v6;
	v37 =	vmul.f32 v11, v2  }
0x6c4: {  	v11 =	vadd.f32 v23, v22;
	v22 =	vmul.f32 v49, v24;
	v38 =	vmul.f32 v29, v3  }
0x6c5: {  	v23 =	vadd.f32 v63, v28;
	v24 =	vmul.f32 v60, v24;
	v29 =	vmul.f32 v9, v4  }
0x6c6: {  	v39 =	vmul.f32 v11, v4;
	v11 =	vadd.f32 v22, v28;
	v22 =	vadd.f32 v41, v5  }
0x6c7: {  	v40 =	vmul.f32 v23, v1;
	v23 =	vadd.f32 v24, v28;
	v24 =	vadd.f32 v10, v6  }
0x6c8: {  	p2 =	slt.u32 s1, $0xF8;
	v9 =	vld.idx.msk [tilespmem:v21+s25+$0x0], $0xffff;
	v32 =	vmul.f32 v11, v2;
	v11 =	vadd.f32 v17, v8;
	v17 =	vadd.s32 $0x5, v42  }
.Ltmp24:
0x6c9: {  	v46 =	vadd.f32 v50, v6;
	v28 =	vadd.f32 v44, v7;
	v10 =	vld.idx.msk [tilespmem:v21+s24+$0x0], $0xffff;
	[tilespmem:s8+$0xFFFFFF40] =	vst v22;
	v21 =	vbroadcast v17, $0x0;
	(pc) =	sbr.rel @!p2 .LBB2_36-.Ltmp24, $4  }
0x6ca: {  	v49 =	vadd.f32 v15, v8;
	v41 =	vmul.f32 v23, v3;
	[tilespmem:s8+$0xFFFFFF50] =	vst v24;
	v23 =	vadd.s32 $0x6, v34  }
0x6cb: {  	v15 =	vld.idx.msk [tilespmem:v12+s25+$0x0], $0xffff;
	v44 =	vadd.f32 v47, v7;
	v22 =	vadd.f32 v45, v5;
	[tilespmem:s8+$0xFFFFFF60] =	vst v28;
	v28 =	vbroadcast v23, $0x0  }
0x6cc: {  	s12 =	sadd.s32 $0x7, s1;
	p1 =	por $0x1, $0x1;
	v47 =	vadd.f32 v52, v8;
	v45 =	vadd.f32 v43, v5;
	v17 =	vld.idx.msk [tilespmem:v14+s25+$0x0], $0xffff;
	[tilespmem:s8+$0xFFFFFF70] =	vst v11  }
0x6cd: {  	s11 =	sadd.s32 $0x8, s1;
	s10 =	smov.u32 s8;
	s1 =	smov.u32 s8;
	v43 =	vadd.f32 v51, v7;
	v42 =	vadd.f32 v53, v5;
	v11 =	vld.idx.msk [tilespmem:v13+s25+$0x0], $0xffff;
	[tilespmem:s8+$0xFFFFFF80] =	vst v22  }
.LBB2_37:
0x6ce: {  	p2 =	slt.u32 s11, $0xF8;
	v24 =	vld.idx.msk [tilespmem:v16+s25+$0x0], $0xffff;
	v22 =	vmov s12;
	[tilespmem:s10+$0xFFFFFF90] =	vst v48;
	v34 =	vadd.f32 v25, v6;
	v48 =	vadd.f32 v26, v7  }
0x6cf: {  	v50 =	vadd.f32 v30, v5;
	v23 =	vld.idx.msk [tilespmem:v21+s25+$0x0], $0xffff;
	v22 =	vshrl.u32 v22, $0x3;
	[tilespmem:s10+$0xFFFFFFA0] =	vst v44;
	v44 =	vadd.f32 v27, v8  }
0x6d0: {  	v35 =	vadd.f32 v35, v7;
	v25 =	vshll.u32 v22, v0;
	[tilespmem:s10+$0xFFFFFFB0] =	vst v49;
	v49 =	vadd.f32 v31, v6  }
0x6d1: {  	v36 =	vadd.f32 v36, v8;
	v22 =	vld.idx.msk [tilespmem:v28+s25+$0x0], $0xffff;
	v25 =	vadd.s32 $0x7, v25;
	[tilespmem:s10+$0xFFFFFFC0] =	vst v45;
	v45 =	vadd.f32 v33, v5  }
0x6d2: {  	v37 =	vadd.f32 v37, v6;
	v38 =	vadd.f32 v38, v7;
	v31 =	vld.idx.msk [tilespmem:v14+s24+$0x0], $0xffff;
	v14 =	vbroadcast v25, $0x0;
	[tilespmem:s10+$0xFFFFFFD0] =	vst v46  }
0x6d3: {  	v39 =	vadd.f32 v39, v8;
	v40 =	vadd.f32 v40, v5;
	v27 =	vld.idx.msk [tilespmem:v12+s24+$0x0], $0xffff;
	[tilespmem:s10+$0xFFFFFFE0] =	vst v43  }
0x6d4: {  	s12 =	sadd.s32 $0x1, s11;
	v41 =	vadd.f32 v41, v7;
	v12 =	vmov s11;
	v43 =	vadd.f32 v32, v6;
	v26 =	vld.idx.msk [tilespmem:v13+s24+$0x0], $0xffff;
	[tilespmem:s10+$0xFFFFFFF0] =	vst v47  }
0x6d5: {  	v18 =	vadd.f32 v18, v5;
	v19 =	vadd.f32 v19, v6;
	v13 =	vmov s12;
	s12 =	sadd.s32 $0x2, s11;
	v25 =	vld.idx.msk [tilespmem:v16+s24+$0x0], $0xffff;
	[tilespmem:s10+$0x0] =	vst v42  }
0x6d6: {  	s13 =	sadd.s32 $0x4, s11;
	v46 =	vadd.f32 v29, v8;
	v16 =	vmov s12;
	s12 =	sadd.s32 $0x3, s11;
	v42 =	vadd.f32 v20, v7;
	v30 =	vld.idx.msk [tilespmem:v21+s24+$0x0], $0xffff;
	[tilespmem:s10+$0x10] =	vst v34  }
0x6d7: {  	v20 =	vmov s12;
	v21 =	vmov s13;
	s12 =	sadd.s32 $0x5, s11;
	s13 =	sadd.s32 $0x6, s11;
	v33 =	vld.idx.msk [tilespmem:v28+s24+$0x0], $0xffff;
	[tilespmem:s10+$0x20] =	vst v48  }
0x6d8: {  	v12 =	vshrl.u32 v12, $0x3;
	v28 =	vmov s12;
	v34 =	vmov s13;
	s10 =	sadd.s32 $0x200, s10;
	v29 =	vld.idx.msk [tilespmem:v14+s24+$0x0], $0xffff;
	[tilespmem:s1+$0x30] =	vst v44  }
0x6d9: {  	v12 =	vshll.u32 v12, v0;
	v13 =	vshrl.u32 v13, $0x3;
	v16 =	vshrl.u32 v16, $0x3;
	v44 =	vld [tilespmem:s10+$0xF0];
	[tilespmem:s1+$0x40] =	vst v50  }
0x6da: {  	v20 =	vshrl.u32 v20, $0x3;
	v21 =	vshrl.u32 v21, $0x3;
	v47 =	vshrl.u32 v28, $0x3;
	v32 =	vld.idx.msk [tilespmem:v14+s25+$0x0], $0xffff;
	[tilespmem:s1+$0x50] =	vst v49  }
0x6db: {  	v28 =	vbroadcast v12, $0x0;
	v12 =	vshll.u32 v13, v0;
	v13 =	vshrl.u32 v34, $0x3;
	v48 =	vld [tilespmem:s10+$0xFFFFFF00];
	[tilespmem:s1+$0x60] =	vst v35  }
0x6dc: {  	v14 =	vshll.u32 v16, v0;
	v16 =	vshll.u32 v20, v0;
	v20 =	vshll.u32 v21, v0;
	v21 =	vld [tilespmem:s10+$0xFFFFFF10];
	[tilespmem:s1+$0x70] =	vst v36  }
0x6dd: {  	v12 =	vadd.s32 $0x1, v12;
	v34 =	vshll.u32 v13, v0;
	v35 =	vshll.u32 v47, v0;
	v36 =	vld [tilespmem:s10+$0xFFFFFF20];
	[tilespmem:s1+$0x80] =	vst v45  }
0x6de: {  	v13 =	vadd.s32 $0x2, v14;
	v16 =	vadd.s32 $0x3, v16;
	v45 =	vld [tilespmem:s10+$0xFFFFFF30];
	v44 =	vmul.f32 v44, v29;
	[tilespmem:s1+$0x90] =	vst v37  }
0x6df: {  	v14 =	vbroadcast v12, $0x0;
	v20 =	vadd.s32 $0x4, v20;
	v12 =	vbroadcast v13, $0x0;
	v37 =	vld [tilespmem:s10+$0xFFFFFF40];
	[tilespmem:s1+$0xA0] =	vst v38  }
0x6e0: {  	v13 =	vbroadcast v16, $0x0;
	v38 =	vmul.f32 v48, v10;
	v47 =	vld [tilespmem:s10+$0xFFFFFF50];
	v44 =	vadd.f32 v44, v32;
	[tilespmem:s1+$0xB0] =	vst v39  }
0x6e1: {  	v16 =	vbroadcast v20, $0x0;
	v20 =	vadd.s32 $0x5, v35;
	v35 =	vmul.f32 v21, v10;
	v39 =	vld [tilespmem:s10+$0xFFFFFF60];
	[tilespmem:s1+$0xC0] =	vst v40  }
0x6e2: {  	v38 =	vadd.f32 v38, v9;
	v36 =	vmul.f32 v36, v10;
	v40 =	vld [tilespmem:s10+$0xFFFFFF70];
	v44 =	vmul.f32 v44, v4;
	[tilespmem:s1+$0xD0] =	vst v43  }
0x6e3: {  	v21 =	vbroadcast v20, $0x0;
	v20 =	vadd.f32 v35, v9;
	v10 =	vmul.f32 v45, v10;
	v35 =	vld [tilespmem:s10+$0xFFFFFF80];
	[tilespmem:s1+$0xE0] =	vst v41  }
0x6e4: {  	v36 =	vadd.f32 v36, v9;
	v37 =	vmul.f32 v37, v31;
	v41 =	vld [tilespmem:s10+$0xFFFFFF90];
	v43 =	vadd.f32 v44, v8;
	[tilespmem:s1+$0xFFFFFF00] =	vst v18  }
0x6e5: {  	v18 =	vmul.f32 v38, v1;
	v9 =	vadd.f32 v10, v9;
	v10 =	vmul.f32 v47, v31;
	v38 =	vld [tilespmem:s10+$0xFFFFFFA0];
	[tilespmem:s1+$0xFFFFFF10] =	vst v19  }
0x6e6: {  	v19 =	vmul.f32 v20, v2;
	v37 =	vadd.f32 v37, v17;
	v39 =	vmul.f32 v39, v31;
	v44 =	vld [tilespmem:s10+$0xFFFFFFB0];
	[tilespmem:s10+$0xF0] =	vst v43  }
0x6e7: {  	v20 =	vmul.f32 v36, v3;
	v10 =	vadd.f32 v10, v17;
	v31 =	vmul.f32 v40, v31;
	v36 =	vld [tilespmem:s10+$0xFFFFFFC0];
	[tilespmem:s1+$0xFFFFFF20] =	vst v42  }
0x6e8: {  	v40 =	vmul.f32 v37, v1;
	v37 =	vadd.f32 v39, v17;
	v35 =	vmul.f32 v35, v27;
	v39 =	vld [tilespmem:s10+$0xFFFFFFD0];
	[tilespmem:s1+$0xFFFFFF30] =	vst v46;
	s1 =	smov.u32 s10  }
0x6e9: {  	v10 =	vmul.f32 v10, v2;
	v17 =	vadd.f32 v31, v17;
	v31 =	vmul.f32 v41, v27;
	v41 =	vld [tilespmem:s10+$0xFFFFFFE0]  }
0x6ea: {  	v42 =	vmul.f32 v37, v3;
	v35 =	vadd.f32 v35, v15;
	v37 =	vmul.f32 v38, v27;
	v38 =	vld [tilespmem:s10+$0xFFFFFFF0]  }
0x6eb: {  	v17 =	vmul.f32 v17, v4;
	v31 =	vadd.f32 v31, v15;
	v27 =	vmul.f32 v44, v27;
	v43 =	vld [tilespmem:s10+$0x0]  }
0x6ec: {  	v44 =	vmul.f32 v35, v1;
	v35 =	vadd.f32 v37, v15;
	v36 =	vmul.f32 v36, v26;
	v37 =	vld [tilespmem:s10+$0x10]  }
0x6ed: {  	v45 =	vmul.f32 v31, v2;
	v15 =	vadd.f32 v27, v15;
	v27 =	vmul.f32 v39, v26;
	v31 =	vld [tilespmem:s10+$0x20]  }
0x6ee: {  	v46 =	vmul.f32 v35, v3;
	v35 =	vadd.f32 v36, v11;
	v36 =	vmul.f32 v41, v26;
	v39 =	vld [tilespmem:s10+$0x30]  }
0x6ef: {  	v15 =	vmul.f32 v15, v4;
	v27 =	vadd.f32 v27, v11;
	v26 =	vmul.f32 v38, v26;
	v38 =	vld [tilespmem:s10+$0x40]  }
0x6f0: {  	v47 =	vmul.f32 v35, v1;
	v35 =	vadd.f32 v36, v11;
	v36 =	vmul.f32 v43, v25;
	v41 =	vld [tilespmem:s10+$0x50]  }
0x6f1: {  	v43 =	vmul.f32 v27, v2;
	v11 =	vadd.f32 v26, v11;
	v26 =	vmul.f32 v37, v25;
	v27 =	vld [tilespmem:s10+$0x60]  }
0x6f2: {  	v50 =	vmul.f32 v35, v3;
	v35 =	vadd.f32 v36, v24;
	v31 =	vmul.f32 v31, v25;
	v36 =	vld [tilespmem:s10+$0x70]  }
0x6f3: {  	v51 =	vmul.f32 v11, v4;
	v11 =	vadd.f32 v26, v24;
	v26 =	vmul.f32 v39, v25;
	v37 =	vld [tilespmem:s10+$0x80]  }
0x6f4: {  	v52 =	vmul.f32 v35, v1;
	v31 =	vadd.f32 v31, v24;
	v35 =	vmul.f32 v38, v30;
	v38 =	vld [tilespmem:s10+$0x90]  }
0x6f5: {  	v25 =	vmul.f32 v11, v2;
	v11 =	vadd.f32 v26, v24;
	v24 =	vmul.f32 v41, v30;
	v39 =	vld [tilespmem:s10+$0xA0]  }
0x6f6: {  	v26 =	vmul.f32 v31, v3;
	v31 =	vadd.f32 v35, v23;
	v35 =	vmul.f32 v27, v30;
	v41 =	vld [tilespmem:s10+$0xB0]  }
0x6f7: {  	v27 =	vmul.f32 v11, v4;
	v11 =	vadd.f32 v24, v23;
	v24 =	vmul.f32 v36, v30;
	v48 =	vld [tilespmem:s10+$0xC0]  }
0x6f8: {  	v30 =	vmul.f32 v31, v1;
	v35 =	vadd.f32 v35, v23;
	v36 =	vmul.f32 v37, v33;
	v49 =	vld [tilespmem:s10+$0xD0]  }
0x6f9: {  	v31 =	vmul.f32 v11, v2;
	v11 =	vadd.f32 v24, v23;
	v23 =	vmul.f32 v38, v33;
	v24 =	vld [tilespmem:s10+$0xE0]  }
0x6fa: {  	v35 =	vmul.f32 v35, v3;
	v37 =	vadd.f32 v36, v22;
	v38 =	vmul.f32 v39, v33  }
0x6fb: {  	v36 =	vmul.f32 v11, v4;
	v11 =	vadd.f32 v23, v22;
	v23 =	vmul.f32 v41, v33  }
0x6fc: {  	v33 =	vmul.f32 v37, v1;
	v38 =	vadd.f32 v38, v22;
	v39 =	vmul.f32 v48, v29  }
0x6fd: {  	v37 =	vmul.f32 v11, v2;
	v11 =	vadd.f32 v23, v22;
	v22 =	vmul.f32 v49, v29  }
0x6fe: {  	v38 =	vmul.f32 v38, v3;
	v23 =	vadd.f32 v39, v32;
	v24 =	vmul.f32 v24, v29  }
0x6ff: {  	v29 =	vmul.f32 v9, v4;
	v39 =	vmul.f32 v11, v4;
	v11 =	vadd.f32 v22, v32  }
0x700: {  	v22 =	vadd.f32 v40, v5;
	v40 =	vmul.f32 v23, v1;
	v23 =	vadd.f32 v24, v32  }
0x701: {  	v42 =	vadd.f32 v42, v7;
	v24 =	vadd.f32 v10, v6;
	v9 =	vld.idx.msk [tilespmem:v28+s25+$0x0], $0xffff;
	v32 =	vmul.f32 v11, v2  }
.Ltmp25:
0x702: {  	v11 =	vadd.f32 v17, v8;
	[tilespmem:s10+$0xFFFFFF40] =	vst v22;
	v22 =	vadd.f32 v44, v5;
	v41 =	vmul.f32 v23, v3;
	(pc) =	sbr.rel @p2 .LBB2_37-.Ltmp25, $4  }
0x703: {  	v48 =	vadd.f32 v45, v6;
	v23 =	vadd.s32 $0x6, v34;
	v44 =	vadd.f32 v46, v7;
	v10 =	vld.idx.msk [tilespmem:v28+s24+$0x0], $0xffff;
	[tilespmem:s10+$0xFFFFFF50] =	vst v24  }
0x704: {  	v45 =	vadd.f32 v47, v5;
	v49 =	vadd.f32 v15, v8;
	v28 =	vbroadcast v23, $0x0;
	v17 =	vld.idx.msk [tilespmem:v14+s25+$0x0], $0xffff;
	[tilespmem:s10+$0xFFFFFF60] =	vst v42  }
0x705: {  	v46 =	vadd.f32 v43, v6;
	v43 =	vadd.f32 v50, v7;
	v15 =	vld.idx.msk [tilespmem:v12+s25+$0x0], $0xffff;
	[tilespmem:s10+$0xFFFFFF70] =	vst v11  }
0x706: {  	s12 =	sadd.s32 $0x7, s11;
	s11 =	sadd.s32 $0x8, s11;
	v47 =	vadd.f32 v51, v8;
	v42 =	vadd.f32 v52, v5;
	v11 =	vld.idx.msk [tilespmem:v13+s25+$0x0], $0xffff;
	[tilespmem:s10+$0xFFFFFF80] =	vst v22  }
.LBB2_38:
0x707: {  	_ =	sdelay $0x3  }
0x708: {  	v24 =	vld.idx.msk [tilespmem:v16+s25+$0x0], $0xffff  }
0x709: {  	v23 =	vld.idx.msk [tilespmem:v21+s25+$0x0], $0xffff  }
0x70a: {  	v50 =	vld.idx.msk [tilespmem:v14+s24+$0x0], $0xffff  }
0x70b: {  	v52 =	vld.idx.msk [tilespmem:v12+s24+$0x0], $0xffff  }
0x70c: {  	v53 =	vld.idx.msk [tilespmem:v13+s24+$0x0], $0xffff  }
0x70d: {  	v22 =	vmov s12;
	v21 =	vld.idx.msk [tilespmem:v21+s24+$0x0], $0xffff  }
0x70e: {  	v14 =	vld.idx.msk [tilespmem:v28+s24+$0x0], $0xffff;
	s11 =	sadd.s32 @p1 $0x200, s10;
	v22 =	vshrl.u32 v22, $0x3  }
0x70f: {  	s8 =	smov.u32 @p1 s11;
	v34 =	vshll.u32 v22, v0;
	v22 =	vld.idx.msk [tilespmem:v28+s25+$0x0], $0xffff  }
0x710: {  	v57 =	vld [tilespmem:s8+$0xF0]  }
0x711: {  	v58 =	vld [tilespmem:s8+$0xFFFFFF00]  }
0x712: {  	v59 =	vld [tilespmem:s8+$0xFFFFFF10]  }
0x713: {  	[tilespmem:s10+$0xFFFFFF90] =	vst @p1 v48;
	v60 =	vld [tilespmem:s8+$0xFFFFFF20]  }
0x714: {  	[tilespmem:s10+$0xFFFFFFA0] =	vst @p1 v44;
	v25 =	vadd.f32 @p1 v25, v6;
	v61 =	vld [tilespmem:s8+$0xFFFFFF40]  }
0x715: {  	[tilespmem:s10+$0xFFFFFFB0] =	vst @p1 v49;
	v26 =	vadd.f32 @p1 v26, v7;
	v27 =	vadd.f32 @p1 v27, v8;
	v62 =	vld [tilespmem:s8+$0xFFFFFF50]  }
0x716: {  	[tilespmem:s10+$0xFFFFFFC0] =	vst @p1 v45;
	v31 =	vadd.f32 @p1 v31, v6;
	v35 =	vadd.f32 @p1 v35, v7;
	v63 =	vld [tilespmem:s8+$0xFFFFFF60]  }
0x717: {  	v36 =	vadd.f32 @p1 v36, v8;
	v33 =	vadd.f32 @p1 v33, v5;
	[tilespmem:s10+$0xFFFFFFF0] =	vst @p1 v47;
	v47 =	vld [tilespmem:s8+$0xFFFFFF70]  }
0x718: {  	[tilespmem:s10+$0xFFFFFFD0] =	vst @p1 v46;
	v37 =	vadd.f32 @p1 v37, v6;
	v38 =	vadd.f32 @p1 v38, v7;
	v55 =	vld [tilespmem:s8+$0xFFFFFF90]  }
0x719: {  	[tilespmem:s10+$0xFFFFFFE0] =	vst @p1 v43;
	v39 =	vadd.f32 @p1 v39, v8;
	v41 =	vadd.f32 @p1 v41, v7;
	v56 =	vld [tilespmem:s8+$0xFFFFFFA0]  }
0x71a: {  	v40 =	vadd.f32 @p1 v40, v5;
	v32 =	vadd.f32 @p1 v32, v6;
	[tilespmem:s10+$0x0] =	vst @p1 v42;
	v44 =	vld [tilespmem:s8+$0x0];
	v34 =	vadd.s32 $0x7, v34  }
0x71b: {  	v45 =	vadd.f32 @p1 v18, v5;
	v46 =	vadd.f32 @p1 v19, v6;
	[tilespmem:s1+$0xE0] =	vst @p1 v41;
	v41 =	vld [tilespmem:s8+$0xA0];
	v51 =	vbroadcast v34, $0x0  }
0x71c: {  	[tilespmem:s10+$0x10] =	vst @p1 v25;
	v34 =	vld.idx.msk [tilespmem:v16+s24+$0x0], $0xffff;
	v48 =	vmul.f32 v58, v10;
	v18 =	vmul.f32 v59, v10  }
0x71d: {  	v20 =	vadd.f32 @p1 v20, v7;
	[tilespmem:s10+$0x20] =	vst @p1 v26;
	v54 =	vmul.f32 v61, v50;
	v25 =	vmul.f32 v62, v50;
	v58 =	vld [tilespmem:s8+$0xFFFFFFC0]  }
0x71e: {  	v29 =	vadd.f32 @p1 v29, v8;
	[tilespmem:s1+$0x50] =	vst @p1 v31;
	v19 =	vmul.f32 v60, v10;
	v26 =	vmul.f32 v63, v50;
	v59 =	vld [tilespmem:s8+$0xFFFFFFD0]  }
0x71f: {  	[tilespmem:s1+$0x30] =	vst @p1 v27;
	v27 =	vmul.f32 v47, v50;
	v61 =	vmul.f32 v55, v52;
	v62 =	vld [tilespmem:s8+$0xFFFFFFE0];
	v31 =	vadd.f32 v54, v17  }
0x720: {  	[tilespmem:s1+$0x60] =	vst @p1 v35;
	v35 =	vmul.f32 v56, v52;
	v63 =	vld [tilespmem:s8+$0xFFFFFFF0];
	v25 =	vadd.f32 v25, v17;
	v26 =	vadd.f32 v26, v17  }
0x721: {  	[tilespmem:s1+$0xC0] =	vst @p1 v40;
	v60 =	vadd.f32 v27, v17;
	v27 =	vadd.f32 v61, v15;
	v40 =	vmul.f32 v44, v34;
	v61 =	vld [tilespmem:s8+$0x70]  }
0x722: {  	[tilespmem:s1+$0x70] =	vst @p1 v36;
	v13 =	vld.idx.msk [tilespmem:v51+s24+$0x0], $0xffff;
	v31 =	vmul.f32 v31, v1;
	v25 =	vmul.f32 v25, v2  }
0x723: {  	[tilespmem:s1+$0x80] =	vst @p1 v33;
	v12 =	vld.idx.msk [tilespmem:v51+s25+$0x0], $0xffff;
	v26 =	vmul.f32 v26, v3;
	v17 =	vmul.f32 v60, v4  }
0x724: {  	v28 =	vadd.f32 @p1 v30, v5;
	[tilespmem:s1+$0x90] =	vst @p1 v37;
	v51 =	vld [tilespmem:s8+$0xFFFFFF80];
	v27 =	vmul.f32 v27, v2;
	v33 =	vmul.f32 v58, v53  }
0x725: {  	[tilespmem:s1+$0xA0] =	vst @p1 v38;
	v56 =	vld [tilespmem:s8+$0x50];
	v47 =	vadd.f32 v35, v15;
	v50 =	vmul.f32 v59, v53;
	v38 =	vmul.f32 v62, v53  }
0x726: {  	[tilespmem:s1+$0xB0] =	vst @p1 v39;
	v39 =	vmul.f32 v63, v53;
	v53 =	vld [tilespmem:s8+$0x40];
	v31 =	vadd.f32 v31, v5;
	v25 =	vadd.f32 v25, v6  }
0x727: {  	[tilespmem:s1+$0xD0] =	vst @p1 v32;
	v32 =	vmul.f32 v47, v3;
	v58 =	vld [tilespmem:s8+$0x60];
	v26 =	vadd.f32 v26, v7;
	v17 =	vadd.f32 v17, v8  }
0x728: {  	[tilespmem:s1+$0xFFFFFF00] =	vst @p1 v45;
	v63 =	vld [tilespmem:s8+$0x80];
	v27 =	vadd.f32 v27, v6;
	v33 =	vadd.f32 v33, v11;
	v43 =	vmul.f32 v61, v21  }
0x729: {  	[tilespmem:s1+$0xFFFFFF10] =	vst @p1 v46;
	v46 =	vld [tilespmem:s8+$0xC0];
	v38 =	vadd.f32 v38, v11;
	v16 =	vmul.f32 v57, v13;
	v30 =	vmul.f32 v51, v52  }
0x72a: {  	v61 =	vadd.f32 v18, v9;
	[tilespmem:s8+$0xFFFFFF50] =	vst v25;
	v25 =	vmul.f32 v41, v14;
	v33 =	vmul.f32 v33, v1  }
0x72b: {  	[tilespmem:s1+$0xFFFFFF20] =	vst @p1 v20;
	v55 =	vmul.f32 v38, v3;
	v38 =	vmul.f32 v56, v21;
	v49 =	vadd.f32 v16, v12  }
0x72c: {  	v57 =	vld [tilespmem:s8+$0xFFFFFFB0];
	[tilespmem:s8+$0xFFFFFF40] =	vst v31;
	v16 =	vadd.f32 v48, v9;
	v30 =	vadd.f32 v30, v15;
	v20 =	vmul.f32 v53, v21  }
0x72d: {  	v51 =	vld [tilespmem:s8+$0x20];
	[tilespmem:s8+$0xFFFFFF70] =	vst v17;
	v31 =	vmul.f32 v58, v21;
	v17 =	vmul.f32 v63, v14;
	v25 =	vadd.f32 v25, v22  }
0x72e: {  	[tilespmem:s1+$0xFFFFFF30] =	vst @p1 v29;
	v53 =	vmul.f32 v46, v13;
	v33 =	vadd.f32 v33, v5;
	v44 =	vadd.f32 v55, v7  }
0x72f: {  	[tilespmem:s1+$0x40] =	vst @p1 v28;
	v28 =	vmul.f32 v49, v4;
	v20 =	vadd.f32 v20, v23;
	v31 =	vadd.f32 v31, v23  }
0x730: {  	[tilespmem:s8+$0xFFFFFF60] =	vst v26;
	v56 =	vld [tilespmem:s8+$0xFFFFFF30];
	v30 =	vmul.f32 v30, v1;
	v17 =	vadd.f32 v17, v22;
	v58 =	vadd.f32 v53, v12  }
0x731: {  	[tilespmem:s8+$0xFFFFFF90] =	vst v27;
	v48 =	vld [tilespmem:s8+$0x10];
	v16 =	vmul.f32 v16, v1;
	v36 =	vmul.f32 v57, v52;
	v57 =	vadd.f32 v40, v24  }
0x732: {  	v37 =	vmul.f32 v51, v34;
	[tilespmem:s8+$0xFFFFFFC0] =	vst v33;
	v28 =	vadd.f32 v28, v8;
	v30 =	vadd.f32 v30, v5  }
0x733: {  	[tilespmem:s8+$0xFFFFFFE0] =	vst v44;
	v20 =	vmul.f32 v20, v1;
	v63 =	vadd.f32 v16, v5;
	v49 =	vadd.f32 v36, v15  }
0x734: {  	v17 =	vmul.f32 v17, v1;
	v36 =	vadd.f32 v50, v11;
	v11 =	vadd.f32 v39, v11;
	[tilespmem:s8+$0xF0] =	vst v28  }
0x735: {  	v10 =	vmul.f32 v56, v10;
	v62 =	vadd.f32 v37, v24;
	v37 =	vadd.f32 v32, v7;
	[tilespmem:s8+$0xFFFFFF80] =	vst v30  }
0x736: {  	v54 =	vmul.f32 v48, v34;
	v60 =	vmul.f32 v57, v1;
	v20 =	vadd.f32 v20, v5;
	[tilespmem:s8+$0xFFFFFF00] =	vst v63  }
0x737: {  	v52 =	vld [tilespmem:s8+$0x30];
	v57 =	vmul.f32 v25, v3;
	v30 =	vadd.f32 v38, v23;
	v17 =	vadd.f32 v17, v5;
	[tilespmem:s8+$0xFFFFFFA0] =	vst v37  }
0x738: {  	v40 =	vld [tilespmem:s8+$0x90];
	v15 =	vmul.f32 v49, v4;
	v36 =	vmul.f32 v36, v2;
	v47 =	vadd.f32 v60, v5;
	[tilespmem:s8+$0x40] =	vst v20  }
0x739: {  	v45 =	vld [tilespmem:s8+$0xB0];
	v11 =	vmul.f32 v11, v4;
	v29 =	vadd.f32 v54, v24;
	v60 =	vadd.f32 v57, v7;
	[tilespmem:s8+$0x80] =	vst v17  }
0x73a: {  	v39 =	vmul.f32 v62, v3;
	v62 =	vadd.f32 v19, v9;
	v15 =	vadd.f32 v15, v8;
	[tilespmem:s8+$0x0] =	vst v47  }
0x73b: {  	v49 =	vmul.f32 v31, v3;
	v9 =	vadd.f32 v10, v9;
	v11 =	vadd.f32 v11, v8;
	[tilespmem:s8+$0xA0] =	vst v60  }
0x73c: {  	v10 =	vmul.f32 v61, v2;
	v59 =	vmul.f32 v52, v34;
	v42 =	vadd.f32 v36, v6;
	[tilespmem:s8+$0xFFFFFFB0] =	vst v15  }
0x73d: {  	v30 =	vmul.f32 v30, v2;
	v48 =	vmul.f32 v40, v14;
	v51 =	vadd.f32 v39, v7;
	[tilespmem:s8+$0xFFFFFFF0] =	vst v11;
	v11 =	vld [tilespmem:s8+$0xD0]  }
0x73e: {  	v52 =	vld [tilespmem:s8+$0xE0];
	v14 =	vmul.f32 v45, v14;
	v55 =	vadd.f32 v49, v7;
	v10 =	vadd.f32 v10, v6;
	[tilespmem:s8+$0xFFFFFFD0] =	vst v42  }
0x73f: {  	v29 =	vmul.f32 v29, v2;
	v24 =	vadd.f32 v59, v24;
	v21 =	vadd.f32 v48, v22;
	[tilespmem:s8+$0x20] =	vst v51  }
0x740: {  	v9 =	vmul.f32 v9, v4;
	v54 =	vadd.f32 v30, v6;
	v14 =	vadd.f32 v14, v22;
	[tilespmem:s8+$0x60] =	vst v55  }
0x741: {  	v15 =	vadd.f32 v43, v23;
	v50 =	vadd.f32 v29, v6;
	[tilespmem:s8+$0xFFFFFF10] =	vst v10;
	v24 =	vmul.f32 v24, v4  }
0x742: {  	v9 =	vadd.f32 v9, v8;
	v21 =	vmul.f32 v21, v2;
	[tilespmem:s8+$0x50] =	vst v54;
	v11 =	vmul.f32 v11, v13  }
0x743: {  	v15 =	vmul.f32 v15, v4;
	[tilespmem:s8+$0x10] =	vst v50;
	v24 =	vadd.f32 v24, v8;
	v13 =	vmul.f32 v52, v13  }
0x744: {  	v14 =	vmul.f32 v14, v4;
	[tilespmem:s8+$0xFFFFFF30] =	vst v9;
	v21 =	vadd.f32 v21, v6;
	v11 =	vadd.f32 v11, v12  }
0x745: {  	v59 =	vmul.f32 v58, v1;
	v15 =	vadd.f32 v15, v8;
	[tilespmem:s8+$0x30] =	vst v24;
	v12 =	vadd.f32 v13, v12  }
0x746: {  	v14 =	vadd.f32 v14, v8;
	[tilespmem:s8+$0x90] =	vst v21;
	v11 =	vmul.f32 v11, v2  }
0x747: {  	[tilespmem:s8+$0x70] =	vst v15;
	v15 =	vadd.f32 v59, v5;
	v12 =	vmul.f32 v12, v3  }
0x748: {  	[tilespmem:s8+$0xB0] =	vst v14;
	v13 =	vmul.f32 v62, v3;
	v11 =	vadd.f32 v11, v6  }
.Ltmp26:
0x749: {  	s28 =	sshll.u32 s19, $0xE;
	[tilespmem:s8+$0xC0] =	vst v15;
	v12 =	vadd.f32 v12, v7;
	(pc) =	sbr.rel @p0 .LBB2_40-.Ltmp26, $4  }
0x74a: {  	s1 =	sadd.s32 s6, s28;
	[tilespmem:s8+$0xD0] =	vst v11;
	v11 =	vadd.f32 v13, v7  }
0x74b: {  	s1 =	sshrl.u32 s1, $0x3;
	[tilespmem:s8+$0xE0] =	vst v12  }
0x74c: {  	s1 =	sadd.s32 s4, s1;
	[tilespmem:s8+$0xFFFFFF20] =	vst v11  }
0x74d: {  	[hbm4b:s1+s5] =	stream.linear.scatter [tilespmem:s30], [sflag:$0x8], $0x4000, $0x38;
	[tilespmem:$0x16880] =	vst v63  }
0x74e: {  	_ =	swait.ge [sflag:s3], $0x4000;
	s1 =	sshll.u32 s17, $0xA  }
.Ltmp27:
0x74f: {  	[sflag:s3] =	ssyncset.done $0x0;
	s1 =	sand.u32 $0x3FFFFC00, s1;
	(pc) =	sbr.rel .LBB2_2-.Ltmp27, $4  }
0x750: {  	[sflag:s3] =	ssyncadd.s32 $0xFFFFC000;
	s8 =	sadd.s32 $0x500, s1  }
0x751: {  	[tilespmem:s18], [sflag:$0x2] =	stream.indirect.gather [hbm4b:s7+s14], $0x40, s8, s14, $0xb8;
	[tilespmem:$0x16880] =	vst v63  }
0x752: {  	s28 =	simm.s32 $0xC400;
	s17 =	sadd.s32 $0x1, s17;
	s1 =	sadd.s32 $0x580, s1  }
0x753: {  	[tilespmem:s28], [sflag:$0x2] =	stream.indirect.gather [hbm4b:s7+s14], $0x40, s1, s14, $0xb8;
	[tilespmem:$0x16880] =	vst v63  }
.LBB2_7:
.Ltmp28:
0x754: {  	(pc) =	sbr.rel .LBB2_11-.Ltmp28, $2  }
0x755: {  	_ =	sdelay $0x2  }
0x756: {  	s10 =	smov.u32 s8  }
.LBB2_16:
.Ltmp29:
0x757: {  	(pc) =	sbr.rel .LBB2_20-.Ltmp29, $2  }
0x758: {  	_ =	sdelay $0x2  }
0x759: {  	s12 =	smov.u32 s13  }
.LBB2_25:
.Ltmp30:
0x75a: {  	(pc) =	sbr.rel .LBB2_29-.Ltmp30, $2  }
0x75b: {  	_ =	sdelay $0x2  }
0x75c: {  	s12 =	smov.u32 s10  }
.LBB2_34:
.Ltmp31:
0x75d: {  	(pc) =	sbr.rel .LBB2_38-.Ltmp31, $2  }
0x75e: {  	_ =	sdelay $0x2  }
0x75f: {  	s10 =	smov.u32 s8  }
.LBB2_9:
.Ltmp32:
0x760: {  	(pc) =	sbr.rel .LBB2_11-.Ltmp32, $2  }
0x761: {  	_ =	sdelay $0x2  }
0x762: {  	s10 =	smov.u32 s8;
	s1 =	smov.u32 s8  }
.LBB2_18:
.Ltmp33:
0x763: {  	(pc) =	sbr.rel .LBB2_20-.Ltmp33, $2  }
0x764: {  	_ =	sdelay $0x2  }
0x765: {  	s12 =	smov.u32 s13;
	s1 =	smov.u32 s13  }
.LBB2_27:
.Ltmp34:
0x766: {  	(pc) =	sbr.rel .LBB2_29-.Ltmp34, $2  }
0x767: {  	_ =	sdelay $0x2  }
0x768: {  	s12 =	smov.u32 s10;
	s1 =	smov.u32 s10  }
.LBB2_36:
.Ltmp35:
0x769: {  	(pc) =	sbr.rel .LBB2_38-.Ltmp35, $2  }
0x76a: {  	_ =	sdelay $0x2  }
0x76b: {  	s10 =	smov.u32 s8;
	s1 =	smov.u32 s8  }
.LBB2_41:
0x76c: {  	_ =	sfence.sel $0x180000  }
0x76d: {  	[bflag:$0x0] =	sbarrier.arrive $0xFFFF  }
0x76e: {  	_ =	strace $0x90000047  }
0x76f: {  	s0 =	stileid.u32;
	[bflag:$0x2] =	sbarrier.arrive $0xFFFF  }
0x770: {  	p0 =	sne.s32 s0, $0x0;
	s0 =	rddreg [dreg:$0x4]  }
0x771: {  	s0 =	sadd.s32 @!p0 $0x100000, s0  }
0x772: {  	[sflag:s0] =	ssyncadd.tile.s32 @!p0 $0x1;
	_ =	shalt  }
.Lfunc_end2:
_tile_overlayer_lowered:
.L_overlay_start_2:
0x773: {  	(tag) =	ssettag $0x2  }
0x774: {  	s0 =	rddreg [dreg:$0x0];
	s2 =	stileid.u32  }
0x775: {  	s1 =	rddreg [dreg:$0x1];
	p0 =	sne.s32 s2, $0x0  }
0x776: {  	s3 =	rddreg [dreg:$0x2];
	[bflag:$0x3] =	sbarrier.arrive $0xFFFF;
	s2 =	simm.s32 @!p0 $0x1C09  }
0x777: {  	[timem:s3], [sflag:s2] =	dma.local @!p0 [hbm:s0], s1  }
0x778: {  	s0 =	simm.s32 @!p0 $0x9  }
0x779: {  	_ =	swait.ge @!p0 [sflag:s0], s1  }
0x77a: {  	s1 =	ssub.s32 @!p0 $0x0, s1;
	[sflag:s0] =	ssyncset.done @!p0 $0x0  }
0x77b: {  	[sflag:s0] =	ssyncadd.s32 @!p0 s1  }
0x77c: {  	[bflag:$0x3] =	sbarrier.arrive $0xFFFF  }
0x77d: {  	_ =	shalt  }

// kernel: sparse-core-data-format-call.cloned.1.call-start
scs
called_computation_lowered:
.L_overlay_start_0:
0x0: {  	s2 =	sld [smem:$0x3FD9]  }
0x1: {  	s3 =	sld [smem:$0x3FFE];
	_ =	sdelay $0x1  }
0x2: {  	s1 =	srdreg.scid  }
0x3: {  	s0 =	sand.u32 $0x1, s1  }
0x4: {  	s18 =	sshll.u32 s0, $0xA;
	s2 =	sadd.s32 s3, s2  }
0x5: {  	s2 =	sadd.s32 s2, s18  }
0x6: {  	[smem:$0x3FC4] =	sst s2  }
0x7: {  	_ = 	snop  }
0x8: {  	s2 =	sld [smem:$0x3FD0];
	(tm) =	ssettm $0x1  }
0x9: {  	s19 =	sld [smem:$0x3FFB];
	_ =	sdelay $0x3  }
0xa: {  	_ =	strace s19  }
0xb: {  	s3 =	sld [smem:$0x3FFC];
	_ =	sdelay $0x3  }
0xc: {  	_ =	strace s3  }
0xd: {  	s3 =	sld [smem:$0x3FFD];
	_ =	sdelay $0x3  }
0xe: {  	_ =	strace s3  }
0xf: {  	_ =	strace $0x8FFFFFFF  }
0x10: {  	s20 =	sld [smem:$0x3FDB];
	_ =	sdelay $0x1  }
0x11: {  	s4 =	simm.s32 $_scs_section_size  }
0x12: {  	s5 =	simm.s32 $_size__tile_overlayer_lowered;
	s6 =	simm.s32 $_tile_overlayer_lowered  }
0x13: {  	s23 =	simm.s32 $0x1BFF;
	s22 =	sshll.u32 s6, $0x1;
	s3 =	sadd.s32 s4, s20  }
0x14: {  	s7 =	simm.s32 $0x0;
	s21 =	sshll.u32 s5, $0x1;
	s5 =	sadd.s32 s22, s3  }
0x15: {  	[timem:s7], [sflag:s23] =	dma.local [hbm:s5], s21  }
0x16: {  	_ =	swait.ge [sflag:s23], s21  }
0x17: {  	s4 =	ssub.s32 $0x0, s21;
	[sflag:s23] =	ssyncset.done $0x0  }
0x18: {  	[sflag:s23] =	ssyncadd.s32 s4;
	_ =	sdelay $0x1  }
0x19: {  	s24 =	simm.s32 $0x1B8B  }
0x1a: {  	_ =	swait.ge [sflag:s24], $0x1  }
0x1b: {  	[sflag:s24] =	ssyncset.done $0x0  }
0x1c: {  	s26 =	simm.s32 $0x1B8E;
	s25 =	sld [smem:$0x3FFE];
	[sflag:s24] =	ssyncadd.s32 $0xFFFFFFFF  }
0x1d: {  	s27 =	simm.s32 $execute0_lowered;
	[smem:$0x3FD2] =	sst s26  }
0x1e: {  	s5 =	sshll.u32 s27, $0x1;
	_ =	strace $0x80000049;
	[dreg:$0x1] =	wrdreg $0xFFFFFFFF  }
0x1f: {  	s28 =	simm.s32 $_size_execute0_lowered;
	s3 =	sadd.s32 s3, s5;
	[dreg:$0x0] =	wrdreg $0x0  }
0x20: {  	s5 =	sshll.u32 s28, $0x1;
	[dreg:$0x2] =	wrdreg s3  }
0x21: {  	[dreg:$0x3] =	wrdreg s5  }
0x22: {  	[dreg:$0x4] =	wrdreg $0xC0  }
0x23: {  	_ =	task [dreg:s7], $0x5FFFF  }
0x24: {  	[dreg:$0x1] =	wrdreg $0xFFFFFFFF  }
0x25: {  	[dreg:$0x0] =	wrdreg $0x60  }
0x26: {  	[dreg:$0x2] =	wrdreg s25  }
0x27: {  	[dreg:$0x3] =	wrdreg s2  }
0x28: {  	[dreg:$0x4] =	wrdreg $0x9  }
0x29: {  	_ =	task.clear_ibuf [dreg:s7], $0x5FFFF;
	_ =	strace $0x90000049  }
0x2a: {  	s29 =	simm.s32 $0x9;
	_ =	strace $0x8000004B  }
0x2b: {  	_ =	swait.ge [sflag:s29], $0x1  }
0x2c: {  	[sflag:s29] =	ssyncadd.s32 $0xFFFFFFFF  }
0x2d: {  	_ =	strace $0x9000004B  }
0x2e: {  	_ =	sfence  }
0x2f: {  	s30 =	sld [smem:$0x0];
	_ =	sdelay $0x2  }
0x30: {  	s31 =	sshll.u32 s1, $0xD;
	s1 =	sshrl.u32 s1, $0x2  }
0x31: {  	s3 =	sand.u32 $0x4000, s31;
	s1 =	sadd.s32 s1, s30  }
0x32: {  	s0 =	sor.u32 s3, s0;
	s1 =	sshll.u32 s1, $0x11  }
0x33: {  	s0 =	sor.u32 s1, s0  }
0x34: {  	s0 =	sadd.s32 $0x8F2B, s0  }
0x35: {  	[sflag:s0] =	ssyncadd.remote.s32 $0x1  }
0x36: {  	_ =	sfence.sel $0xFFFF  }
0x37: {  	[dreg:$0x0] =	wrdreg $0xFFFFFFFF;
	(pc) =	sbr.abs _section_cstart, $3  }
0x38: {  	[dreg:$0x1] =	wrdreg $0xFFFFFFFF  }
0x39: {  	_ =	task.clear_ibuf [dreg:s7], $0x2FFFF;
	_ =	strace $0x9FFFFFFF  }
0x3a: {  	(tm) =	ssettm $0x7FFFFFFF  }
0x3b: {  	_ =	shalt  }
tec
execute0_lowered:
.L_overlay_start_1:
0x0: {  	(tag) =	ssettag $0x1  }
0x1: {  	s0 =	srdreg.scid  }
0x2: {  	s1 =	sshll.u32 s0, $0x4  }
0x3: {  	s0 =	stileid.u32;
	s1 =	sand.u32 $0x10, s1  }
0x4: {  	s1 =	sor.u32 s0, s1  }
0x5: {  	s6 =	rddreg [dreg:$0x0];
	s4 =	simm.s32 $0x1;
	s2 =	sshll.u32 s1, $0x7  }
0x6: {  	s7 =	simm.s32 $0x2;
	s12 =	simm.s32 $0x0;
	s1 =	ssub.s32 $0x4000, s2  }
0x7: {  	s8 =	simm.s32 $0x20000;
	s13 =	simm.s32 $0x0;
	s3 =	sand.u32 $0xF80, s1  }
0x8: {  	s9 =	simm.s32 $0x0;
	s5 =	sshrl.u32 s1, $0xC;
	p0 =	sne.s32 s3, $0x0  }
.Ltmp0:
0x9: {  	s1 =	rddreg [dreg:$0x2];
	s4 =	simm.s32 @!p0 $0x0;
	(pc) =	sbr.rel .LBB1_1-.Ltmp0, $4  }
0xa: {  	s11 =	simm.s32 $0x0;
	s3 =	rddreg [dreg:$0x1];
	s5 =	sadd.s32 s4, s5  }
0xb: {  	_ =	strace $0x8000004A;
	s4 =	simm.s32 $0x1;
	s5 =	smul.u32 $0x32, s5  }
0xc: {  	s6 =	sadd.s32 $0xA00, s6;
	s10 =	smov.u32 s2;
	[sflag:s4] =	ssyncpa.u1 $0x0  }
0xd: {  	p0 =	por $0x0, $0x0;
	[sflag:s7] =	ssyncpa.u1 $0x0;
	s7 =	sor.u32 $0x1, s5  }
.LBB1_4:
0xe: {  	s16 =	sshll.u32 s13, $0x3;
	s17 =	sand.u32 $0x78, s13  }
0xf: {  	s30 =	sand.u32 $0x1F800, s13;
	s12 =	sshll.u32 s12, $0x11;
	s16 =	sand.u32 $0x3C00, s16  }
0x10: {  	[tilespmem:s15+$0x810 ss:$0x81] =	vst.msk $0xffff, v2;
	s31 =	sand.u32 $0x7, s13;
	s16 =	sor.u32 s17, s16;
	s17 =	sadd.s32 s3, s30  }
0x11: {  	[tilespmem:s15+$0x1020 ss:$0x81] =	vst.msk $0xffff, v0;
	s13 =	sshll.u32 s31, $0x12;
	s12 =	sadd.s32 s12, s17;
	s16 =	sshrl.u32 s16, $0x3  }
0x12: {  	[tilespmem:s15+$0x0 ss:$0x81] =	vst.msk $0xffff, v1;
	s13 =	sor.u32 $0x400, s13;
	s12 =	sadd.s32 s16, s12  }
0x13: {  	[hbm4b:s12+s13] =	stream.strided.scatter [tilespmem:s14], [sflag:$0x2], $0x2000, s8, s13, $0x20;
	[tilespmem:$0x8080] =	vst v63  }
.LBB1_5:
0x14: {  	s14 =	sadd.s32 $0x1, s9  }
0x15: {  	s12 =	sadd.s32 $0x1000, s10;
	s16 =	smov.u32 s10;
	p2 =	sgt.s32 s14, $0x31  }
0x16: {  	s16 =	smov.u32 @p2 s12  }
0x17: {  	s14 =	simm.s32 @p2 $0x0;
	p2 =	sgt.s32 s16, $0x3FFF  }
0x18: {  	s16 =	smov.u32 @p2 s2;
	p2 =	sne.s32 s11, s7  }
.Ltmp1:
0x19: {  	p1 =	slt.u32 s11, $0x2;
	(pc) =	sbr.rel @!p2 .LBB1_6-.Ltmp1, $4  }
0x1a: {  	s15 =	simm.s32 @!p1 $0x2  }
0x1b: {  	s13 =	smov.u32 s10;
	p0 =	por !p0, !p0;
	_ =	swait.ge @!p1 [sflag:s15], $0x2000  }
0x1c: {  	s12 =	smov.u32 s9;
	[sflag:s15] =	ssyncset.done @!p1 $0x0;
	s9 =	smov.u32 s14  }
0x1d: {  	s11 =	sadd.s32 $0x1, s11;
	[sflag:s15] =	ssyncadd.s32 @!p1 $0xFFFFE000;
	s10 =	smov.u32 s16  }
.LBB1_1:
0x1e: {  	p1 =	sge.u32 s11, s5  }
0x1f: {  	s14 =	sand.u32 @!p1 $0x1FFFFFF, s9  }
0x20: {  	s15 =	smulhi.u32 @!p1 $0x4924925, s14;
	_ =	sdelay $0x1  }
0x21: {  	s15 =	smul.u32 @!p1 $0x38, s15  }
0x22: {  	s16 =	sxor.u32 @!p1 $0xFFFFFFFF, s11;
	s17 =	smul.u32 @!p1 $0x380, s10  }
0x23: {  	s31 =	sadd.s32 $0xFFFFFFFF, s11;
	s16 =	sshll.u32 @!p1 s16, $0xD;
	s14 =	ssub.s32 @!p1 s14, s15  }
0x24: {  	s15 =	sand.u32 @!p1 $0x2000, s16;
	s16 =	sadd.s32 @!p1 s6, s17;
	s14 =	sshll.u32 @!p1 s14, $0x4  }
0x25: {  	s17 =	simm.s32 @!p1 $0x1C00;
	s14 =	sadd.s32 @!p1 s14, s16;
	s16 =	simm.s32 @!p1 $0x40  }
0x26: {  	[tilespmem:s15], [sflag:$0x1] =	stream.strided.gather @!p1 [hbm4b:s14+s16], $0x2000, s17, s16, $0x38;
	[tilespmem:$0x8080] =	vst v63  }
0x27: {  	p1 =	sge.u32 s31, s5  }
.Ltmp2:
0x28: {  	_ = 	snop;
	(pc) =	sbr.rel @p1 .LBB1_5-.Ltmp2, $1  }
0x29: {  	_ =	sdelay $0x3  }
0x2a: {  	s14 =	simm.s32 $0x1  }
0x2b: {  	_ =	swait.ge [sflag:s4], $0x2000;
	s14 =	simm.s32 @!p0 $0x0  }
0x2c: {  	[sflag:s4] =	ssyncset.done $0x0;
	s15 =	sshll.u32 s14, $0xD  }
0x2d: {  	[sflag:s4] =	ssyncadd.s32 $0xFFFFE000;
	s18 =	sor.u32 $0x20, s15  }
0x2e: {  	s14 =	smul.u32 $0x8100, s14;
	v3 =	vld [tilespmem:s18+$0x10]  }
0x2f: {  	s30 =	sand.u32 $0x1, s11;
	v2 =	vld [tilespmem:s18+$0xFFFFFFF0]  }
0x30: {  	s15 =	smul.u32 $0x8100, s30;
	s14 =	sshrl.u32 s14, $0x2;
	v0 =	vld [tilespmem:s18+$0x0]  }
0x31: {  	v1 =	vld [tilespmem:s18+$0xFFFFFFE0];
	s16 =	sor.u32 $0x4000, s14  }
0x32: {  	s31 =	sshrl.u32 s15, $0x2;
	s15 =	sadd.s32 $0x0, s16  }
0x33: {  	s17 =	simm.s32 $0x4;
	s18 =	sadd.s32 $0x40, s18;
	s14 =	sor.u32 $0x4000, s31;
	[tilespmem:s15+$0x1830 ss:$0x81] =	vst.msk $0xffff, v3  }
.LBB1_3:
0x34: {  	v3 =	vld [tilespmem:s18+$0x10];
	p1 =	sne.s32 s17, $0x1FC;
	[tilespmem:s15+$0x810 ss:$0x81] =	vst.msk $0xffff, v2;
	s19 =	smov.u32 s17;
	s17 =	sadd.s32 $0x4, s17  }
.Ltmp3:
0x35: {  	v2 =	vld [tilespmem:s18+$0xFFFFFFF0];
	[tilespmem:s15+$0x1020 ss:$0x81] =	vst.msk $0xffff, v0;
	(pc) =	sbr.rel @p1 .LBB1_3-.Ltmp3, $4  }
0x36: {  	v0 =	vld [tilespmem:s18+$0x0];
	[tilespmem:s15+$0x0 ss:$0x81] =	vst.msk $0xffff, v1  }
0x37: {  	s15 =	sshra.s32 s19, $0x2;
	v1 =	vld [tilespmem:s18+$0xFFFFFFE0]  }
0x38: {  	s15 =	sadd.s32 s15, s16  }
0x39: {  	s18 =	sadd.s32 $0x40, s18;
	[tilespmem:s15+$0x1830 ss:$0x81] =	vst.msk $0xffff, v3  }
.Ltmp4:
0x3a: {  	_ = 	snop;
	(pc) =	sbr.rel .LBB1_4-.Ltmp4, $1  }
0x3b: {  	_ =	sdelay $0x3  }
.LBB1_6:
0x3c: {  	_ =	sfence.sel $0x180000  }
0x3d: {  	s2 =	simm.s32 $0x1;
	[bflag:$0x0] =	sbarrier.arrive $0xFFFF  }
0x3e: {  	s31 =	simm.s32 $0x2;
	[sflag:s2] =	ssyncpa.u1 $0x1  }
0x3f: {  	[sflag:s31] =	ssyncpa.u1 $0x1  }
0x40: {  	p0 =	sne.s32 s0, $0x0;
	_ =	strace $0x9000004A  }
0x41: {  	s0 =	sadd.s32 @!p0 $0x100000, s1;
	[bflag:$0x2] =	sbarrier.arrive $0xFFFF  }
0x42: {  	[sflag:s0] =	ssyncadd.tile.s32 @!p0 $0x1;
	_ =	shalt  }
.Lfunc_end1:
_tile_overlayer_lowered:
.L_overlay_start_2:
0x43: {  	(tag) =	ssettag $0x2  }
0x44: {  	s0 =	rddreg [dreg:$0x0];
	s2 =	stileid.u32  }
0x45: {  	s1 =	rddreg [dreg:$0x1];
	p0 =	sne.s32 s2, $0x0  }
0x46: {  	s3 =	rddreg [dreg:$0x2];
	[bflag:$0x3] =	sbarrier.arrive $0xFFFF;
	s2 =	simm.s32 @!p0 $0x1C01  }
0x47: {  	[timem:s3], [sflag:s2] =	dma.local @!p0 [hbm:s0], s1  }
0x48: {  	s0 =	simm.s32 @!p0 $0x1  }
0x49: {  	_ =	swait.ge @!p0 [sflag:s0], s1  }
0x4a: {  	s1 =	ssub.s32 @!p0 $0x0, s1;
	[sflag:s0] =	ssyncset.done @!p0 $0x0  }
0x4b: {  	[sflag:s0] =	ssyncadd.s32 @!p0 s1  }
0x4c: {  	[bflag:$0x3] =	sbarrier.arrive $0xFFFF  }
0x4d: {  	_ =	shalt  }

</sc_bundles>
